<compile_context>
chip_gen: v7x
topology: tpu7x:2x2x1
jax: 0.10.2.dev20260603
libtpu: 0.0.44.dev20260713+nightly
codegen_flags: <defaults>
</compile_context>

<pallas_src>
import functools

import jax
import jax.numpy as jnp
from jax import lax
from jax.experimental import pallas as pl
from jax.experimental.pallas import tpu as pltpu
from jax.experimental.pallas import tpu_sc as plsc

N = 50000
E = 800000
D_IN = 40
D_EDGE = 16
EMB = 128
L = 3

NB = 10
NBS = 5120
NPAD = NB * NBS
NTILES = 16
RT = NBS // NTILES
FR = 32
SPROWS = NBS + 16
EPT = E // NTILES
CH = 10000
NCH = EPT // CH
VPC = CH // 16
B = 128
CAP = 10240


def _embed_body(x_ref, w_ref, b_ref, o_ref):
    o_ref[...] = jnp.maximum(
        jnp.dot(x_ref[...], w_ref[...], preferred_element_type=jnp.float32)
        + b_ref[...],
        0.0,
    )


def _embed(x_pad, w_pad, b):
    blk = 2000
    return pl.pallas_call(
        _embed_body,
        grid=(N // blk,),
        in_specs=[
            pl.BlockSpec((blk, 128), lambda i: (i, 0)),
            pl.BlockSpec((128, EMB), lambda i: (0, 0)),
            pl.BlockSpec((1, EMB), lambda i: (0, 0)),
        ],
        out_specs=pl.BlockSpec((blk, EMB), lambda i: (i, 0)),
        out_shape=jax.ShapeDtypeStruct((N, EMB), jnp.float32),
    )(x_pad, w_pad, b)


def _eemb_body(a_ref, w_ref, b_ref, o_ref):
    o_ref[...] = (
        jnp.dot(a_ref[...], w_ref[...], preferred_element_type=jnp.float32)
        + b_ref[...]
    )


def _edge_emb(edge_attr, w, b):
    blk = 3200
    return pl.pallas_call(
        _eemb_body,
        grid=(E // blk,),
        in_specs=[
            pl.BlockSpec((blk, D_EDGE), lambda i: (i, 0)),
            pl.BlockSpec((D_EDGE, EMB), lambda i: (0, 0)),
            pl.BlockSpec((1, EMB), lambda i: (0, 0)),
        ],
        out_specs=pl.BlockSpec((blk, EMB), lambda i: (i, 0)),
        out_shape=jax.ShapeDtypeStruct((E, EMB), jnp.float32),
    )(edge_attr, w, b)


def _mlp_body(h_ref, agg_ref, wa_ref, ba_ref, wb_ref, bb_ref, u_ref, st_ref):
    z = h_ref[...] + agg_ref[...]
    t = jnp.maximum(
        jnp.dot(z, wa_ref[...], preferred_element_type=jnp.float32)
        + ba_ref[...],
        0.0,
    )
    u = jnp.dot(t, wb_ref[...], preferred_element_type=jnp.float32) + bb_ref[...]
    u_ref[...] = u
    st_ref[0, 0:1, :] = jnp.sum(u, axis=0, keepdims=True)
    st_ref[0, 1:2, :] = jnp.sum(u * u, axis=0, keepdims=True)


def _mlp(h, agg_pad, wa, ba, wb, bb):
    blk = 2000
    g = N // blk
    return pl.pallas_call(
        _mlp_body,
        grid=(g,),
        in_specs=[
            pl.BlockSpec((blk, EMB), lambda i: (i, 0)),
            pl.BlockSpec((blk, EMB), lambda i: (i, 0)),
            pl.BlockSpec((EMB, 2 * EMB), lambda i: (0, 0)),
            pl.BlockSpec((1, 2 * EMB), lambda i: (0, 0)),
            pl.BlockSpec((2 * EMB, EMB), lambda i: (0, 0)),
            pl.BlockSpec((1, EMB), lambda i: (0, 0)),
        ],
        out_specs=[
            pl.BlockSpec((blk, EMB), lambda i: (i, 0)),
            pl.BlockSpec((1, 8, EMB), lambda i: (i, 0, 0)),
        ],
        out_shape=[
            jax.ShapeDtypeStruct((N, EMB), jnp.float32),
            jax.ShapeDtypeStruct((g, 8, EMB), jnp.float32),
        ],
    )(h, agg_pad, wa, ba, wb, bb)


def _bn_body(u_ref, m_ref, iv_ref, g_ref, b_ref, o_ref, *, relu):
    z = (u_ref[...] - m_ref[...]) * iv_ref[...] * g_ref[...] + b_ref[...]
    if relu:
        z = jnp.maximum(z, 0.0)
    o_ref[...] = z


def _bn(u, mean, inv, gamma, beta, relu):
    blk = 2000
    return pl.pallas_call(
        functools.partial(_bn_body, relu=relu),
        grid=(N // blk,),
        in_specs=[
            pl.BlockSpec((blk, EMB), lambda i: (i, 0)),
            pl.BlockSpec((1, EMB), lambda i: (0, 0)),
            pl.BlockSpec((1, EMB), lambda i: (0, 0)),
            pl.BlockSpec((1, EMB), lambda i: (0, 0)),
            pl.BlockSpec((1, EMB), lambda i: (0, 0)),
        ],
        out_specs=pl.BlockSpec((blk, EMB), lambda i: (i, 0)),
        out_shape=jax.ShapeDtypeStruct((N, EMB), jnp.float32),
    )(u, mean, inv, gamma, beta)


def _sc_body(h_hbm, e_hbm, src_hbm, dst_hbm, out_hbm,
             spmem, dstb, srcb, slist, elist, llist,
             sb, eb, lb, cnt, hr, er, zb, fb,
             semh0, seme0):
    c = lax.axis_index("c")
    s = lax.axis_index("s")
    row0 = s * RT
    zeros16 = jnp.zeros((16,), jnp.int32)

    def _zb_body(i, _):
        for j in range(8):
            zb[i, pl.ds(j * 16, 16)] = jnp.zeros((16,), jnp.float32)
        return 0

    lax.fori_loop(0, FR, _zb_body, 0)

    def zero_own():
        def _z(j, _):
            pltpu.sync_copy(zb, spmem.at[pl.ds(row0 + j * FR, FR)])
            return 0

        lax.fori_loop(0, RT // FR, _z, 0)

    def fire(off):
        def _cp(j, _):
            sb[pl.ds(j * 16, 16)] = slist[pl.ds(off + j * 16, 16)]
            eb[pl.ds(j * 16, 16)] = elist[pl.ds(off + j * 16, 16)]
            lb[pl.ds(j * 16, 16)] = llist[pl.ds(off + j * 16, 16)]
            return 0

        lax.fori_loop(0, B // 16, _cp, 0)
        d1 = pltpu.async_copy(h_hbm.at[sb], hr, semh0)
        d2 = pltpu.async_copy(e_hbm.at[eb], er, seme0)
        d1.wait()
        d2.wait()

        def _comp(i, _):
            for jj in range(8):
                hv = hr[i, pl.ds(jj * 16, 16)]
                ev = er[i, pl.ds(jj * 16, 16)]
                hr[i, pl.ds(jj * 16, 16)] = jnp.maximum(hv + ev, 0.0)
            return 0

        lax.fori_loop(0, B, _comp, 0)
        pltpu.sync_copy(hr, spmem.at[lb], add=True)

    def bucket_body(k, _):
        b = c + 2 * k
        lo = b * NBS
        hi = lo + NBS
        active = b < NB

        @pl.when(active)
        def _():
            zero_own()

        plsc.subcore_barrier()

        def chunk_body(ch, curv):
            def scan_branch(args):
                ch, curv = args
                base = s * EPT + ch * CH
                pltpu.sync_copy(dst_hbm.at[pl.ds(base, CH)], dstb)
                pltpu.sync_copy(src_hbm.at[pl.ds(base, CH)], srcb)

                def vreg_body(i, curv):
                    dv = dstb[pl.ds(i * 16, 16)]
                    sv = srcb[pl.ds(i * 16, 16)]
                    m = (dv >= lo) & (dv < hi)
                    loc = dv - lo
                    eid = base + i * 16 + lax.iota(jnp.int32, 16)
                    pc = plsc.cumsum(m.astype(jnp.int32))
                    idx = curv + pc - 1
                    plsc.store_scatter(llist, [idx], loc, mask=m)
                    plsc.store_scatter(slist, [idx], sv, mask=m)
                    plsc.store_scatter(elist, [idx], eid, mask=m)
                    return curv + plsc.all_reduce_population_count(m)

                return lax.fori_loop(0, VPC, vreg_body, curv)

            def pad_branch(args):
                ch, curv = args
                cnt[pl.ds(0, 16)] = curv
                cv = cnt[pl.ds(0, 16)]
                cursor = cv[0]
                t_src = zeros16 + s
                t_loc = zeros16 + (NBS + s)
                for j in range(B // 16):
                    slist[pl.ds(cursor + j * 16, 16)] = t_src
                    elist[pl.ds(cursor + j * 16, 16)] = t_src
                    llist[pl.ds(cursor + j * 16, 16)] = t_loc
                return zeros16 + ((cursor + B - 1) // B) * B

            curv = lax.cond(ch < NCH, scan_branch, pad_branch, (ch, curv))
            cnt[pl.ds(0, 16)] = curv
            cv = cnt[pl.ds(0, 16)]
            cur = cv[0]
            nb_full = cur // B

            def _fire_body(j, _):
                fire(j * B)
                return 0

            lax.fori_loop(0, nb_full, _fire_body, 0)

            @pl.when(nb_full > 0)
            def _():
                off = nb_full * B

                def _mv(j, _):
                    slist[pl.ds(j * 16, 16)] = slist[pl.ds(off + j * 16, 16)]
                    elist[pl.ds(j * 16, 16)] = elist[pl.ds(off + j * 16, 16)]
                    llist[pl.ds(j * 16, 16)] = llist[pl.ds(off + j * 16, 16)]
                    return 0

                lax.fori_loop(0, B // 16, _mv, 0)

            return zeros16 + (cur - nb_full * B)

        @pl.when(active)
        def _():
            lax.fori_loop(0, NCH + 1, chunk_body, zeros16)

        plsc.subcore_barrier()

        @pl.when(active)
        def _():
            def _f(j, _):
                pltpu.sync_copy(spmem.at[pl.ds(row0 + j * FR, FR)],
                                out_hbm.at[pl.ds(lo + row0 + j * FR, FR)])
                return 0

            lax.fori_loop(0, RT // FR, _f, 0)

        plsc.subcore_barrier()
        return 0

    lax.fori_loop(0, (NB + 1) // 2, bucket_body, 0)


@functools.partial(
    pl.kernel,
    out_type=jax.ShapeDtypeStruct((NPAD, EMB), jnp.float32),
    mesh=plsc.VectorSubcoreMesh(core_axis_name="c", subcore_axis_name="s"),
    compiler_params=pltpu.CompilerParams(needs_layout_passes=False),
    scratch_types=[
        pltpu.VMEM_SHARED((SPROWS, EMB), jnp.float32),
        pltpu.VMEM((CH,), jnp.int32),
        pltpu.VMEM((CH,), jnp.int32),
        pltpu.VMEM((CAP,), jnp.int32),
        pltpu.VMEM((CAP,), jnp.int32),
        pltpu.VMEM((CAP,), jnp.int32),
        pltpu.VMEM((B,), jnp.int32),
        pltpu.VMEM((B,), jnp.int32),
        pltpu.VMEM((B,), jnp.int32),
        pltpu.VMEM((16,), jnp.int32),
        pltpu.VMEM((B, EMB), jnp.float32),
        pltpu.VMEM((B, EMB), jnp.float32),
        pltpu.VMEM((FR, EMB), jnp.float32),
        pltpu.VMEM((FR, EMB), jnp.float32),
        pltpu.SemaphoreType.DMA,
        pltpu.SemaphoreType.DMA,
    ],
)
def _sc_edge(h_hbm, e_hbm, src_hbm, dst_hbm, out_hbm, *scratch):
    _sc_body(h_hbm, e_hbm, src_hbm, dst_hbm, out_hbm, *scratch)


def kernel(x, edge_index, edge_attr, W1, b1, We, be, Wa, ba, Wb, bb, gamma, beta):
    src = edge_index[0]
    dst = edge_index[1]
    x_pad = jnp.pad(x, ((0, 0), (0, 128 - D_IN)))
    w_pad = jnp.pad(W1, ((0, 128 - D_IN), (0, 0)))
    h = _embed(x_pad, w_pad, b1.reshape(1, EMB))
    inv_n = jnp.float32(1.0 / N)
    e_embs = [_edge_emb(edge_attr, We[l], be[l].reshape(1, EMB))
              for l in range(L)]
    for l in range(L):
        agg_pad = _sc_edge(h, e_embs[l], src, dst)
        u, st = _mlp(h, agg_pad, Wa[l], ba[l].reshape(1, 2 * EMB),
                     Wb[l], bb[l].reshape(1, EMB))
        mean = jnp.sum(st[:, 0, :], axis=0) * inv_n
        ex2 = jnp.sum(st[:, 1, :], axis=0) * inv_n
        var = ex2 - mean * mean
        inv = lax.rsqrt(var + 1e-5)
        h = _bn(u, mean.reshape(1, EMB), inv.reshape(1, EMB),
                gamma[l].reshape(1, EMB), beta[l].reshape(1, EMB),
                relu=(l < L - 1))
    return h

# --- scband reference (transcript-rebuilt; emitter-appended) ---
"""Pipeline reference for scband-gnn-1-interaction-solubility-22385369546941 (READ-ONLY COPY).

The authoritative reference and input builder live on the scoring server;
editing this copy changes nothing except your own understanding.
"""

import jax, jax.numpy as jnp
import numpy as np

N = 50000
E = 800000
D_IN = 40
D_EDGE = 16
EMB = 128
L = 3


def setup_inputs(seed: int = 0) -> dict:
    key = jax.random.key(seed)
    ks = jax.random.split(key, 12)
    inp = {}
    inp["x"] = jax.random.normal(ks[0], (N, D_IN), dtype=jnp.float32)
    inp["edge_index"] = jax.random.randint(ks[1], (2, E), 0, N, dtype=jnp.int32)
    inp["edge_attr"] = jax.random.normal(ks[2], (E, D_EDGE), dtype=jnp.float32)
    # x_embedding1: Linear(40 -> 128) + ReLU
    inp["W1"] = jax.random.normal(ks[3], (D_IN, EMB), dtype=jnp.float32) * 0.05
    inp["b1"] = jnp.zeros((EMB,), dtype=jnp.float32)
    # per-layer GINConv params: edge linear + 2-layer MLP
    inp["We"] = jax.random.normal(ks[4], (L, D_EDGE, EMB), dtype=jnp.float32) * 0.05
    inp["be"] = jnp.zeros((L, EMB), dtype=jnp.float32)
    inp["Wa"] = jax.random.normal(ks[5], (L, EMB, 2 * EMB), dtype=jnp.float32) * 0.05
    inp["ba"] = jnp.zeros((L, 2 * EMB), dtype=jnp.float32)
    inp["Wb"] = jax.random.normal(ks[6], (L, 2 * EMB, EMB), dtype=jnp.float32) * 0.05
    inp["bb"] = jnp.zeros((L, EMB), dtype=jnp.float32)
    # per-layer BatchNorm1d params
    inp["gamma"] = jnp.ones((L, EMB), dtype=jnp.float32)
    inp["beta"] = jnp.zeros((L, EMB), dtype=jnp.float32)
    return inp


def reference(x, edge_index, edge_attr, W1, b1, We, be, Wa, ba, Wb, bb, gamma, beta):
    src = edge_index[0]
    dst = edge_index[1]
    # x_embedding1
    h = jax.nn.relu(x @ W1 + b1)
    for l in range(L):
        # GINConv with edge information: message = relu(x_j + edge_emb)
        e_emb = edge_attr @ We[l] + be[l]
        msg = jax.nn.relu(h[src] + e_emb)
        agg = jax.ops.segment_sum(msg, dst, num_segments=N)
        # GIN update: MLP((1+eps)*x + aggregate), eps=0
        z = h + agg
        z = jax.nn.relu(z @ Wa[l] + ba[l]) @ Wb[l] + bb[l]
        # BatchNorm1d (batch statistics)
        mean = jnp.mean(z, axis=0)
        var = jnp.var(z, axis=0)
        z = (z - mean) / jnp.sqrt(var + 1e-5) * gamma[l] + beta[l]
        # dropout with drop_ratio=0.0 is identity; ReLU except last layer
        if l < L - 1:
            z = jax.nn.relu(z)
        h = z
    # JK == 'last'
    return h

if __name__ == "__main__":
    import jax
    _d = setup_inputs()
    print(jax.jit(kernel)(*tuple(_d.values())))

</pallas_src>

<mosaic_0001>
#map = affine_map<(d0, d1) -> (0, 0)>
#map1 = affine_map<(d0, d1) -> (0)>
module attributes {stable_mosaic.version = 14 : i64} {
  func.func @_sc_edge(%arg0: i32, %arg1: i32, %arg2: memref<50000x128xf32, #tpu.memory_space<hbm>>, %arg3: memref<800000x128xf32, #tpu.memory_space<hbm>>, %arg4: memref<800000xi32, #tpu.memory_space<hbm>>, %arg5: memref<800000xi32, #tpu.memory_space<hbm>>, %arg6: memref<51200x128xf32, #tpu.memory_space<hbm>>, %arg7: memref<5136x128xf32, #tpu.memory_space<vmem_shared>>, %arg8: memref<10000xi32, #tpu.memory_space<vmem>>, %arg9: memref<10000xi32, #tpu.memory_space<vmem>>, %arg10: memref<10240xi32, #tpu.memory_space<vmem>>, %arg11: memref<10240xi32, #tpu.memory_space<vmem>>, %arg12: memref<10240xi32, #tpu.memory_space<vmem>>, %arg13: memref<128xi32, #tpu.memory_space<vmem>>, %arg14: memref<128xi32, #tpu.memory_space<vmem>>, %arg15: memref<128xi32, #tpu.memory_space<vmem>>, %arg16: memref<16xi32, #tpu.memory_space<vmem>>, %arg17: memref<128x128xf32, #tpu.memory_space<vmem>>, %arg18: memref<128x128xf32, #tpu.memory_space<vmem>>, %arg19: memref<32x128xf32, #tpu.memory_space<vmem>>, %arg20: memref<32x128xf32, #tpu.memory_space<vmem>>, %arg21: memref<!tpu.dma_semaphore, #tpu.memory_space<semaphore_mem>>, %arg22: memref<!tpu.dma_semaphore, #tpu.memory_space<semaphore_mem>>) attributes {dimension_semantics = [#tpu.dimension_semantics<core_parallel>, #tpu.dimension_semantics<subcore_parallel>], iteration_bounds = array<i64: 2, 16>, scalar_prefetch = 0 : i64, scratch_operands = 16 : i64, tpu.core_type = #tpu.core_type<sc_vector_subcore>, window_params = [{transform_indices = #map}, {transform_indices = #map}, {transform_indices = #map1}, {transform_indices = #map1}, {transform_indices = #map}]} {
    %mul3A = arith.constant 320 : i32
    %mul3A_0 = arith.muli %arg1, %mul3A : i32
    %broadcast_in_dim3A = arith.constant 0 : i32
    %broadcast_in_dim3A_1 = vector.broadcast %broadcast_in_dim3A : i32 to vector<16xi32>
    %scan3A = arith.constant 0 : i32
    %scan3A_2 = arith.constant 0 : i32
    %scan3A_3 = arith.constant 32 : i32
    %scan3A_4 = arith.addi %scan3A_2, %scan3A_3 : i32
    %scan3A_5 = arith.constant 1 : i32
    %scan3A_6 = scf.for %scan3A_15 = %scan3A_2 to %scan3A_4 step %scan3A_5 iter_args(%scan3A_16 = %scan3A) -> (i32)  : i32 {
      %broadcast_in_dim3A_17 = arith.constant 0.000000e+00 : f32
      %broadcast_in_dim3A_18 = vector.broadcast %broadcast_in_dim3A_17 : f32 to vector<16xf32>
      %swap3A = arith.index_cast %scan3A_15 : i32 to index
      %swap3A_19 = arith.constant 0 : index
      %swap3A_20 = tpu.vector_load %arg19[%swap3A, %swap3A_19] {strides = array<i32>} : memref<32x128xf32, #tpu.memory_space<vmem>>, vector<16xf32>,
      tpu.vector_store %arg19[%swap3A, %swap3A_19], %broadcast_in_dim3A_18 {strides = array<i32>} : memref<32x128xf32, #tpu.memory_space<vmem>>, vector<16xf32>,
      %broadcast_in_dim3A_21 = arith.constant 0.000000e+00 : f32
      %broadcast_in_dim3A_22 = vector.broadcast %broadcast_in_dim3A_21 : f32 to vector<16xf32>
      %swap3A_23 = arith.index_cast %scan3A_15 : i32 to index
      %swap3A_24 = arith.constant 16 : index
      %swap3A_25 = tpu.vector_load %arg19[%swap3A_23, %swap3A_24] {strides = array<i32>} : memref<32x128xf32, #tpu.memory_space<vmem>>, vector<16xf32>,
      tpu.vector_store %arg19[%swap3A_23, %swap3A_24], %broadcast_in_dim3A_22 {strides = array<i32>} : memref<32x128xf32, #tpu.memory_space<vmem>>, vector<16xf32>,
      %broadcast_in_dim3A_26 = arith.constant 0.000000e+00 : f32
      %broadcast_in_dim3A_27 = vector.broadcast %broadcast_in_dim3A_26 : f32 to vector<16xf32>
      %swap3A_28 = arith.index_cast %scan3A_15 : i32 to index
      %swap3A_29 = arith.constant 32 : index
      %swap3A_30 = tpu.vector_load %arg19[%swap3A_28, %swap3A_29] {strides = array<i32>} : memref<32x128xf32, #tpu.memory_space<vmem>>, vector<16xf32>,
      tpu.vector_store %arg19[%swap3A_28, %swap3A_29], %broadcast_in_dim3A_27 {strides = array<i32>} : memref<32x128xf32, #tpu.memory_space<vmem>>, vector<16xf32>,
      %broadcast_in_dim3A_31 = arith.constant 0.000000e+00 : f32
      %broadcast_in_dim3A_32 = vector.broadcast %broadcast_in_dim3A_31 : f32 to vector<16xf32>
      %swap3A_33 = arith.index_cast %scan3A_15 : i32 to index
      %swap3A_34 = arith.constant 48 : index
      %swap3A_35 = tpu.vector_load %arg19[%swap3A_33, %swap3A_34] {strides = array<i32>} : memref<32x128xf32, #tpu.memory_space<vmem>>, vector<16xf32>,
      tpu.vector_store %arg19[%swap3A_33, %swap3A_34], %broadcast_in_dim3A_32 {strides = array<i32>} : memref<32x128xf32, #tpu.memory_space<vmem>>, vector<16xf32>,
      %broadcast_in_dim3A_36 = arith.constant 0.000000e+00 : f32
      %broadcast_in_dim3A_37 = vector.broadcast %broadcast_in_dim3A_36 : f32 to vector<16xf32>
      %swap3A_38 = arith.index_cast %scan3A_15 : i32 to index
      %swap3A_39 = arith.constant 64 : index
      %swap3A_40 = tpu.vector_load %arg19[%swap3A_38, %swap3A_39] {strides = array<i32>} : memref<32x128xf32, #tpu.memory_space<vmem>>, vector<16xf32>,
      tpu.vector_store %arg19[%swap3A_38, %swap3A_39], %broadcast_in_dim3A_37 {strides = array<i32>} : memref<32x128xf32, #tpu.memory_space<vmem>>, vector<16xf32>,
      %broadcast_in_dim3A_41 = arith.constant 0.000000e+00 : f32
      %broadcast_in_dim3A_42 = vector.broadcast %broadcast_in_dim3A_41 : f32 to vector<16xf32>
      %swap3A_43 = arith.index_cast %scan3A_15 : i32 to index
      %swap3A_44 = arith.constant 80 : index
      %swap3A_45 = tpu.vector_load %arg19[%swap3A_43, %swap3A_44] {strides = array<i32>} : memref<32x128xf32, #tpu.memory_space<vmem>>, vector<16xf32>,
      tpu.vector_store %arg19[%swap3A_43, %swap3A_44], %broadcast_in_dim3A_42 {strides = array<i32>} : memref<32x128xf32, #tpu.memory_space<vmem>>, vector<16xf32>,
      %broadcast_in_dim3A_46 = arith.constant 0.000000e+00 : f32
      %broadcast_in_dim3A_47 = vector.broadcast %broadcast_in_dim3A_46 : f32 to vector<16xf32>
      %swap3A_48 = arith.index_cast %scan3A_15 : i32 to index
      %swap3A_49 = arith.constant 96 : index
      %swap3A_50 = tpu.vector_load %arg19[%swap3A_48, %swap3A_49] {strides = array<i32>} : memref<32x128xf32, #tpu.memory_space<vmem>>, vector<16xf32>,
      tpu.vector_store %arg19[%swap3A_48, %swap3A_49], %broadcast_in_dim3A_47 {strides = array<i32>} : memref<32x128xf32, #tpu.memory_space<vmem>>, vector<16xf32>,
      %broadcast_in_dim3A_51 = arith.constant 0.000000e+00 : f32
      %broadcast_in_dim3A_52 = vector.broadcast %broadcast_in_dim3A_51 : f32 to vector<16xf32>
      %swap3A_53 = arith.index_cast %scan3A_15 : i32 to index
      %swap3A_54 = arith.constant 112 : index
      %swap3A_55 = tpu.vector_load %arg19[%swap3A_53, %swap3A_54] {strides = array<i32>} : memref<32x128xf32, #tpu.memory_space<vmem>>, vector<16xf32>,
      tpu.vector_store %arg19[%swap3A_53, %swap3A_54], %broadcast_in_dim3A_52 {strides = array<i32>} : memref<32x128xf32, #tpu.memory_space<vmem>>, vector<16xf32>,
      %scan3A_56 = arith.constant 0 : i32
      scf.yield %scan3A_56 : i32
    }
    %scan3A_7 = arith.constant 32 : i32
    %scan3A_8 = arith.constant 0 : i32
    %scan3A_9 = arith.constant 0 : i32
    %scan3A_10 = arith.constant 5 : i32
    %scan3A_11 = arith.addi %scan3A_9, %scan3A_10 : i32
    %scan3A_12 = arith.constant 1 : i32
    %scan3A_13 = scf.for %scan3A_15 = %scan3A_9 to %scan3A_11 step %scan3A_12 iter_args(%scan3A_16 = %scan3A_8) -> (i32)  : i32 {
      %mul3A_17 = arith.constant 2 : i32
      %mul3A_18 = arith.muli %mul3A_17, %scan3A_15 : i32
      %add3A = arith.addi %arg0, %mul3A_18 : i32
      %mul3A_19 = arith.constant 5120 : i32
      %mul3A_20 = arith.muli %add3A, %mul3A_19 : i32
      %add3A_21 = arith.constant 5120 : i32
      %add3A_22 = arith.addi %mul3A_20, %add3A_21 : i32
      %lt3A = arith.constant 10 : i32
      %lt3A_23 = arith.cmpi slt, %add3A, %lt3A : i32
      %convert_element_type3A = arith.extui %lt3A_23 : i1 to i32
      %cond3A = arith.constant 0 : i32
      %cond3A_24 = arith.cmpi ne, %convert_element_type3A, %cond3A : i32
      scf.if %cond3A_24 {
        %scan3A_34 = arith.constant 0 : i32
        %scan3A_35 = arith.constant 0 : i32
        %scan3A_36 = arith.constant 10 : i32
        %scan3A_37 = arith.addi %scan3A_35, %scan3A_36 : i32
        %scan3A_38 = arith.constant 1 : i32
        %scan3A_39 = scf.for %scan3A_41 = %scan3A_35 to %scan3A_37 step %scan3A_38 iter_args(%scan3A_42 = %scan3A_34) -> (i32)  : i32 {
          %mul3A_43 = arith.constant 32 : i32
          %mul3A_44 = arith.muli %scan3A_41, %mul3A_43 : i32
          %add3A_45 = arith.addi %mul3A_0, %mul3A_44 : i32
          "tpu.region"() ({
            %run_scoped3A = tpu.sem_alloc : memref<!tpu.dma_semaphore, #tpu.memory_space<semaphore_mem>>
            %dma_start3A = arith.constant 0 : i32
            %dma_start3A_47 = tpu.memref_slice %arg7[%add3A_45, %dma_start3A] : memref<5136x128xf32, #tpu.memory_space<vmem_shared>> -> memref<32x128xf32, #tpu.memory_space<vmem_shared>>
            %dma_start3A_48 = arith.constant 0 : i32
            %dma_start3A_49 = tpu.memref_slice %arg7[%add3A_45, %dma_start3A_48] : memref<5136x128xf32, #tpu.memory_space<vmem_shared>> -> memref<32x128xf32, #tpu.memory_space<vmem_shared>>
            tpu.enqueue_dma source(%arg19 : memref<32x128xf32, #tpu.memory_space<vmem>>) target(%dma_start3A_49 : memref<32x128xf32, #tpu.memory_space<vmem_shared>>) target_semaphore(%run_scoped3A : memref<!tpu.dma_semaphore, #tpu.memory_space<semaphore_mem>>)
            %dma_wait3A = arith.constant 0 : i32
            %dma_wait3A_50 = tpu.memref_slice %arg7[%add3A_45, %dma_wait3A] : memref<5136x128xf32, #tpu.memory_space<vmem_shared>> -> memref<32x128xf32, #tpu.memory_space<vmem_shared>>
            %dma_wait3A_51 = arith.constant 0 : i32
            %dma_wait3A_52 = tpu.memref_slice %arg7[%add3A_45, %dma_wait3A_51] : memref<5136x128xf32, #tpu.memory_space<vmem_shared>> -> memref<32x128xf32, #tpu.memory_space<vmem_shared>>
            tpu.wait_dma2 semaphore(%run_scoped3A : memref<!tpu.dma_semaphore, #tpu.memory_space<semaphore_mem>>) src(%arg19 : memref<32x128xf32, #tpu.memory_space<vmem>>) dst(%dma_wait3A_52 : memref<32x128xf32, #tpu.memory_space<vmem_shared>>)
            tpu.yield
          }) : () -> ()
          %scan3A_46 = arith.constant 0 : i32
          scf.yield %scan3A_46 : i32
        }
        %scan3A_40 = arith.constant 10 : i32
      } else {
      }
      %barrier3A = arith.constant 0 : index
      tpu.barrier barrier_id(%barrier3A)
      %convert_element_type3A_25 = arith.extui %lt3A_23 : i1 to i32
      %cond3A_26 = arith.constant 0 : i32
      %cond3A_27 = arith.cmpi ne, %convert_element_type3A_25, %cond3A_26 : i32
      scf.if %cond3A_27 {
        %scan3A_34 = arith.constant 0 : i32
        %scan3A_35 = arith.constant 6 : i32
        %scan3A_36 = arith.addi %scan3A_34, %scan3A_35 : i32
        %scan3A_37 = arith.constant 1 : i32
        %scan3A_38 = scf.for %scan3A_40 = %scan3A_34 to %scan3A_36 step %scan3A_37 iter_args(%scan3A_41 = %broadcast_in_dim3A_1) -> (vector<16xi32>)  : i32 {
          %lt3A_42 = arith.constant 5 : i32
          %lt3A_43 = arith.cmpi slt, %scan3A_40, %lt3A_42 : i32
          %convert_element_type3A_44 = arith.extui %lt3A_43 : i1 to i32
          %cond3A_45 = arith.constant 0 : i32
          %cond3A_46 = arith.cmpi ne, %convert_element_type3A_44, %cond3A_45 : i32
          %cond3A_47 = scf.if %cond3A_46 -> (vector<16xi32>) {
            %mul3A_86 = arith.constant 50000 : i32
            %mul3A_87 = arith.muli %arg1, %mul3A_86 : i32
            %mul3A_88 = arith.constant 10000 : i32
            %mul3A_89 = arith.muli %scan3A_40, %mul3A_88 : i32
            %add3A_90 = arith.addi %mul3A_87, %mul3A_89 : i32
            "tpu.region"() ({
              %run_scoped3A = tpu.sem_alloc : memref<!tpu.dma_semaphore, #tpu.memory_space<semaphore_mem>>
              %dma_start3A = tpu.memref_slice %arg5[%add3A_90] : memref<800000xi32, #tpu.memory_space<hbm>> -> memref<10000xi32, #tpu.memory_space<hbm>>
              %dma_start3A_97 = tpu.memref_slice %arg5[%add3A_90] : memref<800000xi32, #tpu.memory_space<hbm>> -> memref<10000xi32, #tpu.memory_space<hbm>>
              tpu.enqueue_dma source(%dma_start3A_97 : memref<10000xi32, #tpu.memory_space<hbm>>) target(%arg8 : memref<10000xi32, #tpu.memory_space<vmem>>) target_semaphore(%run_scoped3A : memref<!tpu.dma_semaphore, #tpu.memory_space<semaphore_mem>>)
              %dma_wait3A = tpu.memref_slice %arg5[%add3A_90] : memref<800000xi32, #tpu.memory_space<hbm>> -> memref<10000xi32, #tpu.memory_space<hbm>>
              %dma_wait3A_98 = tpu.memref_slice %arg5[%add3A_90] : memref<800000xi32, #tpu.memory_space<hbm>> -> memref<10000xi32, #tpu.memory_space<hbm>>
              tpu.wait_dma2 semaphore(%run_scoped3A : memref<!tpu.dma_semaphore, #tpu.memory_space<semaphore_mem>>) src(%dma_wait3A_98 : memref<10000xi32, #tpu.memory_space<hbm>>) dst(%arg8 : memref<10000xi32, #tpu.memory_space<vmem>>)
              tpu.yield
            }) : () -> ()
            "tpu.region"() ({
              %run_scoped3A = tpu.sem_alloc : memref<!tpu.dma_semaphore, #tpu.memory_space<semaphore_mem>>
              %dma_start3A = tpu.memref_slice %arg4[%add3A_90] : memref<800000xi32, #tpu.memory_space<hbm>> -> memref<10000xi32, #tpu.memory_space<hbm>>
              %dma_start3A_97 = tpu.memref_slice %arg4[%add3A_90] : memref<800000xi32, #tpu.memory_space<hbm>> -> memref<10000xi32, #tpu.memory_space<hbm>>
              tpu.enqueue_dma source(%dma_start3A_97 : memref<10000xi32, #tpu.memory_space<hbm>>) target(%arg9 : memref<10000xi32, #tpu.memory_space<vmem>>) target_semaphore(%run_scoped3A : memref<!tpu.dma_semaphore, #tpu.memory_space<semaphore_mem>>)
              %dma_wait3A = tpu.memref_slice %arg4[%add3A_90] : memref<800000xi32, #tpu.memory_space<hbm>> -> memref<10000xi32, #tpu.memory_space<hbm>>
              %dma_wait3A_98 = tpu.memref_slice %arg4[%add3A_90] : memref<800000xi32, #tpu.memory_space<hbm>> -> memref<10000xi32, #tpu.memory_space<hbm>>
              tpu.wait_dma2 semaphore(%run_scoped3A : memref<!tpu.dma_semaphore, #tpu.memory_space<semaphore_mem>>) src(%dma_wait3A_98 : memref<10000xi32, #tpu.memory_space<hbm>>) dst(%arg9 : memref<10000xi32, #tpu.memory_space<vmem>>)
              tpu.yield
            }) : () -> ()
            %scan3A_91 = arith.constant 0 : i32
            %scan3A_92 = arith.constant 625 : i32
            %scan3A_93 = arith.addi %scan3A_91, %scan3A_92 : i32
            %scan3A_94 = arith.constant 1 : i32
            %scan3A_95 = scf.for %scan3A_97 = %scan3A_91 to %scan3A_93 step %scan3A_94 iter_args(%scan3A_98 = %scan3A_41) -> (vector<16xi32>)  : i32 {
              %mul3A_99 = arith.constant 16 : i32
              %mul3A_100 = arith.muli %scan3A_97, %mul3A_99 : i32
              %get3A_101 = arith.index_cast %mul3A_100 : i32 to index
              %get3A_102 = tpu.vector_load %arg8[%get3A_101] {strides = array<i32>} : memref<10000xi32, #tpu.memory_space<vmem>>, vector<16xi32>,
              %mul3A_103 = arith.constant 16 : i32
              %mul3A_104 = arith.muli %scan3A_97, %mul3A_103 : i32
              %get3A_105 = arith.index_cast %mul3A_104 : i32 to index
              %get3A_106 = tpu.vector_load %arg9[%get3A_105] {strides = array<i32>} : memref<10000xi32, #tpu.memory_space<vmem>>, vector<16xi32>,
              %ge3A = vector.broadcast %mul3A_20 : i32 to vector<16xi32>
              %ge3A_107 = arith.cmpi sge, %get3A_102, %ge3A : vector<16xi32>
              %lt3A_108 = vector.broadcast %add3A_22 : i32 to vector<16xi32>
              %lt3A_109 = arith.cmpi slt, %get3A_102, %lt3A_108 : vector<16xi32>
              %and3A_110 = arith.andi %ge3A_107, %lt3A_109 : vector<16xi1>
              %sub3A_111 = vector.broadcast %mul3A_20 : i32 to vector<16xi32>
              %sub3A_112 = arith.subi %get3A_102, %sub3A_111 : vector<16xi32>
              %mul3A_113 = arith.constant 16 : i32
              %mul3A_114 = arith.muli %scan3A_97, %mul3A_113 : i32
              %add3A_115 = arith.addi %add3A_90, %mul3A_114 : i32
              %iota3A = tpu.iota {dimensions = array<i32: 0>} : vector<16xi32>
              %add3A_116 = vector.broadcast %add3A_115 : i32 to vector<16xi32>
              %add3A_117 = arith.addi %add3A_116, %iota3A : vector<16xi32>
              %convert_element_type3A_118 = arith.extui %and3A_110 : vector<16xi1> to vector<16xi32>
              %broadcast_in_dim3A_119 = arith.constant true
              %broadcast_in_dim3A_120 = vector.broadcast %broadcast_in_dim3A_119 : i1 to vector<16xi1>
              %masked_cumsum3A = tpu.scan <sum>, %convert_element_type3A_118 masked %broadcast_in_dim3A_120 : vector<16xi32>, vector<16xi1> -> vector<16xi32>
              %add3A_121 = arith.addi %scan3A_98, %masked_cumsum3A : vector<16xi32>
              %sub3A_122 = arith.constant 1 : i32
              %sub3A_123 = vector.broadcast %sub3A_122 : i32 to vector<16xi32>
              %sub3A_124 = arith.subi %add3A_121, %sub3A_123 : vector<16xi32>
              tpu.vector_store_idx %arg12[%sub3A_124], %sub3A_112 masked %and3A_110 : memref<10240xi32, #tpu.memory_space<vmem>>[vector<16xi32>], vector<16xi32>, vector<16xi1>
              tpu.vector_store_idx %arg10[%sub3A_124], %get3A_106 masked %and3A_110 : memref<10240xi32, #tpu.memory_space<vmem>>[vector<16xi32>], vector<16xi32>, vector<16xi1>
              tpu.vector_store_idx %arg11[%sub3A_124], %add3A_117 masked %and3A_110 : memref<10240xi32, #tpu.memory_space<vmem>>[vector<16xi32>], vector<16xi32>, vector<16xi1>
              %all_reduce_population_count3A = tpu.all_reduce %and3A_110 {dim = 0 : i64, kind = #tpu.reduction_kind<sum>} : vector<16xi1> -> vector<16xi32>
              %add3A_125 = arith.addi %scan3A_98, %all_reduce_population_count3A : vector<16xi32>
              scf.yield %add3A_125 : vector<16xi32>
            }
            %scan3A_96 = arith.constant 625 : i32
            scf.yield %scan3A_95 : vector<16xi32>
          } else {
            %swap3A_86 = arith.constant 0 : index
            %swap3A_87 = tpu.vector_load %arg16[%swap3A_86] {strides = array<i32>} : memref<16xi32, #tpu.memory_space<vmem>>, vector<16xi32>,
            tpu.vector_store %arg16[%swap3A_86], %scan3A_41 {strides = array<i32>} : memref<16xi32, #tpu.memory_space<vmem>>, vector<16xi32>,
            %get3A_88 = arith.constant 0 : index
            %get3A_89 = tpu.vector_load %arg16[%get3A_88] {strides = array<i32>} : memref<16xi32, #tpu.memory_space<vmem>>, vector<16xi32>,
            %slice3A_90 = vector.extract_strided_slice %get3A_89 {offsets = [0], sizes = [1], strides = [1]} : vector<16xi32> to vector<1xi32>
            %squeeze3A_91 = vector.extract %slice3A_90[0] : i32 from vector<1xi32>
            %add3A_92 = vector.broadcast %arg1 : i32 to vector<16xi32>
            %add3A_93 = arith.addi %broadcast_in_dim3A_1, %add3A_92 : vector<16xi32>
            %add3A_94 = arith.constant 5120 : i32
            %add3A_95 = arith.addi %add3A_94, %arg1 : i32
            %add3A_96 = vector.broadcast %add3A_95 : i32 to vector<16xi32>
            %add3A_97 = arith.addi %broadcast_in_dim3A_1, %add3A_96 : vector<16xi32>
            %add3A_98 = arith.constant 0 : i32
            %add3A_99 = arith.addi %squeeze3A_91, %add3A_98 : i32
            %swap3A_100 = arith.index_cast %add3A_99 : i32 to index
            %swap3A_101 = tpu.vector_load %arg10[%swap3A_100] {strides = array<i32>} : memref<10240xi32, #tpu.memory_space<vmem>>, vector<16xi32>,
            tpu.vector_store %arg10[%swap3A_100], %add3A_93 {strides = array<i32>} : memref<10240xi32, #tpu.memory_space<vmem>>, vector<16xi32>,
            %add3A_102 = arith.constant 0 : i32
            %add3A_103 = arith.addi %squeeze3A_91, %add3A_102 : i32
            %swap3A_104 = arith.index_cast %add3A_103 : i32 to index
            %swap3A_105 = tpu.vector_load %arg11[%swap3A_104] {strides = array<i32>} : memref<10240xi32, #tpu.memory_space<vmem>>, vector<16xi32>,
            tpu.vector_store %arg11[%swap3A_104], %add3A_93 {strides = array<i32>} : memref<10240xi32, #tpu.memory_space<vmem>>, vector<16xi32>,
            %add3A_106 = arith.constant 0 : i32
            %add3A_107 = arith.addi %squeeze3A_91, %add3A_106 : i32
            %swap3A_108 = arith.index_cast %add3A_107 : i32 to index
            %swap3A_109 = tpu.vector_load %arg12[%swap3A_108] {strides = array<i32>} : memref<10240xi32, #tpu.memory_space<vmem>>, vector<16xi32>,
            tpu.vector_store %arg12[%swap3A_108], %add3A_97 {strides = array<i32>} : memref<10240xi32, #tpu.memory_space<vmem>>, vector<16xi32>,
            %add3A_110 = arith.constant 16 : i32
            %add3A_111 = arith.addi %squeeze3A_91, %add3A_110 : i32
            %swap3A_112 = arith.index_cast %add3A_111 : i32 to index
            %swap3A_113 = tpu.vector_load %arg10[%swap3A_112] {strides = array<i32>} : memref<10240xi32, #tpu.memory_space<vmem>>, vector<16xi32>,
            tpu.vector_store %arg10[%swap3A_112], %add3A_93 {strides = array<i32>} : memref<10240xi32, #tpu.memory_space<vmem>>, vector<16xi32>,
            %add3A_114 = arith.constant 16 : i32
            %add3A_115 = arith.addi %squeeze3A_91, %add3A_114 : i32
            %swap3A_116 = arith.index_cast %add3A_115 : i32 to index
            %swap3A_117 = tpu.vector_load %arg11[%swap3A_116] {strides = array<i32>} : memref<10240xi32, #tpu.memory_space<vmem>>, vector<16xi32>,
            tpu.vector_store %arg11[%swap3A_116], %add3A_93 {strides = array<i32>} : memref<10240xi32, #tpu.memory_space<vmem>>, vector<16xi32>,
            %add3A_118 = arith.constant 16 : i32
            %add3A_119 = arith.addi %squeeze3A_91, %add3A_118 : i32
            %swap3A_120 = arith.index_cast %add3A_119 : i32 to index
            %swap3A_121 = tpu.vector_load %arg12[%swap3A_120] {strides = array<i32>} : memref<10240xi32, #tpu.memory_space<vmem>>, vector<16xi32>,
            tpu.vector_store %arg12[%swap3A_120], %add3A_97 {strides = array<i32>} : memref<10240xi32, #tpu.memory_space<vmem>>, vector<16xi32>,
            %add3A_122 = arith.constant 32 : i32
            %add3A_123 = arith.addi %squeeze3A_91, %add3A_122 : i32
            %swap3A_124 = arith.index_cast %add3A_123 : i32 to index
            %swap3A_125 = tpu.vector_load %arg10[%swap3A_124] {strides = array<i32>} : memref<10240xi32, #tpu.memory_space<vmem>>, vector<16xi32>,
            tpu.vector_store %arg10[%swap3A_124], %add3A_93 {strides = array<i32>} : memref<10240xi32, #tpu.memory_space<vmem>>, vector<16xi32>,
            %add3A_126 = arith.constant 32 : i32
            %add3A_127 = arith.addi %squeeze3A_91, %add3A_126 : i32
            %swap3A_128 = arith.index_cast %add3A_127 : i32 to index
            %swap3A_129 = tpu.vector_load %arg11[%swap3A_128] {strides = array<i32>} : memref<10240xi32, #tpu.memory_space<vmem>>, vector<16xi32>,
            tpu.vector_store %arg11[%swap3A_128], %add3A_93 {strides = array<i32>} : memref<10240xi32, #tpu.memory_space<vmem>>, vector<16xi32>,
            %add3A_130 = arith.constant 32 : i32
            %add3A_131 = arith.addi %squeeze3A_91, %add3A_130 : i32
            %swap3A_132 = arith.index_cast %add3A_131 : i32 to index
            %swap3A_133 = tpu.vector_load %arg12[%swap3A_132] {strides = array<i32>} : memref<10240xi32, #tpu.memory_space<vmem>>, vector<16xi32>,
            tpu.vector_store %arg12[%swap3A_132], %add3A_97 {strides = array<i32>} : memref<10240xi32, #tpu.memory_space<vmem>>, vector<16xi32>,
            %add3A_134 = arith.constant 48 : i32
            %add3A_135 = arith.addi %squeeze3A_91, %add3A_134 : i32
            %swap3A_136 = arith.index_cast %add3A_135 : i32 to index
            %swap3A_137 = tpu.vector_load %arg10[%swap3A_136] {strides = array<i32>} : memref<10240xi32, #tpu.memory_space<vmem>>, vector<16xi32>,
            tpu.vector_store %arg10[%swap3A_136], %add3A_93 {strides = array<i32>} : memref<10240xi32, #tpu.memory_space<vmem>>, vector<16xi32>,
            %add3A_138 = arith.constant 48 : i32
            %add3A_139 = arith.addi %squeeze3A_91, %add3A_138 : i32
            %swap3A_140 = arith.index_cast %add3A_139 : i32 to index
            %swap3A_141 = tpu.vector_load %arg11[%swap3A_140] {strides = array<i32>} : memref<10240xi32, #tpu.memory_space<vmem>>, vector<16xi32>,
            tpu.vector_store %arg11[%swap3A_140], %add3A_93 {strides = array<i32>} : memref<10240xi32, #tpu.memory_space<vmem>>, vector<16xi32>,
            %add3A_142 = arith.constant 48 : i32
            %add3A_143 = arith.addi %squeeze3A_91, %add3A_142 : i32
            %swap3A_144 = arith.index_cast %add3A_143 : i32 to index
            %swap3A_145 = tpu.vector_load %arg12[%swap3A_144] {strides = array<i32>} : memref<10240xi32, #tpu.memory_space<vmem>>, vector<16xi32>,
            tpu.vector_store %arg12[%swap3A_144], %add3A_97 {strides = array<i32>} : memref<10240xi32, #tpu.memory_space<vmem>>, vector<16xi32>,
            %add3A_146 = arith.constant 64 : i32
            %add3A_147 = arith.addi %squeeze3A_91, %add3A_146 : i32
            %swap3A_148 = arith.index_cast %add3A_147 : i32 to index
            %swap3A_149 = tpu.vector_load %arg10[%swap3A_148] {strides = array<i32>} : memref<10240xi32, #tpu.memory_space<vmem>>, vector<16xi32>,
            tpu.vector_store %arg10[%swap3A_148], %add3A_93 {strides = array<i32>} : memref<10240xi32, #tpu.memory_space<vmem>>, vector<16xi32>,
            %add3A_150 = arith.constant 64 : i32
            %add3A_151 = arith.addi %squeeze3A_91, %add3A_150 : i32
            %swap3A_152 = arith.index_cast %add3A_151 : i32 to index
            %swap3A_153 = tpu.vector_load %arg11[%swap3A_152] {strides = array<i32>} : memref<10240xi32, #tpu.memory_space<vmem>>, vector<16xi32>,
            tpu.vector_store %arg11[%swap3A_152], %add3A_93 {strides = array<i32>} : memref<10240xi32, #tpu.memory_space<vmem>>, vector<16xi32>,
            %add3A_154 = arith.constant 64 : i32
            %add3A_155 = arith.addi %squeeze3A_91, %add3A_154 : i32
            %swap3A_156 = arith.index_cast %add3A_155 : i32 to index
            %swap3A_157 = tpu.vector_load %arg12[%swap3A_156] {strides = array<i32>} : memref<10240xi32, #tpu.memory_space<vmem>>, vector<16xi32>,
            tpu.vector_store %arg12[%swap3A_156], %add3A_97 {strides = array<i32>} : memref<10240xi32, #tpu.memory_space<vmem>>, vector<16xi32>,
            %add3A_158 = arith.constant 80 : i32
            %add3A_159 = arith.addi %squeeze3A_91, %add3A_158 : i32
            %swap3A_160 = arith.index_cast %add3A_159 : i32 to index
            %swap3A_161 = tpu.vector_load %arg10[%swap3A_160] {strides = array<i32>} : memref<10240xi32, #tpu.memory_space<vmem>>, vector<16xi32>,
            tpu.vector_store %arg10[%swap3A_160], %add3A_93 {strides = array<i32>} : memref<10240xi32, #tpu.memory_space<vmem>>, vector<16xi32>,
            %add3A_162 = arith.constant 80 : i32
            %add3A_163 = arith.addi %squeeze3A_91, %add3A_162 : i32
            %swap3A_164 = arith.index_cast %add3A_163 : i32 to index
            %swap3A_165 = tpu.vector_load %arg11[%swap3A_164] {strides = array<i32>} : memref<10240xi32, #tpu.memory_space<vmem>>, vector<16xi32>,
            tpu.vector_store %arg11[%swap3A_164], %add3A_93 {strides = array<i32>} : memref<10240xi32, #tpu.memory_space<vmem>>, vector<16xi32>,
            %add3A_166 = arith.constant 80 : i32
            %add3A_167 = arith.addi %squeeze3A_91, %add3A_166 : i32
            %swap3A_168 = arith.index_cast %add3A_167 : i32 to index
            %swap3A_169 = tpu.vector_load %arg12[%swap3A_168] {strides = array<i32>} : memref<10240xi32, #tpu.memory_space<vmem>>, vector<16xi32>,
            tpu.vector_store %arg12[%swap3A_168], %add3A_97 {strides = array<i32>} : memref<10240xi32, #tpu.memory_space<vmem>>, vector<16xi32>,
            %add3A_170 = arith.constant 96 : i32
            %add3A_171 = arith.addi %squeeze3A_91, %add3A_170 : i32
            %swap3A_172 = arith.index_cast %add3A_171 : i32 to index
            %swap3A_173 = tpu.vector_load %arg10[%swap3A_172] {strides = array<i32>} : memref<10240xi32, #tpu.memory_space<vmem>>, vector<16xi32>,
            tpu.vector_store %arg10[%swap3A_172], %add3A_93 {strides = array<i32>} : memref<10240xi32, #tpu.memory_space<vmem>>, vector<16xi32>,
            %add3A_174 = arith.constant 96 : i32
            %add3A_175 = arith.addi %squeeze3A_91, %add3A_174 : i32
            %swap3A_176 = arith.index_cast %add3A_175 : i32 to index
            %swap3A_177 = tpu.vector_load %arg11[%swap3A_176] {strides = array<i32>} : memref<10240xi32, #tpu.memory_space<vmem>>, vector<16xi32>,
            tpu.vector_store %arg11[%swap3A_176], %add3A_93 {strides = array<i32>} : memref<10240xi32, #tpu.memory_space<vmem>>, vector<16xi32>,
            %add3A_178 = arith.constant 96 : i32
            %add3A_179 = arith.addi %squeeze3A_91, %add3A_178 : i32
            %swap3A_180 = arith.index_cast %add3A_179 : i32 to index
            %swap3A_181 = tpu.vector_load %arg12[%swap3A_180] {strides = array<i32>} : memref<10240xi32, #tpu.memory_space<vmem>>, vector<16xi32>,
            tpu.vector_store %arg12[%swap3A_180], %add3A_97 {strides = array<i32>} : memref<10240xi32, #tpu.memory_space<vmem>>, vector<16xi32>,
            %add3A_182 = arith.constant 112 : i32
            %add3A_183 = arith.addi %squeeze3A_91, %add3A_182 : i32
            %swap3A_184 = arith.index_cast %add3A_183 : i32 to index
            %swap3A_185 = tpu.vector_load %arg10[%swap3A_184] {strides = array<i32>} : memref<10240xi32, #tpu.memory_space<vmem>>, vector<16xi32>,
            tpu.vector_store %arg10[%swap3A_184], %add3A_93 {strides = array<i32>} : memref<10240xi32, #tpu.memory_space<vmem>>, vector<16xi32>,
            %add3A_186 = arith.constant 112 : i32
            %add3A_187 = arith.addi %squeeze3A_91, %add3A_186 : i32
            %swap3A_188 = arith.index_cast %add3A_187 : i32 to index
            %swap3A_189 = tpu.vector_load %arg11[%swap3A_188] {strides = array<i32>} : memref<10240xi32, #tpu.memory_space<vmem>>, vector<16xi32>,
            tpu.vector_store %arg11[%swap3A_188], %add3A_93 {strides = array<i32>} : memref<10240xi32, #tpu.memory_space<vmem>>, vector<16xi32>,
            %add3A_190 = arith.constant 112 : i32
            %add3A_191 = arith.addi %squeeze3A_91, %add3A_190 : i32
            %swap3A_192 = arith.index_cast %add3A_191 : i32 to index
            %swap3A_193 = tpu.vector_load %arg12[%swap3A_192] {strides = array<i32>} : memref<10240xi32, #tpu.memory_space<vmem>>, vector<16xi32>,
            tpu.vector_store %arg12[%swap3A_192], %add3A_97 {strides = array<i32>} : memref<10240xi32, #tpu.memory_space<vmem>>, vector<16xi32>,
            %add3A_194 = arith.constant 128 : i32
            %add3A_195 = arith.addi %squeeze3A_91, %add3A_194 : i32
            %sub3A_196 = arith.constant 1 : i32
            %sub3A_197 = arith.subi %add3A_195, %sub3A_196 : i32
            %jit3A_198 = arith.constant 128 : i32
            %div3A_199 = arith.divsi %sub3A_197, %jit3A_198 : i32
            %sign3A_200 = arith.constant 0 : i32
            %sign3A_201 = arith.cmpi sgt, %sub3A_197, %sign3A_200 : i32
            %sign3A_202 = arith.extui %sign3A_201 : i1 to i32
            %sign3A_203 = arith.constant 0 : i32
            %sign3A_204 = arith.cmpi slt, %sub3A_197, %sign3A_203 : i32
            %sign3A_205 = arith.extui %sign3A_204 : i1 to i32
            %sign3A_206 = arith.subi %sign3A_202, %sign3A_205 : i32
            %sign3A_207 = arith.constant 0 : i32
            %sign3A_208 = arith.cmpi sgt, %jit3A_198, %sign3A_207 : i32
            %sign3A_209 = arith.extui %sign3A_208 : i1 to i32
            %sign3A_210 = arith.constant 0 : i32
            %sign3A_211 = arith.cmpi slt, %jit3A_198, %sign3A_210 : i32
            %sign3A_212 = arith.extui %sign3A_211 : i1 to i32
            %sign3A_213 = arith.subi %sign3A_209, %sign3A_212 : i32
            %ne3A_214 = arith.cmpi ne, %sign3A_206, %sign3A_213 : i32
            %rem3A_215 = arith.remsi %sub3A_197, %jit3A_198 : i32
            %ne3A_216 = arith.constant 0 : i32
            %ne3A_217 = arith.cmpi ne, %rem3A_215, %ne3A_216 : i32
            %and3A_218 = arith.andi %ne3A_214, %ne3A_217 : i1
            %sub3A_219 = arith.constant 1 : i32
            %sub3A_220 = arith.subi %div3A_199, %sub3A_219 : i32
            %select_n3A_221 = arith.select %and3A_218, %sub3A_220, %div3A_199 : i32
            %mul3A_222 = arith.constant 128 : i32
            %mul3A_223 = arith.muli %select_n3A_221, %mul3A_222 : i32
            %add3A_224 = vector.broadcast %mul3A_223 : i32 to vector<16xi32>
            %add3A_225 = arith.addi %broadcast_in_dim3A_1, %add3A_224 : vector<16xi32>
            scf.yield %add3A_225 : vector<16xi32>
          }
          %swap3A = arith.constant 0 : index
          %swap3A_48 = tpu.vector_load %arg16[%swap3A] {strides = array<i32>} : memref<16xi32, #tpu.memory_space<vmem>>, vector<16xi32>,
          tpu.vector_store %arg16[%swap3A], %cond3A_47 {strides = array<i32>} : memref<16xi32, #tpu.memory_space<vmem>>, vector<16xi32>,
          %get3A = arith.constant 0 : index
          %get3A_49 = tpu.vector_load %arg16[%get3A] {strides = array<i32>} : memref<16xi32, #tpu.memory_space<vmem>>, vector<16xi32>,
          %slice3A = vector.extract_strided_slice %get3A_49 {offsets = [0], sizes = [1], strides = [1]} : vector<16xi32> to vector<1xi32>
          %squeeze3A = vector.extract %slice3A[0] : i32 from vector<1xi32>
          %jit3A = arith.constant 128 : i32
          %div3A = arith.divsi %squeeze3A, %jit3A : i32
          %sign3A = arith.constant 0 : i32
          %sign3A_50 = arith.cmpi sgt, %squeeze3A, %sign3A : i32
          %sign3A_51 = arith.extui %sign3A_50 : i1 to i32
          %sign3A_52 = arith.constant 0 : i32
          %sign3A_53 = arith.cmpi slt, %squeeze3A, %sign3A_52 : i32
          %sign3A_54 = arith.extui %sign3A_53 : i1 to i32
          %sign3A_55 = arith.subi %sign3A_51, %sign3A_54 : i32
          %sign3A_56 = arith.constant 0 : i32
          %sign3A_57 = arith.cmpi sgt, %jit3A, %sign3A_56 : i32
          %sign3A_58 = arith.extui %sign3A_57 : i1 to i32
          %sign3A_59 = arith.constant 0 : i32
          %sign3A_60 = arith.cmpi slt, %jit3A, %sign3A_59 : i32
          %sign3A_61 = arith.extui %sign3A_60 : i1 to i32
          %sign3A_62 = arith.subi %sign3A_58, %sign3A_61 : i32
          %ne3A = arith.cmpi ne, %sign3A_55, %sign3A_62 : i32
          %rem3A = arith.remsi %squeeze3A, %jit3A : i32
          %ne3A_63 = arith.constant 0 : i32
          %ne3A_64 = arith.cmpi ne, %rem3A, %ne3A_63 : i32
          %and3A = arith.andi %ne3A, %ne3A_64 : i1
          %sub3A = arith.constant 1 : i32
          %sub3A_65 = arith.subi %div3A, %sub3A : i32
          %select_n3A = arith.select %and3A, %sub3A_65, %div3A : i32
          %while3A = arith.constant 0 : i32
          %while3A_66 = arith.constant 0 : i32
          %while3A_67 = arith.subi %select_n3A, %while3A : i32
          %while3A_68 = arith.addi %while3A, %while3A_67 : i32
          %while3A_69 = arith.constant 1 : i32
          %while3A_70 = arith.divsi %while3A_67, %while3A_69 : i32
          %while3A_71 = arith.muli %while3A_70, %while3A_69 : i32
          %while3A_72 = arith.addi %while3A, %while3A_71 : i32
          %while3A_73 = arith.constant 1 : i32
          %while3A_74 = scf.for %while3A_86 = %while3A to %while3A_72 step %while3A_73 iter_args(%while3A_87 = %while3A_66) -> (i32)  : i32 {
            %mul3A_88 = arith.constant 128 : i32
            %mul3A_89 = arith.muli %while3A_86, %mul3A_88 : i32
            %scan3A_90 = arith.constant 0 : i32
            %scan3A_91 = arith.constant 0 : i32
            %scan3A_92 = arith.constant 8 : i32
            %scan3A_93 = arith.addi %scan3A_91, %scan3A_92 : i32
            %scan3A_94 = arith.constant 1 : i32
            %scan3A_95 = scf.for %scan3A_115 = %scan3A_91 to %scan3A_93 step %scan3A_94 iter_args(%scan3A_116 = %scan3A_90) -> (i32)  : i32 {
              %mul3A_117 = arith.constant 16 : i32
              %mul3A_118 = arith.muli %scan3A_115, %mul3A_117 : i32
              %add3A_119 = arith.addi %mul3A_89, %mul3A_118 : i32
              %get3A_120 = arith.index_cast %add3A_119 : i32 to index
              %get3A_121 = tpu.vector_load %arg10[%get3A_120] {strides = array<i32>} : memref<10240xi32, #tpu.memory_space<vmem>>, vector<16xi32>,
              %mul3A_122 = arith.constant 16 : i32
              %mul3A_123 = arith.muli %scan3A_115, %mul3A_122 : i32
              %swap3A_124 = arith.index_cast %mul3A_123 : i32 to index
              %swap3A_125 = tpu.vector_load %arg13[%swap3A_124] {strides = array<i32>} : memref<128xi32, #tpu.memory_space<vmem>>, vector<16xi32>,
              tpu.vector_store %arg13[%swap3A_124], %get3A_121 {strides = array<i32>} : memref<128xi32, #tpu.memory_space<vmem>>, vector<16xi32>,
              %mul3A_126 = arith.constant 16 : i32
              %mul3A_127 = arith.muli %scan3A_115, %mul3A_126 : i32
              %add3A_128 = arith.addi %mul3A_89, %mul3A_127 : i32
              %get3A_129 = arith.index_cast %add3A_128 : i32 to index
              %get3A_130 = tpu.vector_load %arg11[%get3A_129] {strides = array<i32>} : memref<10240xi32, #tpu.memory_space<vmem>>, vector<16xi32>,
              %mul3A_131 = arith.constant 16 : i32
              %mul3A_132 = arith.muli %scan3A_115, %mul3A_131 : i32
              %swap3A_133 = arith.index_cast %mul3A_132 : i32 to index
              %swap3A_134 = tpu.vector_load %arg14[%swap3A_133] {strides = array<i32>} : memref<128xi32, #tpu.memory_space<vmem>>, vector<16xi32>,
              tpu.vector_store %arg14[%swap3A_133], %get3A_130 {strides = array<i32>} : memref<128xi32, #tpu.memory_space<vmem>>, vector<16xi32>,
              %mul3A_135 = arith.constant 16 : i32
              %mul3A_136 = arith.muli %scan3A_115, %mul3A_135 : i32
              %add3A_137 = arith.addi %mul3A_89, %mul3A_136 : i32
              %get3A_138 = arith.index_cast %add3A_137 : i32 to index
              %get3A_139 = tpu.vector_load %arg12[%get3A_138] {strides = array<i32>} : memref<10240xi32, #tpu.memory_space<vmem>>, vector<16xi32>,
              %mul3A_140 = arith.constant 16 : i32
              %mul3A_141 = arith.muli %scan3A_115, %mul3A_140 : i32
              %swap3A_142 = arith.index_cast %mul3A_141 : i32 to index
              %swap3A_143 = tpu.vector_load %arg15[%swap3A_142] {strides = array<i32>} : memref<128xi32, #tpu.memory_space<vmem>>, vector<16xi32>,
              tpu.vector_store %arg15[%swap3A_142], %get3A_139 {strides = array<i32>} : memref<128xi32, #tpu.memory_space<vmem>>, vector<16xi32>,
              %scan3A_144 = arith.constant 0 : i32
              scf.yield %scan3A_144 : i32
            }
            %scan3A_96 = arith.constant 8 : i32
            %dma_start3A = arith.constant 0 : i32
            %dma_start3A_97 = arith.constant 0 : i32
            %dma_start3A_98 = tpu.memref_slice %arg2[%dma_start3A, %dma_start3A_97] : memref<50000x128xf32, #tpu.memory_space<hbm>> -> memref<50000x128xf32, #tpu.memory_space<hbm>>
            tpu.enqueue_indirect_dma source(%dma_start3A_98 : memref<50000x128xf32, #tpu.memory_space<hbm>>) target(%arg17 : memref<128x128xf32, #tpu.memory_space<vmem>>) offsets(%arg13 : memref<128xi32, #tpu.memory_space<vmem>>) semaphore(%arg21 : memref<!tpu.dma_semaphore, #tpu.memory_space<semaphore_mem>>)
            %dma_start3A_99 = arith.constant 0 : i32
            %dma_start3A_100 = arith.constant 0 : i32
            %dma_start3A_101 = tpu.memref_slice %arg3[%dma_start3A_99, %dma_start3A_100] : memref<800000x128xf32, #tpu.memory_space<hbm>> -> memref<800000x128xf32, #tpu.memory_space<hbm>>
            tpu.enqueue_indirect_dma source(%dma_start3A_101 : memref<800000x128xf32, #tpu.memory_space<hbm>>) target(%arg18 : memref<128x128xf32, #tpu.memory_space<vmem>>) offsets(%arg14 : memref<128xi32, #tpu.memory_space<vmem>>) semaphore(%arg22 : memref<!tpu.dma_semaphore, #tpu.memory_space<semaphore_mem>>)
            %dma_wait3A = arith.constant 0 : i32
            %dma_wait3A_102 = arith.constant 0 : i32
            %dma_wait3A_103 = tpu.memref_slice %arg2[%dma_wait3A, %dma_wait3A_102] : memref<50000x128xf32, #tpu.memory_space<hbm>> -> memref<50000x128xf32, #tpu.memory_space<hbm>>
            tpu.wait_indirect_dma semaphore(%arg21 : memref<!tpu.dma_semaphore, #tpu.memory_space<semaphore_mem>>) src(%dma_wait3A_103 : memref<50000x128xf32, #tpu.memory_space<hbm>>) dst(%arg17 : memref<128x128xf32, #tpu.memory_space<vmem>>)
            %dma_wait3A_104 = arith.constant 0 : i32
            %dma_wait3A_105 = arith.constant 0 : i32
            %dma_wait3A_106 = tpu.memref_slice %arg3[%dma_wait3A_104, %dma_wait3A_105] : memref<800000x128xf32, #tpu.memory_space<hbm>> -> memref<800000x128xf32, #tpu.memory_space<hbm>>
            tpu.wait_indirect_dma semaphore(%arg22 : memref<!tpu.dma_semaphore, #tpu.memory_space<semaphore_mem>>) src(%dma_wait3A_106 : memref<800000x128xf32, #tpu.memory_space<hbm>>) dst(%arg18 : memref<128x128xf32, #tpu.memory_space<vmem>>)
            %scan3A_107 = arith.constant 0 : i32
            %scan3A_108 = arith.constant 0 : i32
            %scan3A_109 = arith.constant 128 : i32
            %scan3A_110 = arith.addi %scan3A_108, %scan3A_109 : i32
            %scan3A_111 = arith.constant 1 : i32
            %scan3A_112 = scf.for %scan3A_115 = %scan3A_108 to %scan3A_110 step %scan3A_111 iter_args(%scan3A_116 = %scan3A_107) -> (i32)  : i32 {
              %get3A_117 = arith.index_cast %scan3A_115 : i32 to index
              %get3A_118 = arith.constant 0 : index
              %get3A_119 = tpu.vector_load %arg17[%get3A_117, %get3A_118] {strides = array<i32>} : memref<128x128xf32, #tpu.memory_space<vmem>>, vector<16xf32>,
              %get3A_120 = arith.index_cast %scan3A_115 : i32 to index
              %get3A_121 = arith.constant 0 : index
              %get3A_122 = tpu.vector_load %arg18[%get3A_120, %get3A_121] {strides = array<i32>} : memref<128x128xf32, #tpu.memory_space<vmem>>, vector<16xf32>,
              %add3A_123 = arith.addf %get3A_119, %get3A_122 : vector<16xf32>
              %max3A = arith.constant 0.000000e+00 : f32
              %max3A_124 = vector.broadcast %max3A : f32 to vector<16xf32>
              %max3A_125 = arith.maximumf %add3A_123, %max3A_124 : vector<16xf32>
              %swap3A_126 = arith.index_cast %scan3A_115 : i32 to index
              %swap3A_127 = arith.constant 0 : index
              %swap3A_128 = tpu.vector_load %arg17[%swap3A_126, %swap3A_127] {strides = array<i32>} : memref<128x128xf32, #tpu.memory_space<vmem>>, vector<16xf32>,
              tpu.vector_store %arg17[%swap3A_126, %swap3A_127], %max3A_125 {strides = array<i32>} : memref<128x128xf32, #tpu.memory_space<vmem>>, vector<16xf32>,
              %get3A_129 = arith.index_cast %scan3A_115 : i32 to index
              %get3A_130 = arith.constant 16 : index
              %get3A_131 = tpu.vector_load %arg17[%get3A_129, %get3A_130] {strides = array<i32>} : memref<128x128xf32, #tpu.memory_space<vmem>>, vector<16xf32>,
              %get3A_132 = arith.index_cast %scan3A_115 : i32 to index
              %get3A_133 = arith.constant 16 : index
              %get3A_134 = tpu.vector_load %arg18[%get3A_132, %get3A_133] {strides = array<i32>} : memref<128x128xf32, #tpu.memory_space<vmem>>, vector<16xf32>,
              %add3A_135 = arith.addf %get3A_131, %get3A_134 : vector<16xf32>
              %max3A_136 = arith.constant 0.000000e+00 : f32
              %max3A_137 = vector.broadcast %max3A_136 : f32 to vector<16xf32>
              %max3A_138 = arith.maximumf %add3A_135, %max3A_137 : vector<16xf32>
              %swap3A_139 = arith.index_cast %scan3A_115 : i32 to index
              %swap3A_140 = arith.constant 16 : index
              %swap3A_141 = tpu.vector_load %arg17[%swap3A_139, %swap3A_140] {strides = array<i32>} : memref<128x128xf32, #tpu.memory_space<vmem>>, vector<16xf32>,
              tpu.vector_store %arg17[%swap3A_139, %swap3A_140], %max3A_138 {strides = array<i32>} : memref<128x128xf32, #tpu.memory_space<vmem>>, vector<16xf32>,
              %get3A_142 = arith.index_cast %scan3A_115 : i32 to index
              %get3A_143 = arith.constant 32 : index
              %get3A_144 = tpu.vector_load %arg17[%get3A_142, %get3A_143] {strides = array<i32>} : memref<128x128xf32, #tpu.memory_space<vmem>>, vector<16xf32>,
              %get3A_145 = arith.index_cast %scan3A_115 : i32 to index
              %get3A_146 = arith.constant 32 : index
              %get3A_147 = tpu.vector_load %arg18[%get3A_145, %get3A_146] {strides = array<i32>} : memref<128x128xf32, #tpu.memory_space<vmem>>, vector<16xf32>,
              %add3A_148 = arith.addf %get3A_144, %get3A_147 : vector<16xf32>
              %max3A_149 = arith.constant 0.000000e+00 : f32
              %max3A_150 = vector.broadcast %max3A_149 : f32 to vector<16xf32>
              %max3A_151 = arith.maximumf %add3A_148, %max3A_150 : vector<16xf32>
              %swap3A_152 = arith.index_cast %scan3A_115 : i32 to index
              %swap3A_153 = arith.constant 32 : index
              %swap3A_154 = tpu.vector_load %arg17[%swap3A_152, %swap3A_153] {strides = array<i32>} : memref<128x128xf32, #tpu.memory_space<vmem>>, vector<16xf32>,
              tpu.vector_store %arg17[%swap3A_152, %swap3A_153], %max3A_151 {strides = array<i32>} : memref<128x128xf32, #tpu.memory_space<vmem>>, vector<16xf32>,
              %get3A_155 = arith.index_cast %scan3A_115 : i32 to index
              %get3A_156 = arith.constant 48 : index
              %get3A_157 = tpu.vector_load %arg17[%get3A_155, %get3A_156] {strides = array<i32>} : memref<128x128xf32, #tpu.memory_space<vmem>>, vector<16xf32>,
              %get3A_158 = arith.index_cast %scan3A_115 : i32 to index
              %get3A_159 = arith.constant 48 : index
              %get3A_160 = tpu.vector_load %arg18[%get3A_158, %get3A_159] {strides = array<i32>} : memref<128x128xf32, #tpu.memory_space<vmem>>, vector<16xf32>,
              %add3A_161 = arith.addf %get3A_157, %get3A_160 : vector<16xf32>
              %max3A_162 = arith.constant 0.000000e+00 : f32
              %max3A_163 = vector.broadcast %max3A_162 : f32 to vector<16xf32>
              %max3A_164 = arith.maximumf %add3A_161, %max3A_163 : vector<16xf32>
              %swap3A_165 = arith.index_cast %scan3A_115 : i32 to index
              %swap3A_166 = arith.constant 48 : index
              %swap3A_167 = tpu.vector_load %arg17[%swap3A_165, %swap3A_166] {strides = array<i32>} : memref<128x128xf32, #tpu.memory_space<vmem>>, vector<16xf32>,
              tpu.vector_store %arg17[%swap3A_165, %swap3A_166], %max3A_164 {strides = array<i32>} : memref<128x128xf32, #tpu.memory_space<vmem>>, vector<16xf32>,
              %get3A_168 = arith.index_cast %scan3A_115 : i32 to index
              %get3A_169 = arith.constant 64 : index
              %get3A_170 = tpu.vector_load %arg17[%get3A_168, %get3A_169] {strides = array<i32>} : memref<128x128xf32, #tpu.memory_space<vmem>>, vector<16xf32>,
              %get3A_171 = arith.index_cast %scan3A_115 : i32 to index
              %get3A_172 = arith.constant 64 : index
              %get3A_173 = tpu.vector_load %arg18[%get3A_171, %get3A_172] {strides = array<i32>} : memref<128x128xf32, #tpu.memory_space<vmem>>, vector<16xf32>,
              %add3A_174 = arith.addf %get3A_170, %get3A_173 : vector<16xf32>
              %max3A_175 = arith.constant 0.000000e+00 : f32
              %max3A_176 = vector.broadcast %max3A_175 : f32 to vector<16xf32>
              %max3A_177 = arith.maximumf %add3A_174, %max3A_176 : vector<16xf32>
              %swap3A_178 = arith.index_cast %scan3A_115 : i32 to index
              %swap3A_179 = arith.constant 64 : index
              %swap3A_180 = tpu.vector_load %arg17[%swap3A_178, %swap3A_179] {strides = array<i32>} : memref<128x128xf32, #tpu.memory_space<vmem>>, vector<16xf32>,
              tpu.vector_store %arg17[%swap3A_178, %swap3A_179], %max3A_177 {strides = array<i32>} : memref<128x128xf32, #tpu.memory_space<vmem>>, vector<16xf32>,
              %get3A_181 = arith.index_cast %scan3A_115 : i32 to index
              %get3A_182 = arith.constant 80 : index
              %get3A_183 = tpu.vector_load %arg17[%get3A_181, %get3A_182] {strides = array<i32>} : memref<128x128xf32, #tpu.memory_space<vmem>>, vector<16xf32>,
              %get3A_184 = arith.index_cast %scan3A_115 : i32 to index
              %get3A_185 = arith.constant 80 : index
              %get3A_186 = tpu.vector_load %arg18[%get3A_184, %get3A_185] {strides = array<i32>} : memref<128x128xf32, #tpu.memory_space<vmem>>, vector<16xf32>,
              %add3A_187 = arith.addf %get3A_183, %get3A_186 : vector<16xf32>
              %max3A_188 = arith.constant 0.000000e+00 : f32
              %max3A_189 = vector.broadcast %max3A_188 : f32 to vector<16xf32>
              %max3A_190 = arith.maximumf %add3A_187, %max3A_189 : vector<16xf32>
              %swap3A_191 = arith.index_cast %scan3A_115 : i32 to index
              %swap3A_192 = arith.constant 80 : index
              %swap3A_193 = tpu.vector_load %arg17[%swap3A_191, %swap3A_192] {strides = array<i32>} : memref<128x128xf32, #tpu.memory_space<vmem>>, vector<16xf32>,
              tpu.vector_store %arg17[%swap3A_191, %swap3A_192], %max3A_190 {strides = array<i32>} : memref<128x128xf32, #tpu.memory_space<vmem>>, vector<16xf32>,
              %get3A_194 = arith.index_cast %scan3A_115 : i32 to index
              %get3A_195 = arith.constant 96 : index
              %get3A_196 = tpu.vector_load %arg17[%get3A_194, %get3A_195] {strides = array<i32>} : memref<128x128xf32, #tpu.memory_space<vmem>>, vector<16xf32>,
              %get3A_197 = arith.index_cast %scan3A_115 : i32 to index
              %get3A_198 = arith.constant 96 : index
              %get3A_199 = tpu.vector_load %arg18[%get3A_197, %get3A_198] {strides = array<i32>} : memref<128x128xf32, #tpu.memory_space<vmem>>, vector<16xf32>,
              %add3A_200 = arith.addf %get3A_196, %get3A_199 : vector<16xf32>
              %max3A_201 = arith.constant 0.000000e+00 : f32
              %max3A_202 = vector.broadcast %max3A_201 : f32 to vector<16xf32>
              %max3A_203 = arith.maximumf %add3A_200, %max3A_202 : vector<16xf32>
              %swap3A_204 = arith.index_cast %scan3A_115 : i32 to index
              %swap3A_205 = arith.constant 96 : index
              %swap3A_206 = tpu.vector_load %arg17[%swap3A_204, %swap3A_205] {strides = array<i32>} : memref<128x128xf32, #tpu.memory_space<vmem>>, vector<16xf32>,
              tpu.vector_store %arg17[%swap3A_204, %swap3A_205], %max3A_203 {strides = array<i32>} : memref<128x128xf32, #tpu.memory_space<vmem>>, vector<16xf32>,
              %get3A_207 = arith.index_cast %scan3A_115 : i32 to index
              %get3A_208 = arith.constant 112 : index
              %get3A_209 = tpu.vector_load %arg17[%get3A_207, %get3A_208] {strides = array<i32>} : memref<128x128xf32, #tpu.memory_space<vmem>>, vector<16xf32>,
              %get3A_210 = arith.index_cast %scan3A_115 : i32 to index
              %get3A_211 = arith.constant 112 : index
              %get3A_212 = tpu.vector_load %arg18[%get3A_210, %get3A_211] {strides = array<i32>} : memref<128x128xf32, #tpu.memory_space<vmem>>, vector<16xf32>,
              %add3A_213 = arith.addf %get3A_209, %get3A_212 : vector<16xf32>
              %max3A_214 = arith.constant 0.000000e+00 : f32
              %max3A_215 = vector.broadcast %max3A_214 : f32 to vector<16xf32>
              %max3A_216 = arith.maximumf %add3A_213, %max3A_215 : vector<16xf32>
              %swap3A_217 = arith.index_cast %scan3A_115 : i32 to index
              %swap3A_218 = arith.constant 112 : index
              %swap3A_219 = tpu.vector_load %arg17[%swap3A_217, %swap3A_218] {strides = array<i32>} : memref<128x128xf32, #tpu.memory_space<vmem>>, vector<16xf32>,
              tpu.vector_store %arg17[%swap3A_217, %swap3A_218], %max3A_216 {strides = array<i32>} : memref<128x128xf32, #tpu.memory_space<vmem>>, vector<16xf32>,
              %scan3A_220 = arith.constant 0 : i32
              scf.yield %scan3A_220 : i32
            }
            %scan3A_113 = arith.constant 128 : i32
            "tpu.region"() ({
              %run_scoped3A = tpu.sem_alloc : memref<!tpu.dma_semaphore, #tpu.memory_space<semaphore_mem>>
              %dma_start3A_115 = arith.constant 0 : i32
              %dma_start3A_116 = arith.constant 0 : i32
              %dma_start3A_117 = tpu.memref_slice %arg7[%dma_start3A_115, %dma_start3A_116] : memref<5136x128xf32, #tpu.memory_space<vmem_shared>> -> memref<5136x128xf32, #tpu.memory_space<vmem_shared>>
              tpu.enqueue_indirect_dma source(%arg17 : memref<128x128xf32, #tpu.memory_space<vmem>>) target(%dma_start3A_117 : memref<5136x128xf32, #tpu.memory_space<vmem_shared>>) offsets(%arg15 : memref<128xi32, #tpu.memory_space<vmem>>) semaphore(%run_scoped3A : memref<!tpu.dma_semaphore, #tpu.memory_space<semaphore_mem>>) {add = true}
              %dma_wait3A_118 = arith.constant 0 : i32
              %dma_wait3A_119 = arith.constant 0 : i32
              %dma_wait3A_120 = tpu.memref_slice %arg7[%dma_wait3A_118, %dma_wait3A_119] : memref<5136x128xf32, #tpu.memory_space<vmem_shared>> -> memref<5136x128xf32, #tpu.memory_space<vmem_shared>>
              tpu.wait_indirect_dma semaphore(%run_scoped3A : memref<!tpu.dma_semaphore, #tpu.memory_space<semaphore_mem>>) src(%arg17 : memref<128x128xf32, #tpu.memory_space<vmem>>) dst(%dma_wait3A_120 : memref<5136x128xf32, #tpu.memory_space<vmem_shared>>)
              tpu.yield
            }) : () -> ()
            %while3A_114 = arith.constant 0 : i32
            scf.yield %while3A_114 : i32
          }
          %while3A_75 = arith.constant 1 : i32
          %while3A_76 = scf.for %while3A_86 = %while3A_72 to %while3A_68 step %while3A_75 iter_args(%while3A_87 = %while3A_74) -> (i32)  : i32 {
            %mul3A_88 = arith.constant 128 : i32
            %mul3A_89 = arith.muli %while3A_86, %mul3A_88 : i32
            %scan3A_90 = arith.constant 0 : i32
            %scan3A_91 = arith.constant 0 : i32
            %scan3A_92 = arith.constant 8 : i32
            %scan3A_93 = arith.addi %scan3A_91, %scan3A_92 : i32
            %scan3A_94 = arith.constant 1 : i32
            %scan3A_95 = scf.for %scan3A_115 = %scan3A_91 to %scan3A_93 step %scan3A_94 iter_args(%scan3A_116 = %scan3A_90) -> (i32)  : i32 {
              %mul3A_117 = arith.constant 16 : i32
              %mul3A_118 = arith.muli %scan3A_115, %mul3A_117 : i32
              %add3A_119 = arith.addi %mul3A_89, %mul3A_118 : i32
              %get3A_120 = arith.index_cast %add3A_119 : i32 to index
              %get3A_121 = tpu.vector_load %arg10[%get3A_120] {strides = array<i32>} : memref<10240xi32, #tpu.memory_space<vmem>>, vector<16xi32>,
              %mul3A_122 = arith.constant 16 : i32
              %mul3A_123 = arith.muli %scan3A_115, %mul3A_122 : i32
              %swap3A_124 = arith.index_cast %mul3A_123 : i32 to index
              %swap3A_125 = tpu.vector_load %arg13[%swap3A_124] {strides = array<i32>} : memref<128xi32, #tpu.memory_space<vmem>>, vector<16xi32>,
              tpu.vector_store %arg13[%swap3A_124], %get3A_121 {strides = array<i32>} : memref<128xi32, #tpu.memory_space<vmem>>, vector<16xi32>,
              %mul3A_126 = arith.constant 16 : i32
              %mul3A_127 = arith.muli %scan3A_115, %mul3A_126 : i32
              %add3A_128 = arith.addi %mul3A_89, %mul3A_127 : i32
              %get3A_129 = arith.index_cast %add3A_128 : i32 to index
              %get3A_130 = tpu.vector_load %arg11[%get3A_129] {strides = array<i32>} : memref<10240xi32, #tpu.memory_space<vmem>>, vector<16xi32>,
              %mul3A_131 = arith.constant 16 : i32
              %mul3A_132 = arith.muli %scan3A_115, %mul3A_131 : i32
              %swap3A_133 = arith.index_cast %mul3A_132 : i32 to index
              %swap3A_134 = tpu.vector_load %arg14[%swap3A_133] {strides = array<i32>} : memref<128xi32, #tpu.memory_space<vmem>>, vector<16xi32>,
              tpu.vector_store %arg14[%swap3A_133], %get3A_130 {strides = array<i32>} : memref<128xi32, #tpu.memory_space<vmem>>, vector<16xi32>,
              %mul3A_135 = arith.constant 16 : i32
              %mul3A_136 = arith.muli %scan3A_115, %mul3A_135 : i32
              %add3A_137 = arith.addi %mul3A_89, %mul3A_136 : i32
              %get3A_138 = arith.index_cast %add3A_137 : i32 to index
              %get3A_139 = tpu.vector_load %arg12[%get3A_138] {strides = array<i32>} : memref<10240xi32, #tpu.memory_space<vmem>>, vector<16xi32>,
              %mul3A_140 = arith.constant 16 : i32
              %mul3A_141 = arith.muli %scan3A_115, %mul3A_140 : i32
              %swap3A_142 = arith.index_cast %mul3A_141 : i32 to index
              %swap3A_143 = tpu.vector_load %arg15[%swap3A_142] {strides = array<i32>} : memref<128xi32, #tpu.memory_space<vmem>>, vector<16xi32>,
              tpu.vector_store %arg15[%swap3A_142], %get3A_139 {strides = array<i32>} : memref<128xi32, #tpu.memory_space<vmem>>, vector<16xi32>,
              %scan3A_144 = arith.constant 0 : i32
              scf.yield %scan3A_144 : i32
            }
            %scan3A_96 = arith.constant 8 : i32
            %dma_start3A = arith.constant 0 : i32
            %dma_start3A_97 = arith.constant 0 : i32
            %dma_start3A_98 = tpu.memref_slice %arg2[%dma_start3A, %dma_start3A_97] : memref<50000x128xf32, #tpu.memory_space<hbm>> -> memref<50000x128xf32, #tpu.memory_space<hbm>>
            tpu.enqueue_indirect_dma source(%dma_start3A_98 : memref<50000x128xf32, #tpu.memory_space<hbm>>) target(%arg17 : memref<128x128xf32, #tpu.memory_space<vmem>>) offsets(%arg13 : memref<128xi32, #tpu.memory_space<vmem>>) semaphore(%arg21 : memref<!tpu.dma_semaphore, #tpu.memory_space<semaphore_mem>>)
            %dma_start3A_99 = arith.constant 0 : i32
            %dma_start3A_100 = arith.constant 0 : i32
            %dma_start3A_101 = tpu.memref_slice %arg3[%dma_start3A_99, %dma_start3A_100] : memref<800000x128xf32, #tpu.memory_space<hbm>> -> memref<800000x128xf32, #tpu.memory_space<hbm>>
            tpu.enqueue_indirect_dma source(%dma_start3A_101 : memref<800000x128xf32, #tpu.memory_space<hbm>>) target(%arg18 : memref<128x128xf32, #tpu.memory_space<vmem>>) offsets(%arg14 : memref<128xi32, #tpu.memory_space<vmem>>) semaphore(%arg22 : memref<!tpu.dma_semaphore, #tpu.memory_space<semaphore_mem>>)
            %dma_wait3A = arith.constant 0 : i32
            %dma_wait3A_102 = arith.constant 0 : i32
            %dma_wait3A_103 = tpu.memref_slice %arg2[%dma_wait3A, %dma_wait3A_102] : memref<50000x128xf32, #tpu.memory_space<hbm>> -> memref<50000x128xf32, #tpu.memory_space<hbm>>
            tpu.wait_indirect_dma semaphore(%arg21 : memref<!tpu.dma_semaphore, #tpu.memory_space<semaphore_mem>>) src(%dma_wait3A_103 : memref<50000x128xf32, #tpu.memory_space<hbm>>) dst(%arg17 : memref<128x128xf32, #tpu.memory_space<vmem>>)
            %dma_wait3A_104 = arith.constant 0 : i32
            %dma_wait3A_105 = arith.constant 0 : i32
            %dma_wait3A_106 = tpu.memref_slice %arg3[%dma_wait3A_104, %dma_wait3A_105] : memref<800000x128xf32, #tpu.memory_space<hbm>> -> memref<800000x128xf32, #tpu.memory_space<hbm>>
            tpu.wait_indirect_dma semaphore(%arg22 : memref<!tpu.dma_semaphore, #tpu.memory_space<semaphore_mem>>) src(%dma_wait3A_106 : memref<800000x128xf32, #tpu.memory_space<hbm>>) dst(%arg18 : memref<128x128xf32, #tpu.memory_space<vmem>>)
            %scan3A_107 = arith.constant 0 : i32
            %scan3A_108 = arith.constant 0 : i32
            %scan3A_109 = arith.constant 128 : i32
            %scan3A_110 = arith.addi %scan3A_108, %scan3A_109 : i32
            %scan3A_111 = arith.constant 1 : i32
            %scan3A_112 = scf.for %scan3A_115 = %scan3A_108 to %scan3A_110 step %scan3A_111 iter_args(%scan3A_116 = %scan3A_107) -> (i32)  : i32 {
              %get3A_117 = arith.index_cast %scan3A_115 : i32 to index
              %get3A_118 = arith.constant 0 : index
              %get3A_119 = tpu.vector_load %arg17[%get3A_117, %get3A_118] {strides = array<i32>} : memref<128x128xf32, #tpu.memory_space<vmem>>, vector<16xf32>,
              %get3A_120 = arith.index_cast %scan3A_115 : i32 to index
              %get3A_121 = arith.constant 0 : index
              %get3A_122 = tpu.vector_load %arg18[%get3A_120, %get3A_121] {strides = array<i32>} : memref<128x128xf32, #tpu.memory_space<vmem>>, vector<16xf32>,
              %add3A_123 = arith.addf %get3A_119, %get3A_122 : vector<16xf32>
              %max3A = arith.constant 0.000000e+00 : f32
              %max3A_124 = vector.broadcast %max3A : f32 to vector<16xf32>
              %max3A_125 = arith.maximumf %add3A_123, %max3A_124 : vector<16xf32>
              %swap3A_126 = arith.index_cast %scan3A_115 : i32 to index
              %swap3A_127 = arith.constant 0 : index
              %swap3A_128 = tpu.vector_load %arg17[%swap3A_126, %swap3A_127] {strides = array<i32>} : memref<128x128xf32, #tpu.memory_space<vmem>>, vector<16xf32>,
              tpu.vector_store %arg17[%swap3A_126, %swap3A_127], %max3A_125 {strides = array<i32>} : memref<128x128xf32, #tpu.memory_space<vmem>>, vector<16xf32>,
              %get3A_129 = arith.index_cast %scan3A_115 : i32 to index
              %get3A_130 = arith.constant 16 : index
              %get3A_131 = tpu.vector_load %arg17[%get3A_129, %get3A_130] {strides = array<i32>} : memref<128x128xf32, #tpu.memory_space<vmem>>, vector<16xf32>,
              %get3A_132 = arith.index_cast %scan3A_115 : i32 to index
              %get3A_133 = arith.constant 16 : index
              %get3A_134 = tpu.vector_load %arg18[%get3A_132, %get3A_133] {strides = array<i32>} : memref<128x128xf32, #tpu.memory_space<vmem>>, vector<16xf32>,
              %add3A_135 = arith.addf %get3A_131, %get3A_134 : vector<16xf32>
              %max3A_136 = arith.constant 0.000000e+00 : f32
              %max3A_137 = vector.broadcast %max3A_136 : f32 to vector<16xf32>
              %max3A_138 = arith.maximumf %add3A_135, %max3A_137 : vector<16xf32>
              %swap3A_139 = arith.index_cast %scan3A_115 : i32 to index
              %swap3A_140 = arith.constant 16 : index
              %swap3A_141 = tpu.vector_load %arg17[%swap3A_139, %swap3A_140] {strides = array<i32>} : memref<128x128xf32, #tpu.memory_space<vmem>>, vector<16xf32>,
              tpu.vector_store %arg17[%swap3A_139, %swap3A_140], %max3A_138 {strides = array<i32>} : memref<128x128xf32, #tpu.memory_space<vmem>>, vector<16xf32>,
              %get3A_142 = arith.index_cast %scan3A_115 : i32 to index
              %get3A_143 = arith.constant 32 : index
              %get3A_144 = tpu.vector_load %arg17[%get3A_142, %get3A_143] {strides = array<i32>} : memref<128x128xf32, #tpu.memory_space<vmem>>, vector<16xf32>,
              %get3A_145 = arith.index_cast %scan3A_115 : i32 to index
              %get3A_146 = arith.constant 32 : index
              %get3A_147 = tpu.vector_load %arg18[%get3A_145, %get3A_146] {strides = array<i32>} : memref<128x128xf32, #tpu.memory_space<vmem>>, vector<16xf32>,
              %add3A_148 = arith.addf %get3A_144, %get3A_147 : vector<16xf32>
              %max3A_149 = arith.constant 0.000000e+00 : f32
              %max3A_150 = vector.broadcast %max3A_149 : f32 to vector<16xf32>
              %max3A_151 = arith.maximumf %add3A_148, %max3A_150 : vector<16xf32>
              %swap3A_152 = arith.index_cast %scan3A_115 : i32 to index
              %swap3A_153 = arith.constant 32 : index
              %swap3A_154 = tpu.vector_load %arg17[%swap3A_152, %swap3A_153] {strides = array<i32>} : memref<128x128xf32, #tpu.memory_space<vmem>>, vector<16xf32>,
              tpu.vector_store %arg17[%swap3A_152, %swap3A_153], %max3A_151 {strides = array<i32>} : memref<128x128xf32, #tpu.memory_space<vmem>>, vector<16xf32>,
              %get3A_155 = arith.index_cast %scan3A_115 : i32 to index
              %get3A_156 = arith.constant 48 : index
              %get3A_157 = tpu.vector_load %arg17[%get3A_155, %get3A_156] {strides = array<i32>} : memref<128x128xf32, #tpu.memory_space<vmem>>, vector<16xf32>,
              %get3A_158 = arith.index_cast %scan3A_115 : i32 to index
              %get3A_159 = arith.constant 48 : index
              %get3A_160 = tpu.vector_load %arg18[%get3A_158, %get3A_159] {strides = array<i32>} : memref<128x128xf32, #tpu.memory_space<vmem>>, vector<16xf32>,
              %add3A_161 = arith.addf %get3A_157, %get3A_160 : vector<16xf32>
              %max3A_162 = arith.constant 0.000000e+00 : f32
              %max3A_163 = vector.broadcast %max3A_162 : f32 to vector<16xf32>
              %max3A_164 = arith.maximumf %add3A_161, %max3A_163 : vector<16xf32>
              %swap3A_165 = arith.index_cast %scan3A_115 : i32 to index
              %swap3A_166 = arith.constant 48 : index
              %swap3A_167 = tpu.vector_load %arg17[%swap3A_165, %swap3A_166] {strides = array<i32>} : memref<128x128xf32, #tpu.memory_space<vmem>>, vector<16xf32>,
              tpu.vector_store %arg17[%swap3A_165, %swap3A_166], %max3A_164 {strides = array<i32>} : memref<128x128xf32, #tpu.memory_space<vmem>>, vector<16xf32>,
              %get3A_168 = arith.index_cast %scan3A_115 : i32 to index
              %get3A_169 = arith.constant 64 : index
              %get3A_170 = tpu.vector_load %arg17[%get3A_168, %get3A_169] {strides = array<i32>} : memref<128x128xf32, #tpu.memory_space<vmem>>, vector<16xf32>,
              %get3A_171 = arith.index_cast %scan3A_115 : i32 to index
              %get3A_172 = arith.constant 64 : index
              %get3A_173 = tpu.vector_load %arg18[%get3A_171, %get3A_172] {strides = array<i32>} : memref<128x128xf32, #tpu.memory_space<vmem>>, vector<16xf32>,
              %add3A_174 = arith.addf %get3A_170, %get3A_173 : vector<16xf32>
              %max3A_175 = arith.constant 0.000000e+00 : f32
              %max3A_176 = vector.broadcast %max3A_175 : f32 to vector<16xf32>
              %max3A_177 = arith.maximumf %add3A_174, %max3A_176 : vector<16xf32>
              %swap3A_178 = arith.index_cast %scan3A_115 : i32 to index
              %swap3A_179 = arith.constant 64 : index
              %swap3A_180 = tpu.vector_load %arg17[%swap3A_178, %swap3A_179] {strides = array<i32>} : memref<128x128xf32, #tpu.memory_space<vmem>>, vector<16xf32>,
              tpu.vector_store %arg17[%swap3A_178, %swap3A_179], %max3A_177 {strides = array<i32>} : memref<128x128xf32, #tpu.memory_space<vmem>>, vector<16xf32>,
              %get3A_181 = arith.index_cast %scan3A_115 : i32 to index
              %get3A_182 = arith.constant 80 : index
              %get3A_183 = tpu.vector_load %arg17[%get3A_181, %get3A_182] {strides = array<i32>} : memref<128x128xf32, #tpu.memory_space<vmem>>, vector<16xf32>,
              %get3A_184 = arith.index_cast %scan3A_115 : i32 to index
              %get3A_185 = arith.constant 80 : index
              %get3A_186 = tpu.vector_load %arg18[%get3A_184, %get3A_185] {strides = array<i32>} : memref<128x128xf32, #tpu.memory_space<vmem>>, vector<16xf32>,
              %add3A_187 = arith.addf %get3A_183, %get3A_186 : vector<16xf32>
              %max3A_188 = arith.constant 0.000000e+00 : f32
              %max3A_189 = vector.broadcast %max3A_188 : f32 to vector<16xf32>
              %max3A_190 = arith.maximumf %add3A_187, %max3A_189 : vector<16xf32>
              %swap3A_191 = arith.index_cast %scan3A_115 : i32 to index
              %swap3A_192 = arith.constant 80 : index
              %swap3A_193 = tpu.vector_load %arg17[%swap3A_191, %swap3A_192] {strides = array<i32>} : memref<128x128xf32, #tpu.memory_space<vmem>>, vector<16xf32>,
              tpu.vector_store %arg17[%swap3A_191, %swap3A_192], %max3A_190 {strides = array<i32>} : memref<128x128xf32, #tpu.memory_space<vmem>>, vector<16xf32>,
              %get3A_194 = arith.index_cast %scan3A_115 : i32 to index
              %get3A_195 = arith.constant 96 : index
              %get3A_196 = tpu.vector_load %arg17[%get3A_194, %get3A_195] {strides = array<i32>} : memref<128x128xf32, #tpu.memory_space<vmem>>, vector<16xf32>,
              %get3A_197 = arith.index_cast %scan3A_115 : i32 to index
              %get3A_198 = arith.constant 96 : index
              %get3A_199 = tpu.vector_load %arg18[%get3A_197, %get3A_198] {strides = array<i32>} : memref<128x128xf32, #tpu.memory_space<vmem>>, vector<16xf32>,
              %add3A_200 = arith.addf %get3A_196, %get3A_199 : vector<16xf32>
              %max3A_201 = arith.constant 0.000000e+00 : f32
              %max3A_202 = vector.broadcast %max3A_201 : f32 to vector<16xf32>
              %max3A_203 = arith.maximumf %add3A_200, %max3A_202 : vector<16xf32>
              %swap3A_204 = arith.index_cast %scan3A_115 : i32 to index
              %swap3A_205 = arith.constant 96 : index
              %swap3A_206 = tpu.vector_load %arg17[%swap3A_204, %swap3A_205] {strides = array<i32>} : memref<128x128xf32, #tpu.memory_space<vmem>>, vector<16xf32>,
              tpu.vector_store %arg17[%swap3A_204, %swap3A_205], %max3A_203 {strides = array<i32>} : memref<128x128xf32, #tpu.memory_space<vmem>>, vector<16xf32>,
              %get3A_207 = arith.index_cast %scan3A_115 : i32 to index
              %get3A_208 = arith.constant 112 : index
              %get3A_209 = tpu.vector_load %arg17[%get3A_207, %get3A_208] {strides = array<i32>} : memref<128x128xf32, #tpu.memory_space<vmem>>, vector<16xf32>,
              %get3A_210 = arith.index_cast %scan3A_115 : i32 to index
              %get3A_211 = arith.constant 112 : index
              %get3A_212 = tpu.vector_load %arg18[%get3A_210, %get3A_211] {strides = array<i32>} : memref<128x128xf32, #tpu.memory_space<vmem>>, vector<16xf32>,
              %add3A_213 = arith.addf %get3A_209, %get3A_212 : vector<16xf32>
              %max3A_214 = arith.constant 0.000000e+00 : f32
              %max3A_215 = vector.broadcast %max3A_214 : f32 to vector<16xf32>
              %max3A_216 = arith.maximumf %add3A_213, %max3A_215 : vector<16xf32>
              %swap3A_217 = arith.index_cast %scan3A_115 : i32 to index
              %swap3A_218 = arith.constant 112 : index
              %swap3A_219 = tpu.vector_load %arg17[%swap3A_217, %swap3A_218] {strides = array<i32>} : memref<128x128xf32, #tpu.memory_space<vmem>>, vector<16xf32>,
              tpu.vector_store %arg17[%swap3A_217, %swap3A_218], %max3A_216 {strides = array<i32>} : memref<128x128xf32, #tpu.memory_space<vmem>>, vector<16xf32>,
              %scan3A_220 = arith.constant 0 : i32
              scf.yield %scan3A_220 : i32
            }
            %scan3A_113 = arith.constant 128 : i32
            "tpu.region"() ({
              %run_scoped3A = tpu.sem_alloc : memref<!tpu.dma_semaphore, #tpu.memory_space<semaphore_mem>>
              %dma_start3A_115 = arith.constant 0 : i32
              %dma_start3A_116 = arith.constant 0 : i32
              %dma_start3A_117 = tpu.memref_slice %arg7[%dma_start3A_115, %dma_start3A_116] : memref<5136x128xf32, #tpu.memory_space<vmem_shared>> -> memref<5136x128xf32, #tpu.memory_space<vmem_shared>>
              tpu.enqueue_indirect_dma source(%arg17 : memref<128x128xf32, #tpu.memory_space<vmem>>) target(%dma_start3A_117 : memref<5136x128xf32, #tpu.memory_space<vmem_shared>>) offsets(%arg15 : memref<128xi32, #tpu.memory_space<vmem>>) semaphore(%run_scoped3A : memref<!tpu.dma_semaphore, #tpu.memory_space<semaphore_mem>>) {add = true}
              %dma_wait3A_118 = arith.constant 0 : i32
              %dma_wait3A_119 = arith.constant 0 : i32
              %dma_wait3A_120 = tpu.memref_slice %arg7[%dma_wait3A_118, %dma_wait3A_119] : memref<5136x128xf32, #tpu.memory_space<vmem_shared>> -> memref<5136x128xf32, #tpu.memory_space<vmem_shared>>
              tpu.wait_indirect_dma semaphore(%run_scoped3A : memref<!tpu.dma_semaphore, #tpu.memory_space<semaphore_mem>>) src(%arg17 : memref<128x128xf32, #tpu.memory_space<vmem>>) dst(%dma_wait3A_120 : memref<5136x128xf32, #tpu.memory_space<vmem_shared>>)
              tpu.yield
            }) : () -> ()
            %while3A_114 = arith.constant 0 : i32
            scf.yield %while3A_114 : i32
          }
          %gt3A = arith.constant 0 : i32
          %gt3A_77 = arith.cmpi sgt, %select_n3A, %gt3A : i32
          %convert_element_type3A_78 = arith.extui %gt3A_77 : i1 to i32
          %cond3A_79 = arith.constant 0 : i32
          %cond3A_80 = arith.cmpi ne, %convert_element_type3A_78, %cond3A_79 : i32
          scf.if %cond3A_80 {
            %mul3A_86 = arith.constant 128 : i32
            %mul3A_87 = arith.muli %select_n3A, %mul3A_86 : i32
            %scan3A_88 = arith.constant 0 : i32
            %scan3A_89 = arith.constant 0 : i32
            %scan3A_90 = arith.constant 8 : i32
            %scan3A_91 = arith.addi %scan3A_89, %scan3A_90 : i32
            %scan3A_92 = arith.constant 1 : i32
            %scan3A_93 = scf.for %scan3A_95 = %scan3A_89 to %scan3A_91 step %scan3A_92 iter_args(%scan3A_96 = %scan3A_88) -> (i32)  : i32 {
              %mul3A_97 = arith.constant 16 : i32
              %mul3A_98 = arith.muli %scan3A_95, %mul3A_97 : i32
              %add3A_99 = arith.addi %mul3A_87, %mul3A_98 : i32
              %get3A_100 = arith.index_cast %add3A_99 : i32 to index
              %get3A_101 = tpu.vector_load %arg10[%get3A_100] {strides = array<i32>} : memref<10240xi32, #tpu.memory_space<vmem>>, vector<16xi32>,
              %mul3A_102 = arith.constant 16 : i32
              %mul3A_103 = arith.muli %scan3A_95, %mul3A_102 : i32
              %swap3A_104 = arith.index_cast %mul3A_103 : i32 to index
              %swap3A_105 = tpu.vector_load %arg10[%swap3A_104] {strides = array<i32>} : memref<10240xi32, #tpu.memory_space<vmem>>, vector<16xi32>,
              tpu.vector_store %arg10[%swap3A_104], %get3A_101 {strides = array<i32>} : memref<10240xi32, #tpu.memory_space<vmem>>, vector<16xi32>,
              %mul3A_106 = arith.constant 16 : i32
              %mul3A_107 = arith.muli %scan3A_95, %mul3A_106 : i32
              %add3A_108 = arith.addi %mul3A_87, %mul3A_107 : i32
              %get3A_109 = arith.index_cast %add3A_108 : i32 to index
              %get3A_110 = tpu.vector_load %arg11[%get3A_109] {strides = array<i32>} : memref<10240xi32, #tpu.memory_space<vmem>>, vector<16xi32>,
              %mul3A_111 = arith.constant 16 : i32
              %mul3A_112 = arith.muli %scan3A_95, %mul3A_111 : i32
              %swap3A_113 = arith.index_cast %mul3A_112 : i32 to index
              %swap3A_114 = tpu.vector_load %arg11[%swap3A_113] {strides = array<i32>} : memref<10240xi32, #tpu.memory_space<vmem>>, vector<16xi32>,
              tpu.vector_store %arg11[%swap3A_113], %get3A_110 {strides = array<i32>} : memref<10240xi32, #tpu.memory_space<vmem>>, vector<16xi32>,
              %mul3A_115 = arith.constant 16 : i32
              %mul3A_116 = arith.muli %scan3A_95, %mul3A_115 : i32
              %add3A_117 = arith.addi %mul3A_87, %mul3A_116 : i32
              %get3A_118 = arith.index_cast %add3A_117 : i32 to index
              %get3A_119 = tpu.vector_load %arg12[%get3A_118] {strides = array<i32>} : memref<10240xi32, #tpu.memory_space<vmem>>, vector<16xi32>,
              %mul3A_120 = arith.constant 16 : i32
              %mul3A_121 = arith.muli %scan3A_95, %mul3A_120 : i32
              %swap3A_122 = arith.index_cast %mul3A_121 : i32 to index
              %swap3A_123 = tpu.vector_load %arg12[%swap3A_122] {strides = array<i32>} : memref<10240xi32, #tpu.memory_space<vmem>>, vector<16xi32>,
              tpu.vector_store %arg12[%swap3A_122], %get3A_119 {strides = array<i32>} : memref<10240xi32, #tpu.memory_space<vmem>>, vector<16xi32>,
              %scan3A_124 = arith.constant 0 : i32
              scf.yield %scan3A_124 : i32
            }
            %scan3A_94 = arith.constant 8 : i32
          } else {
          }
          %mul3A_81 = arith.constant 128 : i32
          %mul3A_82 = arith.muli %select_n3A, %mul3A_81 : i32
          %sub3A_83 = arith.subi %squeeze3A, %mul3A_82 : i32
          %add3A_84 = vector.broadcast %sub3A_83 : i32 to vector<16xi32>
          %add3A_85 = arith.addi %broadcast_in_dim3A_1, %add3A_84 : vector<16xi32>
          scf.yield %add3A_85 : vector<16xi32>
        }
        %scan3A_39 = arith.constant 6 : i32
      } else {
      }
      %barrier3A_28 = arith.constant 0 : index
      tpu.barrier barrier_id(%barrier3A_28)
      %convert_element_type3A_29 = arith.extui %lt3A_23 : i1 to i32
      %cond3A_30 = arith.constant 0 : i32
      %cond3A_31 = arith.cmpi ne, %convert_element_type3A_29, %cond3A_30 : i32
      scf.if %cond3A_31 {
        %scan3A_34 = arith.constant 0 : i32
        %scan3A_35 = arith.constant 0 : i32
        %scan3A_36 = arith.constant 10 : i32
        %scan3A_37 = arith.addi %scan3A_35, %scan3A_36 : i32
        %scan3A_38 = arith.constant 1 : i32
        %scan3A_39 = scf.for %scan3A_41 = %scan3A_35 to %scan3A_37 step %scan3A_38 iter_args(%scan3A_42 = %scan3A_34) -> (i32)  : i32 {
          %mul3A_43 = arith.constant 32 : i32
          %mul3A_44 = arith.muli %scan3A_41, %mul3A_43 : i32
          %add3A_45 = arith.addi %mul3A_0, %mul3A_44 : i32
          %add3A_46 = arith.addi %mul3A_20, %mul3A_0 : i32
          %mul3A_47 = arith.constant 32 : i32
          %mul3A_48 = arith.muli %scan3A_41, %mul3A_47 : i32
          %add3A_49 = arith.addi %add3A_46, %mul3A_48 : i32
          "tpu.region"() ({
            %run_scoped3A = tpu.sem_alloc : memref<!tpu.dma_semaphore, #tpu.memory_space<semaphore_mem>>
            %dma_start3A = arith.constant 0 : i32
            %dma_start3A_51 = tpu.memref_slice %arg6[%add3A_49, %dma_start3A] : memref<51200x128xf32, #tpu.memory_space<hbm>> -> memref<32x128xf32, #tpu.memory_space<hbm>>
            %dma_start3A_52 = arith.constant 0 : i32
            %dma_start3A_53 = tpu.memref_slice %arg7[%add3A_45, %dma_start3A_52] : memref<5136x128xf32, #tpu.memory_space<vmem_shared>> -> memref<32x128xf32, #tpu.memory_space<vmem_shared>>
            tpu.enqueue_dma source(%dma_start3A_53 : memref<32x128xf32, #tpu.memory_space<vmem_shared>>) target(%dma_start3A_51 : memref<32x128xf32, #tpu.memory_space<hbm>>) target_semaphore(%run_scoped3A : memref<!tpu.dma_semaphore, #tpu.memory_space<semaphore_mem>>)
            %dma_wait3A = arith.constant 0 : i32
            %dma_wait3A_54 = tpu.memref_slice %arg6[%add3A_49, %dma_wait3A] : memref<51200x128xf32, #tpu.memory_space<hbm>> -> memref<32x128xf32, #tpu.memory_space<hbm>>
            %dma_wait3A_55 = arith.constant 0 : i32
            %dma_wait3A_56 = tpu.memref_slice %arg7[%add3A_45, %dma_wait3A_55] : memref<5136x128xf32, #tpu.memory_space<vmem_shared>> -> memref<32x128xf32, #tpu.memory_space<vmem_shared>>
            tpu.wait_dma2 semaphore(%run_scoped3A : memref<!tpu.dma_semaphore, #tpu.memory_space<semaphore_mem>>) src(%dma_wait3A_56 : memref<32x128xf32, #tpu.memory_space<vmem_shared>>) dst(%dma_wait3A_54 : memref<32x128xf32, #tpu.memory_space<hbm>>)
            tpu.yield
          }) : () -> ()
          %scan3A_50 = arith.constant 0 : i32
          scf.yield %scan3A_50 : i32
        }
        %scan3A_40 = arith.constant 10 : i32
      } else {
      }
      %barrier3A_32 = arith.constant 0 : index
      tpu.barrier barrier_id(%barrier3A_32)
      %scan3A_33 = arith.constant 0 : i32
      scf.yield %scan3A_33 : i32
    }
    %scan3A_14 = arith.constant 5 : i32
    return
  }
}

#map = affine_map<(d0, d1) -> (0, 0)>
#map1 = affine_map<(d0, d1) -> (0)>
module attributes {stable_mosaic.version = 14 : i64} {
  func.func @_sc_edge(%arg0: i32, %arg1: i32, %arg2: memref<50000x128xf32, #tpu.memory_space<hbm>>, %arg3: memref<800000x128xf32, #tpu.memory_space<hbm>>, %arg4: memref<800000xi32, #tpu.memory_space<hbm>>, %arg5: memref<800000xi32, #tpu.memory_space<hbm>>, %arg6: memref<51200x128xf32, #tpu.memory_space<hbm>>, %arg7: memref<5136x128xf32, #tpu.memory_space<vmem_shared>>, %arg8: memref<10000xi32, #tpu.memory_space<vmem>>, %arg9: memref<10000xi32, #tpu.memory_space<vmem>>, %arg10: memref<10240xi32, #tpu.memory_space<vmem>>, %arg11: memref<10240xi32, #tpu.memory_space<vmem>>, %arg12: memref<10240xi32, #tpu.memory_space<vmem>>, %arg13: memref<128xi32, #tpu.memory_space<vmem>>, %arg14: memref<128xi32, #tpu.memory_space<vmem>>, %arg15: memref<128xi32, #tpu.memory_space<vmem>>, %arg16: memref<16xi32, #tpu.memory_space<vmem>>, %arg17: memref<128x128xf32, #tpu.memory_space<vmem>>, %arg18: memref<128x128xf32, #tpu.memory_space<vmem>>, %arg19: memref<32x128xf32, #tpu.memory_space<vmem>>, %arg20: memref<32x128xf32, #tpu.memory_space<vmem>>, %arg21: memref<!tpu.dma_semaphore, #tpu.memory_space<semaphore_mem>>, %arg22: memref<!tpu.dma_semaphore, #tpu.memory_space<semaphore_mem>>) attributes {dimension_semantics = [#tpu.dimension_semantics<core_parallel>, #tpu.dimension_semantics<subcore_parallel>], iteration_bounds = array<i64: 2, 16>, scalar_prefetch = 0 : i64, scratch_operands = 16 : i64, tpu.core_type = #tpu.core_type<sc_vector_subcore>, window_params = [{transform_indices = #map}, {transform_indices = #map}, {transform_indices = #map1}, {transform_indices = #map1}, {transform_indices = #map}]} {
    %mul3A = arith.constant 320 : i32
    %mul3A_0 = arith.muli %arg1, %mul3A : i32
    %broadcast_in_dim3A = arith.constant 0 : i32
    %broadcast_in_dim3A_1 = vector.broadcast %broadcast_in_dim3A : i32 to vector<16xi32>
    %scan3A = arith.constant 0 : i32
    %scan3A_2 = arith.constant 0 : i32
    %scan3A_3 = arith.constant 32 : i32
    %scan3A_4 = arith.addi %scan3A_2, %scan3A_3 : i32
    %scan3A_5 = arith.constant 1 : i32
    %scan3A_6 = scf.for %scan3A_15 = %scan3A_2 to %scan3A_4 step %scan3A_5 iter_args(%scan3A_16 = %scan3A) -> (i32)  : i32 {
      %broadcast_in_dim3A_17 = arith.constant 0.000000e+00 : f32
      %broadcast_in_dim3A_18 = vector.broadcast %broadcast_in_dim3A_17 : f32 to vector<16xf32>
      %swap3A = arith.index_cast %scan3A_15 : i32 to index
      %swap3A_19 = arith.constant 0 : index
      %swap3A_20 = tpu.vector_load %arg19[%swap3A, %swap3A_19] {strides = array<i32>} : memref<32x128xf32, #tpu.memory_space<vmem>>, vector<16xf32>,
      tpu.vector_store %arg19[%swap3A, %swap3A_19], %broadcast_in_dim3A_18 {strides = array<i32>} : memref<32x128xf32, #tpu.memory_space<vmem>>, vector<16xf32>,
      %broadcast_in_dim3A_21 = arith.constant 0.000000e+00 : f32
      %broadcast_in_dim3A_22 = vector.broadcast %broadcast_in_dim3A_21 : f32 to vector<16xf32>
      %swap3A_23 = arith.index_cast %scan3A_15 : i32 to index
      %swap3A_24 = arith.constant 16 : index
      %swap3A_25 = tpu.vector_load %arg19[%swap3A_23, %swap3A_24] {strides = array<i32>} : memref<32x128xf32, #tpu.memory_space<vmem>>, vector<16xf32>,
      tpu.vector_store %arg19[%swap3A_23, %swap3A_24], %broadcast_in_dim3A_22 {strides = array<i32>} : memref<32x128xf32, #tpu.memory_space<vmem>>, vector<16xf32>,
      %broadcast_in_dim3A_26 = arith.constant 0.000000e+00 : f32
      %broadcast_in_dim3A_27 = vector.broadcast %broadcast_in_dim3A_26 : f32 to vector<16xf32>
      %swap3A_28 = arith.index_cast %scan3A_15 : i32 to index
      %swap3A_29 = arith.constant 32 : index
      %swap3A_30 = tpu.vector_load %arg19[%swap3A_28, %swap3A_29] {strides = array<i32>} : memref<32x128xf32, #tpu.memory_space<vmem>>, vector<16xf32>,
      tpu.vector_store %arg19[%swap3A_28, %swap3A_29], %broadcast_in_dim3A_27 {strides = array<i32>} : memref<32x128xf32, #tpu.memory_space<vmem>>, vector<16xf32>,
      %broadcast_in_dim3A_31 = arith.constant 0.000000e+00 : f32
      %broadcast_in_dim3A_32 = vector.broadcast %broadcast_in_dim3A_31 : f32 to vector<16xf32>
      %swap3A_33 = arith.index_cast %scan3A_15 : i32 to index
      %swap3A_34 = arith.constant 48 : index
      %swap3A_35 = tpu.vector_load %arg19[%swap3A_33, %swap3A_34] {strides = array<i32>} : memref<32x128xf32, #tpu.memory_space<vmem>>, vector<16xf32>,
      tpu.vector_store %arg19[%swap3A_33, %swap3A_34], %broadcast_in_dim3A_32 {strides = array<i32>} : memref<32x128xf32, #tpu.memory_space<vmem>>, vector<16xf32>,
      %broadcast_in_dim3A_36 = arith.constant 0.000000e+00 : f32
      %broadcast_in_dim3A_37 = vector.broadcast %broadcast_in_dim3A_36 : f32 to vector<16xf32>
      %swap3A_38 = arith.index_cast %scan3A_15 : i32 to index
      %swap3A_39 = arith.constant 64 : index
      %swap3A_40 = tpu.vector_load %arg19[%swap3A_38, %swap3A_39] {strides = array<i32>} : memref<32x128xf32, #tpu.memory_space<vmem>>, vector<16xf32>,
      tpu.vector_store %arg19[%swap3A_38, %swap3A_39], %broadcast_in_dim3A_37 {strides = array<i32>} : memref<32x128xf32, #tpu.memory_space<vmem>>, vector<16xf32>,
      %broadcast_in_dim3A_41 = arith.constant 0.000000e+00 : f32
      %broadcast_in_dim3A_42 = vector.broadcast %broadcast_in_dim3A_41 : f32 to vector<16xf32>
      %swap3A_43 = arith.index_cast %scan3A_15 : i32 to index
      %swap3A_44 = arith.constant 80 : index
      %swap3A_45 = tpu.vector_load %arg19[%swap3A_43, %swap3A_44] {strides = array<i32>} : memref<32x128xf32, #tpu.memory_space<vmem>>, vector<16xf32>,
      tpu.vector_store %arg19[%swap3A_43, %swap3A_44], %broadcast_in_dim3A_42 {strides = array<i32>} : memref<32x128xf32, #tpu.memory_space<vmem>>, vector<16xf32>,
      %broadcast_in_dim3A_46 = arith.constant 0.000000e+00 : f32
      %broadcast_in_dim3A_47 = vector.broadcast %broadcast_in_dim3A_46 : f32 to vector<16xf32>
      %swap3A_48 = arith.index_cast %scan3A_15 : i32 to index
      %swap3A_49 = arith.constant 96 : index
      %swap3A_50 = tpu.vector_load %arg19[%swap3A_48, %swap3A_49] {strides = array<i32>} : memref<32x128xf32, #tpu.memory_space<vmem>>, vector<16xf32>,
      tpu.vector_store %arg19[%swap3A_48, %swap3A_49], %broadcast_in_dim3A_47 {strides = array<i32>} : memref<32x128xf32, #tpu.memory_space<vmem>>, vector<16xf32>,
      %broadcast_in_dim3A_51 = arith.constant 0.000000e+00 : f32
      %broadcast_in_dim3A_52 = vector.broadcast %broadcast_in_dim3A_51 : f32 to vector<16xf32>
      %swap3A_53 = arith.index_cast %scan3A_15 : i32 to index
      %swap3A_54 = arith.constant 112 : index
      %swap3A_55 = tpu.vector_load %arg19[%swap3A_53, %swap3A_54] {strides = array<i32>} : memref<32x128xf32, #tpu.memory_space<vmem>>, vector<16xf32>,
      tpu.vector_store %arg19[%swap3A_53, %swap3A_54], %broadcast_in_dim3A_52 {strides = array<i32>} : memref<32x128xf32, #tpu.memory_space<vmem>>, vector<16xf32>,
      %scan3A_56 = arith.constant 0 : i32
      scf.yield %scan3A_56 : i32
    }
    %scan3A_7 = arith.constant 32 : i32
    %scan3A_8 = arith.constant 0 : i32
    %scan3A_9 = arith.constant 0 : i32
    %scan3A_10 = arith.constant 5 : i32
    %scan3A_11 = arith.addi %scan3A_9, %scan3A_10 : i32
    %scan3A_12 = arith.constant 1 : i32
    %scan3A_13 = scf.for %scan3A_15 = %scan3A_9 to %scan3A_11 step %scan3A_12 iter_args(%scan3A_16 = %scan3A_8) -> (i32)  : i32 {
      %mul3A_17 = arith.constant 2 : i32
      %mul3A_18 = arith.muli %mul3A_17, %scan3A_15 : i32
      %add3A = arith.addi %arg0, %mul3A_18 : i32
      %mul3A_19 = arith.constant 5120 : i32
      %mul3A_20 = arith.muli %add3A, %mul3A_19 : i32
      %add3A_21 = arith.constant 5120 : i32
      %add3A_22 = arith.addi %mul3A_20, %add3A_21 : i32
      %lt3A = arith.constant 10 : i32
      %lt3A_23 = arith.cmpi slt, %add3A, %lt3A : i32
      %convert_element_type3A = arith.extui %lt3A_23 : i1 to i32
      %cond3A = arith.constant 0 : i32
      %cond3A_24 = arith.cmpi ne, %convert_element_type3A, %cond3A : i32
      scf.if %cond3A_24 {
        %scan3A_34 = arith.constant 0 : i32
        %scan3A_35 = arith.constant 0 : i32
        %scan3A_36 = arith.constant 10 : i32
        %scan3A_37 = arith.addi %scan3A_35, %scan3A_36 : i32
        %scan3A_38 = arith.constant 1 : i32
        %scan3A_39 = scf.for %scan3A_41 = %scan3A_35 to %scan3A_37 step %scan3A_38 iter_args(%scan3A_42 = %scan3A_34) -> (i32)  : i32 {
          %mul3A_43 = arith.constant 32 : i32
          %mul3A_44 = arith.muli %scan3A_41, %mul3A_43 : i32
          %add3A_45 = arith.addi %mul3A_0, %mul3A_44 : i32
          "tpu.region"() ({
            %run_scoped3A = tpu.sem_alloc : memref<!tpu.dma_semaphore, #tpu.memory_space<semaphore_mem>>
            %dma_start3A = arith.constant 0 : i32
            %dma_start3A_47 = tpu.memref_slice %arg7[%add3A_45, %dma_start3A] : memref<5136x128xf32, #tpu.memory_space<vmem_shared>> -> memref<32x128xf32, #tpu.memory_space<vmem_shared>>
            %dma_start3A_48 = arith.constant 0 : i32
            %dma_start3A_49 = tpu.memref_slice %arg7[%add3A_45, %dma_start3A_48] : memref<5136x128xf32, #tpu.memory_space<vmem_shared>> -> memref<32x128xf32, #tpu.memory_space<vmem_shared>>
            tpu.enqueue_dma source(%arg19 : memref<32x128xf32, #tpu.memory_space<vmem>>) target(%dma_start3A_49 : memref<32x128xf32, #tpu.memory_space<vmem_shared>>) target_semaphore(%run_scoped3A : memref<!tpu.dma_semaphore, #tpu.memory_space<semaphore_mem>>)
            %dma_wait3A = arith.constant 0 : i32
            %dma_wait3A_50 = tpu.memref_slice %arg7[%add3A_45, %dma_wait3A] : memref<5136x128xf32, #tpu.memory_space<vmem_shared>> -> memref<32x128xf32, #tpu.memory_space<vmem_shared>>
            %dma_wait3A_51 = arith.constant 0 : i32
            %dma_wait3A_52 = tpu.memref_slice %arg7[%add3A_45, %dma_wait3A_51] : memref<5136x128xf32, #tpu.memory_space<vmem_shared>> -> memref<32x128xf32, #tpu.memory_space<vmem_shared>>
            tpu.wait_dma2 semaphore(%run_scoped3A : memref<!tpu.dma_semaphore, #tpu.memory_space<semaphore_mem>>) src(%arg19 : memref<32x128xf32, #tpu.memory_space<vmem>>) dst(%dma_wait3A_52 : memref<32x128xf32, #tpu.memory_space<vmem_shared>>)
            tpu.yield
          }) : () -> ()
          %scan3A_46 = arith.constant 0 : i32
          scf.yield %scan3A_46 : i32
        }
        %scan3A_40 = arith.constant 10 : i32
      } else {
      }
      %barrier3A = arith.constant 0 : index
      tpu.barrier barrier_id(%barrier3A)
      %convert_element_type3A_25 = arith.extui %lt3A_23 : i1 to i32
      %cond3A_26 = arith.constant 0 : i32
      %cond3A_27 = arith.cmpi ne, %convert_element_type3A_25, %cond3A_26 : i32
      scf.if %cond3A_27 {
        %scan3A_34 = arith.constant 0 : i32
        %scan3A_35 = arith.constant 6 : i32
        %scan3A_36 = arith.addi %scan3A_34, %scan3A_35 : i32
        %scan3A_37 = arith.constant 1 : i32
        %scan3A_38 = scf.for %scan3A_40 = %scan3A_34 to %scan3A_36 step %scan3A_37 iter_args(%scan3A_41 = %broadcast_in_dim3A_1) -> (vector<16xi32>)  : i32 {
          %lt3A_42 = arith.constant 5 : i32
          %lt3A_43 = arith.cmpi slt, %scan3A_40, %lt3A_42 : i32
          %convert_element_type3A_44 = arith.extui %lt3A_43 : i1 to i32
          %cond3A_45 = arith.constant 0 : i32
          %cond3A_46 = arith.cmpi ne, %convert_element_type3A_44, %cond3A_45 : i32
          %cond3A_47 = scf.if %cond3A_46 -> (vector<16xi32>) {
            %mul3A_86 = arith.constant 50000 : i32
            %mul3A_87 = arith.muli %arg1, %mul3A_86 : i32
            %mul3A_88 = arith.constant 10000 : i32
            %mul3A_89 = arith.muli %scan3A_40, %mul3A_88 : i32
            %add3A_90 = arith.addi %mul3A_87, %mul3A_89 : i32
            "tpu.region"() ({
              %run_scoped3A = tpu.sem_alloc : memref<!tpu.dma_semaphore, #tpu.memory_space<semaphore_mem>>
              %dma_start3A = tpu.memref_slice %arg5[%add3A_90] : memref<800000xi32, #tpu.memory_space<hbm>> -> memref<10000xi32, #tpu.memory_space<hbm>>
              %dma_start3A_97 = tpu.memref_slice %arg5[%add3A_90] : memref<800000xi32, #tpu.memory_space<hbm>> -> memref<10000xi32, #tpu.memory_space<hbm>>
              tpu.enqueue_dma source(%dma_start3A_97 : memref<10000xi32, #tpu.memory_space<hbm>>) target(%arg8 : memref<10000xi32, #tpu.memory_space<vmem>>) target_semaphore(%run_scoped3A : memref<!tpu.dma_semaphore, #tpu.memory_space<semaphore_mem>>)
              %dma_wait3A = tpu.memref_slice %arg5[%add3A_90] : memref<800000xi32, #tpu.memory_space<hbm>> -> memref<10000xi32, #tpu.memory_space<hbm>>
              %dma_wait3A_98 = tpu.memref_slice %arg5[%add3A_90] : memref<800000xi32, #tpu.memory_space<hbm>> -> memref<10000xi32, #tpu.memory_space<hbm>>
              tpu.wait_dma2 semaphore(%run_scoped3A : memref<!tpu.dma_semaphore, #tpu.memory_space<semaphore_mem>>) src(%dma_wait3A_98 : memref<10000xi32, #tpu.memory_space<hbm>>) dst(%arg8 : memref<10000xi32, #tpu.memory_space<vmem>>)
              tpu.yield
            }) : () -> ()
            "tpu.region"() ({
              %run_scoped3A = tpu.sem_alloc : memref<!tpu.dma_semaphore, #tpu.memory_space<semaphore_mem>>
              %dma_start3A = tpu.memref_slice %arg4[%add3A_90] : memref<800000xi32, #tpu.memory_space<hbm>> -> memref<10000xi32, #tpu.memory_space<hbm>>
              %dma_start3A_97 = tpu.memref_slice %arg4[%add3A_90] : memref<800000xi32, #tpu.memory_space<hbm>> -> memref<10000xi32, #tpu.memory_space<hbm>>
              tpu.enqueue_dma source(%dma_start3A_97 : memref<10000xi32, #tpu.memory_space<hbm>>) target(%arg9 : memref<10000xi32, #tpu.memory_space<vmem>>) target_semaphore(%run_scoped3A : memref<!tpu.dma_semaphore, #tpu.memory_space<semaphore_mem>>)
              %dma_wait3A = tpu.memref_slice %arg4[%add3A_90] : memref<800000xi32, #tpu.memory_space<hbm>> -> memref<10000xi32, #tpu.memory_space<hbm>>
              %dma_wait3A_98 = tpu.memref_slice %arg4[%add3A_90] : memref<800000xi32, #tpu.memory_space<hbm>> -> memref<10000xi32, #tpu.memory_space<hbm>>
              tpu.wait_dma2 semaphore(%run_scoped3A : memref<!tpu.dma_semaphore, #tpu.memory_space<semaphore_mem>>) src(%dma_wait3A_98 : memref<10000xi32, #tpu.memory_space<hbm>>) dst(%arg9 : memref<10000xi32, #tpu.memory_space<vmem>>)
              tpu.yield
            }) : () -> ()
            %scan3A_91 = arith.constant 0 : i32
            %scan3A_92 = arith.constant 625 : i32
            %scan3A_93 = arith.addi %scan3A_91, %scan3A_92 : i32
            %scan3A_94 = arith.constant 1 : i32
            %scan3A_95 = scf.for %scan3A_97 = %scan3A_91 to %scan3A_93 step %scan3A_94 iter_args(%scan3A_98 = %scan3A_41) -> (vector<16xi32>)  : i32 {
              %mul3A_99 = arith.constant 16 : i32
              %mul3A_100 = arith.muli %scan3A_97, %mul3A_99 : i32
              %get3A_101 = arith.index_cast %mul3A_100 : i32 to index
              %get3A_102 = tpu.vector_load %arg8[%get3A_101] {strides = array<i32>} : memref<10000xi32, #tpu.memory_space<vmem>>, vector<16xi32>,
              %mul3A_103 = arith.constant 16 : i32
              %mul3A_104 = arith.muli %scan3A_97, %mul3A_103 : i32
              %get3A_105 = arith.index_cast %mul3A_104 : i32 to index
              %get3A_106 = tpu.vector_load %arg9[%get3A_105] {strides = array<i32>} : memref<10000xi32, #tpu.memory_space<vmem>>, vector<16xi32>,
              %ge3A = vector.broadcast %mul3A_20 : i32 to vector<16xi32>
              %ge3A_107 = arith.cmpi sge, %get3A_102, %ge3A : vector<16xi32>
              %lt3A_108 = vector.broadcast %add3A_22 : i32 to vector<16xi32>
              %lt3A_109 = arith.cmpi slt, %get3A_102, %lt3A_108 : vector<16xi32>
              %and3A_110 = arith.andi %ge3A_107, %lt3A_109 : vector<16xi1>
              %sub3A_111 = vector.broadcast %mul3A_20 : i32 to vector<16xi32>
              %sub3A_112 = arith.subi %get3A_102, %sub3A_111 : vector<16xi32>
              %mul3A_113 = arith.constant 16 : i32
              %mul3A_114 = arith.muli %scan3A_97, %mul3A_113 : i32
              %add3A_115 = arith.addi %add3A_90, %mul3A_114 : i32
              %iota3A = tpu.iota {dimensions = array<i32: 0>} : vector<16xi32>
              %add3A_116 = vector.broadcast %add3A_115 : i32 to vector<16xi32>
              %add3A_117 = arith.addi %add3A_116, %iota3A : vector<16xi32>
              %convert_element_type3A_118 = arith.extui %and3A_110 : vector<16xi1> to vector<16xi32>
              %broadcast_in_dim3A_119 = arith.constant true
              %broadcast_in_dim3A_120 = vector.broadcast %broadcast_in_dim3A_119 : i1 to vector<16xi1>
              %masked_cumsum3A = tpu.scan <sum>, %convert_element_type3A_118 masked %broadcast_in_dim3A_120 : vector<16xi32>, vector<16xi1> -> vector<16xi32>
              %add3A_121 = arith.addi %scan3A_98, %masked_cumsum3A : vector<16xi32>
              %sub3A_122 = arith.constant 1 : i32
              %sub3A_123 = vector.broadcast %sub3A_122 : i32 to vector<16xi32>
              %sub3A_124 = arith.subi %add3A_121, %sub3A_123 : vector<16xi32>
              tpu.vector_store_idx %arg12[%sub3A_124], %sub3A_112 masked %and3A_110 : memref<10240xi32, #tpu.memory_space<vmem>>[vector<16xi32>], vector<16xi32>, vector<16xi1>
              tpu.vector_store_idx %arg10[%sub3A_124], %get3A_106 masked %and3A_110 : memref<10240xi32, #tpu.memory_space<vmem>>[vector<16xi32>], vector<16xi32>, vector<16xi1>
              tpu.vector_store_idx %arg11[%sub3A_124], %add3A_117 masked %and3A_110 : memref<10240xi32, #tpu.memory_space<vmem>>[vector<16xi32>], vector<16xi32>, vector<16xi1>
              %all_reduce_population_count3A = tpu.all_reduce %and3A_110 {dim = 0 : i64, kind = #tpu.reduction_kind<sum>} : vector<16xi1> -> vector<16xi32>
              %add3A_125 = arith.addi %scan3A_98, %all_reduce_population_count3A : vector<16xi32>
              scf.yield %add3A_125 : vector<16xi32>
            }
            %scan3A_96 = arith.constant 625 : i32
            scf.yield %scan3A_95 : vector<16xi32>
          } else {
            %swap3A_86 = arith.constant 0 : index
            %swap3A_87 = tpu.vector_load %arg16[%swap3A_86] {strides = array<i32>} : memref<16xi32, #tpu.memory_space<vmem>>, vector<16xi32>,
            tpu.vector_store %arg16[%swap3A_86], %scan3A_41 {strides = array<i32>} : memref<16xi32, #tpu.memory_space<vmem>>, vector<16xi32>,
            %get3A_88 = arith.constant 0 : index
            %get3A_89 = tpu.vector_load %arg16[%get3A_88] {strides = array<i32>} : memref<16xi32, #tpu.memory_space<vmem>>, vector<16xi32>,
            %slice3A_90 = vector.extract_strided_slice %get3A_89 {offsets = [0], sizes = [1], strides = [1]} : vector<16xi32> to vector<1xi32>
            %squeeze3A_91 = vector.extract %slice3A_90[0] : i32 from vector<1xi32>
            %add3A_92 = vector.broadcast %arg1 : i32 to vector<16xi32>
            %add3A_93 = arith.addi %broadcast_in_dim3A_1, %add3A_92 : vector<16xi32>
            %add3A_94 = arith.constant 5120 : i32
            %add3A_95 = arith.addi %add3A_94, %arg1 : i32
            %add3A_96 = vector.broadcast %add3A_95 : i32 to vector<16xi32>
            %add3A_97 = arith.addi %broadcast_in_dim3A_1, %add3A_96 : vector<16xi32>
            %add3A_98 = arith.constant 0 : i32
            %add3A_99 = arith.addi %squeeze3A_91, %add3A_98 : i32
            %swap3A_100 = arith.index_cast %add3A_99 : i32 to index
            %swap3A_101 = tpu.vector_load %arg10[%swap3A_100] {strides = array<i32>} : memref<10240xi32, #tpu.memory_space<vmem>>, vector<16xi32>,
            tpu.vector_store %arg10[%swap3A_100], %add3A_93 {strides = array<i32>} : memref<10240xi32, #tpu.memory_space<vmem>>, vector<16xi32>,
            %add3A_102 = arith.constant 0 : i32
            %add3A_103 = arith.addi %squeeze3A_91, %add3A_102 : i32
            %swap3A_104 = arith.index_cast %add3A_103 : i32 to index
            %swap3A_105 = tpu.vector_load %arg11[%swap3A_104] {strides = array<i32>} : memref<10240xi32, #tpu.memory_space<vmem>>, vector<16xi32>,
            tpu.vector_store %arg11[%swap3A_104], %add3A_93 {strides = array<i32>} : memref<10240xi32, #tpu.memory_space<vmem>>, vector<16xi32>,
            %add3A_106 = arith.constant 0 : i32
            %add3A_107 = arith.addi %squeeze3A_91, %add3A_106 : i32
            %swap3A_108 = arith.index_cast %add3A_107 : i32 to index
            %swap3A_109 = tpu.vector_load %arg12[%swap3A_108] {strides = array<i32>} : memref<10240xi32, #tpu.memory_space<vmem>>, vector<16xi32>,
            tpu.vector_store %arg12[%swap3A_108], %add3A_97 {strides = array<i32>} : memref<10240xi32, #tpu.memory_space<vmem>>, vector<16xi32>,
            %add3A_110 = arith.constant 16 : i32
            %add3A_111 = arith.addi %squeeze3A_91, %add3A_110 : i32
            %swap3A_112 = arith.index_cast %add3A_111 : i32 to index
            %swap3A_113 = tpu.vector_load %arg10[%swap3A_112] {strides = array<i32>} : memref<10240xi32, #tpu.memory_space<vmem>>, vector<16xi32>,
            tpu.vector_store %arg10[%swap3A_112], %add3A_93 {strides = array<i32>} : memref<10240xi32, #tpu.memory_space<vmem>>, vector<16xi32>,
            %add3A_114 = arith.constant 16 : i32
            %add3A_115 = arith.addi %squeeze3A_91, %add3A_114 : i32
            %swap3A_116 = arith.index_cast %add3A_115 : i32 to index
            %swap3A_117 = tpu.vector_load %arg11[%swap3A_116] {strides = array<i32>} : memref<10240xi32, #tpu.memory_space<vmem>>, vector<16xi32>,
            tpu.vector_store %arg11[%swap3A_116], %add3A_93 {strides = array<i32>} : memref<10240xi32, #tpu.memory_space<vmem>>, vector<16xi32>,
            %add3A_118 = arith.constant 16 : i32
            %add3A_119 = arith.addi %squeeze3A_91, %add3A_118 : i32
            %swap3A_120 = arith.index_cast %add3A_119 : i32 to index
            %swap3A_121 = tpu.vector_load %arg12[%swap3A_120] {strides = array<i32>} : memref<10240xi32, #tpu.memory_space<vmem>>, vector<16xi32>,
            tpu.vector_store %arg12[%swap3A_120], %add3A_97 {strides = array<i32>} : memref<10240xi32, #tpu.memory_space<vmem>>, vector<16xi32>,
            %add3A_122 = arith.constant 32 : i32
            %add3A_123 = arith.addi %squeeze3A_91, %add3A_122 : i32
            %swap3A_124 = arith.index_cast %add3A_123 : i32 to index
            %swap3A_125 = tpu.vector_load %arg10[%swap3A_124] {strides = array<i32>} : memref<10240xi32, #tpu.memory_space<vmem>>, vector<16xi32>,
            tpu.vector_store %arg10[%swap3A_124], %add3A_93 {strides = array<i32>} : memref<10240xi32, #tpu.memory_space<vmem>>, vector<16xi32>,
            %add3A_126 = arith.constant 32 : i32
            %add3A_127 = arith.addi %squeeze3A_91, %add3A_126 : i32
            %swap3A_128 = arith.index_cast %add3A_127 : i32 to index
            %swap3A_129 = tpu.vector_load %arg11[%swap3A_128] {strides = array<i32>} : memref<10240xi32, #tpu.memory_space<vmem>>, vector<16xi32>,
            tpu.vector_store %arg11[%swap3A_128], %add3A_93 {strides = array<i32>} : memref<10240xi32, #tpu.memory_space<vmem>>, vector<16xi32>,
            %add3A_130 = arith.constant 32 : i32
            %add3A_131 = arith.addi %squeeze3A_91, %add3A_130 : i32
            %swap3A_132 = arith.index_cast %add3A_131 : i32 to index
            %swap3A_133 = tpu.vector_load %arg12[%swap3A_132] {strides = array<i32>} : memref<10240xi32, #tpu.memory_space<vmem>>, vector<16xi32>,
            tpu.vector_store %arg12[%swap3A_132], %add3A_97 {strides = array<i32>} : memref<10240xi32, #tpu.memory_space<vmem>>, vector<16xi32>,
            %add3A_134 = arith.constant 48 : i32
            %add3A_135 = arith.addi %squeeze3A_91, %add3A_134 : i32
            %swap3A_136 = arith.index_cast %add3A_135 : i32 to index
            %swap3A_137 = tpu.vector_load %arg10[%swap3A_136] {strides = array<i32>} : memref<10240xi32, #tpu.memory_space<vmem>>, vector<16xi32>,
            tpu.vector_store %arg10[%swap3A_136], %add3A_93 {strides = array<i32>} : memref<10240xi32, #tpu.memory_space<vmem>>, vector<16xi32>,
            %add3A_138 = arith.constant 48 : i32
            %add3A_139 = arith.addi %squeeze3A_91, %add3A_138 : i32
            %swap3A_140 = arith.index_cast %add3A_139 : i32 to index
            %swap3A_141 = tpu.vector_load %arg11[%swap3A_140] {strides = array<i32>} : memref<10240xi32, #tpu.memory_space<vmem>>, vector<16xi32>,
            tpu.vector_store %arg11[%swap3A_140], %add3A_93 {strides = array<i32>} : memref<10240xi32, #tpu.memory_space<vmem>>, vector<16xi32>,
            %add3A_142 = arith.constant 48 : i32
            %add3A_143 = arith.addi %squeeze3A_91, %add3A_142 : i32
            %swap3A_144 = arith.index_cast %add3A_143 : i32 to index
            %swap3A_145 = tpu.vector_load %arg12[%swap3A_144] {strides = array<i32>} : memref<10240xi32, #tpu.memory_space<vmem>>, vector<16xi32>,
            tpu.vector_store %arg12[%swap3A_144], %add3A_97 {strides = array<i32>} : memref<10240xi32, #tpu.memory_space<vmem>>, vector<16xi32>,
            %add3A_146 = arith.constant 64 : i32
            %add3A_147 = arith.addi %squeeze3A_91, %add3A_146 : i32
            %swap3A_148 = arith.index_cast %add3A_147 : i32 to index
            %swap3A_149 = tpu.vector_load %arg10[%swap3A_148] {strides = array<i32>} : memref<10240xi32, #tpu.memory_space<vmem>>, vector<16xi32>,
            tpu.vector_store %arg10[%swap3A_148], %add3A_93 {strides = array<i32>} : memref<10240xi32, #tpu.memory_space<vmem>>, vector<16xi32>,
            %add3A_150 = arith.constant 64 : i32
            %add3A_151 = arith.addi %squeeze3A_91, %add3A_150 : i32
            %swap3A_152 = arith.index_cast %add3A_151 : i32 to index
            %swap3A_153 = tpu.vector_load %arg11[%swap3A_152] {strides = array<i32>} : memref<10240xi32, #tpu.memory_space<vmem>>, vector<16xi32>,
            tpu.vector_store %arg11[%swap3A_152], %add3A_93 {strides = array<i32>} : memref<10240xi32, #tpu.memory_space<vmem>>, vector<16xi32>,
            %add3A_154 = arith.constant 64 : i32
            %add3A_155 = arith.addi %squeeze3A_91, %add3A_154 : i32
            %swap3A_156 = arith.index_cast %add3A_155 : i32 to index
            %swap3A_157 = tpu.vector_load %arg12[%swap3A_156] {strides = array<i32>} : memref<10240xi32, #tpu.memory_space<vmem>>, vector<16xi32>,
            tpu.vector_store %arg12[%swap3A_156], %add3A_97 {strides = array<i32>} : memref<10240xi32, #tpu.memory_space<vmem>>, vector<16xi32>,
            %add3A_158 = arith.constant 80 : i32
            %add3A_159 = arith.addi %squeeze3A_91, %add3A_158 : i32
            %swap3A_160 = arith.index_cast %add3A_159 : i32 to index
            %swap3A_161 = tpu.vector_load %arg10[%swap3A_160] {strides = array<i32>} : memref<10240xi32, #tpu.memory_space<vmem>>, vector<16xi32>,
            tpu.vector_store %arg10[%swap3A_160], %add3A_93 {strides = array<i32>} : memref<10240xi32, #tpu.memory_space<vmem>>, vector<16xi32>,
            %add3A_162 = arith.constant 80 : i32
            %add3A_163 = arith.addi %squeeze3A_91, %add3A_162 : i32
            %swap3A_164 = arith.index_cast %add3A_163 : i32 to index
            %swap3A_165 = tpu.vector_load %arg11[%swap3A_164] {strides = array<i32>} : memref<10240xi32, #tpu.memory_space<vmem>>, vector<16xi32>,
            tpu.vector_store %arg11[%swap3A_164], %add3A_93 {strides = array<i32>} : memref<10240xi32, #tpu.memory_space<vmem>>, vector<16xi32>,
            %add3A_166 = arith.constant 80 : i32
            %add3A_167 = arith.addi %squeeze3A_91, %add3A_166 : i32
            %swap3A_168 = arith.index_cast %add3A_167 : i32 to index
            %swap3A_169 = tpu.vector_load %arg12[%swap3A_168] {strides = array<i32>} : memref<10240xi32, #tpu.memory_space<vmem>>, vector<16xi32>,
            tpu.vector_store %arg12[%swap3A_168], %add3A_97 {strides = array<i32>} : memref<10240xi32, #tpu.memory_space<vmem>>, vector<16xi32>,
            %add3A_170 = arith.constant 96 : i32
            %add3A_171 = arith.addi %squeeze3A_91, %add3A_170 : i32
            %swap3A_172 = arith.index_cast %add3A_171 : i32 to index
            %swap3A_173 = tpu.vector_load %arg10[%swap3A_172] {strides = array<i32>} : memref<10240xi32, #tpu.memory_space<vmem>>, vector<16xi32>,
            tpu.vector_store %arg10[%swap3A_172], %add3A_93 {strides = array<i32>} : memref<10240xi32, #tpu.memory_space<vmem>>, vector<16xi32>,
            %add3A_174 = arith.constant 96 : i32
            %add3A_175 = arith.addi %squeeze3A_91, %add3A_174 : i32
            %swap3A_176 = arith.index_cast %add3A_175 : i32 to index
            %swap3A_177 = tpu.vector_load %arg11[%swap3A_176] {strides = array<i32>} : memref<10240xi32, #tpu.memory_space<vmem>>, vector<16xi32>,
            tpu.vector_store %arg11[%swap3A_176], %add3A_93 {strides = array<i32>} : memref<10240xi32, #tpu.memory_space<vmem>>, vector<16xi32>,
            %add3A_178 = arith.constant 96 : i32
            %add3A_179 = arith.addi %squeeze3A_91, %add3A_178 : i32
            %swap3A_180 = arith.index_cast %add3A_179 : i32 to index
            %swap3A_181 = tpu.vector_load %arg12[%swap3A_180] {strides = array<i32>} : memref<10240xi32, #tpu.memory_space<vmem>>, vector<16xi32>,
            tpu.vector_store %arg12[%swap3A_180], %add3A_97 {strides = array<i32>} : memref<10240xi32, #tpu.memory_space<vmem>>, vector<16xi32>,
            %add3A_182 = arith.constant 112 : i32
            %add3A_183 = arith.addi %squeeze3A_91, %add3A_182 : i32
            %swap3A_184 = arith.index_cast %add3A_183 : i32 to index
            %swap3A_185 = tpu.vector_load %arg10[%swap3A_184] {strides = array<i32>} : memref<10240xi32, #tpu.memory_space<vmem>>, vector<16xi32>,
            tpu.vector_store %arg10[%swap3A_184], %add3A_93 {strides = array<i32>} : memref<10240xi32, #tpu.memory_space<vmem>>, vector<16xi32>,
            %add3A_186 = arith.constant 112 : i32
            %add3A_187 = arith.addi %squeeze3A_91, %add3A_186 : i32
            %swap3A_188 = arith.index_cast %add3A_187 : i32 to index
            %swap3A_189 = tpu.vector_load %arg11[%swap3A_188] {strides = array<i32>} : memref<10240xi32, #tpu.memory_space<vmem>>, vector<16xi32>,
            tpu.vector_store %arg11[%swap3A_188], %add3A_93 {strides = array<i32>} : memref<10240xi32, #tpu.memory_space<vmem>>, vector<16xi32>,
            %add3A_190 = arith.constant 112 : i32
            %add3A_191 = arith.addi %squeeze3A_91, %add3A_190 : i32
            %swap3A_192 = arith.index_cast %add3A_191 : i32 to index
            %swap3A_193 = tpu.vector_load %arg12[%swap3A_192] {strides = array<i32>} : memref<10240xi32, #tpu.memory_space<vmem>>, vector<16xi32>,
            tpu.vector_store %arg12[%swap3A_192], %add3A_97 {strides = array<i32>} : memref<10240xi32, #tpu.memory_space<vmem>>, vector<16xi32>,
            %add3A_194 = arith.constant 128 : i32
            %add3A_195 = arith.addi %squeeze3A_91, %add3A_194 : i32
            %sub3A_196 = arith.constant 1 : i32
            %sub3A_197 = arith.subi %add3A_195, %sub3A_196 : i32
            %jit3A_198 = arith.constant 128 : i32
            %div3A_199 = arith.divsi %sub3A_197, %jit3A_198 : i32
            %sign3A_200 = arith.constant 0 : i32
            %sign3A_201 = arith.cmpi sgt, %sub3A_197, %sign3A_200 : i32
            %sign3A_202 = arith.extui %sign3A_201 : i1 to i32
            %sign3A_203 = arith.constant 0 : i32
            %sign3A_204 = arith.cmpi slt, %sub3A_197, %sign3A_203 : i32
            %sign3A_205 = arith.extui %sign3A_204 : i1 to i32
            %sign3A_206 = arith.subi %sign3A_202, %sign3A_205 : i32
            %sign3A_207 = arith.constant 0 : i32
            %sign3A_208 = arith.cmpi sgt, %jit3A_198, %sign3A_207 : i32
            %sign3A_209 = arith.extui %sign3A_208 : i1 to i32
            %sign3A_210 = arith.constant 0 : i32
            %sign3A_211 = arith.cmpi slt, %jit3A_198, %sign3A_210 : i32
            %sign3A_212 = arith.extui %sign3A_211 : i1 to i32
            %sign3A_213 = arith.subi %sign3A_209, %sign3A_212 : i32
            %ne3A_214 = arith.cmpi ne, %sign3A_206, %sign3A_213 : i32
            %rem3A_215 = arith.remsi %sub3A_197, %jit3A_198 : i32
            %ne3A_216 = arith.constant 0 : i32
            %ne3A_217 = arith.cmpi ne, %rem3A_215, %ne3A_216 : i32
            %and3A_218 = arith.andi %ne3A_214, %ne3A_217 : i1
            %sub3A_219 = arith.constant 1 : i32
            %sub3A_220 = arith.subi %div3A_199, %sub3A_219 : i32
            %select_n3A_221 = arith.select %and3A_218, %sub3A_220, %div3A_199 : i32
            %mul3A_222 = arith.constant 128 : i32
            %mul3A_223 = arith.muli %select_n3A_221, %mul3A_222 : i32
            %add3A_224 = vector.broadcast %mul3A_223 : i32 to vector<16xi32>
            %add3A_225 = arith.addi %broadcast_in_dim3A_1, %add3A_224 : vector<16xi32>
            scf.yield %add3A_225 : vector<16xi32>
          }
          %swap3A = arith.constant 0 : index
          %swap3A_48 = tpu.vector_load %arg16[%swap3A] {strides = array<i32>} : memref<16xi32, #tpu.memory_space<vmem>>, vector<16xi32>,
          tpu.vector_store %arg16[%swap3A], %cond3A_47 {strides = array<i32>} : memref<16xi32, #tpu.memory_space<vmem>>, vector<16xi32>,
          %get3A = arith.constant 0 : index
          %get3A_49 = tpu.vector_load %arg16[%get3A] {strides = array<i32>} : memref<16xi32, #tpu.memory_space<vmem>>, vector<16xi32>,
          %slice3A = vector.extract_strided_slice %get3A_49 {offsets = [0], sizes = [1], strides = [1]} : vector<16xi32> to vector<1xi32>
          %squeeze3A = vector.extract %slice3A[0] : i32 from vector<1xi32>
          %jit3A = arith.constant 128 : i32
          %div3A = arith.divsi %squeeze3A, %jit3A : i32
          %sign3A = arith.constant 0 : i32
          %sign3A_50 = arith.cmpi sgt, %squeeze3A, %sign3A : i32
          %sign3A_51 = arith.extui %sign3A_50 : i1 to i32
          %sign3A_52 = arith.constant 0 : i32
          %sign3A_53 = arith.cmpi slt, %squeeze3A, %sign3A_52 : i32
          %sign3A_54 = arith.extui %sign3A_53 : i1 to i32
          %sign3A_55 = arith.subi %sign3A_51, %sign3A_54 : i32
          %sign3A_56 = arith.constant 0 : i32
          %sign3A_57 = arith.cmpi sgt, %jit3A, %sign3A_56 : i32
          %sign3A_58 = arith.extui %sign3A_57 : i1 to i32
          %sign3A_59 = arith.constant 0 : i32
          %sign3A_60 = arith.cmpi slt, %jit3A, %sign3A_59 : i32
          %sign3A_61 = arith.extui %sign3A_60 : i1 to i32
          %sign3A_62 = arith.subi %sign3A_58, %sign3A_61 : i32
          %ne3A = arith.cmpi ne, %sign3A_55, %sign3A_62 : i32
          %rem3A = arith.remsi %squeeze3A, %jit3A : i32
          %ne3A_63 = arith.constant 0 : i32
          %ne3A_64 = arith.cmpi ne, %rem3A, %ne3A_63 : i32
          %and3A = arith.andi %ne3A, %ne3A_64 : i1
          %sub3A = arith.constant 1 : i32
          %sub3A_65 = arith.subi %div3A, %sub3A : i32
          %select_n3A = arith.select %and3A, %sub3A_65, %div3A : i32
          %while3A = arith.constant 0 : i32
          %while3A_66 = arith.constant 0 : i32
          %while3A_67 = arith.subi %select_n3A, %while3A : i32
          %while3A_68 = arith.addi %while3A, %while3A_67 : i32
          %while3A_69 = arith.constant 1 : i32
          %while3A_70 = arith.divsi %while3A_67, %while3A_69 : i32
          %while3A_71 = arith.muli %while3A_70, %while3A_69 : i32
          %while3A_72 = arith.addi %while3A, %while3A_71 : i32
          %while3A_73 = arith.constant 1 : i32
          %while3A_74 = scf.for %while3A_86 = %while3A to %while3A_72 step %while3A_73 iter_args(%while3A_87 = %while3A_66) -> (i32)  : i32 {
            %mul3A_88 = arith.constant 128 : i32
            %mul3A_89 = arith.muli %while3A_86, %mul3A_88 : i32
            %scan3A_90 = arith.constant 0 : i32
            %scan3A_91 = arith.constant 0 : i32
            %scan3A_92 = arith.constant 8 : i32
            %scan3A_93 = arith.addi %scan3A_91, %scan3A_92 : i32
            %scan3A_94 = arith.constant 1 : i32
            %scan3A_95 = scf.for %scan3A_115 = %scan3A_91 to %scan3A_93 step %scan3A_94 iter_args(%scan3A_116 = %scan3A_90) -> (i32)  : i32 {
              %mul3A_117 = arith.constant 16 : i32
              %mul3A_118 = arith.muli %scan3A_115, %mul3A_117 : i32
              %add3A_119 = arith.addi %mul3A_89, %mul3A_118 : i32
              %get3A_120 = arith.index_cast %add3A_119 : i32 to index
              %get3A_121 = tpu.vector_load %arg10[%get3A_120] {strides = array<i32>} : memref<10240xi32, #tpu.memory_space<vmem>>, vector<16xi32>,
              %mul3A_122 = arith.constant 16 : i32
              %mul3A_123 = arith.muli %scan3A_115, %mul3A_122 : i32
              %swap3A_124 = arith.index_cast %mul3A_123 : i32 to index
              %swap3A_125 = tpu.vector_load %arg13[%swap3A_124] {strides = array<i32>} : memref<128xi32, #tpu.memory_space<vmem>>, vector<16xi32>,
              tpu.vector_store %arg13[%swap3A_124], %get3A_121 {strides = array<i32>} : memref<128xi32, #tpu.memory_space<vmem>>, vector<16xi32>,
              %mul3A_126 = arith.constant 16 : i32
              %mul3A_127 = arith.muli %scan3A_115, %mul3A_126 : i32
              %add3A_128 = arith.addi %mul3A_89, %mul3A_127 : i32
              %get3A_129 = arith.index_cast %add3A_128 : i32 to index
              %get3A_130 = tpu.vector_load %arg11[%get3A_129] {strides = array<i32>} : memref<10240xi32, #tpu.memory_space<vmem>>, vector<16xi32>,
              %mul3A_131 = arith.constant 16 : i32
              %mul3A_132 = arith.muli %scan3A_115, %mul3A_131 : i32
              %swap3A_133 = arith.index_cast %mul3A_132 : i32 to index
              %swap3A_134 = tpu.vector_load %arg14[%swap3A_133] {strides = array<i32>} : memref<128xi32, #tpu.memory_space<vmem>>, vector<16xi32>,
              tpu.vector_store %arg14[%swap3A_133], %get3A_130 {strides = array<i32>} : memref<128xi32, #tpu.memory_space<vmem>>, vector<16xi32>,
              %mul3A_135 = arith.constant 16 : i32
              %mul3A_136 = arith.muli %scan3A_115, %mul3A_135 : i32
              %add3A_137 = arith.addi %mul3A_89, %mul3A_136 : i32
              %get3A_138 = arith.index_cast %add3A_137 : i32 to index
              %get3A_139 = tpu.vector_load %arg12[%get3A_138] {strides = array<i32>} : memref<10240xi32, #tpu.memory_space<vmem>>, vector<16xi32>,
              %mul3A_140 = arith.constant 16 : i32
              %mul3A_141 = arith.muli %scan3A_115, %mul3A_140 : i32
              %swap3A_142 = arith.index_cast %mul3A_141 : i32 to index
              %swap3A_143 = tpu.vector_load %arg15[%swap3A_142] {strides = array<i32>} : memref<128xi32, #tpu.memory_space<vmem>>, vector<16xi32>,
              tpu.vector_store %arg15[%swap3A_142], %get3A_139 {strides = array<i32>} : memref<128xi32, #tpu.memory_space<vmem>>, vector<16xi32>,
              %scan3A_144 = arith.constant 0 : i32
              scf.yield %scan3A_144 : i32
            }
            %scan3A_96 = arith.constant 8 : i32
            %dma_start3A = arith.constant 0 : i32
            %dma_start3A_97 = arith.constant 0 : i32
            %dma_start3A_98 = tpu.memref_slice %arg2[%dma_start3A, %dma_start3A_97] : memref<50000x128xf32, #tpu.memory_space<hbm>> -> memref<50000x128xf32, #tpu.memory_space<hbm>>
            tpu.enqueue_indirect_dma source(%dma_start3A_98 : memref<50000x128xf32, #tpu.memory_space<hbm>>) target(%arg17 : memref<128x128xf32, #tpu.memory_space<vmem>>) offsets(%arg13 : memref<128xi32, #tpu.memory_space<vmem>>) semaphore(%arg21 : memref<!tpu.dma_semaphore, #tpu.memory_space<semaphore_mem>>)
            %dma_start3A_99 = arith.constant 0 : i32
            %dma_start3A_100 = arith.constant 0 : i32
            %dma_start3A_101 = tpu.memref_slice %arg3[%dma_start3A_99, %dma_start3A_100] : memref<800000x128xf32, #tpu.memory_space<hbm>> -> memref<800000x128xf32, #tpu.memory_space<hbm>>
            tpu.enqueue_indirect_dma source(%dma_start3A_101 : memref<800000x128xf32, #tpu.memory_space<hbm>>) target(%arg18 : memref<128x128xf32, #tpu.memory_space<vmem>>) offsets(%arg14 : memref<128xi32, #tpu.memory_space<vmem>>) semaphore(%arg22 : memref<!tpu.dma_semaphore, #tpu.memory_space<semaphore_mem>>)
            %dma_wait3A = arith.constant 0 : i32
            %dma_wait3A_102 = arith.constant 0 : i32
            %dma_wait3A_103 = tpu.memref_slice %arg2[%dma_wait3A, %dma_wait3A_102] : memref<50000x128xf32, #tpu.memory_space<hbm>> -> memref<50000x128xf32, #tpu.memory_space<hbm>>
            tpu.wait_indirect_dma semaphore(%arg21 : memref<!tpu.dma_semaphore, #tpu.memory_space<semaphore_mem>>) src(%dma_wait3A_103 : memref<50000x128xf32, #tpu.memory_space<hbm>>) dst(%arg17 : memref<128x128xf32, #tpu.memory_space<vmem>>)
            %dma_wait3A_104 = arith.constant 0 : i32
            %dma_wait3A_105 = arith.constant 0 : i32
            %dma_wait3A_106 = tpu.memref_slice %arg3[%dma_wait3A_104, %dma_wait3A_105] : memref<800000x128xf32, #tpu.memory_space<hbm>> -> memref<800000x128xf32, #tpu.memory_space<hbm>>
            tpu.wait_indirect_dma semaphore(%arg22 : memref<!tpu.dma_semaphore, #tpu.memory_space<semaphore_mem>>) src(%dma_wait3A_106 : memref<800000x128xf32, #tpu.memory_space<hbm>>) dst(%arg18 : memref<128x128xf32, #tpu.memory_space<vmem>>)
            %scan3A_107 = arith.constant 0 : i32
            %scan3A_108 = arith.constant 0 : i32
            %scan3A_109 = arith.constant 128 : i32
            %scan3A_110 = arith.addi %scan3A_108, %scan3A_109 : i32
            %scan3A_111 = arith.constant 1 : i32
            %scan3A_112 = scf.for %scan3A_115 = %scan3A_108 to %scan3A_110 step %scan3A_111 iter_args(%scan3A_116 = %scan3A_107) -> (i32)  : i32 {
              %get3A_117 = arith.index_cast %scan3A_115 : i32 to index
              %get3A_118 = arith.constant 0 : index
              %get3A_119 = tpu.vector_load %arg17[%get3A_117, %get3A_118] {strides = array<i32>} : memref<128x128xf32, #tpu.memory_space<vmem>>, vector<16xf32>,
              %get3A_120 = arith.index_cast %scan3A_115 : i32 to index
              %get3A_121 = arith.constant 0 : index
              %get3A_122 = tpu.vector_load %arg18[%get3A_120, %get3A_121] {strides = array<i32>} : memref<128x128xf32, #tpu.memory_space<vmem>>, vector<16xf32>,
              %add3A_123 = arith.addf %get3A_119, %get3A_122 : vector<16xf32>
              %max3A = arith.constant 0.000000e+00 : f32
              %max3A_124 = vector.broadcast %max3A : f32 to vector<16xf32>
              %max3A_125 = arith.maximumf %add3A_123, %max3A_124 : vector<16xf32>
              %swap3A_126 = arith.index_cast %scan3A_115 : i32 to index
              %swap3A_127 = arith.constant 0 : index
              %swap3A_128 = tpu.vector_load %arg17[%swap3A_126, %swap3A_127] {strides = array<i32>} : memref<128x128xf32, #tpu.memory_space<vmem>>, vector<16xf32>,
              tpu.vector_store %arg17[%swap3A_126, %swap3A_127], %max3A_125 {strides = array<i32>} : memref<128x128xf32, #tpu.memory_space<vmem>>, vector<16xf32>,
              %get3A_129 = arith.index_cast %scan3A_115 : i32 to index
              %get3A_130 = arith.constant 16 : index
              %get3A_131 = tpu.vector_load %arg17[%get3A_129, %get3A_130] {strides = array<i32>} : memref<128x128xf32, #tpu.memory_space<vmem>>, vector<16xf32>,
              %get3A_132 = arith.index_cast %scan3A_115 : i32 to index
              %get3A_133 = arith.constant 16 : index
              %get3A_134 = tpu.vector_load %arg18[%get3A_132, %get3A_133] {strides = array<i32>} : memref<128x128xf32, #tpu.memory_space<vmem>>, vector<16xf32>,
              %add3A_135 = arith.addf %get3A_131, %get3A_134 : vector<16xf32>
              %max3A_136 = arith.constant 0.000000e+00 : f32
              %max3A_137 = vector.broadcast %max3A_136 : f32 to vector<16xf32>
              %max3A_138 = arith.maximumf %add3A_135, %max3A_137 : vector<16xf32>
              %swap3A_139 = arith.index_cast %scan3A_115 : i32 to index
              %swap3A_140 = arith.constant 16 : index
              %swap3A_141 = tpu.vector_load %arg17[%swap3A_139, %swap3A_140] {strides = array<i32>} : memref<128x128xf32, #tpu.memory_space<vmem>>, vector<16xf32>,
              tpu.vector_store %arg17[%swap3A_139, %swap3A_140], %max3A_138 {strides = array<i32>} : memref<128x128xf32, #tpu.memory_space<vmem>>, vector<16xf32>,
              %get3A_142 = arith.index_cast %scan3A_115 : i32 to index
              %get3A_143 = arith.constant 32 : index
              %get3A_144 = tpu.vector_load %arg17[%get3A_142, %get3A_143] {strides = array<i32>} : memref<128x128xf32, #tpu.memory_space<vmem>>, vector<16xf32>,
              %get3A_145 = arith.index_cast %scan3A_115 : i32 to index
              %get3A_146 = arith.constant 32 : index
              %get3A_147 = tpu.vector_load %arg18[%get3A_145, %get3A_146] {strides = array<i32>} : memref<128x128xf32, #tpu.memory_space<vmem>>, vector<16xf32>,
              %add3A_148 = arith.addf %get3A_144, %get3A_147 : vector<16xf32>
              %max3A_149 = arith.constant 0.000000e+00 : f32
              %max3A_150 = vector.broadcast %max3A_149 : f32 to vector<16xf32>
              %max3A_151 = arith.maximumf %add3A_148, %max3A_150 : vector<16xf32>
              %swap3A_152 = arith.index_cast %scan3A_115 : i32 to index
              %swap3A_153 = arith.constant 32 : index
              %swap3A_154 = tpu.vector_load %arg17[%swap3A_152, %swap3A_153] {strides = array<i32>} : memref<128x128xf32, #tpu.memory_space<vmem>>, vector<16xf32>,
              tpu.vector_store %arg17[%swap3A_152, %swap3A_153], %max3A_151 {strides = array<i32>} : memref<128x128xf32, #tpu.memory_space<vmem>>, vector<16xf32>,
              %get3A_155 = arith.index_cast %scan3A_115 : i32 to index
              %get3A_156 = arith.constant 48 : index
              %get3A_157 = tpu.vector_load %arg17[%get3A_155, %get3A_156] {strides = array<i32>} : memref<128x128xf32, #tpu.memory_space<vmem>>, vector<16xf32>,
              %get3A_158 = arith.index_cast %scan3A_115 : i32 to index
              %get3A_159 = arith.constant 48 : index
              %get3A_160 = tpu.vector_load %arg18[%get3A_158, %get3A_159] {strides = array<i32>} : memref<128x128xf32, #tpu.memory_space<vmem>>, vector<16xf32>,
              %add3A_161 = arith.addf %get3A_157, %get3A_160 : vector<16xf32>
              %max3A_162 = arith.constant 0.000000e+00 : f32
              %max3A_163 = vector.broadcast %max3A_162 : f32 to vector<16xf32>
              %max3A_164 = arith.maximumf %add3A_161, %max3A_163 : vector<16xf32>
              %swap3A_165 = arith.index_cast %scan3A_115 : i32 to index
              %swap3A_166 = arith.constant 48 : index
              %swap3A_167 = tpu.vector_load %arg17[%swap3A_165, %swap3A_166] {strides = array<i32>} : memref<128x128xf32, #tpu.memory_space<vmem>>, vector<16xf32>,
              tpu.vector_store %arg17[%swap3A_165, %swap3A_166], %max3A_164 {strides = array<i32>} : memref<128x128xf32, #tpu.memory_space<vmem>>, vector<16xf32>,
              %get3A_168 = arith.index_cast %scan3A_115 : i32 to index
              %get3A_169 = arith.constant 64 : index
              %get3A_170 = tpu.vector_load %arg17[%get3A_168, %get3A_169] {strides = array<i32>} : memref<128x128xf32, #tpu.memory_space<vmem>>, vector<16xf32>,
              %get3A_171 = arith.index_cast %scan3A_115 : i32 to index
              %get3A_172 = arith.constant 64 : index
              %get3A_173 = tpu.vector_load %arg18[%get3A_171, %get3A_172] {strides = array<i32>} : memref<128x128xf32, #tpu.memory_space<vmem>>, vector<16xf32>,
              %add3A_174 = arith.addf %get3A_170, %get3A_173 : vector<16xf32>
              %max3A_175 = arith.constant 0.000000e+00 : f32
              %max3A_176 = vector.broadcast %max3A_175 : f32 to vector<16xf32>
              %max3A_177 = arith.maximumf %add3A_174, %max3A_176 : vector<16xf32>
              %swap3A_178 = arith.index_cast %scan3A_115 : i32 to index
              %swap3A_179 = arith.constant 64 : index
              %swap3A_180 = tpu.vector_load %arg17[%swap3A_178, %swap3A_179] {strides = array<i32>} : memref<128x128xf32, #tpu.memory_space<vmem>>, vector<16xf32>,
              tpu.vector_store %arg17[%swap3A_178, %swap3A_179], %max3A_177 {strides = array<i32>} : memref<128x128xf32, #tpu.memory_space<vmem>>, vector<16xf32>,
              %get3A_181 = arith.index_cast %scan3A_115 : i32 to index
              %get3A_182 = arith.constant 80 : index
              %get3A_183 = tpu.vector_load %arg17[%get3A_181, %get3A_182] {strides = array<i32>} : memref<128x128xf32, #tpu.memory_space<vmem>>, vector<16xf32>,
              %get3A_184 = arith.index_cast %scan3A_115 : i32 to index
              %get3A_185 = arith.constant 80 : index
              %get3A_186 = tpu.vector_load %arg18[%get3A_184, %get3A_185] {strides = array<i32>} : memref<128x128xf32, #tpu.memory_space<vmem>>, vector<16xf32>,
              %add3A_187 = arith.addf %get3A_183, %get3A_186 : vector<16xf32>
              %max3A_188 = arith.constant 0.000000e+00 : f32
              %max3A_189 = vector.broadcast %max3A_188 : f32 to vector<16xf32>
              %max3A_190 = arith.maximumf %add3A_187, %max3A_189 : vector<16xf32>
              %swap3A_191 = arith.index_cast %scan3A_115 : i32 to index
              %swap3A_192 = arith.constant 80 : index
              %swap3A_193 = tpu.vector_load %arg17[%swap3A_191, %swap3A_192] {strides = array<i32>} : memref<128x128xf32, #tpu.memory_space<vmem>>, vector<16xf32>,
              tpu.vector_store %arg17[%swap3A_191, %swap3A_192], %max3A_190 {strides = array<i32>} : memref<128x128xf32, #tpu.memory_space<vmem>>, vector<16xf32>,
              %get3A_194 = arith.index_cast %scan3A_115 : i32 to index
              %get3A_195 = arith.constant 96 : index
              %get3A_196 = tpu.vector_load %arg17[%get3A_194, %get3A_195] {strides = array<i32>} : memref<128x128xf32, #tpu.memory_space<vmem>>, vector<16xf32>,
              %get3A_197 = arith.index_cast %scan3A_115 : i32 to index
              %get3A_198 = arith.constant 96 : index
              %get3A_199 = tpu.vector_load %arg18[%get3A_197, %get3A_198] {strides = array<i32>} : memref<128x128xf32, #tpu.memory_space<vmem>>, vector<16xf32>,
              %add3A_200 = arith.addf %get3A_196, %get3A_199 : vector<16xf32>
              %max3A_201 = arith.constant 0.000000e+00 : f32
              %max3A_202 = vector.broadcast %max3A_201 : f32 to vector<16xf32>
              %max3A_203 = arith.maximumf %add3A_200, %max3A_202 : vector<16xf32>
              %swap3A_204 = arith.index_cast %scan3A_115 : i32 to index
              %swap3A_205 = arith.constant 96 : index
              %swap3A_206 = tpu.vector_load %arg17[%swap3A_204, %swap3A_205] {strides = array<i32>} : memref<128x128xf32, #tpu.memory_space<vmem>>, vector<16xf32>,
              tpu.vector_store %arg17[%swap3A_204, %swap3A_205], %max3A_203 {strides = array<i32>} : memref<128x128xf32, #tpu.memory_space<vmem>>, vector<16xf32>,
              %get3A_207 = arith.index_cast %scan3A_115 : i32 to index
              %get3A_208 = arith.constant 112 : index
              %get3A_209 = tpu.vector_load %arg17[%get3A_207, %get3A_208] {strides = array<i32>} : memref<128x128xf32, #tpu.memory_space<vmem>>, vector<16xf32>,
              %get3A_210 = arith.index_cast %scan3A_115 : i32 to index
              %get3A_211 = arith.constant 112 : index
              %get3A_212 = tpu.vector_load %arg18[%get3A_210, %get3A_211] {strides = array<i32>} : memref<128x128xf32, #tpu.memory_space<vmem>>, vector<16xf32>,
              %add3A_213 = arith.addf %get3A_209, %get3A_212 : vector<16xf32>
              %max3A_214 = arith.constant 0.000000e+00 : f32
              %max3A_215 = vector.broadcast %max3A_214 : f32 to vector<16xf32>
              %max3A_216 = arith.maximumf %add3A_213, %max3A_215 : vector<16xf32>
              %swap3A_217 = arith.index_cast %scan3A_115 : i32 to index
              %swap3A_218 = arith.constant 112 : index
              %swap3A_219 = tpu.vector_load %arg17[%swap3A_217, %swap3A_218] {strides = array<i32>} : memref<128x128xf32, #tpu.memory_space<vmem>>, vector<16xf32>,
              tpu.vector_store %arg17[%swap3A_217, %swap3A_218], %max3A_216 {strides = array<i32>} : memref<128x128xf32, #tpu.memory_space<vmem>>, vector<16xf32>,
              %scan3A_220 = arith.constant 0 : i32
              scf.yield %scan3A_220 : i32
            }
            %scan3A_113 = arith.constant 128 : i32
            "tpu.region"() ({
              %run_scoped3A = tpu.sem_alloc : memref<!tpu.dma_semaphore, #tpu.memory_space<semaphore_mem>>
              %dma_start3A_115 = arith.constant 0 : i32
              %dma_start3A_116 = arith.constant 0 : i32
              %dma_start3A_117 = tpu.memref_slice %arg7[%dma_start3A_115, %dma_start3A_116] : memref<5136x128xf32, #tpu.memory_space<vmem_shared>> -> memref<5136x128xf32, #tpu.memory_space<vmem_shared>>
              tpu.enqueue_indirect_dma source(%arg17 : memref<128x128xf32, #tpu.memory_space<vmem>>) target(%dma_start3A_117 : memref<5136x128xf32, #tpu.memory_space<vmem_shared>>) offsets(%arg15 : memref<128xi32, #tpu.memory_space<vmem>>) semaphore(%run_scoped3A : memref<!tpu.dma_semaphore, #tpu.memory_space<semaphore_mem>>) {add = true}
              %dma_wait3A_118 = arith.constant 0 : i32
              %dma_wait3A_119 = arith.constant 0 : i32
              %dma_wait3A_120 = tpu.memref_slice %arg7[%dma_wait3A_118, %dma_wait3A_119] : memref<5136x128xf32, #tpu.memory_space<vmem_shared>> -> memref<5136x128xf32, #tpu.memory_space<vmem_shared>>
              tpu.wait_indirect_dma semaphore(%run_scoped3A : memref<!tpu.dma_semaphore, #tpu.memory_space<semaphore_mem>>) src(%arg17 : memref<128x128xf32, #tpu.memory_space<vmem>>) dst(%dma_wait3A_120 : memref<5136x128xf32, #tpu.memory_space<vmem_shared>>)
              tpu.yield
            }) : () -> ()
            %while3A_114 = arith.constant 0 : i32
            scf.yield %while3A_114 : i32
          }
          %while3A_75 = arith.constant 1 : i32
          %while3A_76 = scf.for %while3A_86 = %while3A_72 to %while3A_68 step %while3A_75 iter_args(%while3A_87 = %while3A_74) -> (i32)  : i32 {
            %mul3A_88 = arith.constant 128 : i32
            %mul3A_89 = arith.muli %while3A_86, %mul3A_88 : i32
            %scan3A_90 = arith.constant 0 : i32
            %scan3A_91 = arith.constant 0 : i32
            %scan3A_92 = arith.constant 8 : i32
            %scan3A_93 = arith.addi %scan3A_91, %scan3A_92 : i32
            %scan3A_94 = arith.constant 1 : i32
            %scan3A_95 = scf.for %scan3A_115 = %scan3A_91 to %scan3A_93 step %scan3A_94 iter_args(%scan3A_116 = %scan3A_90) -> (i32)  : i32 {
              %mul3A_117 = arith.constant 16 : i32
              %mul3A_118 = arith.muli %scan3A_115, %mul3A_117 : i32
              %add3A_119 = arith.addi %mul3A_89, %mul3A_118 : i32
              %get3A_120 = arith.index_cast %add3A_119 : i32 to index
              %get3A_121 = tpu.vector_load %arg10[%get3A_120] {strides = array<i32>} : memref<10240xi32, #tpu.memory_space<vmem>>, vector<16xi32>,
              %mul3A_122 = arith.constant 16 : i32
              %mul3A_123 = arith.muli %scan3A_115, %mul3A_122 : i32
              %swap3A_124 = arith.index_cast %mul3A_123 : i32 to index
              %swap3A_125 = tpu.vector_load %arg13[%swap3A_124] {strides = array<i32>} : memref<128xi32, #tpu.memory_space<vmem>>, vector<16xi32>,
              tpu.vector_store %arg13[%swap3A_124], %get3A_121 {strides = array<i32>} : memref<128xi32, #tpu.memory_space<vmem>>, vector<16xi32>,
              %mul3A_126 = arith.constant 16 : i32
              %mul3A_127 = arith.muli %scan3A_115, %mul3A_126 : i32
              %add3A_128 = arith.addi %mul3A_89, %mul3A_127 : i32
              %get3A_129 = arith.index_cast %add3A_128 : i32 to index
              %get3A_130 = tpu.vector_load %arg11[%get3A_129] {strides = array<i32>} : memref<10240xi32, #tpu.memory_space<vmem>>, vector<16xi32>,
              %mul3A_131 = arith.constant 16 : i32
              %mul3A_132 = arith.muli %scan3A_115, %mul3A_131 : i32
              %swap3A_133 = arith.index_cast %mul3A_132 : i32 to index
              %swap3A_134 = tpu.vector_load %arg14[%swap3A_133] {strides = array<i32>} : memref<128xi32, #tpu.memory_space<vmem>>, vector<16xi32>,
              tpu.vector_store %arg14[%swap3A_133], %get3A_130 {strides = array<i32>} : memref<128xi32, #tpu.memory_space<vmem>>, vector<16xi32>,
              %mul3A_135 = arith.constant 16 : i32
              %mul3A_136 = arith.muli %scan3A_115, %mul3A_135 : i32
              %add3A_137 = arith.addi %mul3A_89, %mul3A_136 : i32
              %get3A_138 = arith.index_cast %add3A_137 : i32 to index
              %get3A_139 = tpu.vector_load %arg12[%get3A_138] {strides = array<i32>} : memref<10240xi32, #tpu.memory_space<vmem>>, vector<16xi32>,
              %mul3A_140 = arith.constant 16 : i32
              %mul3A_141 = arith.muli %scan3A_115, %mul3A_140 : i32
              %swap3A_142 = arith.index_cast %mul3A_141 : i32 to index
              %swap3A_143 = tpu.vector_load %arg15[%swap3A_142] {strides = array<i32>} : memref<128xi32, #tpu.memory_space<vmem>>, vector<16xi32>,
              tpu.vector_store %arg15[%swap3A_142], %get3A_139 {strides = array<i32>} : memref<128xi32, #tpu.memory_space<vmem>>, vector<16xi32>,
              %scan3A_144 = arith.constant 0 : i32
              scf.yield %scan3A_144 : i32
            }
            %scan3A_96 = arith.constant 8 : i32
            %dma_start3A = arith.constant 0 : i32
            %dma_start3A_97 = arith.constant 0 : i32
            %dma_start3A_98 = tpu.memref_slice %arg2[%dma_start3A, %dma_start3A_97] : memref<50000x128xf32, #tpu.memory_space<hbm>> -> memref<50000x128xf32, #tpu.memory_space<hbm>>
            tpu.enqueue_indirect_dma source(%dma_start3A_98 : memref<50000x128xf32, #tpu.memory_space<hbm>>) target(%arg17 : memref<128x128xf32, #tpu.memory_space<vmem>>) offsets(%arg13 : memref<128xi32, #tpu.memory_space<vmem>>) semaphore(%arg21 : memref<!tpu.dma_semaphore, #tpu.memory_space<semaphore_mem>>)
            %dma_start3A_99 = arith.constant 0 : i32
            %dma_start3A_100 = arith.constant 0 : i32
            %dma_start3A_101 = tpu.memref_slice %arg3[%dma_start3A_99, %dma_start3A_100] : memref<800000x128xf32, #tpu.memory_space<hbm>> -> memref<800000x128xf32, #tpu.memory_space<hbm>>
            tpu.enqueue_indirect_dma source(%dma_start3A_101 : memref<800000x128xf32, #tpu.memory_space<hbm>>) target(%arg18 : memref<128x128xf32, #tpu.memory_space<vmem>>) offsets(%arg14 : memref<128xi32, #tpu.memory_space<vmem>>) semaphore(%arg22 : memref<!tpu.dma_semaphore, #tpu.memory_space<semaphore_mem>>)
            %dma_wait3A = arith.constant 0 : i32
            %dma_wait3A_102 = arith.constant 0 : i32
            %dma_wait3A_103 = tpu.memref_slice %arg2[%dma_wait3A, %dma_wait3A_102] : memref<50000x128xf32, #tpu.memory_space<hbm>> -> memref<50000x128xf32, #tpu.memory_space<hbm>>
            tpu.wait_indirect_dma semaphore(%arg21 : memref<!tpu.dma_semaphore, #tpu.memory_space<semaphore_mem>>) src(%dma_wait3A_103 : memref<50000x128xf32, #tpu.memory_space<hbm>>) dst(%arg17 : memref<128x128xf32, #tpu.memory_space<vmem>>)
            %dma_wait3A_104 = arith.constant 0 : i32
            %dma_wait3A_105 = arith.constant 0 : i32
            %dma_wait3A_106 = tpu.memref_slice %arg3[%dma_wait3A_104, %dma_wait3A_105] : memref<800000x128xf32, #tpu.memory_space<hbm>> -> memref<800000x128xf32, #tpu.memory_space<hbm>>
            tpu.wait_indirect_dma semaphore(%arg22 : memref<!tpu.dma_semaphore, #tpu.memory_space<semaphore_mem>>) src(%dma_wait3A_106 : memref<800000x128xf32, #tpu.memory_space<hbm>>) dst(%arg18 : memref<128x128xf32, #tpu.memory_space<vmem>>)
            %scan3A_107 = arith.constant 0 : i32
            %scan3A_108 = arith.constant 0 : i32
            %scan3A_109 = arith.constant 128 : i32
            %scan3A_110 = arith.addi %scan3A_108, %scan3A_109 : i32
            %scan3A_111 = arith.constant 1 : i32
            %scan3A_112 = scf.for %scan3A_115 = %scan3A_108 to %scan3A_110 step %scan3A_111 iter_args(%scan3A_116 = %scan3A_107) -> (i32)  : i32 {
              %get3A_117 = arith.index_cast %scan3A_115 : i32 to index
              %get3A_118 = arith.constant 0 : index
              %get3A_119 = tpu.vector_load %arg17[%get3A_117, %get3A_118] {strides = array<i32>} : memref<128x128xf32, #tpu.memory_space<vmem>>, vector<16xf32>,
              %get3A_120 = arith.index_cast %scan3A_115 : i32 to index
              %get3A_121 = arith.constant 0 : index
              %get3A_122 = tpu.vector_load %arg18[%get3A_120, %get3A_121] {strides = array<i32>} : memref<128x128xf32, #tpu.memory_space<vmem>>, vector<16xf32>,
              %add3A_123 = arith.addf %get3A_119, %get3A_122 : vector<16xf32>
              %max3A = arith.constant 0.000000e+00 : f32
              %max3A_124 = vector.broadcast %max3A : f32 to vector<16xf32>
              %max3A_125 = arith.maximumf %add3A_123, %max3A_124 : vector<16xf32>
              %swap3A_126 = arith.index_cast %scan3A_115 : i32 to index
              %swap3A_127 = arith.constant 0 : index
              %swap3A_128 = tpu.vector_load %arg17[%swap3A_126, %swap3A_127] {strides = array<i32>} : memref<128x128xf32, #tpu.memory_space<vmem>>, vector<16xf32>,
              tpu.vector_store %arg17[%swap3A_126, %swap3A_127], %max3A_125 {strides = array<i32>} : memref<128x128xf32, #tpu.memory_space<vmem>>, vector<16xf32>,
              %get3A_129 = arith.index_cast %scan3A_115 : i32 to index
              %get3A_130 = arith.constant 16 : index
              %get3A_131 = tpu.vector_load %arg17[%get3A_129, %get3A_130] {strides = array<i32>} : memref<128x128xf32, #tpu.memory_space<vmem>>, vector<16xf32>,
              %get3A_132 = arith.index_cast %scan3A_115 : i32 to index
              %get3A_133 = arith.constant 16 : index
              %get3A_134 = tpu.vector_load %arg18[%get3A_132, %get3A_133] {strides = array<i32>} : memref<128x128xf32, #tpu.memory_space<vmem>>, vector<16xf32>,
              %add3A_135 = arith.addf %get3A_131, %get3A_134 : vector<16xf32>
              %max3A_136 = arith.constant 0.000000e+00 : f32
              %max3A_137 = vector.broadcast %max3A_136 : f32 to vector<16xf32>
              %max3A_138 = arith.maximumf %add3A_135, %max3A_137 : vector<16xf32>
              %swap3A_139 = arith.index_cast %scan3A_115 : i32 to index
              %swap3A_140 = arith.constant 16 : index
              %swap3A_141 = tpu.vector_load %arg17[%swap3A_139, %swap3A_140] {strides = array<i32>} : memref<128x128xf32, #tpu.memory_space<vmem>>, vector<16xf32>,
              tpu.vector_store %arg17[%swap3A_139, %swap3A_140], %max3A_138 {strides = array<i32>} : memref<128x128xf32, #tpu.memory_space<vmem>>, vector<16xf32>,
              %get3A_142 = arith.index_cast %scan3A_115 : i32 to index
              %get3A_143 = arith.constant 32 : index
              %get3A_144 = tpu.vector_load %arg17[%get3A_142, %get3A_143] {strides = array<i32>} : memref<128x128xf32, #tpu.memory_space<vmem>>, vector<16xf32>,
              %get3A_145 = arith.index_cast %scan3A_115 : i32 to index
              %get3A_146 = arith.constant 32 : index
              %get3A_147 = tpu.vector_load %arg18[%get3A_145, %get3A_146] {strides = array<i32>} : memref<128x128xf32, #tpu.memory_space<vmem>>, vector<16xf32>,
              %add3A_148 = arith.addf %get3A_144, %get3A_147 : vector<16xf32>
              %max3A_149 = arith.constant 0.000000e+00 : f32
              %max3A_150 = vector.broadcast %max3A_149 : f32 to vector<16xf32>
              %max3A_151 = arith.maximumf %add3A_148, %max3A_150 : vector<16xf32>
              %swap3A_152 = arith.index_cast %scan3A_115 : i32 to index
              %swap3A_153 = arith.constant 32 : index
              %swap3A_154 = tpu.vector_load %arg17[%swap3A_152, %swap3A_153] {strides = array<i32>} : memref<128x128xf32, #tpu.memory_space<vmem>>, vector<16xf32>,
              tpu.vector_store %arg17[%swap3A_152, %swap3A_153], %max3A_151 {strides = array<i32>} : memref<128x128xf32, #tpu.memory_space<vmem>>, vector<16xf32>,
              %get3A_155 = arith.index_cast %scan3A_115 : i32 to index
              %get3A_156 = arith.constant 48 : index
              %get3A_157 = tpu.vector_load %arg17[%get3A_155, %get3A_156] {strides = array<i32>} : memref<128x128xf32, #tpu.memory_space<vmem>>, vector<16xf32>,
              %get3A_158 = arith.index_cast %scan3A_115 : i32 to index
              %get3A_159 = arith.constant 48 : index
              %get3A_160 = tpu.vector_load %arg18[%get3A_158, %get3A_159] {strides = array<i32>} : memref<128x128xf32, #tpu.memory_space<vmem>>, vector<16xf32>,
              %add3A_161 = arith.addf %get3A_157, %get3A_160 : vector<16xf32>
              %max3A_162 = arith.constant 0.000000e+00 : f32
              %max3A_163 = vector.broadcast %max3A_162 : f32 to vector<16xf32>
              %max3A_164 = arith.maximumf %add3A_161, %max3A_163 : vector<16xf32>
              %swap3A_165 = arith.index_cast %scan3A_115 : i32 to index
              %swap3A_166 = arith.constant 48 : index
              %swap3A_167 = tpu.vector_load %arg17[%swap3A_165, %swap3A_166] {strides = array<i32>} : memref<128x128xf32, #tpu.memory_space<vmem>>, vector<16xf32>,
              tpu.vector_store %arg17[%swap3A_165, %swap3A_166], %max3A_164 {strides = array<i32>} : memref<128x128xf32, #tpu.memory_space<vmem>>, vector<16xf32>,
              %get3A_168 = arith.index_cast %scan3A_115 : i32 to index
              %get3A_169 = arith.constant 64 : index
              %get3A_170 = tpu.vector_load %arg17[%get3A_168, %get3A_169] {strides = array<i32>} : memref<128x128xf32, #tpu.memory_space<vmem>>, vector<16xf32>,
              %get3A_171 = arith.index_cast %scan3A_115 : i32 to index
              %get3A_172 = arith.constant 64 : index
              %get3A_173 = tpu.vector_load %arg18[%get3A_171, %get3A_172] {strides = array<i32>} : memref<128x128xf32, #tpu.memory_space<vmem>>, vector<16xf32>,
              %add3A_174 = arith.addf %get3A_170, %get3A_173 : vector<16xf32>
              %max3A_175 = arith.constant 0.000000e+00 : f32
              %max3A_176 = vector.broadcast %max3A_175 : f32 to vector<16xf32>
              %max3A_177 = arith.maximumf %add3A_174, %max3A_176 : vector<16xf32>
              %swap3A_178 = arith.index_cast %scan3A_115 : i32 to index
              %swap3A_179 = arith.constant 64 : index
              %swap3A_180 = tpu.vector_load %arg17[%swap3A_178, %swap3A_179] {strides = array<i32>} : memref<128x128xf32, #tpu.memory_space<vmem>>, vector<16xf32>,
              tpu.vector_store %arg17[%swap3A_178, %swap3A_179], %max3A_177 {strides = array<i32>} : memref<128x128xf32, #tpu.memory_space<vmem>>, vector<16xf32>,
              %get3A_181 = arith.index_cast %scan3A_115 : i32 to index
              %get3A_182 = arith.constant 80 : index
              %get3A_183 = tpu.vector_load %arg17[%get3A_181, %get3A_182] {strides = array<i32>} : memref<128x128xf32, #tpu.memory_space<vmem>>, vector<16xf32>,
              %get3A_184 = arith.index_cast %scan3A_115 : i32 to index
              %get3A_185 = arith.constant 80 : index
              %get3A_186 = tpu.vector_load %arg18[%get3A_184, %get3A_185] {strides = array<i32>} : memref<128x128xf32, #tpu.memory_space<vmem>>, vector<16xf32>,
              %add3A_187 = arith.addf %get3A_183, %get3A_186 : vector<16xf32>
              %max3A_188 = arith.constant 0.000000e+00 : f32
              %max3A_189 = vector.broadcast %max3A_188 : f32 to vector<16xf32>
              %max3A_190 = arith.maximumf %add3A_187, %max3A_189 : vector<16xf32>
              %swap3A_191 = arith.index_cast %scan3A_115 : i32 to index
              %swap3A_192 = arith.constant 80 : index
              %swap3A_193 = tpu.vector_load %arg17[%swap3A_191, %swap3A_192] {strides = array<i32>} : memref<128x128xf32, #tpu.memory_space<vmem>>, vector<16xf32>,
              tpu.vector_store %arg17[%swap3A_191, %swap3A_192], %max3A_190 {strides = array<i32>} : memref<128x128xf32, #tpu.memory_space<vmem>>, vector<16xf32>,
              %get3A_194 = arith.index_cast %scan3A_115 : i32 to index
              %get3A_195 = arith.constant 96 : index
              %get3A_196 = tpu.vector_load %arg17[%get3A_194, %get3A_195] {strides = array<i32>} : memref<128x128xf32, #tpu.memory_space<vmem>>, vector<16xf32>,
              %get3A_197 = arith.index_cast %scan3A_115 : i32 to index
              %get3A_198 = arith.constant 96 : index
              %get3A_199 = tpu.vector_load %arg18[%get3A_197, %get3A_198] {strides = array<i32>} : memref<128x128xf32, #tpu.memory_space<vmem>>, vector<16xf32>,
              %add3A_200 = arith.addf %get3A_196, %get3A_199 : vector<16xf32>
              %max3A_201 = arith.constant 0.000000e+00 : f32
              %max3A_202 = vector.broadcast %max3A_201 : f32 to vector<16xf32>
              %max3A_203 = arith.maximumf %add3A_200, %max3A_202 : vector<16xf32>
              %swap3A_204 = arith.index_cast %scan3A_115 : i32 to index
              %swap3A_205 = arith.constant 96 : index
              %swap3A_206 = tpu.vector_load %arg17[%swap3A_204, %swap3A_205] {strides = array<i32>} : memref<128x128xf32, #tpu.memory_space<vmem>>, vector<16xf32>,
              tpu.vector_store %arg17[%swap3A_204, %swap3A_205], %max3A_203 {strides = array<i32>} : memref<128x128xf32, #tpu.memory_space<vmem>>, vector<16xf32>,
              %get3A_207 = arith.index_cast %scan3A_115 : i32 to index
              %get3A_208 = arith.constant 112 : index
              %get3A_209 = tpu.vector_load %arg17[%get3A_207, %get3A_208] {strides = array<i32>} : memref<128x128xf32, #tpu.memory_space<vmem>>, vector<16xf32>,
              %get3A_210 = arith.index_cast %scan3A_115 : i32 to index
              %get3A_211 = arith.constant 112 : index
              %get3A_212 = tpu.vector_load %arg18[%get3A_210, %get3A_211] {strides = array<i32>} : memref<128x128xf32, #tpu.memory_space<vmem>>, vector<16xf32>,
              %add3A_213 = arith.addf %get3A_209, %get3A_212 : vector<16xf32>
              %max3A_214 = arith.constant 0.000000e+00 : f32
              %max3A_215 = vector.broadcast %max3A_214 : f32 to vector<16xf32>
              %max3A_216 = arith.maximumf %add3A_213, %max3A_215 : vector<16xf32>
              %swap3A_217 = arith.index_cast %scan3A_115 : i32 to index
              %swap3A_218 = arith.constant 112 : index
              %swap3A_219 = tpu.vector_load %arg17[%swap3A_217, %swap3A_218] {strides = array<i32>} : memref<128x128xf32, #tpu.memory_space<vmem>>, vector<16xf32>,
              tpu.vector_store %arg17[%swap3A_217, %swap3A_218], %max3A_216 {strides = array<i32>} : memref<128x128xf32, #tpu.memory_space<vmem>>, vector<16xf32>,
              %scan3A_220 = arith.constant 0 : i32
              scf.yield %scan3A_220 : i32
            }
            %scan3A_113 = arith.constant 128 : i32
            "tpu.region"() ({
              %run_scoped3A = tpu.sem_alloc : memref<!tpu.dma_semaphore, #tpu.memory_space<semaphore_mem>>
              %dma_start3A_115 = arith.constant 0 : i32
              %dma_start3A_116 = arith.constant 0 : i32
              %dma_start3A_117 = tpu.memref_slice %arg7[%dma_start3A_115, %dma_start3A_116] : memref<5136x128xf32, #tpu.memory_space<vmem_shared>> -> memref<5136x128xf32, #tpu.memory_space<vmem_shared>>
              tpu.enqueue_indirect_dma source(%arg17 : memref<128x128xf32, #tpu.memory_space<vmem>>) target(%dma_start3A_117 : memref<5136x128xf32, #tpu.memory_space<vmem_shared>>) offsets(%arg15 : memref<128xi32, #tpu.memory_space<vmem>>) semaphore(%run_scoped3A : memref<!tpu.dma_semaphore, #tpu.memory_space<semaphore_mem>>) {add = true}
              %dma_wait3A_118 = arith.constant 0 : i32
              %dma_wait3A_119 = arith.constant 0 : i32
              %dma_wait3A_120 = tpu.memref_slice %arg7[%dma_wait3A_118, %dma_wait3A_119] : memref<5136x128xf32, #tpu.memory_space<vmem_shared>> -> memref<5136x128xf32, #tpu.memory_space<vmem_shared>>
              tpu.wait_indirect_dma semaphore(%run_scoped3A : memref<!tpu.dma_semaphore, #tpu.memory_space<semaphore_mem>>) src(%arg17 : memref<128x128xf32, #tpu.memory_space<vmem>>) dst(%dma_wait3A_120 : memref<5136x128xf32, #tpu.memory_space<vmem_shared>>)
              tpu.yield
            }) : () -> ()
            %while3A_114 = arith.constant 0 : i32
            scf.yield %while3A_114 : i32
          }
          %gt3A = arith.constant 0 : i32
          %gt3A_77 = arith.cmpi sgt, %select_n3A, %gt3A : i32
          %convert_element_type3A_78 = arith.extui %gt3A_77 : i1 to i32
          %cond3A_79 = arith.constant 0 : i32
          %cond3A_80 = arith.cmpi ne, %convert_element_type3A_78, %cond3A_79 : i32
          scf.if %cond3A_80 {
            %mul3A_86 = arith.constant 128 : i32
            %mul3A_87 = arith.muli %select_n3A, %mul3A_86 : i32
            %scan3A_88 = arith.constant 0 : i32
            %scan3A_89 = arith.constant 0 : i32
            %scan3A_90 = arith.constant 8 : i32
            %scan3A_91 = arith.addi %scan3A_89, %scan3A_90 : i32
            %scan3A_92 = arith.constant 1 : i32
            %scan3A_93 = scf.for %scan3A_95 = %scan3A_89 to %scan3A_91 step %scan3A_92 iter_args(%scan3A_96 = %scan3A_88) -> (i32)  : i32 {
              %mul3A_97 = arith.constant 16 : i32
              %mul3A_98 = arith.muli %scan3A_95, %mul3A_97 : i32
              %add3A_99 = arith.addi %mul3A_87, %mul3A_98 : i32
              %get3A_100 = arith.index_cast %add3A_99 : i32 to index
              %get3A_101 = tpu.vector_load %arg10[%get3A_100] {strides = array<i32>} : memref<10240xi32, #tpu.memory_space<vmem>>, vector<16xi32>,
              %mul3A_102 = arith.constant 16 : i32
              %mul3A_103 = arith.muli %scan3A_95, %mul3A_102 : i32
              %swap3A_104 = arith.index_cast %mul3A_103 : i32 to index
              %swap3A_105 = tpu.vector_load %arg10[%swap3A_104] {strides = array<i32>} : memref<10240xi32, #tpu.memory_space<vmem>>, vector<16xi32>,
              tpu.vector_store %arg10[%swap3A_104], %get3A_101 {strides = array<i32>} : memref<10240xi32, #tpu.memory_space<vmem>>, vector<16xi32>,
              %mul3A_106 = arith.constant 16 : i32
              %mul3A_107 = arith.muli %scan3A_95, %mul3A_106 : i32
              %add3A_108 = arith.addi %mul3A_87, %mul3A_107 : i32
              %get3A_109 = arith.index_cast %add3A_108 : i32 to index
              %get3A_110 = tpu.vector_load %arg11[%get3A_109] {strides = array<i32>} : memref<10240xi32, #tpu.memory_space<vmem>>, vector<16xi32>,
              %mul3A_111 = arith.constant 16 : i32
              %mul3A_112 = arith.muli %scan3A_95, %mul3A_111 : i32
              %swap3A_113 = arith.index_cast %mul3A_112 : i32 to index
              %swap3A_114 = tpu.vector_load %arg11[%swap3A_113] {strides = array<i32>} : memref<10240xi32, #tpu.memory_space<vmem>>, vector<16xi32>,
              tpu.vector_store %arg11[%swap3A_113], %get3A_110 {strides = array<i32>} : memref<10240xi32, #tpu.memory_space<vmem>>, vector<16xi32>,
              %mul3A_115 = arith.constant 16 : i32
              %mul3A_116 = arith.muli %scan3A_95, %mul3A_115 : i32
              %add3A_117 = arith.addi %mul3A_87, %mul3A_116 : i32
              %get3A_118 = arith.index_cast %add3A_117 : i32 to index
              %get3A_119 = tpu.vector_load %arg12[%get3A_118] {strides = array<i32>} : memref<10240xi32, #tpu.memory_space<vmem>>, vector<16xi32>,
              %mul3A_120 = arith.constant 16 : i32
              %mul3A_121 = arith.muli %scan3A_95, %mul3A_120 : i32
              %swap3A_122 = arith.index_cast %mul3A_121 : i32 to index
              %swap3A_123 = tpu.vector_load %arg12[%swap3A_122] {strides = array<i32>} : memref<10240xi32, #tpu.memory_space<vmem>>, vector<16xi32>,
              tpu.vector_store %arg12[%swap3A_122], %get3A_119 {strides = array<i32>} : memref<10240xi32, #tpu.memory_space<vmem>>, vector<16xi32>,
              %scan3A_124 = arith.constant 0 : i32
              scf.yield %scan3A_124 : i32
            }
            %scan3A_94 = arith.constant 8 : i32
          } else {
          }
          %mul3A_81 = arith.constant 128 : i32
          %mul3A_82 = arith.muli %select_n3A, %mul3A_81 : i32
          %sub3A_83 = arith.subi %squeeze3A, %mul3A_82 : i32
          %add3A_84 = vector.broadcast %sub3A_83 : i32 to vector<16xi32>
          %add3A_85 = arith.addi %broadcast_in_dim3A_1, %add3A_84 : vector<16xi32>
          scf.yield %add3A_85 : vector<16xi32>
        }
        %scan3A_39 = arith.constant 6 : i32
      } else {
      }
      %barrier3A_28 = arith.constant 0 : index
      tpu.barrier barrier_id(%barrier3A_28)
      %convert_element_type3A_29 = arith.extui %lt3A_23 : i1 to i32
      %cond3A_30 = arith.constant 0 : i32
      %cond3A_31 = arith.cmpi ne, %convert_element_type3A_29, %cond3A_30 : i32
      scf.if %cond3A_31 {
        %scan3A_34 = arith.constant 0 : i32
        %scan3A_35 = arith.constant 0 : i32
        %scan3A_36 = arith.constant 10 : i32
        %scan3A_37 = arith.addi %scan3A_35, %scan3A_36 : i32
        %scan3A_38 = arith.constant 1 : i32
        %scan3A_39 = scf.for %scan3A_41 = %scan3A_35 to %scan3A_37 step %scan3A_38 iter_args(%scan3A_42 = %scan3A_34) -> (i32)  : i32 {
          %mul3A_43 = arith.constant 32 : i32
          %mul3A_44 = arith.muli %scan3A_41, %mul3A_43 : i32
          %add3A_45 = arith.addi %mul3A_0, %mul3A_44 : i32
          %add3A_46 = arith.addi %mul3A_20, %mul3A_0 : i32
          %mul3A_47 = arith.constant 32 : i32
          %mul3A_48 = arith.muli %scan3A_41, %mul3A_47 : i32
          %add3A_49 = arith.addi %add3A_46, %mul3A_48 : i32
          "tpu.region"() ({
            %run_scoped3A = tpu.sem_alloc : memref<!tpu.dma_semaphore, #tpu.memory_space<semaphore_mem>>
            %dma_start3A = arith.constant 0 : i32
            %dma_start3A_51 = tpu.memref_slice %arg6[%add3A_49, %dma_start3A] : memref<51200x128xf32, #tpu.memory_space<hbm>> -> memref<32x128xf32, #tpu.memory_space<hbm>>
            %dma_start3A_52 = arith.constant 0 : i32
            %dma_start3A_53 = tpu.memref_slice %arg7[%add3A_45, %dma_start3A_52] : memref<5136x128xf32, #tpu.memory_space<vmem_shared>> -> memref<32x128xf32, #tpu.memory_space<vmem_shared>>
            tpu.enqueue_dma source(%dma_start3A_53 : memref<32x128xf32, #tpu.memory_space<vmem_shared>>) target(%dma_start3A_51 : memref<32x128xf32, #tpu.memory_space<hbm>>) target_semaphore(%run_scoped3A : memref<!tpu.dma_semaphore, #tpu.memory_space<semaphore_mem>>)
            %dma_wait3A = arith.constant 0 : i32
            %dma_wait3A_54 = tpu.memref_slice %arg6[%add3A_49, %dma_wait3A] : memref<51200x128xf32, #tpu.memory_space<hbm>> -> memref<32x128xf32, #tpu.memory_space<hbm>>
            %dma_wait3A_55 = arith.constant 0 : i32
            %dma_wait3A_56 = tpu.memref_slice %arg7[%add3A_45, %dma_wait3A_55] : memref<5136x128xf32, #tpu.memory_space<vmem_shared>> -> memref<32x128xf32, #tpu.memory_space<vmem_shared>>
            tpu.wait_dma2 semaphore(%run_scoped3A : memref<!tpu.dma_semaphore, #tpu.memory_space<semaphore_mem>>) src(%dma_wait3A_56 : memref<32x128xf32, #tpu.memory_space<vmem_shared>>) dst(%dma_wait3A_54 : memref<32x128xf32, #tpu.memory_space<hbm>>)
            tpu.yield
          }) : () -> ()
          %scan3A_50 = arith.constant 0 : i32
          scf.yield %scan3A_50 : i32
        }
        %scan3A_40 = arith.constant 10 : i32
      } else {
      }
      %barrier3A_32 = arith.constant 0 : index
      tpu.barrier barrier_id(%barrier3A_32)
      %scan3A_33 = arith.constant 0 : i32
      scf.yield %scan3A_33 : i32
    }
    %scan3A_14 = arith.constant 5 : i32
    return
  }
}

#map = affine_map<(d0, d1) -> (0, 0)>
#map1 = affine_map<(d0, d1) -> (0)>
module attributes {stable_mosaic.version = 14 : i64} {
  func.func @_sc_edge(%arg0: i32, %arg1: i32, %arg2: memref<50000x128xf32, #tpu.memory_space<hbm>>, %arg3: memref<800000x128xf32, #tpu.memory_space<hbm>>, %arg4: memref<800000xi32, #tpu.memory_space<hbm>>, %arg5: memref<800000xi32, #tpu.memory_space<hbm>>, %arg6: memref<51200x128xf32, #tpu.memory_space<hbm>>, %arg7: memref<5136x128xf32, #tpu.memory_space<vmem_shared>>, %arg8: memref<10000xi32, #tpu.memory_space<vmem>>, %arg9: memref<10000xi32, #tpu.memory_space<vmem>>, %arg10: memref<10240xi32, #tpu.memory_space<vmem>>, %arg11: memref<10240xi32, #tpu.memory_space<vmem>>, %arg12: memref<10240xi32, #tpu.memory_space<vmem>>, %arg13: memref<128xi32, #tpu.memory_space<vmem>>, %arg14: memref<128xi32, #tpu.memory_space<vmem>>, %arg15: memref<128xi32, #tpu.memory_space<vmem>>, %arg16: memref<16xi32, #tpu.memory_space<vmem>>, %arg17: memref<128x128xf32, #tpu.memory_space<vmem>>, %arg18: memref<128x128xf32, #tpu.memory_space<vmem>>, %arg19: memref<32x128xf32, #tpu.memory_space<vmem>>, %arg20: memref<32x128xf32, #tpu.memory_space<vmem>>, %arg21: memref<!tpu.dma_semaphore, #tpu.memory_space<semaphore_mem>>, %arg22: memref<!tpu.dma_semaphore, #tpu.memory_space<semaphore_mem>>) attributes {dimension_semantics = [#tpu.dimension_semantics<core_parallel>, #tpu.dimension_semantics<subcore_parallel>], iteration_bounds = array<i64: 2, 16>, scalar_prefetch = 0 : i64, scratch_operands = 16 : i64, tpu.core_type = #tpu.core_type<sc_vector_subcore>, window_params = [{transform_indices = #map}, {transform_indices = #map}, {transform_indices = #map1}, {transform_indices = #map1}, {transform_indices = #map}]} {
    %mul3A = arith.constant 320 : i32
    %mul3A_0 = arith.muli %arg1, %mul3A : i32
    %broadcast_in_dim3A = arith.constant 0 : i32
    %broadcast_in_dim3A_1 = vector.broadcast %broadcast_in_dim3A : i32 to vector<16xi32>
    %scan3A = arith.constant 0 : i32
    %scan3A_2 = arith.constant 0 : i32
    %scan3A_3 = arith.constant 32 : i32
    %scan3A_4 = arith.addi %scan3A_2, %scan3A_3 : i32
    %scan3A_5 = arith.constant 1 : i32
    %scan3A_6 = scf.for %scan3A_15 = %scan3A_2 to %scan3A_4 step %scan3A_5 iter_args(%scan3A_16 = %scan3A) -> (i32)  : i32 {
      %broadcast_in_dim3A_17 = arith.constant 0.000000e+00 : f32
      %broadcast_in_dim3A_18 = vector.broadcast %broadcast_in_dim3A_17 : f32 to vector<16xf32>
      %swap3A = arith.index_cast %scan3A_15 : i32 to index
      %swap3A_19 = arith.constant 0 : index
      %swap3A_20 = tpu.vector_load %arg19[%swap3A, %swap3A_19] {strides = array<i32>} : memref<32x128xf32, #tpu.memory_space<vmem>>, vector<16xf32>,
      tpu.vector_store %arg19[%swap3A, %swap3A_19], %broadcast_in_dim3A_18 {strides = array<i32>} : memref<32x128xf32, #tpu.memory_space<vmem>>, vector<16xf32>,
      %broadcast_in_dim3A_21 = arith.constant 0.000000e+00 : f32
      %broadcast_in_dim3A_22 = vector.broadcast %broadcast_in_dim3A_21 : f32 to vector<16xf32>
      %swap3A_23 = arith.index_cast %scan3A_15 : i32 to index
      %swap3A_24 = arith.constant 16 : index
      %swap3A_25 = tpu.vector_load %arg19[%swap3A_23, %swap3A_24] {strides = array<i32>} : memref<32x128xf32, #tpu.memory_space<vmem>>, vector<16xf32>,
      tpu.vector_store %arg19[%swap3A_23, %swap3A_24], %broadcast_in_dim3A_22 {strides = array<i32>} : memref<32x128xf32, #tpu.memory_space<vmem>>, vector<16xf32>,
      %broadcast_in_dim3A_26 = arith.constant 0.000000e+00 : f32
      %broadcast_in_dim3A_27 = vector.broadcast %broadcast_in_dim3A_26 : f32 to vector<16xf32>
      %swap3A_28 = arith.index_cast %scan3A_15 : i32 to index
      %swap3A_29 = arith.constant 32 : index
      %swap3A_30 = tpu.vector_load %arg19[%swap3A_28, %swap3A_29] {strides = array<i32>} : memref<32x128xf32, #tpu.memory_space<vmem>>, vector<16xf32>,
      tpu.vector_store %arg19[%swap3A_28, %swap3A_29], %broadcast_in_dim3A_27 {strides = array<i32>} : memref<32x128xf32, #tpu.memory_space<vmem>>, vector<16xf32>,
      %broadcast_in_dim3A_31 = arith.constant 0.000000e+00 : f32
      %broadcast_in_dim3A_32 = vector.broadcast %broadcast_in_dim3A_31 : f32 to vector<16xf32>
      %swap3A_33 = arith.index_cast %scan3A_15 : i32 to index
      %swap3A_34 = arith.constant 48 : index
      %swap3A_35 = tpu.vector_load %arg19[%swap3A_33, %swap3A_34] {strides = array<i32>} : memref<32x128xf32, #tpu.memory_space<vmem>>, vector<16xf32>,
      tpu.vector_store %arg19[%swap3A_33, %swap3A_34], %broadcast_in_dim3A_32 {strides = array<i32>} : memref<32x128xf32, #tpu.memory_space<vmem>>, vector<16xf32>,
      %broadcast_in_dim3A_36 = arith.constant 0.000000e+00 : f32
      %broadcast_in_dim3A_37 = vector.broadcast %broadcast_in_dim3A_36 : f32 to vector<16xf32>
      %swap3A_38 = arith.index_cast %scan3A_15 : i32 to index
      %swap3A_39 = arith.constant 64 : index
      %swap3A_40 = tpu.vector_load %arg19[%swap3A_38, %swap3A_39] {strides = array<i32>} : memref<32x128xf32, #tpu.memory_space<vmem>>, vector<16xf32>,
      tpu.vector_store %arg19[%swap3A_38, %swap3A_39], %broadcast_in_dim3A_37 {strides = array<i32>} : memref<32x128xf32, #tpu.memory_space<vmem>>, vector<16xf32>,
      %broadcast_in_dim3A_41 = arith.constant 0.000000e+00 : f32
      %broadcast_in_dim3A_42 = vector.broadcast %broadcast_in_dim3A_41 : f32 to vector<16xf32>
      %swap3A_43 = arith.index_cast %scan3A_15 : i32 to index
      %swap3A_44 = arith.constant 80 : index
      %swap3A_45 = tpu.vector_load %arg19[%swap3A_43, %swap3A_44] {strides = array<i32>} : memref<32x128xf32, #tpu.memory_space<vmem>>, vector<16xf32>,
      tpu.vector_store %arg19[%swap3A_43, %swap3A_44], %broadcast_in_dim3A_42 {strides = array<i32>} : memref<32x128xf32, #tpu.memory_space<vmem>>, vector<16xf32>,
      %broadcast_in_dim3A_46 = arith.constant 0.000000e+00 : f32
      %broadcast_in_dim3A_47 = vector.broadcast %broadcast_in_dim3A_46 : f32 to vector<16xf32>
      %swap3A_48 = arith.index_cast %scan3A_15 : i32 to index
      %swap3A_49 = arith.constant 96 : index
      %swap3A_50 = tpu.vector_load %arg19[%swap3A_48, %swap3A_49] {strides = array<i32>} : memref<32x128xf32, #tpu.memory_space<vmem>>, vector<16xf32>,
      tpu.vector_store %arg19[%swap3A_48, %swap3A_49], %broadcast_in_dim3A_47 {strides = array<i32>} : memref<32x128xf32, #tpu.memory_space<vmem>>, vector<16xf32>,
      %broadcast_in_dim3A_51 = arith.constant 0.000000e+00 : f32
      %broadcast_in_dim3A_52 = vector.broadcast %broadcast_in_dim3A_51 : f32 to vector<16xf32>
      %swap3A_53 = arith.index_cast %scan3A_15 : i32 to index
      %swap3A_54 = arith.constant 112 : index
      %swap3A_55 = tpu.vector_load %arg19[%swap3A_53, %swap3A_54] {strides = array<i32>} : memref<32x128xf32, #tpu.memory_space<vmem>>, vector<16xf32>,
      tpu.vector_store %arg19[%swap3A_53, %swap3A_54], %broadcast_in_dim3A_52 {strides = array<i32>} : memref<32x128xf32, #tpu.memory_space<vmem>>, vector<16xf32>,
      %scan3A_56 = arith.constant 0 : i32
      scf.yield %scan3A_56 : i32
    }
    %scan3A_7 = arith.constant 32 : i32
    %scan3A_8 = arith.constant 0 : i32
    %scan3A_9 = arith.constant 0 : i32
    %scan3A_10 = arith.constant 5 : i32
    %scan3A_11 = arith.addi %scan3A_9, %scan3A_10 : i32
    %scan3A_12 = arith.constant 1 : i32
    %scan3A_13 = scf.for %scan3A_15 = %scan3A_9 to %scan3A_11 step %scan3A_12 iter_args(%scan3A_16 = %scan3A_8) -> (i32)  : i32 {
      %mul3A_17 = arith.constant 2 : i32
      %mul3A_18 = arith.muli %mul3A_17, %scan3A_15 : i32
      %add3A = arith.addi %arg0, %mul3A_18 : i32
      %mul3A_19 = arith.constant 5120 : i32
      %mul3A_20 = arith.muli %add3A, %mul3A_19 : i32
      %add3A_21 = arith.constant 5120 : i32
      %add3A_22 = arith.addi %mul3A_20, %add3A_21 : i32
      %lt3A = arith.constant 10 : i32
      %lt3A_23 = arith.cmpi slt, %add3A, %lt3A : i32
      %convert_element_type3A = arith.extui %lt3A_23 : i1 to i32
      %cond3A = arith.constant 0 : i32
      %cond3A_24 = arith.cmpi ne, %convert_element_type3A, %cond3A : i32
      scf.if %cond3A_24 {
        %scan3A_34 = arith.constant 0 : i32
        %scan3A_35 = arith.constant 0 : i32
        %scan3A_36 = arith.constant 10 : i32
        %scan3A_37 = arith.addi %scan3A_35, %scan3A_36 : i32
        %scan3A_38 = arith.constant 1 : i32
        %scan3A_39 = scf.for %scan3A_41 = %scan3A_35 to %scan3A_37 step %scan3A_38 iter_args(%scan3A_42 = %scan3A_34) -> (i32)  : i32 {
          %mul3A_43 = arith.constant 32 : i32
          %mul3A_44 = arith.muli %scan3A_41, %mul3A_43 : i32
          %add3A_45 = arith.addi %mul3A_0, %mul3A_44 : i32
          "tpu.region"() ({
            %run_scoped3A = tpu.sem_alloc : memref<!tpu.dma_semaphore, #tpu.memory_space<semaphore_mem>>
            %dma_start3A = arith.constant 0 : i32
            %dma_start3A_47 = tpu.memref_slice %arg7[%add3A_45, %dma_start3A] : memref<5136x128xf32, #tpu.memory_space<vmem_shared>> -> memref<32x128xf32, #tpu.memory_space<vmem_shared>>
            %dma_start3A_48 = arith.constant 0 : i32
            %dma_start3A_49 = tpu.memref_slice %arg7[%add3A_45, %dma_start3A_48] : memref<5136x128xf32, #tpu.memory_space<vmem_shared>> -> memref<32x128xf32, #tpu.memory_space<vmem_shared>>
            tpu.enqueue_dma source(%arg19 : memref<32x128xf32, #tpu.memory_space<vmem>>) target(%dma_start3A_49 : memref<32x128xf32, #tpu.memory_space<vmem_shared>>) target_semaphore(%run_scoped3A : memref<!tpu.dma_semaphore, #tpu.memory_space<semaphore_mem>>)
            %dma_wait3A = arith.constant 0 : i32
            %dma_wait3A_50 = tpu.memref_slice %arg7[%add3A_45, %dma_wait3A] : memref<5136x128xf32, #tpu.memory_space<vmem_shared>> -> memref<32x128xf32, #tpu.memory_space<vmem_shared>>
            %dma_wait3A_51 = arith.constant 0 : i32
            %dma_wait3A_52 = tpu.memref_slice %arg7[%add3A_45, %dma_wait3A_51] : memref<5136x128xf32, #tpu.memory_space<vmem_shared>> -> memref<32x128xf32, #tpu.memory_space<vmem_shared>>
            tpu.wait_dma2 semaphore(%run_scoped3A : memref<!tpu.dma_semaphore, #tpu.memory_space<semaphore_mem>>) src(%arg19 : memref<32x128xf32, #tpu.memory_space<vmem>>) dst(%dma_wait3A_52 : memref<32x128xf32, #tpu.memory_space<vmem_shared>>)
            tpu.yield
          }) : () -> ()
          %scan3A_46 = arith.constant 0 : i32
          scf.yield %scan3A_46 : i32
        }
        %scan3A_40 = arith.constant 10 : i32
      } else {
      }
      %barrier3A = arith.constant 0 : index
      tpu.barrier barrier_id(%barrier3A)
      %convert_element_type3A_25 = arith.extui %lt3A_23 : i1 to i32
      %cond3A_26 = arith.constant 0 : i32
      %cond3A_27 = arith.cmpi ne, %convert_element_type3A_25, %cond3A_26 : i32
      scf.if %cond3A_27 {
        %scan3A_34 = arith.constant 0 : i32
        %scan3A_35 = arith.constant 6 : i32
        %scan3A_36 = arith.addi %scan3A_34, %scan3A_35 : i32
        %scan3A_37 = arith.constant 1 : i32
        %scan3A_38 = scf.for %scan3A_40 = %scan3A_34 to %scan3A_36 step %scan3A_37 iter_args(%scan3A_41 = %broadcast_in_dim3A_1) -> (vector<16xi32>)  : i32 {
          %lt3A_42 = arith.constant 5 : i32
          %lt3A_43 = arith.cmpi slt, %scan3A_40, %lt3A_42 : i32
          %convert_element_type3A_44 = arith.extui %lt3A_43 : i1 to i32
          %cond3A_45 = arith.constant 0 : i32
          %cond3A_46 = arith.cmpi ne, %convert_element_type3A_44, %cond3A_45 : i32
          %cond3A_47 = scf.if %cond3A_46 -> (vector<16xi32>) {
            %mul3A_86 = arith.constant 50000 : i32
            %mul3A_87 = arith.muli %arg1, %mul3A_86 : i32
            %mul3A_88 = arith.constant 10000 : i32
            %mul3A_89 = arith.muli %scan3A_40, %mul3A_88 : i32
            %add3A_90 = arith.addi %mul3A_87, %mul3A_89 : i32
            "tpu.region"() ({
              %run_scoped3A = tpu.sem_alloc : memref<!tpu.dma_semaphore, #tpu.memory_space<semaphore_mem>>
              %dma_start3A = tpu.memref_slice %arg5[%add3A_90] : memref<800000xi32, #tpu.memory_space<hbm>> -> memref<10000xi32, #tpu.memory_space<hbm>>
              %dma_start3A_97 = tpu.memref_slice %arg5[%add3A_90] : memref<800000xi32, #tpu.memory_space<hbm>> -> memref<10000xi32, #tpu.memory_space<hbm>>
              tpu.enqueue_dma source(%dma_start3A_97 : memref<10000xi32, #tpu.memory_space<hbm>>) target(%arg8 : memref<10000xi32, #tpu.memory_space<vmem>>) target_semaphore(%run_scoped3A : memref<!tpu.dma_semaphore, #tpu.memory_space<semaphore_mem>>)
              %dma_wait3A = tpu.memref_slice %arg5[%add3A_90] : memref<800000xi32, #tpu.memory_space<hbm>> -> memref<10000xi32, #tpu.memory_space<hbm>>
              %dma_wait3A_98 = tpu.memref_slice %arg5[%add3A_90] : memref<800000xi32, #tpu.memory_space<hbm>> -> memref<10000xi32, #tpu.memory_space<hbm>>
              tpu.wait_dma2 semaphore(%run_scoped3A : memref<!tpu.dma_semaphore, #tpu.memory_space<semaphore_mem>>) src(%dma_wait3A_98 : memref<10000xi32, #tpu.memory_space<hbm>>) dst(%arg8 : memref<10000xi32, #tpu.memory_space<vmem>>)
              tpu.yield
            }) : () -> ()
            "tpu.region"() ({
              %run_scoped3A = tpu.sem_alloc : memref<!tpu.dma_semaphore, #tpu.memory_space<semaphore_mem>>
              %dma_start3A = tpu.memref_slice %arg4[%add3A_90] : memref<800000xi32, #tpu.memory_space<hbm>> -> memref<10000xi32, #tpu.memory_space<hbm>>
              %dma_start3A_97 = tpu.memref_slice %arg4[%add3A_90] : memref<800000xi32, #tpu.memory_space<hbm>> -> memref<10000xi32, #tpu.memory_space<hbm>>
              tpu.enqueue_dma source(%dma_start3A_97 : memref<10000xi32, #tpu.memory_space<hbm>>) target(%arg9 : memref<10000xi32, #tpu.memory_space<vmem>>) target_semaphore(%run_scoped3A : memref<!tpu.dma_semaphore, #tpu.memory_space<semaphore_mem>>)
              %dma_wait3A = tpu.memref_slice %arg4[%add3A_90] : memref<800000xi32, #tpu.memory_space<hbm>> -> memref<10000xi32, #tpu.memory_space<hbm>>
              %dma_wait3A_98 = tpu.memref_slice %arg4[%add3A_90] : memref<800000xi32, #tpu.memory_space<hbm>> -> memref<10000xi32, #tpu.memory_space<hbm>>
              tpu.wait_dma2 semaphore(%run_scoped3A : memref<!tpu.dma_semaphore, #tpu.memory_space<semaphore_mem>>) src(%dma_wait3A_98 : memref<10000xi32, #tpu.memory_space<hbm>>) dst(%arg9 : memref<10000xi32, #tpu.memory_space<vmem>>)
              tpu.yield
            }) : () -> ()
            %scan3A_91 = arith.constant 0 : i32
            %scan3A_92 = arith.constant 625 : i32
            %scan3A_93 = arith.addi %scan3A_91, %scan3A_92 : i32
            %scan3A_94 = arith.constant 1 : i32
            %scan3A_95 = scf.for %scan3A_97 = %scan3A_91 to %scan3A_93 step %scan3A_94 iter_args(%scan3A_98 = %scan3A_41) -> (vector<16xi32>)  : i32 {
              %mul3A_99 = arith.constant 16 : i32
              %mul3A_100 = arith.muli %scan3A_97, %mul3A_99 : i32
              %get3A_101 = arith.index_cast %mul3A_100 : i32 to index
              %get3A_102 = tpu.vector_load %arg8[%get3A_101] {strides = array<i32>} : memref<10000xi32, #tpu.memory_space<vmem>>, vector<16xi32>,
              %mul3A_103 = arith.constant 16 : i32
              %mul3A_104 = arith.muli %scan3A_97, %mul3A_103 : i32
              %get3A_105 = arith.index_cast %mul3A_104 : i32 to index
              %get3A_106 = tpu.vector_load %arg9[%get3A_105] {strides = array<i32>} : memref<10000xi32, #tpu.memory_space<vmem>>, vector<16xi32>,
              %ge3A = vector.broadcast %mul3A_20 : i32 to vector<16xi32>
              %ge3A_107 = arith.cmpi sge, %get3A_102, %ge3A : vector<16xi32>
              %lt3A_108 = vector.broadcast %add3A_22 : i32 to vector<16xi32>
              %lt3A_109 = arith.cmpi slt, %get3A_102, %lt3A_108 : vector<16xi32>
              %and3A_110 = arith.andi %ge3A_107, %lt3A_109 : vector<16xi1>
              %sub3A_111 = vector.broadcast %mul3A_20 : i32 to vector<16xi32>
              %sub3A_112 = arith.subi %get3A_102, %sub3A_111 : vector<16xi32>
              %mul3A_113 = arith.constant 16 : i32
              %mul3A_114 = arith.muli %scan3A_97, %mul3A_113 : i32
              %add3A_115 = arith.addi %add3A_90, %mul3A_114 : i32
              %iota3A = tpu.iota {dimensions = array<i32: 0>} : vector<16xi32>
              %add3A_116 = vector.broadcast %add3A_115 : i32 to vector<16xi32>
              %add3A_117 = arith.addi %add3A_116, %iota3A : vector<16xi32>
              %convert_element_type3A_118 = arith.extui %and3A_110 : vector<16xi1> to vector<16xi32>
              %broadcast_in_dim3A_119 = arith.constant true
              %broadcast_in_dim3A_120 = vector.broadcast %broadcast_in_dim3A_119 : i1 to vector<16xi1>
              %masked_cumsum3A = tpu.scan <sum>, %convert_element_type3A_118 masked %broadcast_in_dim3A_120 : vector<16xi32>, vector<16xi1> -> vector<16xi32>
              %add3A_121 = arith.addi %scan3A_98, %masked_cumsum3A : vector<16xi32>
              %sub3A_122 = arith.constant 1 : i32
              %sub3A_123 = vector.broadcast %sub3A_122 : i32 to vector<16xi32>
              %sub3A_124 = arith.subi %add3A_121, %sub3A_123 : vector<16xi32>
              tpu.vector_store_idx %arg12[%sub3A_124], %sub3A_112 masked %and3A_110 : memref<10240xi32, #tpu.memory_space<vmem>>[vector<16xi32>], vector<16xi32>, vector<16xi1>
              tpu.vector_store_idx %arg10[%sub3A_124], %get3A_106 masked %and3A_110 : memref<10240xi32, #tpu.memory_space<vmem>>[vector<16xi32>], vector<16xi32>, vector<16xi1>
              tpu.vector_store_idx %arg11[%sub3A_124], %add3A_117 masked %and3A_110 : memref<10240xi32, #tpu.memory_space<vmem>>[vector<16xi32>], vector<16xi32>, vector<16xi1>
              %all_reduce_population_count3A = tpu.all_reduce %and3A_110 {dim = 0 : i64, kind = #tpu.reduction_kind<sum>} : vector<16xi1> -> vector<16xi32>
              %add3A_125 = arith.addi %scan3A_98, %all_reduce_population_count3A : vector<16xi32>
              scf.yield %add3A_125 : vector<16xi32>
            }
            %scan3A_96 = arith.constant 625 : i32
            scf.yield %scan3A_95 : vector<16xi32>
          } else {
            %swap3A_86 = arith.constant 0 : index
            %swap3A_87 = tpu.vector_load %arg16[%swap3A_86] {strides = array<i32>} : memref<16xi32, #tpu.memory_space<vmem>>, vector<16xi32>,
            tpu.vector_store %arg16[%swap3A_86], %scan3A_41 {strides = array<i32>} : memref<16xi32, #tpu.memory_space<vmem>>, vector<16xi32>,
            %get3A_88 = arith.constant 0 : index
            %get3A_89 = tpu.vector_load %arg16[%get3A_88] {strides = array<i32>} : memref<16xi32, #tpu.memory_space<vmem>>, vector<16xi32>,
            %slice3A_90 = vector.extract_strided_slice %get3A_89 {offsets = [0], sizes = [1], strides = [1]} : vector<16xi32> to vector<1xi32>
            %squeeze3A_91 = vector.extract %slice3A_90[0] : i32 from vector<1xi32>
            %add3A_92 = vector.broadcast %arg1 : i32 to vector<16xi32>
            %add3A_93 = arith.addi %broadcast_in_dim3A_1, %add3A_92 : vector<16xi32>
            %add3A_94 = arith.constant 5120 : i32
            %add3A_95 = arith.addi %add3A_94, %arg1 : i32
            %add3A_96 = vector.broadcast %add3A_95 : i32 to vector<16xi32>
            %add3A_97 = arith.addi %broadcast_in_dim3A_1, %add3A_96 : vector<16xi32>
            %add3A_98 = arith.constant 0 : i32
            %add3A_99 = arith.addi %squeeze3A_91, %add3A_98 : i32
            %swap3A_100 = arith.index_cast %add3A_99 : i32 to index
            %swap3A_101 = tpu.vector_load %arg10[%swap3A_100] {strides = array<i32>} : memref<10240xi32, #tpu.memory_space<vmem>>, vector<16xi32>,
            tpu.vector_store %arg10[%swap3A_100], %add3A_93 {strides = array<i32>} : memref<10240xi32, #tpu.memory_space<vmem>>, vector<16xi32>,
            %add3A_102 = arith.constant 0 : i32
            %add3A_103 = arith.addi %squeeze3A_91, %add3A_102 : i32
            %swap3A_104 = arith.index_cast %add3A_103 : i32 to index
            %swap3A_105 = tpu.vector_load %arg11[%swap3A_104] {strides = array<i32>} : memref<10240xi32, #tpu.memory_space<vmem>>, vector<16xi32>,
            tpu.vector_store %arg11[%swap3A_104], %add3A_93 {strides = array<i32>} : memref<10240xi32, #tpu.memory_space<vmem>>, vector<16xi32>,
            %add3A_106 = arith.constant 0 : i32
            %add3A_107 = arith.addi %squeeze3A_91, %add3A_106 : i32
            %swap3A_108 = arith.index_cast %add3A_107 : i32 to index
            %swap3A_109 = tpu.vector_load %arg12[%swap3A_108] {strides = array<i32>} : memref<10240xi32, #tpu.memory_space<vmem>>, vector<16xi32>,
            tpu.vector_store %arg12[%swap3A_108], %add3A_97 {strides = array<i32>} : memref<10240xi32, #tpu.memory_space<vmem>>, vector<16xi32>,
            %add3A_110 = arith.constant 16 : i32
            %add3A_111 = arith.addi %squeeze3A_91, %add3A_110 : i32
            %swap3A_112 = arith.index_cast %add3A_111 : i32 to index
            %swap3A_113 = tpu.vector_load %arg10[%swap3A_112] {strides = array<i32>} : memref<10240xi32, #tpu.memory_space<vmem>>, vector<16xi32>,
            tpu.vector_store %arg10[%swap3A_112], %add3A_93 {strides = array<i32>} : memref<10240xi32, #tpu.memory_space<vmem>>, vector<16xi32>,
            %add3A_114 = arith.constant 16 : i32
            %add3A_115 = arith.addi %squeeze3A_91, %add3A_114 : i32
            %swap3A_116 = arith.index_cast %add3A_115 : i32 to index
            %swap3A_117 = tpu.vector_load %arg11[%swap3A_116] {strides = array<i32>} : memref<10240xi32, #tpu.memory_space<vmem>>, vector<16xi32>,
            tpu.vector_store %arg11[%swap3A_116], %add3A_93 {strides = array<i32>} : memref<10240xi32, #tpu.memory_space<vmem>>, vector<16xi32>,
            %add3A_118 = arith.constant 16 : i32
            %add3A_119 = arith.addi %squeeze3A_91, %add3A_118 : i32
            %swap3A_120 = arith.index_cast %add3A_119 : i32 to index
            %swap3A_121 = tpu.vector_load %arg12[%swap3A_120] {strides = array<i32>} : memref<10240xi32, #tpu.memory_space<vmem>>, vector<16xi32>,
            tpu.vector_store %arg12[%swap3A_120], %add3A_97 {strides = array<i32>} : memref<10240xi32, #tpu.memory_space<vmem>>, vector<16xi32>,
            %add3A_122 = arith.constant 32 : i32
            %add3A_123 = arith.addi %squeeze3A_91, %add3A_122 : i32
            %swap3A_124 = arith.index_cast %add3A_123 : i32 to index
            %swap3A_125 = tpu.vector_load %arg10[%swap3A_124] {strides = array<i32>} : memref<10240xi32, #tpu.memory_space<vmem>>, vector<16xi32>,
            tpu.vector_store %arg10[%swap3A_124], %add3A_93 {strides = array<i32>} : memref<10240xi32, #tpu.memory_space<vmem>>, vector<16xi32>,
            %add3A_126 = arith.constant 32 : i32
            %add3A_127 = arith.addi %squeeze3A_91, %add3A_126 : i32
            %swap3A_128 = arith.index_cast %add3A_127 : i32 to index
            %swap3A_129 = tpu.vector_load %arg11[%swap3A_128] {strides = array<i32>} : memref<10240xi32, #tpu.memory_space<vmem>>, vector<16xi32>,
            tpu.vector_store %arg11[%swap3A_128], %add3A_93 {strides = array<i32>} : memref<10240xi32, #tpu.memory_space<vmem>>, vector<16xi32>,
            %add3A_130 = arith.constant 32 : i32
            %add3A_131 = arith.addi %squeeze3A_91, %add3A_130 : i32
            %swap3A_132 = arith.index_cast %add3A_131 : i32 to index
            %swap3A_133 = tpu.vector_load %arg12[%swap3A_132] {strides = array<i32>} : memref<10240xi32, #tpu.memory_space<vmem>>, vector<16xi32>,
            tpu.vector_store %arg12[%swap3A_132], %add3A_97 {strides = array<i32>} : memref<10240xi32, #tpu.memory_space<vmem>>, vector<16xi32>,
            %add3A_134 = arith.constant 48 : i32
            %add3A_135 = arith.addi %squeeze3A_91, %add3A_134 : i32
            %swap3A_136 = arith.index_cast %add3A_135 : i32 to index
            %swap3A_137 = tpu.vector_load %arg10[%swap3A_136] {strides = array<i32>} : memref<10240xi32, #tpu.memory_space<vmem>>, vector<16xi32>,
            tpu.vector_store %arg10[%swap3A_136], %add3A_93 {strides = array<i32>} : memref<10240xi32, #tpu.memory_space<vmem>>, vector<16xi32>,
            %add3A_138 = arith.constant 48 : i32
            %add3A_139 = arith.addi %squeeze3A_91, %add3A_138 : i32
            %swap3A_140 = arith.index_cast %add3A_139 : i32 to index
            %swap3A_141 = tpu.vector_load %arg11[%swap3A_140] {strides = array<i32>} : memref<10240xi32, #tpu.memory_space<vmem>>, vector<16xi32>,
            tpu.vector_store %arg11[%swap3A_140], %add3A_93 {strides = array<i32>} : memref<10240xi32, #tpu.memory_space<vmem>>, vector<16xi32>,
            %add3A_142 = arith.constant 48 : i32
            %add3A_143 = arith.addi %squeeze3A_91, %add3A_142 : i32
            %swap3A_144 = arith.index_cast %add3A_143 : i32 to index
            %swap3A_145 = tpu.vector_load %arg12[%swap3A_144] {strides = array<i32>} : memref<10240xi32, #tpu.memory_space<vmem>>, vector<16xi32>,
            tpu.vector_store %arg12[%swap3A_144], %add3A_97 {strides = array<i32>} : memref<10240xi32, #tpu.memory_space<vmem>>, vector<16xi32>,
            %add3A_146 = arith.constant 64 : i32
            %add3A_147 = arith.addi %squeeze3A_91, %add3A_146 : i32
            %swap3A_148 = arith.index_cast %add3A_147 : i32 to index
            %swap3A_149 = tpu.vector_load %arg10[%swap3A_148] {strides = array<i32>} : memref<10240xi32, #tpu.memory_space<vmem>>, vector<16xi32>,
            tpu.vector_store %arg10[%swap3A_148], %add3A_93 {strides = array<i32>} : memref<10240xi32, #tpu.memory_space<vmem>>, vector<16xi32>,
            %add3A_150 = arith.constant 64 : i32
            %add3A_151 = arith.addi %squeeze3A_91, %add3A_150 : i32
            %swap3A_152 = arith.index_cast %add3A_151 : i32 to index
            %swap3A_153 = tpu.vector_load %arg11[%swap3A_152] {strides = array<i32>} : memref<10240xi32, #tpu.memory_space<vmem>>, vector<16xi32>,
            tpu.vector_store %arg11[%swap3A_152], %add3A_93 {strides = array<i32>} : memref<10240xi32, #tpu.memory_space<vmem>>, vector<16xi32>,
            %add3A_154 = arith.constant 64 : i32
            %add3A_155 = arith.addi %squeeze3A_91, %add3A_154 : i32
            %swap3A_156 = arith.index_cast %add3A_155 : i32 to index
            %swap3A_157 = tpu.vector_load %arg12[%swap3A_156] {strides = array<i32>} : memref<10240xi32, #tpu.memory_space<vmem>>, vector<16xi32>,
            tpu.vector_store %arg12[%swap3A_156], %add3A_97 {strides = array<i32>} : memref<10240xi32, #tpu.memory_space<vmem>>, vector<16xi32>,
            %add3A_158 = arith.constant 80 : i32
            %add3A_159 = arith.addi %squeeze3A_91, %add3A_158 : i32
            %swap3A_160 = arith.index_cast %add3A_159 : i32 to index
            %swap3A_161 = tpu.vector_load %arg10[%swap3A_160] {strides = array<i32>} : memref<10240xi32, #tpu.memory_space<vmem>>, vector<16xi32>,
            tpu.vector_store %arg10[%swap3A_160], %add3A_93 {strides = array<i32>} : memref<10240xi32, #tpu.memory_space<vmem>>, vector<16xi32>,
            %add3A_162 = arith.constant 80 : i32
            %add3A_163 = arith.addi %squeeze3A_91, %add3A_162 : i32
            %swap3A_164 = arith.index_cast %add3A_163 : i32 to index
            %swap3A_165 = tpu.vector_load %arg11[%swap3A_164] {strides = array<i32>} : memref<10240xi32, #tpu.memory_space<vmem>>, vector<16xi32>,
            tpu.vector_store %arg11[%swap3A_164], %add3A_93 {strides = array<i32>} : memref<10240xi32, #tpu.memory_space<vmem>>, vector<16xi32>,
            %add3A_166 = arith.constant 80 : i32
            %add3A_167 = arith.addi %squeeze3A_91, %add3A_166 : i32
            %swap3A_168 = arith.index_cast %add3A_167 : i32 to index
            %swap3A_169 = tpu.vector_load %arg12[%swap3A_168] {strides = array<i32>} : memref<10240xi32, #tpu.memory_space<vmem>>, vector<16xi32>,
            tpu.vector_store %arg12[%swap3A_168], %add3A_97 {strides = array<i32>} : memref<10240xi32, #tpu.memory_space<vmem>>, vector<16xi32>,
            %add3A_170 = arith.constant 96 : i32
            %add3A_171 = arith.addi %squeeze3A_91, %add3A_170 : i32
            %swap3A_172 = arith.index_cast %add3A_171 : i32 to index
            %swap3A_173 = tpu.vector_load %arg10[%swap3A_172] {strides = array<i32>} : memref<10240xi32, #tpu.memory_space<vmem>>, vector<16xi32>,
            tpu.vector_store %arg10[%swap3A_172], %add3A_93 {strides = array<i32>} : memref<10240xi32, #tpu.memory_space<vmem>>, vector<16xi32>,
            %add3A_174 = arith.constant 96 : i32
            %add3A_175 = arith.addi %squeeze3A_91, %add3A_174 : i32
            %swap3A_176 = arith.index_cast %add3A_175 : i32 to index
            %swap3A_177 = tpu.vector_load %arg11[%swap3A_176] {strides = array<i32>} : memref<10240xi32, #tpu.memory_space<vmem>>, vector<16xi32>,
            tpu.vector_store %arg11[%swap3A_176], %add3A_93 {strides = array<i32>} : memref<10240xi32, #tpu.memory_space<vmem>>, vector<16xi32>,
            %add3A_178 = arith.constant 96 : i32
            %add3A_179 = arith.addi %squeeze3A_91, %add3A_178 : i32
            %swap3A_180 = arith.index_cast %add3A_179 : i32 to index
            %swap3A_181 = tpu.vector_load %arg12[%swap3A_180] {strides = array<i32>} : memref<10240xi32, #tpu.memory_space<vmem>>, vector<16xi32>,
            tpu.vector_store %arg12[%swap3A_180], %add3A_97 {strides = array<i32>} : memref<10240xi32, #tpu.memory_space<vmem>>, vector<16xi32>,
            %add3A_182 = arith.constant 112 : i32
            %add3A_183 = arith.addi %squeeze3A_91, %add3A_182 : i32
            %swap3A_184 = arith.index_cast %add3A_183 : i32 to index
            %swap3A_185 = tpu.vector_load %arg10[%swap3A_184] {strides = array<i32>} : memref<10240xi32, #tpu.memory_space<vmem>>, vector<16xi32>,
            tpu.vector_store %arg10[%swap3A_184], %add3A_93 {strides = array<i32>} : memref<10240xi32, #tpu.memory_space<vmem>>, vector<16xi32>,
            %add3A_186 = arith.constant 112 : i32
            %add3A_187 = arith.addi %squeeze3A_91, %add3A_186 : i32
            %swap3A_188 = arith.index_cast %add3A_187 : i32 to index
            %swap3A_189 = tpu.vector_load %arg11[%swap3A_188] {strides = array<i32>} : memref<10240xi32, #tpu.memory_space<vmem>>, vector<16xi32>,
            tpu.vector_store %arg11[%swap3A_188], %add3A_93 {strides = array<i32>} : memref<10240xi32, #tpu.memory_space<vmem>>, vector<16xi32>,
            %add3A_190 = arith.constant 112 : i32
            %add3A_191 = arith.addi %squeeze3A_91, %add3A_190 : i32
            %swap3A_192 = arith.index_cast %add3A_191 : i32 to index
            %swap3A_193 = tpu.vector_load %arg12[%swap3A_192] {strides = array<i32>} : memref<10240xi32, #tpu.memory_space<vmem>>, vector<16xi32>,
            tpu.vector_store %arg12[%swap3A_192], %add3A_97 {strides = array<i32>} : memref<10240xi32, #tpu.memory_space<vmem>>, vector<16xi32>,
            %add3A_194 = arith.constant 128 : i32
            %add3A_195 = arith.addi %squeeze3A_91, %add3A_194 : i32
            %sub3A_196 = arith.constant 1 : i32
            %sub3A_197 = arith.subi %add3A_195, %sub3A_196 : i32
            %jit3A_198 = arith.constant 128 : i32
            %div3A_199 = arith.divsi %sub3A_197, %jit3A_198 : i32
            %sign3A_200 = arith.constant 0 : i32
            %sign3A_201 = arith.cmpi sgt, %sub3A_197, %sign3A_200 : i32
            %sign3A_202 = arith.extui %sign3A_201 : i1 to i32
            %sign3A_203 = arith.constant 0 : i32
            %sign3A_204 = arith.cmpi slt, %sub3A_197, %sign3A_203 : i32
            %sign3A_205 = arith.extui %sign3A_204 : i1 to i32
            %sign3A_206 = arith.subi %sign3A_202, %sign3A_205 : i32
            %sign3A_207 = arith.constant 0 : i32
            %sign3A_208 = arith.cmpi sgt, %jit3A_198, %sign3A_207 : i32
            %sign3A_209 = arith.extui %sign3A_208 : i1 to i32
            %sign3A_210 = arith.constant 0 : i32
            %sign3A_211 = arith.cmpi slt, %jit3A_198, %sign3A_210 : i32
            %sign3A_212 = arith.extui %sign3A_211 : i1 to i32
            %sign3A_213 = arith.subi %sign3A_209, %sign3A_212 : i32
            %ne3A_214 = arith.cmpi ne, %sign3A_206, %sign3A_213 : i32
            %rem3A_215 = arith.remsi %sub3A_197, %jit3A_198 : i32
            %ne3A_216 = arith.constant 0 : i32
            %ne3A_217 = arith.cmpi ne, %rem3A_215, %ne3A_216 : i32
            %and3A_218 = arith.andi %ne3A_214, %ne3A_217 : i1
            %sub3A_219 = arith.constant 1 : i32
            %sub3A_220 = arith.subi %div3A_199, %sub3A_219 : i32
            %select_n3A_221 = arith.select %and3A_218, %sub3A_220, %div3A_199 : i32
            %mul3A_222 = arith.constant 128 : i32
            %mul3A_223 = arith.muli %select_n3A_221, %mul3A_222 : i32
            %add3A_224 = vector.broadcast %mul3A_223 : i32 to vector<16xi32>
            %add3A_225 = arith.addi %broadcast_in_dim3A_1, %add3A_224 : vector<16xi32>
            scf.yield %add3A_225 : vector<16xi32>
          }
          %swap3A = arith.constant 0 : index
          %swap3A_48 = tpu.vector_load %arg16[%swap3A] {strides = array<i32>} : memref<16xi32, #tpu.memory_space<vmem>>, vector<16xi32>,
          tpu.vector_store %arg16[%swap3A], %cond3A_47 {strides = array<i32>} : memref<16xi32, #tpu.memory_space<vmem>>, vector<16xi32>,
          %get3A = arith.constant 0 : index
          %get3A_49 = tpu.vector_load %arg16[%get3A] {strides = array<i32>} : memref<16xi32, #tpu.memory_space<vmem>>, vector<16xi32>,
          %slice3A = vector.extract_strided_slice %get3A_49 {offsets = [0], sizes = [1], strides = [1]} : vector<16xi32> to vector<1xi32>
          %squeeze3A = vector.extract %slice3A[0] : i32 from vector<1xi32>
          %jit3A = arith.constant 128 : i32
          %div3A = arith.divsi %squeeze3A, %jit3A : i32
          %sign3A = arith.constant 0 : i32
          %sign3A_50 = arith.cmpi sgt, %squeeze3A, %sign3A : i32
          %sign3A_51 = arith.extui %sign3A_50 : i1 to i32
          %sign3A_52 = arith.constant 0 : i32
          %sign3A_53 = arith.cmpi slt, %squeeze3A, %sign3A_52 : i32
          %sign3A_54 = arith.extui %sign3A_53 : i1 to i32
          %sign3A_55 = arith.subi %sign3A_51, %sign3A_54 : i32
          %sign3A_56 = arith.constant 0 : i32
          %sign3A_57 = arith.cmpi sgt, %jit3A, %sign3A_56 : i32
          %sign3A_58 = arith.extui %sign3A_57 : i1 to i32
          %sign3A_59 = arith.constant 0 : i32
          %sign3A_60 = arith.cmpi slt, %jit3A, %sign3A_59 : i32
          %sign3A_61 = arith.extui %sign3A_60 : i1 to i32
          %sign3A_62 = arith.subi %sign3A_58, %sign3A_61 : i32
          %ne3A = arith.cmpi ne, %sign3A_55, %sign3A_62 : i32
          %rem3A = arith.remsi %squeeze3A, %jit3A : i32
          %ne3A_63 = arith.constant 0 : i32
          %ne3A_64 = arith.cmpi ne, %rem3A, %ne3A_63 : i32
          %and3A = arith.andi %ne3A, %ne3A_64 : i1
          %sub3A = arith.constant 1 : i32
          %sub3A_65 = arith.subi %div3A, %sub3A : i32
          %select_n3A = arith.select %and3A, %sub3A_65, %div3A : i32
          %while3A = arith.constant 0 : i32
          %while3A_66 = arith.constant 0 : i32
          %while3A_67 = arith.subi %select_n3A, %while3A : i32
          %while3A_68 = arith.addi %while3A, %while3A_67 : i32
          %while3A_69 = arith.constant 1 : i32
          %while3A_70 = arith.divsi %while3A_67, %while3A_69 : i32
          %while3A_71 = arith.muli %while3A_70, %while3A_69 : i32
          %while3A_72 = arith.addi %while3A, %while3A_71 : i32
          %while3A_73 = arith.constant 1 : i32
          %while3A_74 = scf.for %while3A_86 = %while3A to %while3A_72 step %while3A_73 iter_args(%while3A_87 = %while3A_66) -> (i32)  : i32 {
            %mul3A_88 = arith.constant 128 : i32
            %mul3A_89 = arith.muli %while3A_86, %mul3A_88 : i32
            %scan3A_90 = arith.constant 0 : i32
            %scan3A_91 = arith.constant 0 : i32
            %scan3A_92 = arith.constant 8 : i32
            %scan3A_93 = arith.addi %scan3A_91, %scan3A_92 : i32
            %scan3A_94 = arith.constant 1 : i32
            %scan3A_95 = scf.for %scan3A_115 = %scan3A_91 to %scan3A_93 step %scan3A_94 iter_args(%scan3A_116 = %scan3A_90) -> (i32)  : i32 {
              %mul3A_117 = arith.constant 16 : i32
              %mul3A_118 = arith.muli %scan3A_115, %mul3A_117 : i32
              %add3A_119 = arith.addi %mul3A_89, %mul3A_118 : i32
              %get3A_120 = arith.index_cast %add3A_119 : i32 to index
              %get3A_121 = tpu.vector_load %arg10[%get3A_120] {strides = array<i32>} : memref<10240xi32, #tpu.memory_space<vmem>>, vector<16xi32>,
              %mul3A_122 = arith.constant 16 : i32
              %mul3A_123 = arith.muli %scan3A_115, %mul3A_122 : i32
              %swap3A_124 = arith.index_cast %mul3A_123 : i32 to index
              %swap3A_125 = tpu.vector_load %arg13[%swap3A_124] {strides = array<i32>} : memref<128xi32, #tpu.memory_space<vmem>>, vector<16xi32>,
              tpu.vector_store %arg13[%swap3A_124], %get3A_121 {strides = array<i32>} : memref<128xi32, #tpu.memory_space<vmem>>, vector<16xi32>,
              %mul3A_126 = arith.constant 16 : i32
              %mul3A_127 = arith.muli %scan3A_115, %mul3A_126 : i32
              %add3A_128 = arith.addi %mul3A_89, %mul3A_127 : i32
              %get3A_129 = arith.index_cast %add3A_128 : i32 to index
              %get3A_130 = tpu.vector_load %arg11[%get3A_129] {strides = array<i32>} : memref<10240xi32, #tpu.memory_space<vmem>>, vector<16xi32>,
              %mul3A_131 = arith.constant 16 : i32
              %mul3A_132 = arith.muli %scan3A_115, %mul3A_131 : i32
              %swap3A_133 = arith.index_cast %mul3A_132 : i32 to index
              %swap3A_134 = tpu.vector_load %arg14[%swap3A_133] {strides = array<i32>} : memref<128xi32, #tpu.memory_space<vmem>>, vector<16xi32>,
              tpu.vector_store %arg14[%swap3A_133], %get3A_130 {strides = array<i32>} : memref<128xi32, #tpu.memory_space<vmem>>, vector<16xi32>,
              %mul3A_135 = arith.constant 16 : i32
              %mul3A_136 = arith.muli %scan3A_115, %mul3A_135 : i32
              %add3A_137 = arith.addi %mul3A_89, %mul3A_136 : i32
              %get3A_138 = arith.index_cast %add3A_137 : i32 to index
              %get3A_139 = tpu.vector_load %arg12[%get3A_138] {strides = array<i32>} : memref<10240xi32, #tpu.memory_space<vmem>>, vector<16xi32>,
              %mul3A_140 = arith.constant 16 : i32
              %mul3A_141 = arith.muli %scan3A_115, %mul3A_140 : i32
              %swap3A_142 = arith.index_cast %mul3A_141 : i32 to index
              %swap3A_143 = tpu.vector_load %arg15[%swap3A_142] {strides = array<i32>} : memref<128xi32, #tpu.memory_space<vmem>>, vector<16xi32>,
              tpu.vector_store %arg15[%swap3A_142], %get3A_139 {strides = array<i32>} : memref<128xi32, #tpu.memory_space<vmem>>, vector<16xi32>,
              %scan3A_144 = arith.constant 0 : i32
              scf.yield %scan3A_144 : i32
            }
            %scan3A_96 = arith.constant 8 : i32
            %dma_start3A = arith.constant 0 : i32
            %dma_start3A_97 = arith.constant 0 : i32
            %dma_start3A_98 = tpu.memref_slice %arg2[%dma_start3A, %dma_start3A_97] : memref<50000x128xf32, #tpu.memory_space<hbm>> -> memref<50000x128xf32, #tpu.memory_space<hbm>>
            tpu.enqueue_indirect_dma source(%dma_start3A_98 : memref<50000x128xf32, #tpu.memory_space<hbm>>) target(%arg17 : memref<128x128xf32, #tpu.memory_space<vmem>>) offsets(%arg13 : memref<128xi32, #tpu.memory_space<vmem>>) semaphore(%arg21 : memref<!tpu.dma_semaphore, #tpu.memory_space<semaphore_mem>>)
            %dma_start3A_99 = arith.constant 0 : i32
            %dma_start3A_100 = arith.constant 0 : i32
            %dma_start3A_101 = tpu.memref_slice %arg3[%dma_start3A_99, %dma_start3A_100] : memref<800000x128xf32, #tpu.memory_space<hbm>> -> memref<800000x128xf32, #tpu.memory_space<hbm>>
            tpu.enqueue_indirect_dma source(%dma_start3A_101 : memref<800000x128xf32, #tpu.memory_space<hbm>>) target(%arg18 : memref<128x128xf32, #tpu.memory_space<vmem>>) offsets(%arg14 : memref<128xi32, #tpu.memory_space<vmem>>) semaphore(%arg22 : memref<!tpu.dma_semaphore, #tpu.memory_space<semaphore_mem>>)
            %dma_wait3A = arith.constant 0 : i32
            %dma_wait3A_102 = arith.constant 0 : i32
            %dma_wait3A_103 = tpu.memref_slice %arg2[%dma_wait3A, %dma_wait3A_102] : memref<50000x128xf32, #tpu.memory_space<hbm>> -> memref<50000x128xf32, #tpu.memory_space<hbm>>
            tpu.wait_indirect_dma semaphore(%arg21 : memref<!tpu.dma_semaphore, #tpu.memory_space<semaphore_mem>>) src(%dma_wait3A_103 : memref<50000x128xf32, #tpu.memory_space<hbm>>) dst(%arg17 : memref<128x128xf32, #tpu.memory_space<vmem>>)
            %dma_wait3A_104 = arith.constant 0 : i32
            %dma_wait3A_105 = arith.constant 0 : i32
            %dma_wait3A_106 = tpu.memref_slice %arg3[%dma_wait3A_104, %dma_wait3A_105] : memref<800000x128xf32, #tpu.memory_space<hbm>> -> memref<800000x128xf32, #tpu.memory_space<hbm>>
            tpu.wait_indirect_dma semaphore(%arg22 : memref<!tpu.dma_semaphore, #tpu.memory_space<semaphore_mem>>) src(%dma_wait3A_106 : memref<800000x128xf32, #tpu.memory_space<hbm>>) dst(%arg18 : memref<128x128xf32, #tpu.memory_space<vmem>>)
            %scan3A_107 = arith.constant 0 : i32
            %scan3A_108 = arith.constant 0 : i32
            %scan3A_109 = arith.constant 128 : i32
            %scan3A_110 = arith.addi %scan3A_108, %scan3A_109 : i32
            %scan3A_111 = arith.constant 1 : i32
            %scan3A_112 = scf.for %scan3A_115 = %scan3A_108 to %scan3A_110 step %scan3A_111 iter_args(%scan3A_116 = %scan3A_107) -> (i32)  : i32 {
              %get3A_117 = arith.index_cast %scan3A_115 : i32 to index
              %get3A_118 = arith.constant 0 : index
              %get3A_119 = tpu.vector_load %arg17[%get3A_117, %get3A_118] {strides = array<i32>} : memref<128x128xf32, #tpu.memory_space<vmem>>, vector<16xf32>,
              %get3A_120 = arith.index_cast %scan3A_115 : i32 to index
              %get3A_121 = arith.constant 0 : index
              %get3A_122 = tpu.vector_load %arg18[%get3A_120, %get3A_121] {strides = array<i32>} : memref<128x128xf32, #tpu.memory_space<vmem>>, vector<16xf32>,
              %add3A_123 = arith.addf %get3A_119, %get3A_122 : vector<16xf32>
              %max3A = arith.constant 0.000000e+00 : f32
              %max3A_124 = vector.broadcast %max3A : f32 to vector<16xf32>
              %max3A_125 = arith.maximumf %add3A_123, %max3A_124 : vector<16xf32>
              %swap3A_126 = arith.index_cast %scan3A_115 : i32 to index
              %swap3A_127 = arith.constant 0 : index
              %swap3A_128 = tpu.vector_load %arg17[%swap3A_126, %swap3A_127] {strides = array<i32>} : memref<128x128xf32, #tpu.memory_space<vmem>>, vector<16xf32>,
              tpu.vector_store %arg17[%swap3A_126, %swap3A_127], %max3A_125 {strides = array<i32>} : memref<128x128xf32, #tpu.memory_space<vmem>>, vector<16xf32>,
              %get3A_129 = arith.index_cast %scan3A_115 : i32 to index
              %get3A_130 = arith.constant 16 : index
              %get3A_131 = tpu.vector_load %arg17[%get3A_129, %get3A_130] {strides = array<i32>} : memref<128x128xf32, #tpu.memory_space<vmem>>, vector<16xf32>,
              %get3A_132 = arith.index_cast %scan3A_115 : i32 to index
              %get3A_133 = arith.constant 16 : index
              %get3A_134 = tpu.vector_load %arg18[%get3A_132, %get3A_133] {strides = array<i32>} : memref<128x128xf32, #tpu.memory_space<vmem>>, vector<16xf32>,
              %add3A_135 = arith.addf %get3A_131, %get3A_134 : vector<16xf32>
              %max3A_136 = arith.constant 0.000000e+00 : f32
              %max3A_137 = vector.broadcast %max3A_136 : f32 to vector<16xf32>
              %max3A_138 = arith.maximumf %add3A_135, %max3A_137 : vector<16xf32>
              %swap3A_139 = arith.index_cast %scan3A_115 : i32 to index
              %swap3A_140 = arith.constant 16 : index
              %swap3A_141 = tpu.vector_load %arg17[%swap3A_139, %swap3A_140] {strides = array<i32>} : memref<128x128xf32, #tpu.memory_space<vmem>>, vector<16xf32>,
              tpu.vector_store %arg17[%swap3A_139, %swap3A_140], %max3A_138 {strides = array<i32>} : memref<128x128xf32, #tpu.memory_space<vmem>>, vector<16xf32>,
              %get3A_142 = arith.index_cast %scan3A_115 : i32 to index
              %get3A_143 = arith.constant 32 : index
              %get3A_144 = tpu.vector_load %arg17[%get3A_142, %get3A_143] {strides = array<i32>} : memref<128x128xf32, #tpu.memory_space<vmem>>, vector<16xf32>,
              %get3A_145 = arith.index_cast %scan3A_115 : i32 to index
              %get3A_146 = arith.constant 32 : index
              %get3A_147 = tpu.vector_load %arg18[%get3A_145, %get3A_146] {strides = array<i32>} : memref<128x128xf32, #tpu.memory_space<vmem>>, vector<16xf32>,
              %add3A_148 = arith.addf %get3A_144, %get3A_147 : vector<16xf32>
              %max3A_149 = arith.constant 0.000000e+00 : f32
              %max3A_150 = vector.broadcast %max3A_149 : f32 to vector<16xf32>
              %max3A_151 = arith.maximumf %add3A_148, %max3A_150 : vector<16xf32>
              %swap3A_152 = arith.index_cast %scan3A_115 : i32 to index
              %swap3A_153 = arith.constant 32 : index
              %swap3A_154 = tpu.vector_load %arg17[%swap3A_152, %swap3A_153] {strides = array<i32>} : memref<128x128xf32, #tpu.memory_space<vmem>>, vector<16xf32>,
              tpu.vector_store %arg17[%swap3A_152, %swap3A_153], %max3A_151 {strides = array<i32>} : memref<128x128xf32, #tpu.memory_space<vmem>>, vector<16xf32>,
              %get3A_155 = arith.index_cast %scan3A_115 : i32 to index
              %get3A_156 = arith.constant 48 : index
              %get3A_157 = tpu.vector_load %arg17[%get3A_155, %get3A_156] {strides = array<i32>} : memref<128x128xf32, #tpu.memory_space<vmem>>, vector<16xf32>,
              %get3A_158 = arith.index_cast %scan3A_115 : i32 to index
              %get3A_159 = arith.constant 48 : index
              %get3A_160 = tpu.vector_load %arg18[%get3A_158, %get3A_159] {strides = array<i32>} : memref<128x128xf32, #tpu.memory_space<vmem>>, vector<16xf32>,
              %add3A_161 = arith.addf %get3A_157, %get3A_160 : vector<16xf32>
              %max3A_162 = arith.constant 0.000000e+00 : f32
              %max3A_163 = vector.broadcast %max3A_162 : f32 to vector<16xf32>
              %max3A_164 = arith.maximumf %add3A_161, %max3A_163 : vector<16xf32>
              %swap3A_165 = arith.index_cast %scan3A_115 : i32 to index
              %swap3A_166 = arith.constant 48 : index
              %swap3A_167 = tpu.vector_load %arg17[%swap3A_165, %swap3A_166] {strides = array<i32>} : memref<128x128xf32, #tpu.memory_space<vmem>>, vector<16xf32>,
              tpu.vector_store %arg17[%swap3A_165, %swap3A_166], %max3A_164 {strides = array<i32>} : memref<128x128xf32, #tpu.memory_space<vmem>>, vector<16xf32>,
              %get3A_168 = arith.index_cast %scan3A_115 : i32 to index
              %get3A_169 = arith.constant 64 : index
              %get3A_170 = tpu.vector_load %arg17[%get3A_168, %get3A_169] {strides = array<i32>} : memref<128x128xf32, #tpu.memory_space<vmem>>, vector<16xf32>,
              %get3A_171 = arith.index_cast %scan3A_115 : i32 to index
              %get3A_172 = arith.constant 64 : index
              %get3A_173 = tpu.vector_load %arg18[%get3A_171, %get3A_172] {strides = array<i32>} : memref<128x128xf32, #tpu.memory_space<vmem>>, vector<16xf32>,
              %add3A_174 = arith.addf %get3A_170, %get3A_173 : vector<16xf32>
              %max3A_175 = arith.constant 0.000000e+00 : f32
              %max3A_176 = vector.broadcast %max3A_175 : f32 to vector<16xf32>
              %max3A_177 = arith.maximumf %add3A_174, %max3A_176 : vector<16xf32>
              %swap3A_178 = arith.index_cast %scan3A_115 : i32 to index
              %swap3A_179 = arith.constant 64 : index
              %swap3A_180 = tpu.vector_load %arg17[%swap3A_178, %swap3A_179] {strides = array<i32>} : memref<128x128xf32, #tpu.memory_space<vmem>>, vector<16xf32>,
              tpu.vector_store %arg17[%swap3A_178, %swap3A_179], %max3A_177 {strides = array<i32>} : memref<128x128xf32, #tpu.memory_space<vmem>>, vector<16xf32>,
              %get3A_181 = arith.index_cast %scan3A_115 : i32 to index
              %get3A_182 = arith.constant 80 : index
              %get3A_183 = tpu.vector_load %arg17[%get3A_181, %get3A_182] {strides = array<i32>} : memref<128x128xf32, #tpu.memory_space<vmem>>, vector<16xf32>,
              %get3A_184 = arith.index_cast %scan3A_115 : i32 to index
              %get3A_185 = arith.constant 80 : index
              %get3A_186 = tpu.vector_load %arg18[%get3A_184, %get3A_185] {strides = array<i32>} : memref<128x128xf32, #tpu.memory_space<vmem>>, vector<16xf32>,
              %add3A_187 = arith.addf %get3A_183, %get3A_186 : vector<16xf32>
              %max3A_188 = arith.constant 0.000000e+00 : f32
              %max3A_189 = vector.broadcast %max3A_188 : f32 to vector<16xf32>
              %max3A_190 = arith.maximumf %add3A_187, %max3A_189 : vector<16xf32>
              %swap3A_191 = arith.index_cast %scan3A_115 : i32 to index
              %swap3A_192 = arith.constant 80 : index
              %swap3A_193 = tpu.vector_load %arg17[%swap3A_191, %swap3A_192] {strides = array<i32>} : memref<128x128xf32, #tpu.memory_space<vmem>>, vector<16xf32>,
              tpu.vector_store %arg17[%swap3A_191, %swap3A_192], %max3A_190 {strides = array<i32>} : memref<128x128xf32, #tpu.memory_space<vmem>>, vector<16xf32>,
              %get3A_194 = arith.index_cast %scan3A_115 : i32 to index
              %get3A_195 = arith.constant 96 : index
              %get3A_196 = tpu.vector_load %arg17[%get3A_194, %get3A_195] {strides = array<i32>} : memref<128x128xf32, #tpu.memory_space<vmem>>, vector<16xf32>,
              %get3A_197 = arith.index_cast %scan3A_115 : i32 to index
              %get3A_198 = arith.constant 96 : index
              %get3A_199 = tpu.vector_load %arg18[%get3A_197, %get3A_198] {strides = array<i32>} : memref<128x128xf32, #tpu.memory_space<vmem>>, vector<16xf32>,
              %add3A_200 = arith.addf %get3A_196, %get3A_199 : vector<16xf32>
              %max3A_201 = arith.constant 0.000000e+00 : f32
              %max3A_202 = vector.broadcast %max3A_201 : f32 to vector<16xf32>
              %max3A_203 = arith.maximumf %add3A_200, %max3A_202 : vector<16xf32>
              %swap3A_204 = arith.index_cast %scan3A_115 : i32 to index
              %swap3A_205 = arith.constant 96 : index
              %swap3A_206 = tpu.vector_load %arg17[%swap3A_204, %swap3A_205] {strides = array<i32>} : memref<128x128xf32, #tpu.memory_space<vmem>>, vector<16xf32>,
              tpu.vector_store %arg17[%swap3A_204, %swap3A_205], %max3A_203 {strides = array<i32>} : memref<128x128xf32, #tpu.memory_space<vmem>>, vector<16xf32>,
              %get3A_207 = arith.index_cast %scan3A_115 : i32 to index
              %get3A_208 = arith.constant 112 : index
              %get3A_209 = tpu.vector_load %arg17[%get3A_207, %get3A_208] {strides = array<i32>} : memref<128x128xf32, #tpu.memory_space<vmem>>, vector<16xf32>,
              %get3A_210 = arith.index_cast %scan3A_115 : i32 to index
              %get3A_211 = arith.constant 112 : index
              %get3A_212 = tpu.vector_load %arg18[%get3A_210, %get3A_211] {strides = array<i32>} : memref<128x128xf32, #tpu.memory_space<vmem>>, vector<16xf32>,
              %add3A_213 = arith.addf %get3A_209, %get3A_212 : vector<16xf32>
              %max3A_214 = arith.constant 0.000000e+00 : f32
              %max3A_215 = vector.broadcast %max3A_214 : f32 to vector<16xf32>
              %max3A_216 = arith.maximumf %add3A_213, %max3A_215 : vector<16xf32>
              %swap3A_217 = arith.index_cast %scan3A_115 : i32 to index
              %swap3A_218 = arith.constant 112 : index
              %swap3A_219 = tpu.vector_load %arg17[%swap3A_217, %swap3A_218] {strides = array<i32>} : memref<128x128xf32, #tpu.memory_space<vmem>>, vector<16xf32>,
              tpu.vector_store %arg17[%swap3A_217, %swap3A_218], %max3A_216 {strides = array<i32>} : memref<128x128xf32, #tpu.memory_space<vmem>>, vector<16xf32>,
              %scan3A_220 = arith.constant 0 : i32
              scf.yield %scan3A_220 : i32
            }
            %scan3A_113 = arith.constant 128 : i32
            "tpu.region"() ({
              %run_scoped3A = tpu.sem_alloc : memref<!tpu.dma_semaphore, #tpu.memory_space<semaphore_mem>>
              %dma_start3A_115 = arith.constant 0 : i32
              %dma_start3A_116 = arith.constant 0 : i32
              %dma_start3A_117 = tpu.memref_slice %arg7[%dma_start3A_115, %dma_start3A_116] : memref<5136x128xf32, #tpu.memory_space<vmem_shared>> -> memref<5136x128xf32, #tpu.memory_space<vmem_shared>>
              tpu.enqueue_indirect_dma source(%arg17 : memref<128x128xf32, #tpu.memory_space<vmem>>) target(%dma_start3A_117 : memref<5136x128xf32, #tpu.memory_space<vmem_shared>>) offsets(%arg15 : memref<128xi32, #tpu.memory_space<vmem>>) semaphore(%run_scoped3A : memref<!tpu.dma_semaphore, #tpu.memory_space<semaphore_mem>>) {add = true}
              %dma_wait3A_118 = arith.constant 0 : i32
              %dma_wait3A_119 = arith.constant 0 : i32
              %dma_wait3A_120 = tpu.memref_slice %arg7[%dma_wait3A_118, %dma_wait3A_119] : memref<5136x128xf32, #tpu.memory_space<vmem_shared>> -> memref<5136x128xf32, #tpu.memory_space<vmem_shared>>
              tpu.wait_indirect_dma semaphore(%run_scoped3A : memref<!tpu.dma_semaphore, #tpu.memory_space<semaphore_mem>>) src(%arg17 : memref<128x128xf32, #tpu.memory_space<vmem>>) dst(%dma_wait3A_120 : memref<5136x128xf32, #tpu.memory_space<vmem_shared>>)
              tpu.yield
            }) : () -> ()
            %while3A_114 = arith.constant 0 : i32
            scf.yield %while3A_114 : i32
          }
          %while3A_75 = arith.constant 1 : i32
          %while3A_76 = scf.for %while3A_86 = %while3A_72 to %while3A_68 step %while3A_75 iter_args(%while3A_87 = %while3A_74) -> (i32)  : i32 {
            %mul3A_88 = arith.constant 128 : i32
            %mul3A_89 = arith.muli %while3A_86, %mul3A_88 : i32
            %scan3A_90 = arith.constant 0 : i32
            %scan3A_91 = arith.constant 0 : i32
            %scan3A_92 = arith.constant 8 : i32
            %scan3A_93 = arith.addi %scan3A_91, %scan3A_92 : i32
            %scan3A_94 = arith.constant 1 : i32
            %scan3A_95 = scf.for %scan3A_115 = %scan3A_91 to %scan3A_93 step %scan3A_94 iter_args(%scan3A_116 = %scan3A_90) -> (i32)  : i32 {
              %mul3A_117 = arith.constant 16 : i32
              %mul3A_118 = arith.muli %scan3A_115, %mul3A_117 : i32
              %add3A_119 = arith.addi %mul3A_89, %mul3A_118 : i32
              %get3A_120 = arith.index_cast %add3A_119 : i32 to index
              %get3A_121 = tpu.vector_load %arg10[%get3A_120] {strides = array<i32>} : memref<10240xi32, #tpu.memory_space<vmem>>, vector<16xi32>,
              %mul3A_122 = arith.constant 16 : i32
              %mul3A_123 = arith.muli %scan3A_115, %mul3A_122 : i32
              %swap3A_124 = arith.index_cast %mul3A_123 : i32 to index
              %swap3A_125 = tpu.vector_load %arg13[%swap3A_124] {strides = array<i32>} : memref<128xi32, #tpu.memory_space<vmem>>, vector<16xi32>,
              tpu.vector_store %arg13[%swap3A_124], %get3A_121 {strides = array<i32>} : memref<128xi32, #tpu.memory_space<vmem>>, vector<16xi32>,
              %mul3A_126 = arith.constant 16 : i32
              %mul3A_127 = arith.muli %scan3A_115, %mul3A_126 : i32
              %add3A_128 = arith.addi %mul3A_89, %mul3A_127 : i32
              %get3A_129 = arith.index_cast %add3A_128 : i32 to index
              %get3A_130 = tpu.vector_load %arg11[%get3A_129] {strides = array<i32>} : memref<10240xi32, #tpu.memory_space<vmem>>, vector<16xi32>,
              %mul3A_131 = arith.constant 16 : i32
              %mul3A_132 = arith.muli %scan3A_115, %mul3A_131 : i32
              %swap3A_133 = arith.index_cast %mul3A_132 : i32 to index
              %swap3A_134 = tpu.vector_load %arg14[%swap3A_133] {strides = array<i32>} : memref<128xi32, #tpu.memory_space<vmem>>, vector<16xi32>,
              tpu.vector_store %arg14[%swap3A_133], %get3A_130 {strides = array<i32>} : memref<128xi32, #tpu.memory_space<vmem>>, vector<16xi32>,
              %mul3A_135 = arith.constant 16 : i32
              %mul3A_136 = arith.muli %scan3A_115, %mul3A_135 : i32
              %add3A_137 = arith.addi %mul3A_89, %mul3A_136 : i32
              %get3A_138 = arith.index_cast %add3A_137 : i32 to index
              %get3A_139 = tpu.vector_load %arg12[%get3A_138] {strides = array<i32>} : memref<10240xi32, #tpu.memory_space<vmem>>, vector<16xi32>,
              %mul3A_140 = arith.constant 16 : i32
              %mul3A_141 = arith.muli %scan3A_115, %mul3A_140 : i32
              %swap3A_142 = arith.index_cast %mul3A_141 : i32 to index
              %swap3A_143 = tpu.vector_load %arg15[%swap3A_142] {strides = array<i32>} : memref<128xi32, #tpu.memory_space<vmem>>, vector<16xi32>,
              tpu.vector_store %arg15[%swap3A_142], %get3A_139 {strides = array<i32>} : memref<128xi32, #tpu.memory_space<vmem>>, vector<16xi32>,
              %scan3A_144 = arith.constant 0 : i32
              scf.yield %scan3A_144 : i32
            }
            %scan3A_96 = arith.constant 8 : i32
            %dma_start3A = arith.constant 0 : i32
            %dma_start3A_97 = arith.constant 0 : i32
            %dma_start3A_98 = tpu.memref_slice %arg2[%dma_start3A, %dma_start3A_97] : memref<50000x128xf32, #tpu.memory_space<hbm>> -> memref<50000x128xf32, #tpu.memory_space<hbm>>
            tpu.enqueue_indirect_dma source(%dma_start3A_98 : memref<50000x128xf32, #tpu.memory_space<hbm>>) target(%arg17 : memref<128x128xf32, #tpu.memory_space<vmem>>) offsets(%arg13 : memref<128xi32, #tpu.memory_space<vmem>>) semaphore(%arg21 : memref<!tpu.dma_semaphore, #tpu.memory_space<semaphore_mem>>)
            %dma_start3A_99 = arith.constant 0 : i32
            %dma_start3A_100 = arith.constant 0 : i32
            %dma_start3A_101 = tpu.memref_slice %arg3[%dma_start3A_99, %dma_start3A_100] : memref<800000x128xf32, #tpu.memory_space<hbm>> -> memref<800000x128xf32, #tpu.memory_space<hbm>>
            tpu.enqueue_indirect_dma source(%dma_start3A_101 : memref<800000x128xf32, #tpu.memory_space<hbm>>) target(%arg18 : memref<128x128xf32, #tpu.memory_space<vmem>>) offsets(%arg14 : memref<128xi32, #tpu.memory_space<vmem>>) semaphore(%arg22 : memref<!tpu.dma_semaphore, #tpu.memory_space<semaphore_mem>>)
            %dma_wait3A = arith.constant 0 : i32
            %dma_wait3A_102 = arith.constant 0 : i32
            %dma_wait3A_103 = tpu.memref_slice %arg2[%dma_wait3A, %dma_wait3A_102] : memref<50000x128xf32, #tpu.memory_space<hbm>> -> memref<50000x128xf32, #tpu.memory_space<hbm>>
            tpu.wait_indirect_dma semaphore(%arg21 : memref<!tpu.dma_semaphore, #tpu.memory_space<semaphore_mem>>) src(%dma_wait3A_103 : memref<50000x128xf32, #tpu.memory_space<hbm>>) dst(%arg17 : memref<128x128xf32, #tpu.memory_space<vmem>>)
            %dma_wait3A_104 = arith.constant 0 : i32
            %dma_wait3A_105 = arith.constant 0 : i32
            %dma_wait3A_106 = tpu.memref_slice %arg3[%dma_wait3A_104, %dma_wait3A_105] : memref<800000x128xf32, #tpu.memory_space<hbm>> -> memref<800000x128xf32, #tpu.memory_space<hbm>>
            tpu.wait_indirect_dma semaphore(%arg22 : memref<!tpu.dma_semaphore, #tpu.memory_space<semaphore_mem>>) src(%dma_wait3A_106 : memref<800000x128xf32, #tpu.memory_space<hbm>>) dst(%arg18 : memref<128x128xf32, #tpu.memory_space<vmem>>)
            %scan3A_107 = arith.constant 0 : i32
            %scan3A_108 = arith.constant 0 : i32
            %scan3A_109 = arith.constant 128 : i32
            %scan3A_110 = arith.addi %scan3A_108, %scan3A_109 : i32
            %scan3A_111 = arith.constant 1 : i32
            %scan3A_112 = scf.for %scan3A_115 = %scan3A_108 to %scan3A_110 step %scan3A_111 iter_args(%scan3A_116 = %scan3A_107) -> (i32)  : i32 {
              %get3A_117 = arith.index_cast %scan3A_115 : i32 to index
              %get3A_118 = arith.constant 0 : index
              %get3A_119 = tpu.vector_load %arg17[%get3A_117, %get3A_118] {strides = array<i32>} : memref<128x128xf32, #tpu.memory_space<vmem>>, vector<16xf32>,
              %get3A_120 = arith.index_cast %scan3A_115 : i32 to index
              %get3A_121 = arith.constant 0 : index
              %get3A_122 = tpu.vector_load %arg18[%get3A_120, %get3A_121] {strides = array<i32>} : memref<128x128xf32, #tpu.memory_space<vmem>>, vector<16xf32>,
              %add3A_123 = arith.addf %get3A_119, %get3A_122 : vector<16xf32>
              %max3A = arith.constant 0.000000e+00 : f32
              %max3A_124 = vector.broadcast %max3A : f32 to vector<16xf32>
              %max3A_125 = arith.maximumf %add3A_123, %max3A_124 : vector<16xf32>
              %swap3A_126 = arith.index_cast %scan3A_115 : i32 to index
              %swap3A_127 = arith.constant 0 : index
              %swap3A_128 = tpu.vector_load %arg17[%swap3A_126, %swap3A_127] {strides = array<i32>} : memref<128x128xf32, #tpu.memory_space<vmem>>, vector<16xf32>,
              tpu.vector_store %arg17[%swap3A_126, %swap3A_127], %max3A_125 {strides = array<i32>} : memref<128x128xf32, #tpu.memory_space<vmem>>, vector<16xf32>,
              %get3A_129 = arith.index_cast %scan3A_115 : i32 to index
              %get3A_130 = arith.constant 16 : index
              %get3A_131 = tpu.vector_load %arg17[%get3A_129, %get3A_130] {strides = array<i32>} : memref<128x128xf32, #tpu.memory_space<vmem>>, vector<16xf32>,
              %get3A_132 = arith.index_cast %scan3A_115 : i32 to index
              %get3A_133 = arith.constant 16 : index
              %get3A_134 = tpu.vector_load %arg18[%get3A_132, %get3A_133] {strides = array<i32>} : memref<128x128xf32, #tpu.memory_space<vmem>>, vector<16xf32>,
              %add3A_135 = arith.addf %get3A_131, %get3A_134 : vector<16xf32>
              %max3A_136 = arith.constant 0.000000e+00 : f32
              %max3A_137 = vector.broadcast %max3A_136 : f32 to vector<16xf32>
              %max3A_138 = arith.maximumf %add3A_135, %max3A_137 : vector<16xf32>
              %swap3A_139 = arith.index_cast %scan3A_115 : i32 to index
              %swap3A_140 = arith.constant 16 : index
              %swap3A_141 = tpu.vector_load %arg17[%swap3A_139, %swap3A_140] {strides = array<i32>} : memref<128x128xf32, #tpu.memory_space<vmem>>, vector<16xf32>,
              tpu.vector_store %arg17[%swap3A_139, %swap3A_140], %max3A_138 {strides = array<i32>} : memref<128x128xf32, #tpu.memory_space<vmem>>, vector<16xf32>,
              %get3A_142 = arith.index_cast %scan3A_115 : i32 to index
              %get3A_143 = arith.constant 32 : index
              %get3A_144 = tpu.vector_load %arg17[%get3A_142, %get3A_143] {strides = array<i32>} : memref<128x128xf32, #tpu.memory_space<vmem>>, vector<16xf32>,
              %get3A_145 = arith.index_cast %scan3A_115 : i32 to index
              %get3A_146 = arith.constant 32 : index
              %get3A_147 = tpu.vector_load %arg18[%get3A_145, %get3A_146] {strides = array<i32>} : memref<128x128xf32, #tpu.memory_space<vmem>>, vector<16xf32>,
              %add3A_148 = arith.addf %get3A_144, %get3A_147 : vector<16xf32>
              %max3A_149 = arith.constant 0.000000e+00 : f32
              %max3A_150 = vector.broadcast %max3A_149 : f32 to vector<16xf32>
              %max3A_151 = arith.maximumf %add3A_148, %max3A_150 : vector<16xf32>
              %swap3A_152 = arith.index_cast %scan3A_115 : i32 to index
              %swap3A_153 = arith.constant 32 : index
              %swap3A_154 = tpu.vector_load %arg17[%swap3A_152, %swap3A_153] {strides = array<i32>} : memref<128x128xf32, #tpu.memory_space<vmem>>, vector<16xf32>,
              tpu.vector_store %arg17[%swap3A_152, %swap3A_153], %max3A_151 {strides = array<i32>} : memref<128x128xf32, #tpu.memory_space<vmem>>, vector<16xf32>,
              %get3A_155 = arith.index_cast %scan3A_115 : i32 to index
              %get3A_156 = arith.constant 48 : index
              %get3A_157 = tpu.vector_load %arg17[%get3A_155, %get3A_156] {strides = array<i32>} : memref<128x128xf32, #tpu.memory_space<vmem>>, vector<16xf32>,
              %get3A_158 = arith.index_cast %scan3A_115 : i32 to index
              %get3A_159 = arith.constant 48 : index
              %get3A_160 = tpu.vector_load %arg18[%get3A_158, %get3A_159] {strides = array<i32>} : memref<128x128xf32, #tpu.memory_space<vmem>>, vector<16xf32>,
              %add3A_161 = arith.addf %get3A_157, %get3A_160 : vector<16xf32>
              %max3A_162 = arith.constant 0.000000e+00 : f32
              %max3A_163 = vector.broadcast %max3A_162 : f32 to vector<16xf32>
              %max3A_164 = arith.maximumf %add3A_161, %max3A_163 : vector<16xf32>
              %swap3A_165 = arith.index_cast %scan3A_115 : i32 to index
              %swap3A_166 = arith.constant 48 : index
              %swap3A_167 = tpu.vector_load %arg17[%swap3A_165, %swap3A_166] {strides = array<i32>} : memref<128x128xf32, #tpu.memory_space<vmem>>, vector<16xf32>,
              tpu.vector_store %arg17[%swap3A_165, %swap3A_166], %max3A_164 {strides = array<i32>} : memref<128x128xf32, #tpu.memory_space<vmem>>, vector<16xf32>,
              %get3A_168 = arith.index_cast %scan3A_115 : i32 to index
              %get3A_169 = arith.constant 64 : index
              %get3A_170 = tpu.vector_load %arg17[%get3A_168, %get3A_169] {strides = array<i32>} : memref<128x128xf32, #tpu.memory_space<vmem>>, vector<16xf32>,
              %get3A_171 = arith.index_cast %scan3A_115 : i32 to index
              %get3A_172 = arith.constant 64 : index
              %get3A_173 = tpu.vector_load %arg18[%get3A_171, %get3A_172] {strides = array<i32>} : memref<128x128xf32, #tpu.memory_space<vmem>>, vector<16xf32>,
              %add3A_174 = arith.addf %get3A_170, %get3A_173 : vector<16xf32>
              %max3A_175 = arith.constant 0.000000e+00 : f32
              %max3A_176 = vector.broadcast %max3A_175 : f32 to vector<16xf32>
              %max3A_177 = arith.maximumf %add3A_174, %max3A_176 : vector<16xf32>
              %swap3A_178 = arith.index_cast %scan3A_115 : i32 to index
              %swap3A_179 = arith.constant 64 : index
              %swap3A_180 = tpu.vector_load %arg17[%swap3A_178, %swap3A_179] {strides = array<i32>} : memref<128x128xf32, #tpu.memory_space<vmem>>, vector<16xf32>,
              tpu.vector_store %arg17[%swap3A_178, %swap3A_179], %max3A_177 {strides = array<i32>} : memref<128x128xf32, #tpu.memory_space<vmem>>, vector<16xf32>,
              %get3A_181 = arith.index_cast %scan3A_115 : i32 to index
              %get3A_182 = arith.constant 80 : index
              %get3A_183 = tpu.vector_load %arg17[%get3A_181, %get3A_182] {strides = array<i32>} : memref<128x128xf32, #tpu.memory_space<vmem>>, vector<16xf32>,
              %get3A_184 = arith.index_cast %scan3A_115 : i32 to index
              %get3A_185 = arith.constant 80 : index
              %get3A_186 = tpu.vector_load %arg18[%get3A_184, %get3A_185] {strides = array<i32>} : memref<128x128xf32, #tpu.memory_space<vmem>>, vector<16xf32>,
              %add3A_187 = arith.addf %get3A_183, %get3A_186 : vector<16xf32>
              %max3A_188 = arith.constant 0.000000e+00 : f32
              %max3A_189 = vector.broadcast %max3A_188 : f32 to vector<16xf32>
              %max3A_190 = arith.maximumf %add3A_187, %max3A_189 : vector<16xf32>
              %swap3A_191 = arith.index_cast %scan3A_115 : i32 to index
              %swap3A_192 = arith.constant 80 : index
              %swap3A_193 = tpu.vector_load %arg17[%swap3A_191, %swap3A_192] {strides = array<i32>} : memref<128x128xf32, #tpu.memory_space<vmem>>, vector<16xf32>,
              tpu.vector_store %arg17[%swap3A_191, %swap3A_192], %max3A_190 {strides = array<i32>} : memref<128x128xf32, #tpu.memory_space<vmem>>, vector<16xf32>,
              %get3A_194 = arith.index_cast %scan3A_115 : i32 to index
              %get3A_195 = arith.constant 96 : index
              %get3A_196 = tpu.vector_load %arg17[%get3A_194, %get3A_195] {strides = array<i32>} : memref<128x128xf32, #tpu.memory_space<vmem>>, vector<16xf32>,
              %get3A_197 = arith.index_cast %scan3A_115 : i32 to index
              %get3A_198 = arith.constant 96 : index
              %get3A_199 = tpu.vector_load %arg18[%get3A_197, %get3A_198] {strides = array<i32>} : memref<128x128xf32, #tpu.memory_space<vmem>>, vector<16xf32>,
              %add3A_200 = arith.addf %get3A_196, %get3A_199 : vector<16xf32>
              %max3A_201 = arith.constant 0.000000e+00 : f32
              %max3A_202 = vector.broadcast %max3A_201 : f32 to vector<16xf32>
              %max3A_203 = arith.maximumf %add3A_200, %max3A_202 : vector<16xf32>
              %swap3A_204 = arith.index_cast %scan3A_115 : i32 to index
              %swap3A_205 = arith.constant 96 : index
              %swap3A_206 = tpu.vector_load %arg17[%swap3A_204, %swap3A_205] {strides = array<i32>} : memref<128x128xf32, #tpu.memory_space<vmem>>, vector<16xf32>,
              tpu.vector_store %arg17[%swap3A_204, %swap3A_205], %max3A_203 {strides = array<i32>} : memref<128x128xf32, #tpu.memory_space<vmem>>, vector<16xf32>,
              %get3A_207 = arith.index_cast %scan3A_115 : i32 to index
              %get3A_208 = arith.constant 112 : index
              %get3A_209 = tpu.vector_load %arg17[%get3A_207, %get3A_208] {strides = array<i32>} : memref<128x128xf32, #tpu.memory_space<vmem>>, vector<16xf32>,
              %get3A_210 = arith.index_cast %scan3A_115 : i32 to index
              %get3A_211 = arith.constant 112 : index
              %get3A_212 = tpu.vector_load %arg18[%get3A_210, %get3A_211] {strides = array<i32>} : memref<128x128xf32, #tpu.memory_space<vmem>>, vector<16xf32>,
              %add3A_213 = arith.addf %get3A_209, %get3A_212 : vector<16xf32>
              %max3A_214 = arith.constant 0.000000e+00 : f32
              %max3A_215 = vector.broadcast %max3A_214 : f32 to vector<16xf32>
              %max3A_216 = arith.maximumf %add3A_213, %max3A_215 : vector<16xf32>
              %swap3A_217 = arith.index_cast %scan3A_115 : i32 to index
              %swap3A_218 = arith.constant 112 : index
              %swap3A_219 = tpu.vector_load %arg17[%swap3A_217, %swap3A_218] {strides = array<i32>} : memref<128x128xf32, #tpu.memory_space<vmem>>, vector<16xf32>,
              tpu.vector_store %arg17[%swap3A_217, %swap3A_218], %max3A_216 {strides = array<i32>} : memref<128x128xf32, #tpu.memory_space<vmem>>, vector<16xf32>,
              %scan3A_220 = arith.constant 0 : i32
              scf.yield %scan3A_220 : i32
            }
            %scan3A_113 = arith.constant 128 : i32
            "tpu.region"() ({
              %run_scoped3A = tpu.sem_alloc : memref<!tpu.dma_semaphore, #tpu.memory_space<semaphore_mem>>
              %dma_start3A_115 = arith.constant 0 : i32
              %dma_start3A_116 = arith.constant 0 : i32
              %dma_start3A_117 = tpu.memref_slice %arg7[%dma_start3A_115, %dma_start3A_116] : memref<5136x128xf32, #tpu.memory_space<vmem_shared>> -> memref<5136x128xf32, #tpu.memory_space<vmem_shared>>
              tpu.enqueue_indirect_dma source(%arg17 : memref<128x128xf32, #tpu.memory_space<vmem>>) target(%dma_start3A_117 : memref<5136x128xf32, #tpu.memory_space<vmem_shared>>) offsets(%arg15 : memref<128xi32, #tpu.memory_space<vmem>>) semaphore(%run_scoped3A : memref<!tpu.dma_semaphore, #tpu.memory_space<semaphore_mem>>) {add = true}
              %dma_wait3A_118 = arith.constant 0 : i32
              %dma_wait3A_119 = arith.constant 0 : i32
              %dma_wait3A_120 = tpu.memref_slice %arg7[%dma_wait3A_118, %dma_wait3A_119] : memref<5136x128xf32, #tpu.memory_space<vmem_shared>> -> memref<5136x128xf32, #tpu.memory_space<vmem_shared>>
              tpu.wait_indirect_dma semaphore(%run_scoped3A : memref<!tpu.dma_semaphore, #tpu.memory_space<semaphore_mem>>) src(%arg17 : memref<128x128xf32, #tpu.memory_space<vmem>>) dst(%dma_wait3A_120 : memref<5136x128xf32, #tpu.memory_space<vmem_shared>>)
              tpu.yield
            }) : () -> ()
            %while3A_114 = arith.constant 0 : i32
            scf.yield %while3A_114 : i32
          }
          %gt3A = arith.constant 0 : i32
          %gt3A_77 = arith.cmpi sgt, %select_n3A, %gt3A : i32
          %convert_element_type3A_78 = arith.extui %gt3A_77 : i1 to i32
          %cond3A_79 = arith.constant 0 : i32
          %cond3A_80 = arith.cmpi ne, %convert_element_type3A_78, %cond3A_79 : i32
          scf.if %cond3A_80 {
            %mul3A_86 = arith.constant 128 : i32
            %mul3A_87 = arith.muli %select_n3A, %mul3A_86 : i32
            %scan3A_88 = arith.constant 0 : i32
            %scan3A_89 = arith.constant 0 : i32
            %scan3A_90 = arith.constant 8 : i32
            %scan3A_91 = arith.addi %scan3A_89, %scan3A_90 : i32
            %scan3A_92 = arith.constant 1 : i32
            %scan3A_93 = scf.for %scan3A_95 = %scan3A_89 to %scan3A_91 step %scan3A_92 iter_args(%scan3A_96 = %scan3A_88) -> (i32)  : i32 {
              %mul3A_97 = arith.constant 16 : i32
              %mul3A_98 = arith.muli %scan3A_95, %mul3A_97 : i32
              %add3A_99 = arith.addi %mul3A_87, %mul3A_98 : i32
              %get3A_100 = arith.index_cast %add3A_99 : i32 to index
              %get3A_101 = tpu.vector_load %arg10[%get3A_100] {strides = array<i32>} : memref<10240xi32, #tpu.memory_space<vmem>>, vector<16xi32>,
              %mul3A_102 = arith.constant 16 : i32
              %mul3A_103 = arith.muli %scan3A_95, %mul3A_102 : i32
              %swap3A_104 = arith.index_cast %mul3A_103 : i32 to index
              %swap3A_105 = tpu.vector_load %arg10[%swap3A_104] {strides = array<i32>} : memref<10240xi32, #tpu.memory_space<vmem>>, vector<16xi32>,
              tpu.vector_store %arg10[%swap3A_104], %get3A_101 {strides = array<i32>} : memref<10240xi32, #tpu.memory_space<vmem>>, vector<16xi32>,
              %mul3A_106 = arith.constant 16 : i32
              %mul3A_107 = arith.muli %scan3A_95, %mul3A_106 : i32
              %add3A_108 = arith.addi %mul3A_87, %mul3A_107 : i32
              %get3A_109 = arith.index_cast %add3A_108 : i32 to index
              %get3A_110 = tpu.vector_load %arg11[%get3A_109] {strides = array<i32>} : memref<10240xi32, #tpu.memory_space<vmem>>, vector<16xi32>,
              %mul3A_111 = arith.constant 16 : i32
              %mul3A_112 = arith.muli %scan3A_95, %mul3A_111 : i32
              %swap3A_113 = arith.index_cast %mul3A_112 : i32 to index
              %swap3A_114 = tpu.vector_load %arg11[%swap3A_113] {strides = array<i32>} : memref<10240xi32, #tpu.memory_space<vmem>>, vector<16xi32>,
              tpu.vector_store %arg11[%swap3A_113], %get3A_110 {strides = array<i32>} : memref<10240xi32, #tpu.memory_space<vmem>>, vector<16xi32>,
              %mul3A_115 = arith.constant 16 : i32
              %mul3A_116 = arith.muli %scan3A_95, %mul3A_115 : i32
              %add3A_117 = arith.addi %mul3A_87, %mul3A_116 : i32
              %get3A_118 = arith.index_cast %add3A_117 : i32 to index
              %get3A_119 = tpu.vector_load %arg12[%get3A_118] {strides = array<i32>} : memref<10240xi32, #tpu.memory_space<vmem>>, vector<16xi32>,
              %mul3A_120 = arith.constant 16 : i32
              %mul3A_121 = arith.muli %scan3A_95, %mul3A_120 : i32
              %swap3A_122 = arith.index_cast %mul3A_121 : i32 to index
              %swap3A_123 = tpu.vector_load %arg12[%swap3A_122] {strides = array<i32>} : memref<10240xi32, #tpu.memory_space<vmem>>, vector<16xi32>,
              tpu.vector_store %arg12[%swap3A_122], %get3A_119 {strides = array<i32>} : memref<10240xi32, #tpu.memory_space<vmem>>, vector<16xi32>,
              %scan3A_124 = arith.constant 0 : i32
              scf.yield %scan3A_124 : i32
            }
            %scan3A_94 = arith.constant 8 : i32
          } else {
          }
          %mul3A_81 = arith.constant 128 : i32
          %mul3A_82 = arith.muli %select_n3A, %mul3A_81 : i32
          %sub3A_83 = arith.subi %squeeze3A, %mul3A_82 : i32
          %add3A_84 = vector.broadcast %sub3A_83 : i32 to vector<16xi32>
          %add3A_85 = arith.addi %broadcast_in_dim3A_1, %add3A_84 : vector<16xi32>
          scf.yield %add3A_85 : vector<16xi32>
        }
        %scan3A_39 = arith.constant 6 : i32
      } else {
      }
      %barrier3A_28 = arith.constant 0 : index
      tpu.barrier barrier_id(%barrier3A_28)
      %convert_element_type3A_29 = arith.extui %lt3A_23 : i1 to i32
      %cond3A_30 = arith.constant 0 : i32
      %cond3A_31 = arith.cmpi ne, %convert_element_type3A_29, %cond3A_30 : i32
      scf.if %cond3A_31 {
        %scan3A_34 = arith.constant 0 : i32
        %scan3A_35 = arith.constant 0 : i32
        %scan3A_36 = arith.constant 10 : i32
        %scan3A_37 = arith.addi %scan3A_35, %scan3A_36 : i32
        %scan3A_38 = arith.constant 1 : i32
        %scan3A_39 = scf.for %scan3A_41 = %scan3A_35 to %scan3A_37 step %scan3A_38 iter_args(%scan3A_42 = %scan3A_34) -> (i32)  : i32 {
          %mul3A_43 = arith.constant 32 : i32
          %mul3A_44 = arith.muli %scan3A_41, %mul3A_43 : i32
          %add3A_45 = arith.addi %mul3A_0, %mul3A_44 : i32
          %add3A_46 = arith.addi %mul3A_20, %mul3A_0 : i32
          %mul3A_47 = arith.constant 32 : i32
          %mul3A_48 = arith.muli %scan3A_41, %mul3A_47 : i32
          %add3A_49 = arith.addi %add3A_46, %mul3A_48 : i32
          "tpu.region"() ({
            %run_scoped3A = tpu.sem_alloc : memref<!tpu.dma_semaphore, #tpu.memory_space<semaphore_mem>>
            %dma_start3A = arith.constant 0 : i32
            %dma_start3A_51 = tpu.memref_slice %arg6[%add3A_49, %dma_start3A] : memref<51200x128xf32, #tpu.memory_space<hbm>> -> memref<32x128xf32, #tpu.memory_space<hbm>>
            %dma_start3A_52 = arith.constant 0 : i32
            %dma_start3A_53 = tpu.memref_slice %arg7[%add3A_45, %dma_start3A_52] : memref<5136x128xf32, #tpu.memory_space<vmem_shared>> -> memref<32x128xf32, #tpu.memory_space<vmem_shared>>
            tpu.enqueue_dma source(%dma_start3A_53 : memref<32x128xf32, #tpu.memory_space<vmem_shared>>) target(%dma_start3A_51 : memref<32x128xf32, #tpu.memory_space<hbm>>) target_semaphore(%run_scoped3A : memref<!tpu.dma_semaphore, #tpu.memory_space<semaphore_mem>>)
            %dma_wait3A = arith.constant 0 : i32
            %dma_wait3A_54 = tpu.memref_slice %arg6[%add3A_49, %dma_wait3A] : memref<51200x128xf32, #tpu.memory_space<hbm>> -> memref<32x128xf32, #tpu.memory_space<hbm>>
            %dma_wait3A_55 = arith.constant 0 : i32
            %dma_wait3A_56 = tpu.memref_slice %arg7[%add3A_45, %dma_wait3A_55] : memref<5136x128xf32, #tpu.memory_space<vmem_shared>> -> memref<32x128xf32, #tpu.memory_space<vmem_shared>>
            tpu.wait_dma2 semaphore(%run_scoped3A : memref<!tpu.dma_semaphore, #tpu.memory_space<semaphore_mem>>) src(%dma_wait3A_56 : memref<32x128xf32, #tpu.memory_space<vmem_shared>>) dst(%dma_wait3A_54 : memref<32x128xf32, #tpu.memory_space<hbm>>)
            tpu.yield
          }) : () -> ()
          %scan3A_50 = arith.constant 0 : i32
          scf.yield %scan3A_50 : i32
        }
        %scan3A_40 = arith.constant 10 : i32
      } else {
      }
      %barrier3A_32 = arith.constant 0 : index
      tpu.barrier barrier_id(%barrier3A_32)
      %scan3A_33 = arith.constant 0 : i32
      scf.yield %scan3A_33 : i32
    }
    %scan3A_14 = arith.constant 5 : i32
    return
  }
}

module attributes {stable_mosaic.version = 14 : i64} {
  func.func @_embed_body(%arg0: i32, %arg1: memref<2000x128xf32, #tpu.memory_space<vmem>>, %arg2: memref<128x128xf32, #tpu.memory_space<vmem>>, %arg3: memref<1x128xf32, #tpu.memory_space<vmem>>, %arg4: memref<2000x128xf32, #tpu.memory_space<vmem>>) attributes {dimension_semantics = [#tpu.dimension_semantics<arbitrary>], iteration_bounds = array<i64: 25>, scalar_prefetch = 0 : i64, scratch_operands = 0 : i64, tpu.core_type = #tpu.core_type<tc>, window_params = [{transform_indices = @transform_0, window_bounds = array<i64: 2000, 128>}, {pipeline_mode = #tpu.pipeline_mode<synchronous>, transform_indices = @transform_1, window_bounds = array<i64: 128, 128>}, {pipeline_mode = #tpu.pipeline_mode<synchronous>, transform_indices = @transform_2, window_bounds = array<i64: 1, 128>}, {transform_indices = @transform_3, window_bounds = array<i64: 2000, 128>}]} {
    %get3A = arith.constant 0 : index
    %get3A_0 = arith.constant 0 : index
    %get3A_1 = vector.load %arg1[%get3A, %get3A_0] : memref<2000x128xf32, #tpu.memory_space<vmem>>, vector<2000x128xf32>
    %get3A_2 = arith.constant 0 : index
    %get3A_3 = arith.constant 0 : index
    %get3A_4 = vector.load %arg2[%get3A_2, %get3A_3] : memref<128x128xf32, #tpu.memory_space<vmem>>, vector<128x128xf32>
    %dot_general3A = arith.constant dense<0.000000e+00> : vector<2000x128xf32>
    %dot_general3A_5 = tpu.matmul %get3A_1, %get3A_4, %dot_general3A {dimension_numbers = #tpu.dot_dimension_numbers<[1], [0], [0], [1], [0, 0, 1, 1], [], []>, transpose_lhs_hint = false} : vector<2000x128xf32>, vector<128x128xf32>, vector<2000x128xf32> -> vector<2000x128xf32>
    %get3A_6 = arith.constant 0 : index
    %get3A_7 = arith.constant 0 : index
    %get3A_8 = vector.load %arg3[%get3A_6, %get3A_7] : memref<1x128xf32, #tpu.memory_space<vmem>>, vector<1x128xf32>
    %add3A = vector.broadcast %get3A_8 : vector<1x128xf32> to vector<2000x128xf32>
    %add3A_9 = arith.addf %dot_general3A_5, %add3A : vector<2000x128xf32>
    %max3A = arith.constant 0.000000e+00 : f32
    %max3A_10 = vector.broadcast %max3A : f32 to vector<2000x128xf32>
    %max3A_11 = arith.maximumf %add3A_9, %max3A_10 : vector<2000x128xf32>
    %swap3A = arith.constant 0 : index
    %swap3A_12 = arith.constant 0 : index
    %swap3A_13 = vector.load %arg4[%swap3A, %swap3A_12] : memref<2000x128xf32, #tpu.memory_space<vmem>>, vector<2000x128xf32>
    tpu.vector_store %arg4[%swap3A, %swap3A_12], %max3A_11 {strides = array<i32>} : memref<2000x128xf32, #tpu.memory_space<vmem>>, vector<2000x128xf32>,
    return
  }
  func.func @transform_0(%arg0: i32) -> (i32, i32) {
    %c0_i32 = arith.constant 0 : i32
    %c0_i32_0 = arith.constant 0 : i32
    return %arg0, %c0_i32 : i32, i32
  }
  func.func @transform_1(%arg0: i32) -> (i32, i32) {
    %c0_i32 = arith.constant 0 : i32
    %c0_i32_0 = arith.constant 0 : i32
    %c0_i32_1 = arith.constant 0 : i32
    return %c0_i32, %c0_i32_0 : i32, i32
  }
  func.func @transform_2(%arg0: i32) -> (i32, i32) {
    %c0_i32 = arith.constant 0 : i32
    %c0_i32_0 = arith.constant 0 : i32
    %c0_i32_1 = arith.constant 0 : i32
    return %c0_i32, %c0_i32_0 : i32, i32
  }
  func.func @transform_3(%arg0: i32) -> (i32, i32) {
    %c0_i32 = arith.constant 0 : i32
    %c0_i32_0 = arith.constant 0 : i32
    return %arg0, %c0_i32 : i32, i32
  }
}

module attributes {stable_mosaic.version = 14 : i64} {
  func.func @_eemb_body(%arg0: i32, %arg1: memref<3200x16xf32, #tpu.memory_space<vmem>>, %arg2: memref<16x128xf32, #tpu.memory_space<vmem>>, %arg3: memref<1x128xf32, #tpu.memory_space<vmem>>, %arg4: memref<3200x128xf32, #tpu.memory_space<vmem>>) attributes {dimension_semantics = [#tpu.dimension_semantics<arbitrary>], iteration_bounds = array<i64: 250>, scalar_prefetch = 0 : i64, scratch_operands = 0 : i64, tpu.core_type = #tpu.core_type<tc>, window_params = [{transform_indices = @transform_0, window_bounds = array<i64: 3200, 16>}, {pipeline_mode = #tpu.pipeline_mode<synchronous>, transform_indices = @transform_1, window_bounds = array<i64: 16, 128>}, {pipeline_mode = #tpu.pipeline_mode<synchronous>, transform_indices = @transform_2, window_bounds = array<i64: 1, 128>}, {transform_indices = @transform_3, window_bounds = array<i64: 3200, 128>}]} {
    %get3A = arith.constant 0 : index
    %get3A_0 = arith.constant 0 : index
    %get3A_1 = vector.load %arg1[%get3A, %get3A_0] : memref<3200x16xf32, #tpu.memory_space<vmem>>, vector<3200x16xf32>
    %get3A_2 = arith.constant 0 : index
    %get3A_3 = arith.constant 0 : index
    %get3A_4 = vector.load %arg2[%get3A_2, %get3A_3] : memref<16x128xf32, #tpu.memory_space<vmem>>, vector<16x128xf32>
    %dot_general3A = arith.constant dense<0.000000e+00> : vector<3200x128xf32>
    %dot_general3A_5 = tpu.matmul %get3A_1, %get3A_4, %dot_general3A {dimension_numbers = #tpu.dot_dimension_numbers<[1], [0], [0], [1], [0, 0, 1, 1], [], []>, transpose_lhs_hint = false} : vector<3200x16xf32>, vector<16x128xf32>, vector<3200x128xf32> -> vector<3200x128xf32>
    %get3A_6 = arith.constant 0 : index
    %get3A_7 = arith.constant 0 : index
    %get3A_8 = vector.load %arg3[%get3A_6, %get3A_7] : memref<1x128xf32, #tpu.memory_space<vmem>>, vector<1x128xf32>
    %add3A = vector.broadcast %get3A_8 : vector<1x128xf32> to vector<3200x128xf32>
    %add3A_9 = arith.addf %dot_general3A_5, %add3A : vector<3200x128xf32>
    %swap3A = arith.constant 0 : index
    %swap3A_10 = arith.constant 0 : index
    %swap3A_11 = vector.load %arg4[%swap3A, %swap3A_10] : memref<3200x128xf32, #tpu.memory_space<vmem>>, vector<3200x128xf32>
    tpu.vector_store %arg4[%swap3A, %swap3A_10], %add3A_9 {strides = array<i32>} : memref<3200x128xf32, #tpu.memory_space<vmem>>, vector<3200x128xf32>,
    return
  }
  func.func @transform_0(%arg0: i32) -> (i32, i32) {
    %c0_i32 = arith.constant 0 : i32
    %c0_i32_0 = arith.constant 0 : i32
    return %arg0, %c0_i32 : i32, i32
  }
  func.func @transform_1(%arg0: i32) -> (i32, i32) {
    %c0_i32 = arith.constant 0 : i32
    %c0_i32_0 = arith.constant 0 : i32
    %c0_i32_1 = arith.constant 0 : i32
    return %c0_i32, %c0_i32_0 : i32, i32
  }
  func.func @transform_2(%arg0: i32) -> (i32, i32) {
    %c0_i32 = arith.constant 0 : i32
    %c0_i32_0 = arith.constant 0 : i32
    %c0_i32_1 = arith.constant 0 : i32
    return %c0_i32, %c0_i32_0 : i32, i32
  }
  func.func @transform_3(%arg0: i32) -> (i32, i32) {
    %c0_i32 = arith.constant 0 : i32
    %c0_i32_0 = arith.constant 0 : i32
    return %arg0, %c0_i32 : i32, i32
  }
}

module attributes {stable_mosaic.version = 14 : i64} {
  func.func @_mlp_body(%arg0: i32, %arg1: memref<2000x128xf32, #tpu.memory_space<vmem>>, %arg2: memref<2000x128xf32, #tpu.memory_space<vmem>>, %arg3: memref<128x256xf32, #tpu.memory_space<vmem>>, %arg4: memref<1x256xf32, #tpu.memory_space<vmem>>, %arg5: memref<256x128xf32, #tpu.memory_space<vmem>>, %arg6: memref<1x128xf32, #tpu.memory_space<vmem>>, %arg7: memref<2000x128xf32, #tpu.memory_space<vmem>>, %arg8: memref<1x8x128xf32, #tpu.memory_space<vmem>>) attributes {dimension_semantics = [#tpu.dimension_semantics<arbitrary>], iteration_bounds = array<i64: 25>, scalar_prefetch = 0 : i64, scratch_operands = 0 : i64, tpu.core_type = #tpu.core_type<tc>, window_params = [{transform_indices = @transform_0, window_bounds = array<i64: 2000, 128>}, {transform_indices = @transform_1, window_bounds = array<i64: 2000, 128>}, {pipeline_mode = #tpu.pipeline_mode<synchronous>, transform_indices = @transform_2, window_bounds = array<i64: 128, 256>}, {pipeline_mode = #tpu.pipeline_mode<synchronous>, transform_indices = @transform_3, window_bounds = array<i64: 1, 256>}, {pipeline_mode = #tpu.pipeline_mode<synchronous>, transform_indices = @transform_4, window_bounds = array<i64: 256, 128>}, {pipeline_mode = #tpu.pipeline_mode<synchronous>, transform_indices = @transform_5, window_bounds = array<i64: 1, 128>}, {transform_indices = @transform_6, window_bounds = array<i64: 2000, 128>}, {transform_indices = @transform_7, window_bounds = array<i64: 1, 8, 128>}]} {
    %get3A = arith.constant 0 : index
    %get3A_0 = arith.constant 0 : index
    %get3A_1 = vector.load %arg1[%get3A, %get3A_0] : memref<2000x128xf32, #tpu.memory_space<vmem>>, vector<2000x128xf32>
    %get3A_2 = arith.constant 0 : index
    %get3A_3 = arith.constant 0 : index
    %get3A_4 = vector.load %arg2[%get3A_2, %get3A_3] : memref<2000x128xf32, #tpu.memory_space<vmem>>, vector<2000x128xf32>
    %add3A = arith.addf %get3A_1, %get3A_4 : vector<2000x128xf32>
    %get3A_5 = arith.constant 0 : index
    %get3A_6 = arith.constant 0 : index
    %get3A_7 = vector.load %arg3[%get3A_5, %get3A_6] : memref<128x256xf32, #tpu.memory_space<vmem>>, vector<128x256xf32>
    %dot_general3A = arith.constant dense<0.000000e+00> : vector<2000x256xf32>
    %dot_general3A_8 = tpu.matmul %add3A, %get3A_7, %dot_general3A {dimension_numbers = #tpu.dot_dimension_numbers<[1], [0], [0], [1], [0, 0, 1, 1], [], []>, transpose_lhs_hint = false} : vector<2000x128xf32>, vector<128x256xf32>, vector<2000x256xf32> -> vector<2000x256xf32>
    %get3A_9 = arith.constant 0 : index
    %get3A_10 = arith.constant 0 : index
    %get3A_11 = vector.load %arg4[%get3A_9, %get3A_10] : memref<1x256xf32, #tpu.memory_space<vmem>>, vector<1x256xf32>
    %add3A_12 = vector.broadcast %get3A_11 : vector<1x256xf32> to vector<2000x256xf32>
    %add3A_13 = arith.addf %dot_general3A_8, %add3A_12 : vector<2000x256xf32>
    %max3A = arith.constant 0.000000e+00 : f32
    %max3A_14 = vector.broadcast %max3A : f32 to vector<2000x256xf32>
    %max3A_15 = arith.maximumf %add3A_13, %max3A_14 : vector<2000x256xf32>
    %get3A_16 = arith.constant 0 : index
    %get3A_17 = arith.constant 0 : index
    %get3A_18 = vector.load %arg5[%get3A_16, %get3A_17] : memref<256x128xf32, #tpu.memory_space<vmem>>, vector<256x128xf32>
    %dot_general3A_19 = arith.constant dense<0.000000e+00> : vector<2000x128xf32>
    %dot_general3A_20 = tpu.matmul %max3A_15, %get3A_18, %dot_general3A_19 {dimension_numbers = #tpu.dot_dimension_numbers<[1], [0], [0], [1], [0, 0, 1, 1], [], []>, transpose_lhs_hint = false} : vector<2000x256xf32>, vector<256x128xf32>, vector<2000x128xf32> -> vector<2000x128xf32>
    %get3A_21 = arith.constant 0 : index
    %get3A_22 = arith.constant 0 : index
    %get3A_23 = vector.load %arg6[%get3A_21, %get3A_22] : memref<1x128xf32, #tpu.memory_space<vmem>>, vector<1x128xf32>
    %add3A_24 = vector.broadcast %get3A_23 : vector<1x128xf32> to vector<2000x128xf32>
    %add3A_25 = arith.addf %dot_general3A_20, %add3A_24 : vector<2000x128xf32>
    %swap3A = arith.constant 0 : index
    %swap3A_26 = arith.constant 0 : index
    %swap3A_27 = vector.load %arg7[%swap3A, %swap3A_26] : memref<2000x128xf32, #tpu.memory_space<vmem>>, vector<2000x128xf32>
    tpu.vector_store %arg7[%swap3A, %swap3A_26], %add3A_25 {strides = array<i32>} : memref<2000x128xf32, #tpu.memory_space<vmem>>, vector<2000x128xf32>,
    %reduce_sum3A = arith.constant dense<0.000000e+00> : vector<128xf32>
    %reduce_sum3A_28 = vector.multi_reduction <add>, %add3A_25, %reduce_sum3A [0] : vector<2000x128xf32> to vector<128xf32>
    %broadcast_in_dim3A = vector.shape_cast %reduce_sum3A_28 : vector<128xf32> to vector<1x128xf32>
    %swap3A_29 = arith.constant 0 : index
    %swap3A_30 = arith.constant 0 : index
    %swap3A_31 = arith.constant 0 : index
    %swap3A_32 = vector.load %arg8[%swap3A_29, %swap3A_30, %swap3A_31] : memref<1x8x128xf32, #tpu.memory_space<vmem>>, vector<1x1x128xf32>
    %swap3A_33 = vector.shape_cast %swap3A_32 : vector<1x1x128xf32> to vector<1x128xf32>
    %swap3A_34 = vector.shape_cast %broadcast_in_dim3A : vector<1x128xf32> to vector<1x1x128xf32>
    tpu.vector_store %arg8[%swap3A_29, %swap3A_30, %swap3A_31], %swap3A_34 {strides = array<i32>} : memref<1x8x128xf32, #tpu.memory_space<vmem>>, vector<1x1x128xf32>,
    %mul3A = arith.mulf %add3A_25, %add3A_25 : vector<2000x128xf32>
    %reduce_sum3A_35 = arith.constant dense<0.000000e+00> : vector<128xf32>
    %reduce_sum3A_36 = vector.multi_reduction <add>, %mul3A, %reduce_sum3A_35 [0] : vector<2000x128xf32> to vector<128xf32>
    %broadcast_in_dim3A_37 = vector.shape_cast %reduce_sum3A_36 : vector<128xf32> to vector<1x128xf32>
    %swap3A_38 = arith.constant 0 : index
    %swap3A_39 = arith.constant 1 : index
    %swap3A_40 = arith.constant 0 : index
    %swap3A_41 = vector.load %arg8[%swap3A_38, %swap3A_39, %swap3A_40] : memref<1x8x128xf32, #tpu.memory_space<vmem>>, vector<1x1x128xf32>
    %swap3A_42 = vector.shape_cast %swap3A_41 : vector<1x1x128xf32> to vector<1x128xf32>
    %swap3A_43 = vector.shape_cast %broadcast_in_dim3A_37 : vector<1x128xf32> to vector<1x1x128xf32>
    tpu.vector_store %arg8[%swap3A_38, %swap3A_39, %swap3A_40], %swap3A_43 {strides = array<i32>} : memref<1x8x128xf32, #tpu.memory_space<vmem>>, vector<1x1x128xf32>,
    return
  }
  func.func @transform_0(%arg0: i32) -> (i32, i32) {
    %c0_i32 = arith.constant 0 : i32
    %c0_i32_0 = arith.constant 0 : i32
    return %arg0, %c0_i32 : i32, i32
  }
  func.func @transform_1(%arg0: i32) -> (i32, i32) {
    %c0_i32 = arith.constant 0 : i32
    %c0_i32_0 = arith.constant 0 : i32
    return %arg0, %c0_i32 : i32, i32
  }
  func.func @transform_2(%arg0: i32) -> (i32, i32) {
    %c0_i32 = arith.constant 0 : i32
    %c0_i32_0 = arith.constant 0 : i32
    %c0_i32_1 = arith.constant 0 : i32
    return %c0_i32, %c0_i32_0 : i32, i32
  }
  func.func @transform_3(%arg0: i32) -> (i32, i32) {
    %c0_i32 = arith.constant 0 : i32
    %c0_i32_0 = arith.constant 0 : i32
    %c0_i32_1 = arith.constant 0 : i32
    return %c0_i32, %c0_i32_0 : i32, i32
  }
  func.func @transform_4(%arg0: i32) -> (i32, i32) {
    %c0_i32 = arith.constant 0 : i32
    %c0_i32_0 = arith.constant 0 : i32
    %c0_i32_1 = arith.constant 0 : i32
    return %c0_i32, %c0_i32_0 : i32, i32
  }
  func.func @transform_5(%arg0: i32) -> (i32, i32) {
    %c0_i32 = arith.constant 0 : i32
    %c0_i32_0 = arith.constant 0 : i32
    %c0_i32_1 = arith.constant 0 : i32
    return %c0_i32, %c0_i32_0 : i32, i32
  }
  func.func @transform_6(%arg0: i32) -> (i32, i32) {
    %c0_i32 = arith.constant 0 : i32
    %c0_i32_0 = arith.constant 0 : i32
    return %arg0, %c0_i32 : i32, i32
  }
  func.func @transform_7(%arg0: i32) -> (i32, i32, i32) {
    %c0_i32 = arith.constant 0 : i32
    %c0_i32_0 = arith.constant 0 : i32
    %c0_i32_1 = arith.constant 0 : i32
    return %arg0, %c0_i32, %c0_i32_0 : i32, i32, i32
  }
}

module attributes {stable_mosaic.version = 14 : i64} {
  func.func @_bn_body(%arg0: i32, %arg1: memref<2000x128xf32, #tpu.memory_space<vmem>>, %arg2: memref<1x128xf32, #tpu.memory_space<vmem>>, %arg3: memref<1x128xf32, #tpu.memory_space<vmem>>, %arg4: memref<1x128xf32, #tpu.memory_space<vmem>>, %arg5: memref<1x128xf32, #tpu.memory_space<vmem>>, %arg6: memref<2000x128xf32, #tpu.memory_space<vmem>>) attributes {dimension_semantics = [#tpu.dimension_semantics<arbitrary>], iteration_bounds = array<i64: 25>, scalar_prefetch = 0 : i64, scratch_operands = 0 : i64, tpu.core_type = #tpu.core_type<tc>, window_params = [{transform_indices = @transform_0, window_bounds = array<i64: 2000, 128>}, {pipeline_mode = #tpu.pipeline_mode<synchronous>, transform_indices = @transform_1, window_bounds = array<i64: 1, 128>}, {pipeline_mode = #tpu.pipeline_mode<synchronous>, transform_indices = @transform_2, window_bounds = array<i64: 1, 128>}, {pipeline_mode = #tpu.pipeline_mode<synchronous>, transform_indices = @transform_3, window_bounds = array<i64: 1, 128>}, {pipeline_mode = #tpu.pipeline_mode<synchronous>, transform_indices = @transform_4, window_bounds = array<i64: 1, 128>}, {transform_indices = @transform_5, window_bounds = array<i64: 2000, 128>}]} {
    %get3A = arith.constant 0 : index
    %get3A_0 = arith.constant 0 : index
    %get3A_1 = vector.load %arg1[%get3A, %get3A_0] : memref<2000x128xf32, #tpu.memory_space<vmem>>, vector<2000x128xf32>
    %get3A_2 = arith.constant 0 : index
    %get3A_3 = arith.constant 0 : index
    %get3A_4 = vector.load %arg2[%get3A_2, %get3A_3] : memref<1x128xf32, #tpu.memory_space<vmem>>, vector<1x128xf32>
    %sub3A = vector.broadcast %get3A_4 : vector<1x128xf32> to vector<2000x128xf32>
    %sub3A_5 = arith.subf %get3A_1, %sub3A : vector<2000x128xf32>
    %get3A_6 = arith.constant 0 : index
    %get3A_7 = arith.constant 0 : index
    %get3A_8 = vector.load %arg3[%get3A_6, %get3A_7] : memref<1x128xf32, #tpu.memory_space<vmem>>, vector<1x128xf32>
    %mul3A = vector.broadcast %get3A_8 : vector<1x128xf32> to vector<2000x128xf32>
    %mul3A_9 = arith.mulf %sub3A_5, %mul3A : vector<2000x128xf32>
    %get3A_10 = arith.constant 0 : index
    %get3A_11 = arith.constant 0 : index
    %get3A_12 = vector.load %arg4[%get3A_10, %get3A_11] : memref<1x128xf32, #tpu.memory_space<vmem>>, vector<1x128xf32>
    %mul3A_13 = vector.broadcast %get3A_12 : vector<1x128xf32> to vector<2000x128xf32>
    %mul3A_14 = arith.mulf %mul3A_9, %mul3A_13 : vector<2000x128xf32>
    %get3A_15 = arith.constant 0 : index
    %get3A_16 = arith.constant 0 : index
    %get3A_17 = vector.load %arg5[%get3A_15, %get3A_16] : memref<1x128xf32, #tpu.memory_space<vmem>>, vector<1x128xf32>
    %add3A = vector.broadcast %get3A_17 : vector<1x128xf32> to vector<2000x128xf32>
    %add3A_18 = arith.addf %mul3A_14, %add3A : vector<2000x128xf32>
    %max3A = arith.constant 0.000000e+00 : f32
    %max3A_19 = vector.broadcast %max3A : f32 to vector<2000x128xf32>
    %max3A_20 = arith.maximumf %add3A_18, %max3A_19 : vector<2000x128xf32>
    %swap3A = arith.constant 0 : index
    %swap3A_21 = arith.constant 0 : index
    %swap3A_22 = vector.load %arg6[%swap3A, %swap3A_21] : memref<2000x128xf32, #tpu.memory_space<vmem>>, vector<2000x128xf32>
    tpu.vector_store %arg6[%swap3A, %swap3A_21], %max3A_20 {strides = array<i32>} : memref<2000x128xf32, #tpu.memory_space<vmem>>, vector<2000x128xf32>,
    return
  }
  func.func @transform_0(%arg0: i32) -> (i32, i32) {
    %c0_i32 = arith.constant 0 : i32
    %c0_i32_0 = arith.constant 0 : i32
    return %arg0, %c0_i32 : i32, i32
  }
  func.func @transform_1(%arg0: i32) -> (i32, i32) {
    %c0_i32 = arith.constant 0 : i32
    %c0_i32_0 = arith.constant 0 : i32
    %c0_i32_1 = arith.constant 0 : i32
    return %c0_i32, %c0_i32_0 : i32, i32
  }
  func.func @transform_2(%arg0: i32) -> (i32, i32) {
    %c0_i32 = arith.constant 0 : i32
    %c0_i32_0 = arith.constant 0 : i32
    %c0_i32_1 = arith.constant 0 : i32
    return %c0_i32, %c0_i32_0 : i32, i32
  }
  func.func @transform_3(%arg0: i32) -> (i32, i32) {
    %c0_i32 = arith.constant 0 : i32
    %c0_i32_0 = arith.constant 0 : i32
    %c0_i32_1 = arith.constant 0 : i32
    return %c0_i32, %c0_i32_0 : i32, i32
  }
  func.func @transform_4(%arg0: i32) -> (i32, i32) {
    %c0_i32 = arith.constant 0 : i32
    %c0_i32_0 = arith.constant 0 : i32
    %c0_i32_1 = arith.constant 0 : i32
    return %c0_i32, %c0_i32_0 : i32, i32
  }
  func.func @transform_5(%arg0: i32) -> (i32, i32) {
    %c0_i32 = arith.constant 0 : i32
    %c0_i32_0 = arith.constant 0 : i32
    return %arg0, %c0_i32 : i32, i32
  }
}

module attributes {stable_mosaic.version = 14 : i64} {
  func.func @_bn_body(%arg0: i32, %arg1: memref<2000x128xf32, #tpu.memory_space<vmem>>, %arg2: memref<1x128xf32, #tpu.memory_space<vmem>>, %arg3: memref<1x128xf32, #tpu.memory_space<vmem>>, %arg4: memref<1x128xf32, #tpu.memory_space<vmem>>, %arg5: memref<1x128xf32, #tpu.memory_space<vmem>>, %arg6: memref<2000x128xf32, #tpu.memory_space<vmem>>) attributes {dimension_semantics = [#tpu.dimension_semantics<arbitrary>], iteration_bounds = array<i64: 25>, scalar_prefetch = 0 : i64, scratch_operands = 0 : i64, tpu.core_type = #tpu.core_type<tc>, window_params = [{transform_indices = @transform_0, window_bounds = array<i64: 2000, 128>}, {pipeline_mode = #tpu.pipeline_mode<synchronous>, transform_indices = @transform_1, window_bounds = array<i64: 1, 128>}, {pipeline_mode = #tpu.pipeline_mode<synchronous>, transform_indices = @transform_2, window_bounds = array<i64: 1, 128>}, {pipeline_mode = #tpu.pipeline_mode<synchronous>, transform_indices = @transform_3, window_bounds = array<i64: 1, 128>}, {pipeline_mode = #tpu.pipeline_mode<synchronous>, transform_indices = @transform_4, window_bounds = array<i64: 1, 128>}, {transform_indices = @transform_5, window_bounds = array<i64: 2000, 128>}]} {
    %get3A = arith.constant 0 : index
    %get3A_0 = arith.constant 0 : index
    %get3A_1 = vector.load %arg1[%get3A, %get3A_0] : memref<2000x128xf32, #tpu.memory_space<vmem>>, vector<2000x128xf32>
    %get3A_2 = arith.constant 0 : index
    %get3A_3 = arith.constant 0 : index
    %get3A_4 = vector.load %arg2[%get3A_2, %get3A_3] : memref<1x128xf32, #tpu.memory_space<vmem>>, vector<1x128xf32>
    %sub3A = vector.broadcast %get3A_4 : vector<1x128xf32> to vector<2000x128xf32>
    %sub3A_5 = arith.subf %get3A_1, %sub3A : vector<2000x128xf32>
    %get3A_6 = arith.constant 0 : index
    %get3A_7 = arith.constant 0 : index
    %get3A_8 = vector.load %arg3[%get3A_6, %get3A_7] : memref<1x128xf32, #tpu.memory_space<vmem>>, vector<1x128xf32>
    %mul3A = vector.broadcast %get3A_8 : vector<1x128xf32> to vector<2000x128xf32>
    %mul3A_9 = arith.mulf %sub3A_5, %mul3A : vector<2000x128xf32>
    %get3A_10 = arith.constant 0 : index
    %get3A_11 = arith.constant 0 : index
    %get3A_12 = vector.load %arg4[%get3A_10, %get3A_11] : memref<1x128xf32, #tpu.memory_space<vmem>>, vector<1x128xf32>
    %mul3A_13 = vector.broadcast %get3A_12 : vector<1x128xf32> to vector<2000x128xf32>
    %mul3A_14 = arith.mulf %mul3A_9, %mul3A_13 : vector<2000x128xf32>
    %get3A_15 = arith.constant 0 : index
    %get3A_16 = arith.constant 0 : index
    %get3A_17 = vector.load %arg5[%get3A_15, %get3A_16] : memref<1x128xf32, #tpu.memory_space<vmem>>, vector<1x128xf32>
    %add3A = vector.broadcast %get3A_17 : vector<1x128xf32> to vector<2000x128xf32>
    %add3A_18 = arith.addf %mul3A_14, %add3A : vector<2000x128xf32>
    %swap3A = arith.constant 0 : index
    %swap3A_19 = arith.constant 0 : index
    %swap3A_20 = vector.load %arg6[%swap3A, %swap3A_19] : memref<2000x128xf32, #tpu.memory_space<vmem>>, vector<2000x128xf32>
    tpu.vector_store %arg6[%swap3A, %swap3A_19], %add3A_18 {strides = array<i32>} : memref<2000x128xf32, #tpu.memory_space<vmem>>, vector<2000x128xf32>,
    return
  }
  func.func @transform_0(%arg0: i32) -> (i32, i32) {
    %c0_i32 = arith.constant 0 : i32
    %c0_i32_0 = arith.constant 0 : i32
    return %arg0, %c0_i32 : i32, i32
  }
  func.func @transform_1(%arg0: i32) -> (i32, i32) {
    %c0_i32 = arith.constant 0 : i32
    %c0_i32_0 = arith.constant 0 : i32
    %c0_i32_1 = arith.constant 0 : i32
    return %c0_i32, %c0_i32_0 : i32, i32
  }
  func.func @transform_2(%arg0: i32) -> (i32, i32) {
    %c0_i32 = arith.constant 0 : i32
    %c0_i32_0 = arith.constant 0 : i32
    %c0_i32_1 = arith.constant 0 : i32
    return %c0_i32, %c0_i32_0 : i32, i32
  }
  func.func @transform_3(%arg0: i32) -> (i32, i32) {
    %c0_i32 = arith.constant 0 : i32
    %c0_i32_0 = arith.constant 0 : i32
    %c0_i32_1 = arith.constant 0 : i32
    return %c0_i32, %c0_i32_0 : i32, i32
  }
  func.func @transform_4(%arg0: i32) -> (i32, i32) {
    %c0_i32 = arith.constant 0 : i32
    %c0_i32_0 = arith.constant 0 : i32
    %c0_i32_1 = arith.constant 0 : i32
    return %c0_i32, %c0_i32_0 : i32, i32
  }
  func.func @transform_5(%arg0: i32) -> (i32, i32) {
    %c0_i32 = arith.constant 0 : i32
    %c0_i32_0 = arith.constant 0 : i32
    return %arg0, %c0_i32 : i32, i32
  }
}

</mosaic_0001>

<sc_bundles>
// kernel: kernel.15.cloned.1.call-start
scs
__scs_entry_jumppad:
0x0: {  	(pc) =	sbr.rel $0x88, $3  }
0x1: {  	(tag) =	ssettag $0x0;
	lr =	simm.s32 $0x1  }
0x2: {  	[smem:$0x3F94] =	sst lr;
	_ =	strace $0xD0000000  }
0x3: {  	_ = 	snop  }
0x4: {  	_ = 	snop  }
0x5: {  	_ = 	snop  }
0x6: {  	_ = 	snop  }
0x7: {  	_ = 	snop  }
__scs_overlays_trampoline_lowered:
0x8: {  	[smem:$0x3FA3] =	sst s0  }
0x9: {  	[smem:$0x3FA4] =	sst s1  }
0xa: {  	[smem:$0x3FA5] =	sst s2  }
0xb: {  	[smem:$0x3FA6] =	sst s3  }
0xc: {  	[smem:$0x3FA7] =	sst s4  }
0xd: {  	[smem:$0x3FA8] =	sst s5  }
0xe: {  	[smem:$0x3FA9] =	sst s6  }
0xf: {  	[smem:$0x3FAA] =	sst s7  }
0x10: {  	[smem:$0x3FAB] =	sst s8  }
0x11: {  	[smem:$0x3FAC] =	sst s9;
	s0 =	simm.s32 @!p0 $0x0  }
0x12: {  	s1 =	sld [smem:$0x3F92];
	s0 =	simm.s32 @p0 $0x1  }
0x13: {  	[smem:$0x3FAD] =	sst s0;
	s0 =	simm.s32 @!p1 $0x0  }
0x14: {  	s2 =	sld [smem:$0x3F91];
	s0 =	simm.s32 @p1 $0x1  }
0x15: {  	[smem:$0x3FAE] =	sst s0;
	s0 =	simm.s32 @!p2 $0x0  }
0x16: {  	s3 =	sld [smem:$0x3FDB];
	s0 =	simm.s32 @p2 $0x1  }
0x17: {  	s4 =	simm.s32 $0x1BF5;
	[smem:$0x3FB0] =	sst s0  }
0x18: {  	s0 =	sld [smem:$0x3F93];
	_ =	swait.ge [sflag:s4], $0x0  }
0x19: {  	s7 =	sld [smem:$0x3F94]  }
0x1a: {  	s8 =	sadd.s32 $0xFFFFE003, lr  }
0x1b: {  	s9 =	sadd.s32 $0xFFFFFEF7, lr;
	s5 =	simm.s32 $0xFFFFFFFF;
	p2 =	slt.u32 s8, $0xFFFFF086  }
0x1c: {  	p1 =	slt.u32 s9, $0xF7A;
	s5 =	simm.s32 @!p2 $0x0  }
0x1d: {  	s5 =	simm.s32 @p1 $0x1;
	p0 =	seq.s32 s7, s2  }
0x1e: {  	s7 =	smul.u32 @!p0 $0xF7A, s2;
	p2 =	seq.s32 @!p0 s5, $0x0  }
0x1f: {  	s9 =	smul.u32 $0xF7A, s1;
	s8 =	simm.s32 @!p0 $0x1BF5;
	p2 =	por !p2, p0  }
0x20: {  	[sflag:s8] =	ssyncset.s32 @!p0 $0xFFFFF086;
	s6 =	sadd.s32 @!p0 s3, s7;
	s7 =	simm.s32 @!p0 $0x108  }
0x21: {  	s3 =	sadd.s32 s3, s9;
	s6 =	sadd.s32 @!p0 $0x88, s6;
	s7 =	simm.s32 @p2 $0x1082  }
0x22: {  	[simem:s7], [sflag:s8] =	dma.local @!p0 [hbm:s6], $0xF7A  }
0x23: {  	s9 =	sor.u32 $0xD0000000, s2;
	s6 =	simm.s32 $0x108;
	_ =	swait.ge @!p0 [sflag:s8], $0x0  }
0x24: {  	s3 =	sadd.s32 $0x88, s3;
	s6 =	simm.s32 @!p1 $0x1082;
	[sflag:s4] =	ssyncset.s32 $0xFFFFF086  }
0x25: {  	[simem:s6], [sflag:s4] =	dma.local [hbm:s3], $0xF7A  }
0x26: {  	[smem:$0x3F94] =	sst s1;
	(tag) =	ssettag s2;
	_ =	strace s9  }
0x27: {  	s1 =	sld [smem:$0x3FA4]  }
0x28: {  	s2 =	sld [smem:$0x3FA5]  }
0x29: {  	s4 =	sld [smem:$0x3FA7]  }
0x2a: {  	p0 =	seq.s32 s5, $0x0;
	s5 =	sld [smem:$0x3FA8]  }
0x2b: {  	s6 =	sld [smem:$0x3FA9]  }
0x2c: {  	s7 =	sld [smem:$0x3FAA]  }
0x2d: {  	s3 =	simm.s32 $0x108;
	s8 =	sld [smem:$0x3FAB]  }
0x2e: {  	s3 =	simm.s32 @!p0 $0x1082;
	s9 =	sld [smem:$0x3FAC]  }
0x2f: {  	lr =	sadd.s32 s0, s3;
	s0 =	sld [smem:$0x3FA3]  }
0x30: {  	s3 =	sld [smem:$0x3FA6]  }
0x31: {  	[smem:$0x3FAF] =	sst s10  }
0x32: {  	s10 =	sld [smem:$0x3FAD];
	_ =	sdelay $0x3  }
0x33: {  	p0 =	seq.s32 s10, $0x1;
	s10 =	sld [smem:$0x3FAF];
	_ =	sdelay $0x3  }
0x34: {  	[smem:$0x3FAF] =	sst s10  }
0x35: {  	s10 =	sld [smem:$0x3FAE];
	_ =	sdelay $0x3  }
0x36: {  	p1 =	seq.s32 s10, $0x1;
	s10 =	sld [smem:$0x3FAF];
	_ =	sdelay $0x3  }
0x37: {  	[smem:$0x3FAF] =	sst s10  }
0x38: {  	s10 =	sld [smem:$0x3FB0]  }
0x39: {  	_ = 	snop;
	(pc) =	sbr.ind lr, $3  }
0x3a: {  	_ = 	snop  }
0x3b: {  	_ = 	snop  }
0x3c: {  	p2 =	seq.s32 s10, $0x1;
	s10 =	sld [smem:$0x3FAF]  }
0x3d: {  	_ =	shalt  }
0x3e: {  	_ =	shalt  }
0x3f: {  	_ =	shalt  }
0x40: {  	_ =	shalt  }
0x41: {  	_ =	shalt  }
0x42: {  	_ =	shalt  }
0x43: {  	_ =	shalt  }
0x44: {  	_ =	shalt  }
0x45: {  	_ =	shalt  }
0x46: {  	_ =	shalt  }
0x47: {  	_ =	shalt  }
0x48: {  	_ =	shalt  }
0x49: {  	_ =	shalt  }
0x4a: {  	_ =	shalt  }
0x4b: {  	_ =	shalt  }
0x4c: {  	_ =	shalt  }
0x4d: {  	_ =	shalt  }
0x4e: {  	_ =	shalt  }
0x4f: {  	_ =	shalt  }
0x50: {  	_ =	shalt  }
0x51: {  	_ =	shalt  }
0x52: {  	_ =	shalt  }
0x53: {  	_ =	shalt  }
0x54: {  	_ =	shalt  }
0x55: {  	_ =	shalt  }
0x56: {  	_ =	shalt  }
0x57: {  	_ =	shalt  }
0x58: {  	_ =	shalt  }
0x59: {  	_ =	shalt  }
0x5a: {  	_ =	shalt  }
0x5b: {  	_ =	shalt  }
0x5c: {  	_ =	shalt  }
0x5d: {  	_ =	shalt  }
0x5e: {  	_ =	shalt  }
0x5f: {  	_ =	shalt  }
0x60: {  	_ =	shalt  }
0x61: {  	_ =	shalt  }
0x62: {  	_ =	shalt  }
0x63: {  	_ =	shalt  }
0x64: {  	_ =	shalt  }
0x65: {  	_ =	shalt  }
0x66: {  	_ =	shalt  }
0x67: {  	_ =	shalt  }
0x68: {  	_ =	shalt  }
0x69: {  	_ =	shalt  }
0x6a: {  	_ =	shalt  }
0x6b: {  	_ =	shalt  }
0x6c: {  	_ =	shalt  }
0x6d: {  	_ =	shalt  }
0x6e: {  	_ =	shalt  }
0x6f: {  	_ =	shalt  }
0x70: {  	_ =	shalt  }
0x71: {  	_ =	shalt  }
0x72: {  	_ =	shalt  }
0x73: {  	_ =	shalt  }
0x74: {  	_ =	shalt  }
0x75: {  	_ =	shalt  }
0x76: {  	_ =	shalt  }
0x77: {  	_ =	shalt  }
0x78: {  	_ =	shalt  }
0x79: {  	_ =	shalt  }
0x7a: {  	_ =	shalt  }
0x7b: {  	_ =	shalt  }
0x7c: {  	_ =	shalt  }
0x7d: {  	_ =	shalt  }
0x7e: {  	_ =	shalt  }
0x7f: {  	_ =	shalt  }
0x80: {  	_ =	shalt  }
0x81: {  	_ =	shalt  }
0x82: {  	_ =	shalt  }
0x83: {  	_ =	shalt  }
0x84: {  	_ =	shalt  }
0x85: {  	_ =	shalt  }
0x86: {  	_ =	shalt  }
0x87: {  	_ =	shalt  }
.Lfunc_end0:
.L_simem_size_0:
called_computation_lowered:
.L_overlay_start_0:
0x88: {  	s2 =	sld [smem:$0x3FD9]  }
0x89: {  	s3 =	sld [smem:$0x3FFE];
	_ =	sdelay $0x1  }
0x8a: {  	s1 =	srdreg.scid  }
0x8b: {  	s0 =	sand.u32 $0x1, s1  }
0x8c: {  	s16 =	sshll.u32 s0, $0xA;
	s2 =	sadd.s32 s3, s2  }
0x8d: {  	s2 =	sadd.s32 s2, s16  }
0x8e: {  	[smem:$0x3FBB] =	sst s2  }
0x8f: {  	_ = 	snop  }
0x90: {  	(tm) =	ssettm $0x1  }
0x91: {  	s17 =	sld [smem:$0x3FFB];
	_ =	sdelay $0x3  }
0x92: {  	_ =	strace s17  }
0x93: {  	s2 =	sld [smem:$0x3FFC];
	_ =	sdelay $0x3  }
0x94: {  	_ =	strace s2  }
0x95: {  	s2 =	sld [smem:$0x3FFD];
	_ =	sdelay $0x3  }
0x96: {  	_ =	strace s2  }
0x97: {  	_ =	strace $0x8FFFFFFF  }
0x98: {  	s18 =	sld [smem:$0x3FDB];
	_ =	sdelay $0x1  }
0x99: {  	s19 =	simm.s32 $_scs_section_size  }
0x9a: {  	s4 =	simm.s32 $_size__tile_overlayer_lowered;
	s5 =	simm.s32 $_tile_overlayer_lowered  }
0x9b: {  	s22 =	simm.s32 $0x1BFF;
	s21 =	sshll.u32 s5, $0x1;
	s2 =	sadd.s32 s19, s18  }
0x9c: {  	s6 =	simm.s32 $0x0;
	s20 =	sshll.u32 s4, $0x1;
	s4 =	sadd.s32 s21, s2  }
0x9d: {  	[timem:s6], [sflag:s22] =	dma.local [hbm:s4], s20  }
0x9e: {  	_ =	swait.ge [sflag:s22], s20  }
0x9f: {  	s3 =	ssub.s32 $0x0, s20;
	[sflag:s22] =	ssyncset.done $0x0  }
0xa0: {  	[sflag:s22] =	ssyncadd.s32 s3;
	_ =	sdelay $0x1  }
0xa1: {  	s23 =	simm.s32 $0x1B8B  }
0xa2: {  	_ =	swait.ge [sflag:s23], $0x1  }
0xa3: {  	[sflag:s23] =	ssyncset.done $0x0  }
0xa4: {  	s25 =	simm.s32 $0x1B8E;
	s24 =	sld [smem:$0x3FFE];
	[sflag:s23] =	ssyncadd.s32 $0xFFFFFFFF  }
0xa5: {  	s26 =	simm.s32 $execute0_lowered;
	[smem:$0x3FD2] =	sst s25  }
0xa6: {  	s4 =	sshll.u32 s26, $0x1;
	_ =	strace $0x80000046;
	[dreg:$0x1] =	wrdreg $0xFFFFFFFF  }
0xa7: {  	s28 =	simm.s32 $_size_execute0_lowered;
	s2 =	sadd.s32 s2, s4;
	[dreg:$0x0] =	wrdreg $0x0  }
0xa8: {  	s4 =	sshll.u32 s28, $0x1;
	[dreg:$0x2] =	wrdreg s2  }
0xa9: {  	[dreg:$0x3] =	wrdreg s4  }
0xaa: {  	[dreg:$0x4] =	wrdreg $0xC0  }
0xab: {  	_ =	task [dreg:s6], $0x5FFFF  }
0xac: {  	[dreg:$0x1] =	wrdreg $0xFFFFFFFF  }
0xad: {  	[dreg:$0x0] =	wrdreg $0x60  }
0xae: {  	[dreg:$0x2] =	wrdreg s24  }
0xaf: {  	[dreg:$0x3] =	wrdreg $0x0  }
0xb0: {  	[dreg:$0x4] =	wrdreg $0x9  }
0xb1: {  	_ =	task.clear_ibuf [dreg:s6], $0x5FFFF;
	_ =	strace $0x90000046  }
0xb2: {  	s29 =	simm.s32 $0x9;
	_ =	strace $0x80000048  }
0xb3: {  	_ =	swait.ge [sflag:s29], $0x1  }
0xb4: {  	[sflag:s29] =	ssyncadd.s32 $0xFFFFFFFF  }
0xb5: {  	_ =	strace $0x90000048  }
0xb6: {  	_ =	sfence  }
0xb7: {  	s30 =	sld [smem:$0x0];
	_ =	sdelay $0x2  }
0xb8: {  	s31 =	sshll.u32 s1, $0xD;
	s1 =	sshrl.u32 s1, $0x2  }
0xb9: {  	s3 =	sand.u32 $0x4000, s31;
	s1 =	sadd.s32 s1, s30  }
0xba: {  	s0 =	sor.u32 s3, s0;
	s1 =	sshll.u32 s1, $0x11  }
0xbb: {  	s0 =	sor.u32 s1, s0  }
0xbc: {  	s0 =	sadd.s32 $0x8F2B, s0  }
0xbd: {  	[sflag:s0] =	ssyncadd.remote.s32 $0x1  }
0xbe: {  	_ =	sfence.sel $0xFFFF  }
0xbf: {  	[dreg:$0x0] =	wrdreg $0xFFFFFFFF;
	(pc) =	sbr.abs _section_cstart, $3  }
0xc0: {  	[dreg:$0x1] =	wrdreg $0xFFFFFFFF  }
0xc1: {  	_ =	task.clear_ibuf [dreg:s6], $0x2FFFF;
	_ =	strace $0x9FFFFFFF  }
0xc2: {  	(tm) =	ssettm $0x7FFFFFFF  }
0xc3: {  	_ =	shalt  }
tec
execute0_lowered:
.L_overlay_start_1:
0x0: {  	(tag) =	ssettag $0x1  }
0x1: {  	s0 =	rddreg [dreg:$0x0]  }
0x2: {  	s1 =	rddreg [dreg:$0x1];
	s12 =	simm.s32 $0x0  }
0x3: {  	s13 =	stileid.u32;
	s16 =	srdreg.scid;
	s9 =	simm.s32 $0x16980  }
0x4: {  	s10 =	simm.s32 $0x16800;
	[smem:$0x7FF] =	sst s12;
	s3 =	sadd.s32 $0x1962A00, s0  }
0x5: {  	s17 =	sadd.s32 $0x1962E00, s0;
	_ =	strace $0x80000047;
	[dreg:$0x4] =	wrdreg s3  }
0x6: {  	s4 =	sadd.s32 $0x189F400, s0;
	s18 =	sadd.s32 $0x1963000, s0;
	[dreg:$0xb] =	wrdreg s17  }
0x7: {  	s5 =	sadd.s32 $0xC6A400, s0;
	s20 =	sadd.s32 $0x1963200, s0;
	[dreg:$0xc] =	wrdreg s18  }
0x8: {  	s6 =	sadd.s32 $0xC51400, s0;
	s21 =	sadd.s32 $0x1963400, s0;
	[dreg:$0xd] =	wrdreg s20  }
0x9: {  	s2 =	smul.u32 $0x28000, s13;
	s22 =	sadd.s32 $0x1963600, s0;
	[dreg:$0xe] =	wrdreg s21  }
0xa: {  	s7 =	sadd.s32 $0xC38C00, s0;
	s23 =	sadd.s32 $0x1963800, s0;
	[dreg:$0xf] =	wrdreg s22  }
0xb: {  	s8 =	smul.u32 $0x140, s13;
	s24 =	sadd.s32 $0x1963A00, s0;
	[dreg:$0x10] =	wrdreg s23  }
0xc: {  	s14 =	smul.u32 $0xC350, s13;
	s0 =	sadd.s32 $0x1963C00, s0;
	[dreg:$0x12] =	wrdreg s24  }
0xd: {  	s11 =	sor.u32 $0x1400, s13;
	s3 =	sand.u32 $0x1, s16;
	[dreg:$0x13] =	wrdreg s0  }
0xe: {  	s22 =	simm.s32 $0x3;
	[dreg:$0x6] =	wrdreg s8;
	s2 =	sshrl.u32 s2, $0x2  }
0xf: {  	s16 =	simm.s32 $0x1A980;
	[dreg:$0x5] =	wrdreg s3;
	s26 =	sadd.s32 s2, s1  }
0x10: {  	s17 =	simm.s32 $0x2;
	s15 =	sadd.s32 $0x1000, s26;
	[dreg:$0x7] =	wrdreg s26  }
0x11: {  	s18 =	simm.s32 $0x16880;
	s25 =	sadd.s32 $0x2000, s26;
	[dreg:$0x8] =	wrdreg s15  }
0x12: {  	s21 =	simm.s32 $0x13F80;
	s28 =	sadd.s32 $0x3000, s26;
	[dreg:$0x9] =	wrdreg s25  }
0x13: {  	s3 =	ssub.s32 $0x2, s3;
	s29 =	sadd.s32 $0x4000, s26;
	[dreg:$0xa] =	wrdreg s28  }
0x14: {  	s19 =	sshrl.u32 s3, $0x1;
	s30 =	sadd.s32 $0x5000, s26;
	[dreg:$0x14] =	wrdreg s29  }
0x15: {  	s2 =	ssub.s32 s3, s19;
	s0 =	sadd.s32 $0x6000, s26;
	[dreg:$0x15] =	wrdreg s30  }
.Ltmp0:
0x16: {  	s19 =	sadd.s32 $0x7000, s26;
	[dreg:$0x16] =	wrdreg s0;
	(pc) =	sbr.rel .LBB2_1-.Ltmp0, $4  }
0x17: {  	s23 =	simm.s32 $0xEF80;
	s20 =	sadd.s32 $0x8000, s26;
	[dreg:$0x17] =	wrdreg s19  }
0x18: {  	s24 =	simm.s32 $0x11780;
	s31 =	sadd.s32 $0x9000, s26;
	[dreg:$0x18] =	wrdreg s20  }
0x19: {  	v2 =	vimm.f32 $0.0e+00;
	v3 =	vlaneseq.u32;
	s8 =	simm.s32 $0x16780;
	s2 =	smax.u32 s2, $0x1;
	[dreg:$0x19] =	wrdreg s31  }
0x1a: {  	v4 =	vimm.s32 $0x0;
	v1 =	vmov s13;
	v0 =	vmov s11;
	s3 =	simm.s32 $0x80;
	[dreg:$0x11] =	wrdreg s2;
	s2 =	simm.s32 $0x1  }
.LBB2_17:
0x1b: {  	s12 =	rddreg [dreg:$0x3]  }
0x1c: {  	s11 =	rddreg [dreg:$0x11];
	s12 =	sadd.s32 $0x1, s12  }
0x1d: {  	p0 =	sne.s32 s12, s11  }
.Ltmp1:
0x1e: {  	_ = 	snop;
	(pc) =	sbr.rel @!p0 .LBB2_18-.Ltmp1, $1  }
0x1f: {  	_ =	sdelay $0x3  }
.LBB2_1:
0x20: {  	[dreg:$0x3] =	wrdreg s12;
	s12 =	simm.s32 $0x0;
	s11 =	simm.s32 $0x200  }
.LBB2_2:
0x21: {  	p0 =	sne.s32 s11, $0x3E00;
	[tilespmem:s12+$0x1E9F0] =	vst v2  }
0x22: {  	[tilespmem:s12+$0x1E980] =	vst v2  }
0x23: {  	[tilespmem:s12+$0x1E990] =	vst v2  }
.Ltmp2:
0x24: {  	[tilespmem:s12+$0x1E9A0] =	vst v2;
	(pc) =	sbr.rel @p0 .LBB2_2-.Ltmp2, $4  }
0x25: {  	[tilespmem:s12+$0x1E9B0] =	vst v2  }
0x26: {  	[tilespmem:s12+$0x1E9C0] =	vst v2  }
0x27: {  	[tilespmem:s12+$0x1E9D0] =	vst v2  }
0x28: {  	[tilespmem:s12+$0x1E9E0] =	vst v2;
	s12 =	sshra.s32 s11, $0x2;
	s11 =	sadd.s32 $0x200, s11  }
0x29: {  	[tilespmem:s12+$0x1E9F0] =	vst v2  }
0x2a: {  	[tilespmem:s12+$0x1E980] =	vst v2  }
0x2b: {  	[tilespmem:s12+$0x1E990] =	vst v2  }
.Ltmp3:
0x2c: {  	[tilespmem:s12+$0x1E9A0] =	vst v2;
	(pc) =	sbr.rel .LBB2_4-.Ltmp3, $4  }
0x2d: {  	[tilespmem:s12+$0x1E9B0] =	vst v2  }
0x2e: {  	[tilespmem:s12+$0x1E9C0] =	vst v2  }
0x2f: {  	[tilespmem:s12+$0x1E9D0] =	vst v2  }
0x30: {  	s13 =	simm.s32 $0x0;
	[tilespmem:s12+$0x1E9E0] =	vst v2  }
.LBB2_16:
0x31: {  	s12 =	rddreg [dreg:$0x6];
	[bflag:$0x0] =	sbarrier.arrive $0xFFFF  }
0x32: {  	s26 =	stileid.u32;
	s12 =	sadd.s32 s12, s13;
	s15 =	rddreg [dreg:$0x4]  }
0x33: {  	s13 =	sshll.u32 s26, $0x6;
	s26 =	rddreg [dreg:$0x7];
	s12 =	sshll.u32 s12, $0x4  }
0x34: {  	s13 =	sor.u32 $0x1C03, s13;
	s25 =	sshrl.u32 s26, $0x3;
	s15 =	sadd.s32 s15, s12  }
0x35: {  	[hbm:s15], [sflag:s13] =	dma.local [spmem:s25], $0x200  }
0x36: {  	_ =	swait.ge [sflag:s22], $0x200  }
0x37: {  	[sflag:s22] =	ssyncset.done $0x0;
	s11 =	rddreg [dreg:$0x8]  }
0x38: {  	s15 =	sadd.s32 $0x200, s15;
	[sflag:s22] =	ssyncadd.s32 $0xFFFFFE00;
	s0 =	sshrl.u32 s11, $0x3  }
0x39: {  	[hbm:s15], [sflag:s13] =	dma.local [spmem:s0], $0x200  }
0x3a: {  	_ =	swait.ge [sflag:s22], $0x200  }
0x3b: {  	s19 =	rddreg [dreg:$0xb]  }
0x3c: {  	[sflag:s22] =	ssyncset.done $0x0;
	s29 =	rddreg [dreg:$0x9]  }
0x3d: {  	[sflag:s22] =	ssyncadd.s32 $0xFFFFFE00;
	s15 =	sadd.s32 s19, s12;
	s20 =	sshrl.u32 s29, $0x3  }
0x3e: {  	[hbm:s15], [sflag:s13] =	dma.local [spmem:s20], $0x200  }
0x3f: {  	_ =	swait.ge [sflag:s22], $0x200  }
0x40: {  	s25 =	rddreg [dreg:$0xc]  }
0x41: {  	[sflag:s22] =	ssyncset.done $0x0;
	s28 =	rddreg [dreg:$0xa]  }
0x42: {  	[sflag:s22] =	ssyncadd.s32 $0xFFFFFE00;
	s15 =	sadd.s32 s25, s12;
	s0 =	sshrl.u32 s28, $0x3  }
0x43: {  	[hbm:s15], [sflag:s13] =	dma.local [spmem:s0], $0x200  }
0x44: {  	_ =	swait.ge [sflag:s22], $0x200  }
0x45: {  	s19 =	rddreg [dreg:$0xd]  }
0x46: {  	[sflag:s22] =	ssyncset.done $0x0;
	s31 =	rddreg [dreg:$0x14]  }
0x47: {  	[sflag:s22] =	ssyncadd.s32 $0xFFFFFE00;
	s15 =	sadd.s32 s19, s12;
	s20 =	sshrl.u32 s31, $0x3  }
0x48: {  	[hbm:s15], [sflag:s13] =	dma.local [spmem:s20], $0x200  }
0x49: {  	_ =	swait.ge [sflag:s22], $0x200  }
0x4a: {  	s25 =	rddreg [dreg:$0xe]  }
0x4b: {  	[sflag:s22] =	ssyncset.done $0x0;
	s30 =	rddreg [dreg:$0x15]  }
0x4c: {  	[sflag:s22] =	ssyncadd.s32 $0xFFFFFE00;
	s15 =	sadd.s32 s25, s12;
	s0 =	sshrl.u32 s30, $0x3  }
0x4d: {  	[hbm:s15], [sflag:s13] =	dma.local [spmem:s0], $0x200  }
0x4e: {  	_ =	swait.ge [sflag:s22], $0x200  }
0x4f: {  	s19 =	rddreg [dreg:$0xf]  }
0x50: {  	[sflag:s22] =	ssyncset.done $0x0;
	s0 =	rddreg [dreg:$0x16]  }
0x51: {  	[sflag:s22] =	ssyncadd.s32 $0xFFFFFE00;
	s15 =	sadd.s32 s19, s12;
	s20 =	sshrl.u32 s0, $0x3  }
0x52: {  	[hbm:s15], [sflag:s13] =	dma.local [spmem:s20], $0x200  }
0x53: {  	_ =	swait.ge [sflag:s22], $0x200  }
0x54: {  	s19 =	rddreg [dreg:$0x10]  }
0x55: {  	[sflag:s22] =	ssyncset.done $0x0;
	s15 =	sadd.s32 s19, s12;
	s19 =	rddreg [dreg:$0x17]  }
0x56: {  	[sflag:s22] =	ssyncadd.s32 $0xFFFFFE00;
	s20 =	sshrl.u32 s19, $0x3  }
0x57: {  	[hbm:s15], [sflag:s13] =	dma.local [spmem:s20], $0x200  }
0x58: {  	_ =	swait.ge [sflag:s22], $0x200  }
0x59: {  	s25 =	rddreg [dreg:$0x12]  }
0x5a: {  	[sflag:s22] =	ssyncset.done $0x0;
	s20 =	rddreg [dreg:$0x18]  }
0x5b: {  	[sflag:s22] =	ssyncadd.s32 $0xFFFFFE00;
	s15 =	sadd.s32 s25, s12;
	s25 =	sshrl.u32 s20, $0x3  }
0x5c: {  	[hbm:s15], [sflag:s13] =	dma.local [spmem:s25], $0x200  }
0x5d: {  	_ =	swait.ge [sflag:s22], $0x200  }
0x5e: {  	s25 =	smov.u32 s29;
	s15 =	rddreg [dreg:$0x13]  }
0x5f: {  	s29 =	smov.u32 s31;
	[sflag:s22] =	ssyncset.done $0x0;
	s31 =	rddreg [dreg:$0x19]  }
0x60: {  	[sflag:s22] =	ssyncadd.s32 $0xFFFFFE00;
	s12 =	sadd.s32 s15, s12;
	s15 =	sshrl.u32 s31, $0x3  }
0x61: {  	[hbm:s12], [sflag:s13] =	dma.local [spmem:s15], $0x200  }
0x62: {  	_ =	swait.ge [sflag:s22], $0x200  }
0x63: {  	s12 =	rddreg [dreg:$0x1a]  }
0x64: {  	s13 =	sadd.s32 $0x1, s12  }
0x65: {  	p0 =	sne.s32 s13, $0x5  }
.Ltmp4:
0x66: {  	_ = 	snop;
	(pc) =	sbr.rel @!p0 .LBB2_17-.Ltmp4, $4  }
0x67: {  	[sflag:s22] =	ssyncset.done $0x0  }
0x68: {  	[sflag:s22] =	ssyncadd.s32 $0xFFFFFE00  }
0x69: {  	[bflag:$0x0] =	sbarrier.arrive $0xFFFF  }
0x6a: {  	s15 =	smov.u32 s11  }
.LBB2_4:
0x6b: {  	s11 =	simm.s32 $0x1E980  }
0x6c: {  	[spmem:s26] =	stream.linear.scatter [tilespmem:s11], [sflag:$0x3], $0x1000, $0x38;
	[tilespmem:$0x1F980] =	vst v63  }
0x6d: {  	_ =	swait.ge [sflag:s22], $0x1000  }
0x6e: {  	[sflag:s22] =	ssyncset.done $0x0  }
0x6f: {  	[sflag:s22] =	ssyncadd.s32 $0xFFFFF000  }
0x70: {  	[spmem:s15] =	stream.linear.scatter [tilespmem:s11], [sflag:$0x3], $0x1000, $0x38;
	[tilespmem:$0x1F980] =	vst v63  }
0x71: {  	_ =	swait.ge [sflag:s22], $0x1000  }
0x72: {  	[sflag:s22] =	ssyncset.done $0x0  }
0x73: {  	[sflag:s22] =	ssyncadd.s32 $0xFFFFF000  }
0x74: {  	[spmem:s25] =	stream.linear.scatter [tilespmem:s11], [sflag:$0x3], $0x1000, $0x38;
	[tilespmem:$0x1F980] =	vst v63  }
0x75: {  	_ =	swait.ge [sflag:s22], $0x1000  }
0x76: {  	[sflag:s22] =	ssyncset.done $0x0  }
0x77: {  	[sflag:s22] =	ssyncadd.s32 $0xFFFFF000  }
0x78: {  	[spmem:s28] =	stream.linear.scatter [tilespmem:s11], [sflag:$0x3], $0x1000, $0x38;
	[tilespmem:$0x1F980] =	vst v63  }
0x79: {  	_ =	swait.ge [sflag:s22], $0x1000  }
0x7a: {  	[sflag:s22] =	ssyncset.done $0x0  }
0x7b: {  	[sflag:s22] =	ssyncadd.s32 $0xFFFFF000  }
0x7c: {  	[spmem:s29] =	stream.linear.scatter [tilespmem:s11], [sflag:$0x3], $0x1000, $0x38;
	[tilespmem:$0x1F980] =	vst v63  }
0x7d: {  	_ =	swait.ge [sflag:s22], $0x1000  }
0x7e: {  	[sflag:s22] =	ssyncset.done $0x0  }
0x7f: {  	[sflag:s22] =	ssyncadd.s32 $0xFFFFF000  }
0x80: {  	[spmem:s30] =	stream.linear.scatter [tilespmem:s11], [sflag:$0x3], $0x1000, $0x38;
	[tilespmem:$0x1F980] =	vst v63  }
0x81: {  	_ =	swait.ge [sflag:s22], $0x1000  }
0x82: {  	[sflag:s22] =	ssyncset.done $0x0  }
0x83: {  	[sflag:s22] =	ssyncadd.s32 $0xFFFFF000  }
0x84: {  	[spmem:s0] =	stream.linear.scatter [tilespmem:s11], [sflag:$0x3], $0x1000, $0x38;
	[tilespmem:$0x1F980] =	vst v63  }
0x85: {  	_ =	swait.ge [sflag:s22], $0x1000  }
0x86: {  	[sflag:s22] =	ssyncset.done $0x0  }
0x87: {  	[sflag:s22] =	ssyncadd.s32 $0xFFFFF000  }
0x88: {  	[spmem:s19] =	stream.linear.scatter [tilespmem:s11], [sflag:$0x3], $0x1000, $0x38;
	[tilespmem:$0x1F980] =	vst v63  }
0x89: {  	_ =	swait.ge [sflag:s22], $0x1000  }
0x8a: {  	[sflag:s22] =	ssyncset.done $0x0  }
0x8b: {  	[sflag:s22] =	ssyncadd.s32 $0xFFFFF000  }
0x8c: {  	[spmem:s20] =	stream.linear.scatter [tilespmem:s11], [sflag:$0x3], $0x1000, $0x38;
	[tilespmem:$0x1F980] =	vst v63  }
0x8d: {  	_ =	swait.ge [sflag:s22], $0x1000  }
0x8e: {  	[sflag:s22] =	ssyncset.done $0x0  }
0x8f: {  	[dreg:$0x1a] =	wrdreg s13;
	[sflag:s22] =	ssyncadd.s32 $0xFFFFF000  }
0x90: {  	[spmem:s31] =	stream.linear.scatter [tilespmem:s11], [sflag:$0x3], $0x1000, $0x38;
	[tilespmem:$0x1F980] =	vst v63  }
0x91: {  	s12 =	sshll.u32 s13, $0x1;
	s31 =	rddreg [dreg:$0x5]  }
.Ltmp5:
0x92: {  	s12 =	sor.u32 s31, s12;
	_ =	swait.ge [sflag:s22], $0x1000;
	(pc) =	sbr.rel .LBB2_5-.Ltmp5, $4  }
0x93: {  	s13 =	smul.u32 $0x1400, s12;
	[sflag:s22] =	ssyncset.done $0x0  }
0x94: {  	[sflag:s22] =	ssyncadd.s32 $0xFFFFF000  }
0x95: {  	s15 =	simm.s32 $0x0;
	s12 =	sadd.s32 $0x1400, s13;
	[bflag:$0x0] =	sbarrier.arrive $0xFFFF  }
0x96: {  	v7 =	vimm.s32 $0x0;
	s0 =	simm.s32 $0xA080;
	s11 =	simm.s32 $0xC800;
	v5 =	vmov s13;
	v6 =	vmov s12;
	s12 =	smov.u32 s14  }
.LBB2_19:
0x97: {  	s26 =	sshll.u32 s26, $0x7  }
.LBB2_15:
0x98: {  	s15 =	sadd.s32 $0x1, s15  }
0x99: {  	p0 =	sne.s32 s15, $0x6  }
.Ltmp6:
0x9a: {  	_ = 	snop;
	(pc) =	sbr.rel @!p0 .LBB2_16-.Ltmp6, $3  }
0x9b: {  	_ =	sdelay $0x1  }
0x9c: {  	s25 =	ssub.s32 s25, s26  }
0x9d: {  	s12 =	sadd.s32 $0x2710, s12;
	v7 =	vmov s25  }
.LBB2_5:
0x9e: {  	p0 =	seq.s32 s15, $0x5  }
.Ltmp7:
0x9f: {  	_ = 	snop;
	(pc) =	sbr.rel @!p0 .LBB2_6-.Ltmp7, $1  }
0xa0: {  	_ =	sdelay $0x3  }
0xa1: {  	(v2sf) =	vpush v7, $0x0;
	_ =	sdelay $0xe  }
0xa2: {  	[tilespmem:$0x16900] =	vst v7;
	s25 =	spop (v2sf)  }
0xa3: {  	[tilespmem:s25+$0xEF80] =	vst v1  }
0xa4: {  	[tilespmem:s25+$0x11780] =	vst v1  }
0xa5: {  	[tilespmem:s25+$0x13F80] =	vst v0  }
0xa6: {  	[tilespmem:s25+$0xEF90] =	vst v1  }
0xa7: {  	[tilespmem:s25+$0x11790] =	vst v1  }
0xa8: {  	[tilespmem:s25+$0x13F90] =	vst v0  }
0xa9: {  	[tilespmem:s25+$0xEFA0] =	vst v1  }
0xaa: {  	[tilespmem:s25+$0x117A0] =	vst v1  }
0xab: {  	[tilespmem:s25+$0x13FA0] =	vst v0  }
0xac: {  	[tilespmem:s25+$0xEFB0] =	vst v1  }
0xad: {  	[tilespmem:s25+$0x117B0] =	vst v1  }
0xae: {  	[tilespmem:s25+$0x13FB0] =	vst v0  }
0xaf: {  	[tilespmem:s25+$0xEFC0] =	vst v1  }
0xb0: {  	[tilespmem:s25+$0x117C0] =	vst v1  }
0xb1: {  	[tilespmem:s25+$0x13FC0] =	vst v0  }
0xb2: {  	[tilespmem:s25+$0xEFD0] =	vst v1;
	s26 =	sadd.s32 $0x7F, s25  }
0xb3: {  	[tilespmem:s25+$0x117D0] =	vst v1;
	s28 =	sand.u32 $0x7F, s26;
	s31 =	sshra.s32 s26, $0x1F  }
0xb4: {  	[tilespmem:s25+$0x13FD0] =	vst v0;
	p1 =	slt.s32 s26, $0x1;
	p0 =	sne.s32 s28, $0x0;
	s28 =	sshrl.u32 s31, $0x19  }
0xb5: {  	[tilespmem:s25+$0xEFE0] =	vst v1;
	p0 =	por !p1, !p0;
	s26 =	sadd.s32 s28, s26  }
.Ltmp8:
0xb6: {  	[tilespmem:s25+$0x117E0] =	vst v1;
	s28 =	simm.s32 $0x1;
	p0 =	por !p0, !p0;
	(pc) =	sbr.rel .LBB2_10-.Ltmp8, $4  }
0xb7: {  	[tilespmem:s25+$0x13FE0] =	vst v0;
	s26 =	sshrl.u32 s26, $0x7;
	s28 =	simm.s32 @!p0 $0x0  }
0xb8: {  	[tilespmem:s25+$0xEFF0] =	vst v1;
	s26 =	ssub.s32 s26, s28  }
0xb9: {  	[tilespmem:s25+$0x117F0] =	vst v1;
	s26 =	sshll.u32 s26, $0x7  }
0xba: {  	[tilespmem:s25+$0x13FF0] =	vst v0;
	v7 =	vmov s26  }
.LBB2_6:
0xbb: {  	s25 =	smul.u32 $0x2710, s15;
	_ =	sdelay $0x1  }
0xbc: {  	s25 =	sadd.s32 s14, s25  }
0xbd: {  	s25 =	sshrl.u32 s25, $0x3  }
0xbe: {  	s28 =	simm.s32 $0x0;
	s26 =	sadd.s32 s7, s25  }
0xbf: {  	[tilespmem:s0], [sflag:$0x3] =	stream.linear.gather [hbm4b:s26+s28], $0x2710, $0x38;
	[tilespmem:$0x1F980] =	vst v63  }
0xc0: {  	_ =	swait.ge [sflag:s22], $0x2710  }
0xc1: {  	[sflag:s22] =	ssyncset.done $0x0  }
0xc2: {  	s25 =	sadd.s32 s6, s25;
	[sflag:s22] =	ssyncadd.s32 $0xFFFFD8F0  }
0xc3: {  	[tilespmem:s11], [sflag:$0x3] =	stream.linear.gather [hbm4b:s25+s28], $0x2710, $0x38;
	[tilespmem:$0x1F980] =	vst v63  }
0xc4: {  	_ =	swait.ge [sflag:s22], $0x2710  }
0xc5: {  	[sflag:s22] =	ssyncset.done $0x0  }
0xc6: {  	s30 =	simm.s32 $0x0;
	[sflag:s22] =	ssyncadd.s32 $0xFFFFD8F0  }
0xc7: {  	v8 =	vld [tilespmem:s30+$0xA080];
	_ =	sdelay $0x4  }
0xc8: {  	vm0 =	vge.s32 v8, v5;
	vm1 =	vlt.s32 v8, v6  }
0xc9: {  	vm0 =	vmand vm0, vm1  }
0xca: {  	v9 =	vsel vm0, $0x1, v4  }
0xcb: {  	(xrf0) =	vadd.scan.msk.s32 $0xffff, v9;
	_ =	sdelay $0x5  }
0xcc: {  	v9, _, _ =	vpop (xrf0)  }
0xcd: {  	v9 =	vadd.s32 v9, v7  }
0xce: {  	v9 =	vadd.s32 $0xFFFFFFFF, v9  }
0xcf: {  	v10 =	vld [tilespmem:s30+$0xC800];
	_ =	sdelay $0x2  }
0xd0: {  	v8 =	vsub.s32 v8, v5  }
0xd1: {  	[tilespmem:v9+s21+$0x0] =	vst.idx.msk vm0, v8  }
0xd2: {  	v11 =	vor.u32 s12, v3;
	v8 =	vmpcnt.ones.xlane vm0;
	[tilespmem:v9+s23+$0x0] =	vst.idx.msk vm0, v10  }
0xd3: {  	s31 =	simm.s32 $0x10;
	[tilespmem:v9+s24+$0x0] =	vst.idx.msk vm0, v11  }
0xd4: {  	v7 =	vadd.s32 v7, v8;
	v10 =	vld [tilespmem:s31+$0xA080]  }
0xd5: {  	s26 =	simm.s32 $0x80;
	s25 =	smov.u32 s12;
	v8 =	vld [tilespmem:s31+$0xC800];
	v9 =	vmov v7  }
.LBB2_7:
0xd6: {  	p0 =	seq.s32 s26, $0x9C00;
	_ =	sdelay $0x2  }
0xd7: {  	vm0 =	vge.s32 v10, v5;
	vm1 =	vlt.s32 v10, v6  }
0xd8: {  	vm0 =	vmand vm0, vm1  }
0xd9: {  	v11 =	vsel vm0, $0x1, v4;
	v12 =	vmpcnt.ones.xlane vm0  }
0xda: {  	(xrf0) =	vadd.scan.msk.s32 $0xffff, v11  }
0xdb: {  	v7 =	vadd.s32 v7, v12;
	_ =	sdelay $0x4  }
0xdc: {  	v11, _, _ =	vpop (xrf0)  }
0xdd: {  	v11 =	vadd.s32 v11, v9;
	v9 =	vmov v7  }
0xde: {  	v11 =	vadd.s32 $0xFFFFFFFF, v11;
	_ =	sdelay $0x3  }
0xdf: {  	v10 =	vsub.s32 v10, v5  }
.Ltmp9:
0xe0: {  	s25 =	sadd.s32 $0x10, s25;
	[tilespmem:v11+s21+$0x0] =	vst.idx.msk vm0, v10;
	(pc) =	sbr.rel @!p0 .LBB2_7-.Ltmp9, $4  }
0xe1: {  	v10 =	vor.u32 s25, v3;
	[tilespmem:v11+s23+$0x0] =	vst.idx.msk vm0, v8  }
0xe2: {  	s28 =	sshra.s32 s26, $0x2;
	[tilespmem:v11+s24+$0x0] =	vst.idx.msk vm0, v10  }
0xe3: {  	v10 =	vld [tilespmem:s28+$0xA080]  }
0xe4: {  	s26 =	sadd.s32 $0x40, s26;
	v8 =	vld [tilespmem:s28+$0xC800]  }
0xe5: {  	_ =	sdelay $0x2  }
0xe6: {  	vm0 =	vge.s32 v10, v5;
	vm1 =	vlt.s32 v10, v6  }
0xe7: {  	vm0 =	vmand vm0, vm1  }
0xe8: {  	v11 =	vsel vm0, $0x1, v4  }
0xe9: {  	(xrf0) =	vadd.scan.msk.s32 $0xffff, v11;
	_ =	sdelay $0x5  }
0xea: {  	v11, _, _ =	vpop (xrf0)  }
0xeb: {  	v9 =	vadd.s32 v11, v9  }
0xec: {  	v9 =	vadd.s32 $0xFFFFFFFF, v9;
	_ =	sdelay $0x3  }
0xed: {  	v61 =	vsub.s32 v10, v5  }
0xee: {  	s25 =	sadd.s32 $0x10, s25;
	v62 =	vmpcnt.ones.xlane vm0;
	[tilespmem:v9+s21+$0x0] =	vst.idx.msk vm0, v61  }
0xef: {  	v63 =	vor.u32 s25, v3;
	[tilespmem:v9+s23+$0x0] =	vst.idx.msk vm0, v8  }
0xf0: {  	v7 =	vadd.s32 v7, v62;
	[tilespmem:v9+s24+$0x0] =	vst.idx.msk vm0, v63  }
.LBB2_10:
0xf1: {  	(v2sf) =	vpush v7, $0x0;
	_ =	sdelay $0xe  }
0xf2: {  	s25 =	spop (v2sf)  }
0xf3: {  	s26 =	sand.u32 $0x7F, s25  }
0xf4: {  	s28 =	sshra.s32 s25, $0x1F;
	p0 =	slt.s32 s25, $0x1;
	p1 =	sne.s32 s26, $0x0  }
0xf5: {  	s31 =	sshrl.u32 s28, $0x19;
	p0 =	por !p0, !p1  }
0xf6: {  	s28 =	simm.s32 $0x1;
	s26 =	sadd.s32 s31, s25;
	p0 =	por !p0, !p0  }
0xf7: {  	s26 =	sshra.s32 s26, $0x7;
	s28 =	simm.s32 @!p0 $0x0  }
0xf8: {  	s26 =	ssub.s32 s26, s28  }
0xf9: {  	p0 =	slt.s32 s26, $0x1  }
.Ltmp10:
0xfa: {  	_ = 	snop;
	(pc) =	sbr.rel @p0 .LBB2_19-.Ltmp10, $2  }
0xfb: {  	_ =	sdelay $0x2  }
0xfc: {  	[tilespmem:$0x16900] =	vst v7;
	s28 =	simm.s32 $0x0  }
.LBB2_11:
0xfd: {  	s29 =	sshll.u32 s28, $0x7  }
0xfe: {  	v7 =	vld [tilespmem:s29+$0xEF80];
	_ =	sdelay $0x4  }
0xff: {  	[tilespmem:$0x16780] =	vst v7  }
0x100: {  	v7 =	vld [tilespmem:s29+$0x11780];
	_ =	sdelay $0x4  }
0x101: {  	[tilespmem:$0x16800] =	vst v7  }
0x102: {  	v7 =	vld [tilespmem:s29+$0x13F80];
	_ =	sdelay $0x4  }
0x103: {  	[tilespmem:$0x16880] =	vst v7  }
0x104: {  	v7 =	vld [tilespmem:s29+$0xEF90];
	_ =	sdelay $0x4  }
0x105: {  	[tilespmem:$0x16790] =	vst v7  }
0x106: {  	v7 =	vld [tilespmem:s29+$0x11790];
	_ =	sdelay $0x4  }
0x107: {  	[tilespmem:$0x16810] =	vst v7  }
0x108: {  	v7 =	vld [tilespmem:s29+$0x13F90];
	_ =	sdelay $0x4  }
0x109: {  	[tilespmem:$0x16890] =	vst v7  }
0x10a: {  	v7 =	vld [tilespmem:s29+$0xEFA0];
	_ =	sdelay $0x4  }
0x10b: {  	[tilespmem:$0x167A0] =	vst v7  }
0x10c: {  	v7 =	vld [tilespmem:s29+$0x117A0];
	_ =	sdelay $0x4  }
0x10d: {  	[tilespmem:$0x16820] =	vst v7  }
0x10e: {  	v7 =	vld [tilespmem:s29+$0x13FA0];
	_ =	sdelay $0x4  }
0x10f: {  	[tilespmem:$0x168A0] =	vst v7  }
0x110: {  	v7 =	vld [tilespmem:s29+$0xEFB0];
	_ =	sdelay $0x4  }
0x111: {  	[tilespmem:$0x167B0] =	vst v7  }
0x112: {  	v7 =	vld [tilespmem:s29+$0x117B0];
	_ =	sdelay $0x4  }
0x113: {  	[tilespmem:$0x16830] =	vst v7  }
0x114: {  	v7 =	vld [tilespmem:s29+$0x13FB0];
	_ =	sdelay $0x4  }
0x115: {  	[tilespmem:$0x168B0] =	vst v7  }
0x116: {  	v7 =	vld [tilespmem:s29+$0xEFC0];
	_ =	sdelay $0x4  }
0x117: {  	[tilespmem:$0x167C0] =	vst v7  }
0x118: {  	v7 =	vld [tilespmem:s29+$0x117C0];
	_ =	sdelay $0x4  }
0x119: {  	[tilespmem:$0x16840] =	vst v7  }
0x11a: {  	v7 =	vld [tilespmem:s29+$0x13FC0];
	_ =	sdelay $0x4  }
0x11b: {  	[tilespmem:$0x168C0] =	vst v7  }
0x11c: {  	v7 =	vld [tilespmem:s29+$0xEFD0];
	_ =	sdelay $0x4  }
0x11d: {  	[tilespmem:$0x167D0] =	vst v7  }
0x11e: {  	v7 =	vld [tilespmem:s29+$0x117D0];
	_ =	sdelay $0x4  }
0x11f: {  	[tilespmem:$0x16850] =	vst v7  }
0x120: {  	v7 =	vld [tilespmem:s29+$0x13FD0];
	_ =	sdelay $0x4  }
0x121: {  	[tilespmem:$0x168D0] =	vst v7  }
0x122: {  	v7 =	vld [tilespmem:s29+$0xEFE0];
	_ =	sdelay $0x4  }
0x123: {  	[tilespmem:$0x167E0] =	vst v7  }
0x124: {  	v7 =	vld [tilespmem:s29+$0x117E0];
	_ =	sdelay $0x4  }
0x125: {  	[tilespmem:$0x16860] =	vst v7  }
0x126: {  	v7 =	vld [tilespmem:s29+$0x13FE0];
	_ =	sdelay $0x4  }
0x127: {  	[tilespmem:$0x168E0] =	vst v7  }
0x128: {  	v7 =	vld [tilespmem:s29+$0xEFF0];
	_ =	sdelay $0x4  }
0x129: {  	[tilespmem:$0x167F0] =	vst v7  }
0x12a: {  	v7 =	vld [tilespmem:s29+$0x117F0];
	_ =	sdelay $0x4  }
0x12b: {  	[tilespmem:$0x16870] =	vst v7  }
0x12c: {  	v7 =	vld [tilespmem:s29+$0x13FF0];
	_ =	sdelay $0x4  }
0x12d: {  	[tilespmem:$0x168F0] =	vst v7  }
0x12e: {  	[tilespmem:s9], [sflag:$0x1] =	stream.indirect.gather [hbm4b:s4+s3], $0x80, s8, s3, $0xb8;
	[tilespmem:$0x1F980] =	vst v63  }
0x12f: {  	_ = 	snop  }
0x130: {  	[tilespmem:s16], [sflag:$0x2] =	stream.indirect.gather [hbm4b:s5+s3], $0x80, s10, s3, $0xb8;
	[tilespmem:$0x1F980] =	vst v63  }
0x131: {  	_ =	swait.ge [sflag:s2], $0x4000  }
0x132: {  	[sflag:s2] =	ssyncset.done $0x0  }
0x133: {  	[sflag:s2] =	ssyncadd.s32 $0xFFFFC000  }
0x134: {  	_ =	swait.ge [sflag:s17], $0x4000  }
0x135: {  	[sflag:s17] =	ssyncset.done $0x0  }
0x136: {  	s29 =	simm.s32 $0x0;
	[sflag:s17] =	ssyncadd.s32 $0xFFFFC000  }
0x137: {  	v13 =	vld [tilespmem:s29+$0x1A980]  }
0x138: {  	v18 =	vld [tilespmem:s29+$0x1A990]  }
0x139: {  	v12 =	vld [tilespmem:s29+$0x1A9A0]  }
0x13a: {  	v11 =	vld [tilespmem:s29+$0x1A9B0]  }
0x13b: {  	v10 =	vld [tilespmem:s29+$0x1A9C0]  }
0x13c: {  	v9 =	vld [tilespmem:s29+$0x1A9D0]  }
0x13d: {  	v8 =	vld [tilespmem:s29+$0x1A9E0]  }
0x13e: {  	v7 =	vld [tilespmem:s29+$0x1A9F0]  }
0x13f: {  	v19 =	vld [tilespmem:s29+$0x16980]  }
0x140: {  	v20 =	vld [tilespmem:s29+$0x16990]  }
0x141: {  	v17 =	vld [tilespmem:s29+$0x169A0]  }
0x142: {  	v16 =	vld [tilespmem:s29+$0x169B0]  }
0x143: {  	v15 =	vld [tilespmem:s29+$0x169C0]  }
0x144: {  	v14 =	vld [tilespmem:s29+$0x169D0];
	v19 =	vadd.f32 v13, v19  }
0x145: {  	s30 =	simm.s32 $0x200;
	v18 =	vadd.f32 v18, v20;
	v13 =	vld [tilespmem:s29+$0x169E0]  }
.LBB2_12:
0x146: {  	s31 =	sshra.s32 s30, $0x2;
	p0 =	sne.s32 s30, $0xFE00;
	v19 =	vmax.f32 v19, $0.0e+00;
	v12 =	vadd.f32 v12, v17;
	v17 =	vld [tilespmem:s29+$0x169F0]  }
0x147: {  	v20 =	vld [tilespmem:s31+$0x1A980];
	[tilespmem:s29+$0x16980] =	vst v19;
	v18 =	vmax.f32 v18, $0.0e+00;
	v11 =	vadd.f32 v11, v16  }
0x148: {  	v21 =	vld [tilespmem:s31+$0x1A990];
	[tilespmem:s29+$0x16990] =	vst v18;
	v16 =	vmax.f32 v12, $0.0e+00;
	v10 =	vadd.f32 v10, v15  }
0x149: {  	v12 =	vld [tilespmem:s31+$0x1A9A0];
	[tilespmem:s29+$0x169A0] =	vst v16;
	v15 =	vmax.f32 v11, $0.0e+00;
	v9 =	vadd.f32 v9, v14  }
0x14a: {  	v11 =	vld [tilespmem:s31+$0x1A9B0];
	[tilespmem:s29+$0x169B0] =	vst v15;
	v14 =	vmax.f32 v10, $0.0e+00;
	v8 =	vadd.f32 v8, v13  }
0x14b: {  	v10 =	vld [tilespmem:s31+$0x1A9C0];
	[tilespmem:s29+$0x169C0] =	vst v14;
	v13 =	vmax.f32 v9, $0.0e+00;
	v7 =	vadd.f32 v7, v17  }
0x14c: {  	v9 =	vld [tilespmem:s31+$0x1A9D0];
	[tilespmem:s29+$0x169D0] =	vst v13;
	v13 =	vmax.f32 v8, $0.0e+00  }
0x14d: {  	v8 =	vld [tilespmem:s31+$0x1A9E0];
	[tilespmem:s29+$0x169E0] =	vst v13;
	v13 =	vmax.f32 v7, $0.0e+00  }
0x14e: {  	v7 =	vld [tilespmem:s31+$0x1A9F0];
	[tilespmem:s29+$0x169F0] =	vst v13;
	s29 =	smov.u32 s31  }
0x14f: {  	v13 =	vld [tilespmem:s29+$0x16980]  }
0x150: {  	v18 =	vld [tilespmem:s29+$0x16990]  }
.Ltmp11:
0x151: {  	v17 =	vld [tilespmem:s29+$0x169A0];
	(pc) =	sbr.rel @p0 .LBB2_12-.Ltmp11, $4  }
0x152: {  	v16 =	vld [tilespmem:s29+$0x169B0]  }
0x153: {  	v15 =	vld [tilespmem:s29+$0x169C0]  }
0x154: {  	v19 =	vadd.f32 v20, v13;
	v14 =	vld [tilespmem:s29+$0x169D0]  }
0x155: {  	s30 =	sadd.s32 $0x200, s30;
	v18 =	vadd.f32 v21, v18;
	v13 =	vld [tilespmem:s29+$0x169E0]  }
0x156: {  	v19 =	vmax.f32 v19, $0.0e+00;
	v12 =	vadd.f32 v12, v17;
	v63 =	vld [tilespmem:s29+$0x169F0]  }
0x157: {  	[tilespmem:s29+$0x16980] =	vst v19;
	v18 =	vmax.f32 v18, $0.0e+00;
	v11 =	vadd.f32 v11, v16  }
0x158: {  	[tilespmem:s29+$0x16990] =	vst v18;
	v12 =	vmax.f32 v12, $0.0e+00;
	v10 =	vadd.f32 v10, v15  }
0x159: {  	[tilespmem:s29+$0x169A0] =	vst v12;
	v11 =	vmax.f32 v11, $0.0e+00;
	v9 =	vadd.f32 v9, v14  }
0x15a: {  	[tilespmem:s29+$0x169B0] =	vst v11;
	v10 =	vmax.f32 v10, $0.0e+00;
	v8 =	vadd.f32 v8, v13  }
0x15b: {  	[tilespmem:s29+$0x169C0] =	vst v10;
	v9 =	vmax.f32 v9, $0.0e+00;
	v7 =	vadd.f32 v7, v63  }
0x15c: {  	s28 =	sadd.s32 $0x1, s28;
	[tilespmem:s29+$0x169D0] =	vst v9;
	v8 =	vmax.f32 v8, $0.0e+00  }
0x15d: {  	p0 =	seq.s32 s28, s26;
	[tilespmem:s29+$0x169E0] =	vst v8;
	v7 =	vmax.f32 v7, $0.0e+00  }
.Ltmp12:
0x15e: {  	[tilespmem:s29+$0x169F0] =	vst v7;
	(pc) =	sbr.rel @!p0 .LBB2_11-.Ltmp12, $4  }
0x15f: {  	[spmem:s1] =	stream.indirect.scatter.add.f32 [tilespmem:s9], [sflag:$0x3], $0x80, s18, s3, $0xb8;
	[tilespmem:$0x1F980] =	vst v63  }
0x160: {  	_ =	swait.ge [sflag:s22], $0x4000  }
0x161: {  	[sflag:s22] =	ssyncset.done $0x0  }
0x162: {  	[sflag:s22] =	ssyncadd.s32 $0xFFFFC000  }
0x163: {  	s26 =	sshll.u32 s26, $0x7  }
0x164: {  	v7 =	vld [tilespmem:s26+$0xEF80];
	_ =	sdelay $0x4  }
0x165: {  	[tilespmem:$0xEF80] =	vst v7  }
0x166: {  	v7 =	vld [tilespmem:s26+$0x11780];
	_ =	sdelay $0x4  }
0x167: {  	[tilespmem:$0x11780] =	vst v7  }
0x168: {  	v7 =	vld [tilespmem:s26+$0x13F80];
	_ =	sdelay $0x4  }
0x169: {  	[tilespmem:$0x13F80] =	vst v7  }
0x16a: {  	v7 =	vld [tilespmem:s26+$0xEF90];
	_ =	sdelay $0x4  }
0x16b: {  	[tilespmem:$0xEF90] =	vst v7  }
0x16c: {  	v7 =	vld [tilespmem:s26+$0x11790];
	_ =	sdelay $0x4  }
0x16d: {  	[tilespmem:$0x11790] =	vst v7  }
0x16e: {  	v7 =	vld [tilespmem:s26+$0x13F90];
	_ =	sdelay $0x4  }
0x16f: {  	[tilespmem:$0x13F90] =	vst v7  }
0x170: {  	v7 =	vld [tilespmem:s26+$0xEFA0];
	_ =	sdelay $0x4  }
0x171: {  	[tilespmem:$0xEFA0] =	vst v7  }
0x172: {  	v7 =	vld [tilespmem:s26+$0x117A0];
	_ =	sdelay $0x4  }
0x173: {  	[tilespmem:$0x117A0] =	vst v7  }
0x174: {  	v7 =	vld [tilespmem:s26+$0x13FA0];
	_ =	sdelay $0x4  }
0x175: {  	[tilespmem:$0x13FA0] =	vst v7  }
0x176: {  	v7 =	vld [tilespmem:s26+$0xEFB0];
	_ =	sdelay $0x4  }
0x177: {  	[tilespmem:$0xEFB0] =	vst v7  }
0x178: {  	v7 =	vld [tilespmem:s26+$0x117B0];
	_ =	sdelay $0x4  }
0x179: {  	[tilespmem:$0x117B0] =	vst v7  }
0x17a: {  	v7 =	vld [tilespmem:s26+$0x13FB0];
	_ =	sdelay $0x4  }
0x17b: {  	[tilespmem:$0x13FB0] =	vst v7  }
0x17c: {  	v7 =	vld [tilespmem:s26+$0xEFC0];
	_ =	sdelay $0x4  }
0x17d: {  	[tilespmem:$0xEFC0] =	vst v7  }
0x17e: {  	v7 =	vld [tilespmem:s26+$0x117C0];
	_ =	sdelay $0x4  }
0x17f: {  	[tilespmem:$0x117C0] =	vst v7  }
0x180: {  	v7 =	vld [tilespmem:s26+$0x13FC0];
	_ =	sdelay $0x4  }
0x181: {  	[tilespmem:$0x13FC0] =	vst v7  }
0x182: {  	v7 =	vld [tilespmem:s26+$0xEFD0];
	_ =	sdelay $0x4  }
0x183: {  	[tilespmem:$0xEFD0] =	vst v7  }
0x184: {  	v7 =	vld [tilespmem:s26+$0x117D0];
	_ =	sdelay $0x4  }
0x185: {  	[tilespmem:$0x117D0] =	vst v7  }
0x186: {  	v7 =	vld [tilespmem:s26+$0x13FD0];
	_ =	sdelay $0x4  }
0x187: {  	[tilespmem:$0x13FD0] =	vst v7  }
0x188: {  	v7 =	vld [tilespmem:s26+$0xEFE0];
	_ =	sdelay $0x4  }
0x189: {  	[tilespmem:$0xEFE0] =	vst v7  }
0x18a: {  	v7 =	vld [tilespmem:s26+$0x117E0];
	_ =	sdelay $0x4  }
0x18b: {  	[tilespmem:$0x117E0] =	vst v7  }
0x18c: {  	v7 =	vld [tilespmem:s26+$0x13FE0];
	_ =	sdelay $0x4  }
0x18d: {  	[tilespmem:$0x13FE0] =	vst v7  }
0x18e: {  	v7 =	vld [tilespmem:s26+$0xEFF0];
	_ =	sdelay $0x4  }
0x18f: {  	[tilespmem:$0xEFF0] =	vst v7  }
0x190: {  	v7 =	vld [tilespmem:s26+$0x117F0];
	_ =	sdelay $0x4  }
0x191: {  	[tilespmem:$0x117F0] =	vst v7  }
0x192: {  	v7 =	vld [tilespmem:s26+$0x13FF0]  }
.Ltmp13:
0x193: {  	_ = 	snop;
	(pc) =	sbr.rel .LBB2_15-.Ltmp13, $2  }
0x194: {  	_ =	sdelay $0x2  }
0x195: {  	[tilespmem:$0x13FF0] =	vst v7  }
.LBB2_18:
0x196: {  	_ =	sfence.sel $0x180000  }
0x197: {  	[bflag:$0x0] =	sbarrier.arrive $0xFFFF  }
0x198: {  	_ =	strace $0x90000047  }
0x199: {  	s0 =	stileid.u32;
	[bflag:$0x2] =	sbarrier.arrive $0xFFFF  }
0x19a: {  	p0 =	sne.s32 s0, $0x0;
	s0 =	rddreg [dreg:$0x2]  }
0x19b: {  	s0 =	sadd.s32 @!p0 $0x100000, s0  }
0x19c: {  	[sflag:s0] =	ssyncadd.tile.s32 @!p0 $0x1;
	_ =	shalt  }
.Lfunc_end2:
_tile_overlayer_lowered:
.L_overlay_start_2:
0x19d: {  	(tag) =	ssettag $0x2  }
0x19e: {  	s0 =	rddreg [dreg:$0x0];
	s2 =	stileid.u32  }
0x19f: {  	s1 =	rddreg [dreg:$0x1];
	p0 =	sne.s32 s2, $0x0  }
0x1a0: {  	s3 =	rddreg [dreg:$0x2];
	[bflag:$0x3] =	sbarrier.arrive $0xFFFF;
	s2 =	simm.s32 @!p0 $0x1C03  }
0x1a1: {  	[timem:s3], [sflag:s2] =	dma.local @!p0 [hbm:s0], s1  }
0x1a2: {  	s0 =	simm.s32 @!p0 $0x3  }
0x1a3: {  	_ =	swait.ge @!p0 [sflag:s0], s1  }
0x1a4: {  	s1 =	ssub.s32 @!p0 $0x0, s1;
	[sflag:s0] =	ssyncset.done @!p0 $0x0  }
0x1a5: {  	[sflag:s0] =	ssyncadd.s32 @!p0 s1  }
0x1a6: {  	[bflag:$0x3] =	sbarrier.arrive $0xFFFF  }
0x1a7: {  	_ =	shalt  }

// kernel: kernel.18.cloned.1.call-start
scs
__scs_entry_jumppad:
0x0: {  	(pc) =	sbr.rel $0x88, $3  }
0x1: {  	(tag) =	ssettag $0x0;
	lr =	simm.s32 $0x1  }
0x2: {  	[smem:$0x3F94] =	sst lr;
	_ =	strace $0xD0000000  }
0x3: {  	_ = 	snop  }
0x4: {  	_ = 	snop  }
0x5: {  	_ = 	snop  }
0x6: {  	_ = 	snop  }
0x7: {  	_ = 	snop  }
__scs_overlays_trampoline_lowered:
0x8: {  	[smem:$0x3FA3] =	sst s0  }
0x9: {  	[smem:$0x3FA4] =	sst s1  }
0xa: {  	[smem:$0x3FA5] =	sst s2  }
0xb: {  	[smem:$0x3FA6] =	sst s3  }
0xc: {  	[smem:$0x3FA7] =	sst s4  }
0xd: {  	[smem:$0x3FA8] =	sst s5  }
0xe: {  	[smem:$0x3FA9] =	sst s6  }
0xf: {  	[smem:$0x3FAA] =	sst s7  }
0x10: {  	[smem:$0x3FAB] =	sst s8  }
0x11: {  	[smem:$0x3FAC] =	sst s9;
	s0 =	simm.s32 @!p0 $0x0  }
0x12: {  	s1 =	sld [smem:$0x3F92];
	s0 =	simm.s32 @p0 $0x1  }
0x13: {  	[smem:$0x3FAD] =	sst s0;
	s0 =	simm.s32 @!p1 $0x0  }
0x14: {  	s2 =	sld [smem:$0x3F91];
	s0 =	simm.s32 @p1 $0x1  }
0x15: {  	[smem:$0x3FAE] =	sst s0;
	s0 =	simm.s32 @!p2 $0x0  }
0x16: {  	s3 =	sld [smem:$0x3FDB];
	s0 =	simm.s32 @p2 $0x1  }
0x17: {  	s4 =	simm.s32 $0x1BF5;
	[smem:$0x3FB0] =	sst s0  }
0x18: {  	s0 =	sld [smem:$0x3F93];
	_ =	swait.ge [sflag:s4], $0x0  }
0x19: {  	s7 =	sld [smem:$0x3F94]  }
0x1a: {  	s8 =	sadd.s32 $0xFFFFE003, lr  }
0x1b: {  	s9 =	sadd.s32 $0xFFFFFEF7, lr;
	s5 =	simm.s32 $0xFFFFFFFF;
	p2 =	slt.u32 s8, $0xFFFFF086  }
0x1c: {  	p1 =	slt.u32 s9, $0xF7A;
	s5 =	simm.s32 @!p2 $0x0  }
0x1d: {  	s5 =	simm.s32 @p1 $0x1;
	p0 =	seq.s32 s7, s2  }
0x1e: {  	s7 =	smul.u32 @!p0 $0xF7A, s2;
	p2 =	seq.s32 @!p0 s5, $0x0  }
0x1f: {  	s9 =	smul.u32 $0xF7A, s1;
	s8 =	simm.s32 @!p0 $0x1BF5;
	p2 =	por !p2, p0  }
0x20: {  	[sflag:s8] =	ssyncset.s32 @!p0 $0xFFFFF086;
	s6 =	sadd.s32 @!p0 s3, s7;
	s7 =	simm.s32 @!p0 $0x108  }
0x21: {  	s3 =	sadd.s32 s3, s9;
	s6 =	sadd.s32 @!p0 $0x88, s6;
	s7 =	simm.s32 @p2 $0x1082  }
0x22: {  	[simem:s7], [sflag:s8] =	dma.local @!p0 [hbm:s6], $0xF7A  }
0x23: {  	s9 =	sor.u32 $0xD0000000, s2;
	s6 =	simm.s32 $0x108;
	_ =	swait.ge @!p0 [sflag:s8], $0x0  }
0x24: {  	s3 =	sadd.s32 $0x88, s3;
	s6 =	simm.s32 @!p1 $0x1082;
	[sflag:s4] =	ssyncset.s32 $0xFFFFF086  }
0x25: {  	[simem:s6], [sflag:s4] =	dma.local [hbm:s3], $0xF7A  }
0x26: {  	[smem:$0x3F94] =	sst s1;
	(tag) =	ssettag s2;
	_ =	strace s9  }
0x27: {  	s1 =	sld [smem:$0x3FA4]  }
0x28: {  	s2 =	sld [smem:$0x3FA5]  }
0x29: {  	s4 =	sld [smem:$0x3FA7]  }
0x2a: {  	p0 =	seq.s32 s5, $0x0;
	s5 =	sld [smem:$0x3FA8]  }
0x2b: {  	s6 =	sld [smem:$0x3FA9]  }
0x2c: {  	s7 =	sld [smem:$0x3FAA]  }
0x2d: {  	s3 =	simm.s32 $0x108;
	s8 =	sld [smem:$0x3FAB]  }
0x2e: {  	s3 =	simm.s32 @!p0 $0x1082;
	s9 =	sld [smem:$0x3FAC]  }
0x2f: {  	lr =	sadd.s32 s0, s3;
	s0 =	sld [smem:$0x3FA3]  }
0x30: {  	s3 =	sld [smem:$0x3FA6]  }
0x31: {  	[smem:$0x3FAF] =	sst s10  }
0x32: {  	s10 =	sld [smem:$0x3FAD];
	_ =	sdelay $0x3  }
0x33: {  	p0 =	seq.s32 s10, $0x1;
	s10 =	sld [smem:$0x3FAF];
	_ =	sdelay $0x3  }
0x34: {  	[smem:$0x3FAF] =	sst s10  }
0x35: {  	s10 =	sld [smem:$0x3FAE];
	_ =	sdelay $0x3  }
0x36: {  	p1 =	seq.s32 s10, $0x1;
	s10 =	sld [smem:$0x3FAF];
	_ =	sdelay $0x3  }
0x37: {  	[smem:$0x3FAF] =	sst s10  }
0x38: {  	s10 =	sld [smem:$0x3FB0]  }
0x39: {  	_ = 	snop;
	(pc) =	sbr.ind lr, $3  }
0x3a: {  	_ = 	snop  }
0x3b: {  	_ = 	snop  }
0x3c: {  	p2 =	seq.s32 s10, $0x1;
	s10 =	sld [smem:$0x3FAF]  }
0x3d: {  	_ =	shalt  }
0x3e: {  	_ =	shalt  }
0x3f: {  	_ =	shalt  }
0x40: {  	_ =	shalt  }
0x41: {  	_ =	shalt  }
0x42: {  	_ =	shalt  }
0x43: {  	_ =	shalt  }
0x44: {  	_ =	shalt  }
0x45: {  	_ =	shalt  }
0x46: {  	_ =	shalt  }
0x47: {  	_ =	shalt  }
0x48: {  	_ =	shalt  }
0x49: {  	_ =	shalt  }
0x4a: {  	_ =	shalt  }
0x4b: {  	_ =	shalt  }
0x4c: {  	_ =	shalt  }
0x4d: {  	_ =	shalt  }
0x4e: {  	_ =	shalt  }
0x4f: {  	_ =	shalt  }
0x50: {  	_ =	shalt  }
0x51: {  	_ =	shalt  }
0x52: {  	_ =	shalt  }
0x53: {  	_ =	shalt  }
0x54: {  	_ =	shalt  }
0x55: {  	_ =	shalt  }
0x56: {  	_ =	shalt  }
0x57: {  	_ =	shalt  }
0x58: {  	_ =	shalt  }
0x59: {  	_ =	shalt  }
0x5a: {  	_ =	shalt  }
0x5b: {  	_ =	shalt  }
0x5c: {  	_ =	shalt  }
0x5d: {  	_ =	shalt  }
0x5e: {  	_ =	shalt  }
0x5f: {  	_ =	shalt  }
0x60: {  	_ =	shalt  }
0x61: {  	_ =	shalt  }
0x62: {  	_ =	shalt  }
0x63: {  	_ =	shalt  }
0x64: {  	_ =	shalt  }
0x65: {  	_ =	shalt  }
0x66: {  	_ =	shalt  }
0x67: {  	_ =	shalt  }
0x68: {  	_ =	shalt  }
0x69: {  	_ =	shalt  }
0x6a: {  	_ =	shalt  }
0x6b: {  	_ =	shalt  }
0x6c: {  	_ =	shalt  }
0x6d: {  	_ =	shalt  }
0x6e: {  	_ =	shalt  }
0x6f: {  	_ =	shalt  }
0x70: {  	_ =	shalt  }
0x71: {  	_ =	shalt  }
0x72: {  	_ =	shalt  }
0x73: {  	_ =	shalt  }
0x74: {  	_ =	shalt  }
0x75: {  	_ =	shalt  }
0x76: {  	_ =	shalt  }
0x77: {  	_ =	shalt  }
0x78: {  	_ =	shalt  }
0x79: {  	_ =	shalt  }
0x7a: {  	_ =	shalt  }
0x7b: {  	_ =	shalt  }
0x7c: {  	_ =	shalt  }
0x7d: {  	_ =	shalt  }
0x7e: {  	_ =	shalt  }
0x7f: {  	_ =	shalt  }
0x80: {  	_ =	shalt  }
0x81: {  	_ =	shalt  }
0x82: {  	_ =	shalt  }
0x83: {  	_ =	shalt  }
0x84: {  	_ =	shalt  }
0x85: {  	_ =	shalt  }
0x86: {  	_ =	shalt  }
0x87: {  	_ =	shalt  }
.Lfunc_end0:
.L_simem_size_0:
called_computation.1_lowered:
.L_overlay_start_0:
0x88: {  	s2 =	sld [smem:$0x3FD9]  }
0x89: {  	s3 =	sld [smem:$0x3FFE];
	_ =	sdelay $0x1  }
0x8a: {  	s1 =	srdreg.scid  }
0x8b: {  	s0 =	sand.u32 $0x1, s1  }
0x8c: {  	s16 =	sshll.u32 s0, $0xA;
	s2 =	sadd.s32 s3, s2  }
0x8d: {  	s2 =	sadd.s32 s2, s16  }
0x8e: {  	[smem:$0x3FBB] =	sst s2  }
0x8f: {  	_ = 	snop  }
0x90: {  	(tm) =	ssettm $0x1  }
0x91: {  	s17 =	sld [smem:$0x3FFB];
	_ =	sdelay $0x3  }
0x92: {  	_ =	strace s17  }
0x93: {  	s2 =	sld [smem:$0x3FFC];
	_ =	sdelay $0x3  }
0x94: {  	_ =	strace s2  }
0x95: {  	s2 =	sld [smem:$0x3FFD];
	_ =	sdelay $0x3  }
0x96: {  	_ =	strace s2  }
0x97: {  	_ =	strace $0x8FFFFFFF  }
0x98: {  	s18 =	sld [smem:$0x3FDB];
	_ =	sdelay $0x1  }
0x99: {  	s19 =	simm.s32 $_scs_section_size  }
0x9a: {  	s4 =	simm.s32 $_size__tile_overlayer_lowered;
	s5 =	simm.s32 $_tile_overlayer_lowered  }
0x9b: {  	s22 =	simm.s32 $0x1BFF;
	s21 =	sshll.u32 s5, $0x1;
	s2 =	sadd.s32 s19, s18  }
0x9c: {  	s6 =	simm.s32 $0x0;
	s20 =	sshll.u32 s4, $0x1;
	s4 =	sadd.s32 s21, s2  }
0x9d: {  	[timem:s6], [sflag:s22] =	dma.local [hbm:s4], s20  }
0x9e: {  	_ =	swait.ge [sflag:s22], s20  }
0x9f: {  	s3 =	ssub.s32 $0x0, s20;
	[sflag:s22] =	ssyncset.done $0x0  }
0xa0: {  	[sflag:s22] =	ssyncadd.s32 s3;
	_ =	sdelay $0x1  }
0xa1: {  	s23 =	simm.s32 $0x1B8B  }
0xa2: {  	_ =	swait.ge [sflag:s23], $0x1  }
0xa3: {  	[sflag:s23] =	ssyncset.done $0x0  }
0xa4: {  	s25 =	simm.s32 $0x1B8E;
	s24 =	sld [smem:$0x3FFE];
	[sflag:s23] =	ssyncadd.s32 $0xFFFFFFFF  }
0xa5: {  	s26 =	simm.s32 $execute0_lowered;
	[smem:$0x3FD2] =	sst s25  }
0xa6: {  	s4 =	sshll.u32 s26, $0x1;
	_ =	strace $0x80000049;
	[dreg:$0x1] =	wrdreg $0xFFFFFFFF  }
0xa7: {  	s28 =	simm.s32 $_size_execute0_lowered;
	s2 =	sadd.s32 s2, s4;
	[dreg:$0x0] =	wrdreg $0x0  }
0xa8: {  	s4 =	sshll.u32 s28, $0x1;
	[dreg:$0x2] =	wrdreg s2  }
0xa9: {  	[dreg:$0x3] =	wrdreg s4  }
0xaa: {  	[dreg:$0x4] =	wrdreg $0xC0  }
0xab: {  	_ =	task [dreg:s6], $0x5FFFF  }
0xac: {  	[dreg:$0x1] =	wrdreg $0xFFFFFFFF  }
0xad: {  	[dreg:$0x0] =	wrdreg $0x60  }
0xae: {  	[dreg:$0x2] =	wrdreg s24  }
0xaf: {  	[dreg:$0x3] =	wrdreg $0x0  }
0xb0: {  	[dreg:$0x4] =	wrdreg $0x9  }
0xb1: {  	_ =	task.clear_ibuf [dreg:s6], $0x5FFFF;
	_ =	strace $0x90000049  }
0xb2: {  	s29 =	simm.s32 $0x9;
	_ =	strace $0x8000004B  }
0xb3: {  	_ =	swait.ge [sflag:s29], $0x1  }
0xb4: {  	[sflag:s29] =	ssyncadd.s32 $0xFFFFFFFF  }
0xb5: {  	_ =	strace $0x9000004B  }
0xb6: {  	_ =	sfence  }
0xb7: {  	s30 =	sld [smem:$0x0];
	_ =	sdelay $0x2  }
0xb8: {  	s31 =	sshll.u32 s1, $0xD;
	s1 =	sshrl.u32 s1, $0x2  }
0xb9: {  	s3 =	sand.u32 $0x4000, s31;
	s1 =	sadd.s32 s1, s30  }
0xba: {  	s0 =	sor.u32 s3, s0;
	s1 =	sshll.u32 s1, $0x11  }
0xbb: {  	s0 =	sor.u32 s1, s0  }
0xbc: {  	s0 =	sadd.s32 $0x8F2B, s0  }
0xbd: {  	[sflag:s0] =	ssyncadd.remote.s32 $0x1  }
0xbe: {  	_ =	sfence.sel $0xFFFF  }
0xbf: {  	[dreg:$0x0] =	wrdreg $0xFFFFFFFF;
	(pc) =	sbr.abs _section_cstart, $3  }
0xc0: {  	[dreg:$0x1] =	wrdreg $0xFFFFFFFF  }
0xc1: {  	_ =	task.clear_ibuf [dreg:s6], $0x2FFFF;
	_ =	strace $0x9FFFFFFF  }
0xc2: {  	(tm) =	ssettm $0x7FFFFFFF  }
0xc3: {  	_ =	shalt  }
tec
execute0_lowered:
.L_overlay_start_1:
0x0: {  	(tag) =	ssettag $0x1  }
0x1: {  	s0 =	rddreg [dreg:$0x0]  }
0x2: {  	s1 =	rddreg [dreg:$0x1];
	s12 =	simm.s32 $0x0  }
0x3: {  	s13 =	stileid.u32;
	s15 =	srdreg.scid;
	s9 =	simm.s32 $0x16980  }
0x4: {  	s10 =	simm.s32 $0x16800;
	[smem:$0x7FF] =	sst s12;
	s3 =	sadd.s32 $0xD2DE00, s0  }
0x5: {  	s17 =	sadd.s32 $0xD2E200, s0;
	_ =	strace $0x8000004A;
	[dreg:$0x4] =	wrdreg s3  }
0x6: {  	s4 =	sadd.s32 $0xC6A800, s0;
	s18 =	sadd.s32 $0xD2E400, s0;
	[dreg:$0xa] =	wrdreg s17  }
0x7: {  	s5 =	sadd.s32 $0x1A2AA00, s0;
	s19 =	sadd.s32 $0xD2E600, s0;
	[dreg:$0xb] =	wrdreg s18  }
0x8: {  	s6 =	sadd.s32 $0xC51400, s0;
	s20 =	sadd.s32 $0xD2E800, s0;
	[dreg:$0xc] =	wrdreg s19  }
0x9: {  	s2 =	smul.u32 $0x28000, s13;
	s21 =	sadd.s32 $0xD2EA00, s0;
	[dreg:$0xd] =	wrdreg s20  }
0xa: {  	s7 =	sadd.s32 $0xC38C00, s0;
	s23 =	sadd.s32 $0xD2EC00, s0;
	[dreg:$0xf] =	wrdreg s21  }
0xb: {  	s8 =	smul.u32 $0x140, s13;
	s24 =	sadd.s32 $0xD2EE00, s0;
	[dreg:$0x10] =	wrdreg s23  }
0xc: {  	s14 =	smul.u32 $0xC350, s13;
	s0 =	sadd.s32 $0xD2F000, s0;
	[dreg:$0x12] =	wrdreg s24  }
0xd: {  	s11 =	sor.u32 $0x1400, s13;
	s3 =	sand.u32 $0x1, s15;
	[dreg:$0x13] =	wrdreg s0  }
0xe: {  	s19 =	simm.s32 $0x3;
	[dreg:$0x6] =	wrdreg s8;
	s2 =	sshrl.u32 s2, $0x2  }
0xf: {  	s15 =	simm.s32 $0x1A980;
	[dreg:$0x5] =	wrdreg s3;
	s26 =	sadd.s32 s2, s1  }
0x10: {  	s17 =	simm.s32 $0x16880;
	s22 =	sadd.s32 $0x1000, s26;
	[dreg:$0x7] =	wrdreg s26  }
0x11: {  	s21 =	simm.s32 $0x13F80;
	s25 =	sadd.s32 $0x2000, s26;
	[dreg:$0x8] =	wrdreg s22  }
0x12: {  	s23 =	simm.s32 $0xEF80;
	s28 =	sadd.s32 $0x3000, s26;
	[dreg:$0x9] =	wrdreg s25  }
0x13: {  	s24 =	simm.s32 $0x11780;
	s29 =	sadd.s32 $0x4000, s26;
	[dreg:$0x11] =	wrdreg s28  }
0x14: {  	s3 =	ssub.s32 $0x2, s3;
	s30 =	sadd.s32 $0x5000, s26;
	[dreg:$0x14] =	wrdreg s29  }
0x15: {  	s8 =	simm.s32 $0x16780;
	s0 =	sadd.s32 $0x6000, s26;
	[dreg:$0x15] =	wrdreg s30  }
.Ltmp0:
0x16: {  	s18 =	sadd.s32 $0x7000, s26;
	[dreg:$0x16] =	wrdreg s0;
	(pc) =	sbr.rel .LBB2_1-.Ltmp0, $4  }
0x17: {  	s16 =	sshrl.u32 s3, $0x1;
	s20 =	sadd.s32 $0x8000, s26;
	[dreg:$0x17] =	wrdreg s18  }
0x18: {  	s2 =	ssub.s32 s3, s16;
	s31 =	sadd.s32 $0x9000, s26;
	[dreg:$0x18] =	wrdreg s20  }
0x19: {  	v2 =	vimm.f32 $0.0e+00;
	v3 =	vlaneseq.u32;
	s3 =	simm.s32 $0x80;
	s2 =	smax.u32 s2, $0x1;
	[dreg:$0x19] =	wrdreg s31  }
0x1a: {  	v4 =	vimm.s32 $0x0;
	v1 =	vmov s13;
	v0 =	vmov s11;
	s16 =	simm.s32 $0x2;
	[dreg:$0xe] =	wrdreg s2;
	s2 =	simm.s32 $0x1  }
.LBB2_17:
0x1b: {  	s12 =	rddreg [dreg:$0x3]  }
0x1c: {  	s11 =	rddreg [dreg:$0xe];
	s12 =	sadd.s32 $0x1, s12  }
0x1d: {  	p0 =	sne.s32 s12, s11  }
.Ltmp1:
0x1e: {  	_ = 	snop;
	(pc) =	sbr.rel @!p0 .LBB2_18-.Ltmp1, $1  }
0x1f: {  	_ =	sdelay $0x3  }
.LBB2_1:
0x20: {  	[dreg:$0x3] =	wrdreg s12;
	s12 =	simm.s32 $0x0;
	s11 =	simm.s32 $0x200  }
.LBB2_2:
0x21: {  	p0 =	sne.s32 s11, $0x3E00;
	[tilespmem:s12+$0x1E9F0] =	vst v2  }
0x22: {  	[tilespmem:s12+$0x1E980] =	vst v2  }
0x23: {  	[tilespmem:s12+$0x1E990] =	vst v2  }
.Ltmp2:
0x24: {  	[tilespmem:s12+$0x1E9A0] =	vst v2;
	(pc) =	sbr.rel @p0 .LBB2_2-.Ltmp2, $4  }
0x25: {  	[tilespmem:s12+$0x1E9B0] =	vst v2  }
0x26: {  	[tilespmem:s12+$0x1E9C0] =	vst v2  }
0x27: {  	[tilespmem:s12+$0x1E9D0] =	vst v2  }
0x28: {  	[tilespmem:s12+$0x1E9E0] =	vst v2;
	s12 =	sshra.s32 s11, $0x2;
	s11 =	sadd.s32 $0x200, s11  }
0x29: {  	[tilespmem:s12+$0x1E9F0] =	vst v2  }
0x2a: {  	[tilespmem:s12+$0x1E980] =	vst v2  }
0x2b: {  	[tilespmem:s12+$0x1E990] =	vst v2  }
.Ltmp3:
0x2c: {  	[tilespmem:s12+$0x1E9A0] =	vst v2;
	(pc) =	sbr.rel .LBB2_4-.Ltmp3, $4  }
0x2d: {  	[tilespmem:s12+$0x1E9B0] =	vst v2  }
0x2e: {  	[tilespmem:s12+$0x1E9C0] =	vst v2  }
0x2f: {  	[tilespmem:s12+$0x1E9D0] =	vst v2  }
0x30: {  	s13 =	simm.s32 $0x0;
	[tilespmem:s12+$0x1E9E0] =	vst v2  }
.LBB2_16:
0x31: {  	s12 =	rddreg [dreg:$0x6];
	[bflag:$0x0] =	sbarrier.arrive $0xFFFF  }
0x32: {  	s26 =	stileid.u32;
	s12 =	sadd.s32 s12, s13;
	s22 =	rddreg [dreg:$0x4]  }
0x33: {  	s13 =	sshll.u32 s26, $0x6;
	s26 =	rddreg [dreg:$0x7];
	s12 =	sshll.u32 s12, $0x4  }
0x34: {  	s13 =	sor.u32 $0x1C03, s13;
	s25 =	sshrl.u32 s26, $0x3;
	s22 =	sadd.s32 s22, s12  }
0x35: {  	[hbm:s22], [sflag:s13] =	dma.local [spmem:s25], $0x200  }
0x36: {  	_ =	swait.ge [sflag:s19], $0x200  }
0x37: {  	[sflag:s19] =	ssyncset.done $0x0;
	s11 =	rddreg [dreg:$0x8]  }
0x38: {  	s22 =	sadd.s32 $0x200, s22;
	[sflag:s19] =	ssyncadd.s32 $0xFFFFFE00;
	s0 =	sshrl.u32 s11, $0x3  }
0x39: {  	[hbm:s22], [sflag:s13] =	dma.local [spmem:s0], $0x200  }
0x3a: {  	_ =	swait.ge [sflag:s19], $0x200  }
0x3b: {  	s18 =	rddreg [dreg:$0xa]  }
0x3c: {  	[sflag:s19] =	ssyncset.done $0x0;
	s29 =	rddreg [dreg:$0x9]  }
0x3d: {  	[sflag:s19] =	ssyncadd.s32 $0xFFFFFE00;
	s22 =	sadd.s32 s18, s12;
	s20 =	sshrl.u32 s29, $0x3  }
0x3e: {  	[hbm:s22], [sflag:s13] =	dma.local [spmem:s20], $0x200  }
0x3f: {  	_ =	swait.ge [sflag:s19], $0x200  }
0x40: {  	s25 =	rddreg [dreg:$0xb]  }
0x41: {  	[sflag:s19] =	ssyncset.done $0x0;
	s28 =	rddreg [dreg:$0x11]  }
0x42: {  	[sflag:s19] =	ssyncadd.s32 $0xFFFFFE00;
	s22 =	sadd.s32 s25, s12;
	s0 =	sshrl.u32 s28, $0x3  }
0x43: {  	[hbm:s22], [sflag:s13] =	dma.local [spmem:s0], $0x200  }
0x44: {  	_ =	swait.ge [sflag:s19], $0x200  }
0x45: {  	s18 =	rddreg [dreg:$0xc]  }
0x46: {  	[sflag:s19] =	ssyncset.done $0x0;
	s31 =	rddreg [dreg:$0x14]  }
0x47: {  	[sflag:s19] =	ssyncadd.s32 $0xFFFFFE00;
	s22 =	sadd.s32 s18, s12;
	s20 =	sshrl.u32 s31, $0x3  }
0x48: {  	[hbm:s22], [sflag:s13] =	dma.local [spmem:s20], $0x200  }
0x49: {  	_ =	swait.ge [sflag:s19], $0x200  }
0x4a: {  	s25 =	rddreg [dreg:$0xd]  }
0x4b: {  	[sflag:s19] =	ssyncset.done $0x0;
	s30 =	rddreg [dreg:$0x15]  }
0x4c: {  	[sflag:s19] =	ssyncadd.s32 $0xFFFFFE00;
	s22 =	sadd.s32 s25, s12;
	s0 =	sshrl.u32 s30, $0x3  }
0x4d: {  	[hbm:s22], [sflag:s13] =	dma.local [spmem:s0], $0x200  }
0x4e: {  	_ =	swait.ge [sflag:s19], $0x200  }
0x4f: {  	s18 =	rddreg [dreg:$0xf]  }
0x50: {  	[sflag:s19] =	ssyncset.done $0x0;
	s0 =	rddreg [dreg:$0x16]  }
0x51: {  	[sflag:s19] =	ssyncadd.s32 $0xFFFFFE00;
	s22 =	sadd.s32 s18, s12;
	s20 =	sshrl.u32 s0, $0x3  }
0x52: {  	[hbm:s22], [sflag:s13] =	dma.local [spmem:s20], $0x200  }
0x53: {  	_ =	swait.ge [sflag:s19], $0x200  }
0x54: {  	s18 =	rddreg [dreg:$0x10]  }
0x55: {  	[sflag:s19] =	ssyncset.done $0x0;
	s22 =	sadd.s32 s18, s12;
	s18 =	rddreg [dreg:$0x17]  }
0x56: {  	[sflag:s19] =	ssyncadd.s32 $0xFFFFFE00;
	s20 =	sshrl.u32 s18, $0x3  }
0x57: {  	[hbm:s22], [sflag:s13] =	dma.local [spmem:s20], $0x200  }
0x58: {  	_ =	swait.ge [sflag:s19], $0x200  }
0x59: {  	s25 =	rddreg [dreg:$0x12]  }
0x5a: {  	[sflag:s19] =	ssyncset.done $0x0;
	s20 =	rddreg [dreg:$0x18]  }
0x5b: {  	[sflag:s19] =	ssyncadd.s32 $0xFFFFFE00;
	s22 =	sadd.s32 s25, s12;
	s25 =	sshrl.u32 s20, $0x3  }
0x5c: {  	[hbm:s22], [sflag:s13] =	dma.local [spmem:s25], $0x200  }
0x5d: {  	_ =	swait.ge [sflag:s19], $0x200  }
0x5e: {  	s25 =	smov.u32 s29;
	s22 =	rddreg [dreg:$0x13]  }
0x5f: {  	s29 =	smov.u32 s31;
	[sflag:s19] =	ssyncset.done $0x0;
	s31 =	rddreg [dreg:$0x19]  }
0x60: {  	[sflag:s19] =	ssyncadd.s32 $0xFFFFFE00;
	s12 =	sadd.s32 s22, s12;
	s22 =	sshrl.u32 s31, $0x3  }
0x61: {  	[hbm:s12], [sflag:s13] =	dma.local [spmem:s22], $0x200  }
0x62: {  	_ =	swait.ge [sflag:s19], $0x200  }
0x63: {  	s12 =	rddreg [dreg:$0x1a]  }
0x64: {  	s13 =	sadd.s32 $0x1, s12  }
0x65: {  	p0 =	sne.s32 s13, $0x5  }
.Ltmp4:
0x66: {  	_ = 	snop;
	(pc) =	sbr.rel @!p0 .LBB2_17-.Ltmp4, $4  }
0x67: {  	[sflag:s19] =	ssyncset.done $0x0  }
0x68: {  	[sflag:s19] =	ssyncadd.s32 $0xFFFFFE00  }
0x69: {  	[bflag:$0x0] =	sbarrier.arrive $0xFFFF  }
0x6a: {  	s22 =	smov.u32 s11  }
.LBB2_4:
0x6b: {  	s11 =	simm.s32 $0x1E980  }
0x6c: {  	[spmem:s26] =	stream.linear.scatter [tilespmem:s11], [sflag:$0x3], $0x1000, $0x38;
	[tilespmem:$0x1F980] =	vst v63  }
0x6d: {  	_ =	swait.ge [sflag:s19], $0x1000  }
0x6e: {  	[sflag:s19] =	ssyncset.done $0x0  }
0x6f: {  	[sflag:s19] =	ssyncadd.s32 $0xFFFFF000  }
0x70: {  	[spmem:s22] =	stream.linear.scatter [tilespmem:s11], [sflag:$0x3], $0x1000, $0x38;
	[tilespmem:$0x1F980] =	vst v63  }
0x71: {  	_ =	swait.ge [sflag:s19], $0x1000  }
0x72: {  	[sflag:s19] =	ssyncset.done $0x0  }
0x73: {  	[sflag:s19] =	ssyncadd.s32 $0xFFFFF000  }
0x74: {  	[spmem:s25] =	stream.linear.scatter [tilespmem:s11], [sflag:$0x3], $0x1000, $0x38;
	[tilespmem:$0x1F980] =	vst v63  }
0x75: {  	_ =	swait.ge [sflag:s19], $0x1000  }
0x76: {  	[sflag:s19] =	ssyncset.done $0x0  }
0x77: {  	[sflag:s19] =	ssyncadd.s32 $0xFFFFF000  }
0x78: {  	[spmem:s28] =	stream.linear.scatter [tilespmem:s11], [sflag:$0x3], $0x1000, $0x38;
	[tilespmem:$0x1F980] =	vst v63  }
0x79: {  	_ =	swait.ge [sflag:s19], $0x1000  }
0x7a: {  	[sflag:s19] =	ssyncset.done $0x0  }
0x7b: {  	[sflag:s19] =	ssyncadd.s32 $0xFFFFF000  }
0x7c: {  	[spmem:s29] =	stream.linear.scatter [tilespmem:s11], [sflag:$0x3], $0x1000, $0x38;
	[tilespmem:$0x1F980] =	vst v63  }
0x7d: {  	_ =	swait.ge [sflag:s19], $0x1000  }
0x7e: {  	[sflag:s19] =	ssyncset.done $0x0  }
0x7f: {  	[sflag:s19] =	ssyncadd.s32 $0xFFFFF000  }
0x80: {  	[spmem:s30] =	stream.linear.scatter [tilespmem:s11], [sflag:$0x3], $0x1000, $0x38;
	[tilespmem:$0x1F980] =	vst v63  }
0x81: {  	_ =	swait.ge [sflag:s19], $0x1000  }
0x82: {  	[sflag:s19] =	ssyncset.done $0x0  }
0x83: {  	[sflag:s19] =	ssyncadd.s32 $0xFFFFF000  }
0x84: {  	[spmem:s0] =	stream.linear.scatter [tilespmem:s11], [sflag:$0x3], $0x1000, $0x38;
	[tilespmem:$0x1F980] =	vst v63  }
0x85: {  	_ =	swait.ge [sflag:s19], $0x1000  }
0x86: {  	[sflag:s19] =	ssyncset.done $0x0  }
0x87: {  	[sflag:s19] =	ssyncadd.s32 $0xFFFFF000  }
0x88: {  	[spmem:s18] =	stream.linear.scatter [tilespmem:s11], [sflag:$0x3], $0x1000, $0x38;
	[tilespmem:$0x1F980] =	vst v63  }
0x89: {  	_ =	swait.ge [sflag:s19], $0x1000  }
0x8a: {  	[sflag:s19] =	ssyncset.done $0x0  }
0x8b: {  	[sflag:s19] =	ssyncadd.s32 $0xFFFFF000  }
0x8c: {  	[spmem:s20] =	stream.linear.scatter [tilespmem:s11], [sflag:$0x3], $0x1000, $0x38;
	[tilespmem:$0x1F980] =	vst v63  }
0x8d: {  	_ =	swait.ge [sflag:s19], $0x1000  }
0x8e: {  	[sflag:s19] =	ssyncset.done $0x0  }
0x8f: {  	[dreg:$0x1a] =	wrdreg s13;
	[sflag:s19] =	ssyncadd.s32 $0xFFFFF000  }
0x90: {  	[spmem:s31] =	stream.linear.scatter [tilespmem:s11], [sflag:$0x3], $0x1000, $0x38;
	[tilespmem:$0x1F980] =	vst v63  }
0x91: {  	s12 =	sshll.u32 s13, $0x1;
	s31 =	rddreg [dreg:$0x5]  }
.Ltmp5:
0x92: {  	s12 =	sor.u32 s31, s12;
	_ =	swait.ge [sflag:s19], $0x1000;
	(pc) =	sbr.rel .LBB2_5-.Ltmp5, $4  }
0x93: {  	s13 =	smul.u32 $0x1400, s12;
	[sflag:s19] =	ssyncset.done $0x0  }
0x94: {  	[sflag:s19] =	ssyncadd.s32 $0xFFFFF000  }
0x95: {  	s22 =	simm.s32 $0x0;
	s12 =	sadd.s32 $0x1400, s13;
	[bflag:$0x0] =	sbarrier.arrive $0xFFFF  }
0x96: {  	v7 =	vimm.s32 $0x0;
	s0 =	simm.s32 $0xA080;
	s11 =	simm.s32 $0xC800;
	v5 =	vmov s13;
	v6 =	vmov s12;
	s12 =	smov.u32 s14  }
.LBB2_19:
0x97: {  	s26 =	sshll.u32 s26, $0x7  }
.LBB2_15:
0x98: {  	s22 =	sadd.s32 $0x1, s22  }
0x99: {  	p0 =	sne.s32 s22, $0x6  }
.Ltmp6:
0x9a: {  	_ = 	snop;
	(pc) =	sbr.rel @!p0 .LBB2_16-.Ltmp6, $3  }
0x9b: {  	_ =	sdelay $0x1  }
0x9c: {  	s25 =	ssub.s32 s25, s26  }
0x9d: {  	s12 =	sadd.s32 $0x2710, s12;
	v7 =	vmov s25  }
.LBB2_5:
0x9e: {  	p0 =	seq.s32 s22, $0x5  }
.Ltmp7:
0x9f: {  	_ = 	snop;
	(pc) =	sbr.rel @!p0 .LBB2_6-.Ltmp7, $1  }
0xa0: {  	_ =	sdelay $0x3  }
0xa1: {  	(v2sf) =	vpush v7, $0x0;
	_ =	sdelay $0xe  }
0xa2: {  	[tilespmem:$0x16900] =	vst v7;
	s25 =	spop (v2sf)  }
0xa3: {  	[tilespmem:s25+$0xEF80] =	vst v1  }
0xa4: {  	[tilespmem:s25+$0x11780] =	vst v1  }
0xa5: {  	[tilespmem:s25+$0x13F80] =	vst v0  }
0xa6: {  	[tilespmem:s25+$0xEF90] =	vst v1  }
0xa7: {  	[tilespmem:s25+$0x11790] =	vst v1  }
0xa8: {  	[tilespmem:s25+$0x13F90] =	vst v0  }
0xa9: {  	[tilespmem:s25+$0xEFA0] =	vst v1  }
0xaa: {  	[tilespmem:s25+$0x117A0] =	vst v1  }
0xab: {  	[tilespmem:s25+$0x13FA0] =	vst v0  }
0xac: {  	[tilespmem:s25+$0xEFB0] =	vst v1  }
0xad: {  	[tilespmem:s25+$0x117B0] =	vst v1  }
0xae: {  	[tilespmem:s25+$0x13FB0] =	vst v0  }
0xaf: {  	[tilespmem:s25+$0xEFC0] =	vst v1  }
0xb0: {  	[tilespmem:s25+$0x117C0] =	vst v1  }
0xb1: {  	[tilespmem:s25+$0x13FC0] =	vst v0  }
0xb2: {  	[tilespmem:s25+$0xEFD0] =	vst v1;
	s26 =	sadd.s32 $0x7F, s25  }
0xb3: {  	[tilespmem:s25+$0x117D0] =	vst v1;
	s28 =	sand.u32 $0x7F, s26;
	s31 =	sshra.s32 s26, $0x1F  }
0xb4: {  	[tilespmem:s25+$0x13FD0] =	vst v0;
	p1 =	slt.s32 s26, $0x1;
	p0 =	sne.s32 s28, $0x0;
	s28 =	sshrl.u32 s31, $0x19  }
0xb5: {  	[tilespmem:s25+$0xEFE0] =	vst v1;
	p0 =	por !p1, !p0;
	s26 =	sadd.s32 s28, s26  }
.Ltmp8:
0xb6: {  	[tilespmem:s25+$0x117E0] =	vst v1;
	s28 =	simm.s32 $0x1;
	p0 =	por !p0, !p0;
	(pc) =	sbr.rel .LBB2_10-.Ltmp8, $4  }
0xb7: {  	[tilespmem:s25+$0x13FE0] =	vst v0;
	s26 =	sshrl.u32 s26, $0x7;
	s28 =	simm.s32 @!p0 $0x0  }
0xb8: {  	[tilespmem:s25+$0xEFF0] =	vst v1;
	s26 =	ssub.s32 s26, s28  }
0xb9: {  	[tilespmem:s25+$0x117F0] =	vst v1;
	s26 =	sshll.u32 s26, $0x7  }
0xba: {  	[tilespmem:s25+$0x13FF0] =	vst v0;
	v7 =	vmov s26  }
.LBB2_6:
0xbb: {  	s25 =	smul.u32 $0x2710, s22;
	_ =	sdelay $0x1  }
0xbc: {  	s25 =	sadd.s32 s14, s25  }
0xbd: {  	s25 =	sshrl.u32 s25, $0x3  }
0xbe: {  	s28 =	simm.s32 $0x0;
	s26 =	sadd.s32 s7, s25  }
0xbf: {  	[tilespmem:s0], [sflag:$0x3] =	stream.linear.gather [hbm4b:s26+s28], $0x2710, $0x38;
	[tilespmem:$0x1F980] =	vst v63  }
0xc0: {  	_ =	swait.ge [sflag:s19], $0x2710  }
0xc1: {  	[sflag:s19] =	ssyncset.done $0x0  }
0xc2: {  	s25 =	sadd.s32 s6, s25;
	[sflag:s19] =	ssyncadd.s32 $0xFFFFD8F0  }
0xc3: {  	[tilespmem:s11], [sflag:$0x3] =	stream.linear.gather [hbm4b:s25+s28], $0x2710, $0x38;
	[tilespmem:$0x1F980] =	vst v63  }
0xc4: {  	_ =	swait.ge [sflag:s19], $0x2710  }
0xc5: {  	[sflag:s19] =	ssyncset.done $0x0  }
0xc6: {  	s30 =	simm.s32 $0x0;
	[sflag:s19] =	ssyncadd.s32 $0xFFFFD8F0  }
0xc7: {  	v8 =	vld [tilespmem:s30+$0xA080];
	_ =	sdelay $0x4  }
0xc8: {  	vm0 =	vge.s32 v8, v5;
	vm1 =	vlt.s32 v8, v6  }
0xc9: {  	vm0 =	vmand vm0, vm1  }
0xca: {  	v9 =	vsel vm0, $0x1, v4  }
0xcb: {  	(xrf0) =	vadd.scan.msk.s32 $0xffff, v9;
	_ =	sdelay $0x5  }
0xcc: {  	v9, _, _ =	vpop (xrf0)  }
0xcd: {  	v9 =	vadd.s32 v9, v7  }
0xce: {  	v9 =	vadd.s32 $0xFFFFFFFF, v9  }
0xcf: {  	v10 =	vld [tilespmem:s30+$0xC800];
	_ =	sdelay $0x2  }
0xd0: {  	v8 =	vsub.s32 v8, v5  }
0xd1: {  	[tilespmem:v9+s21+$0x0] =	vst.idx.msk vm0, v8  }
0xd2: {  	v11 =	vor.u32 s12, v3;
	v8 =	vmpcnt.ones.xlane vm0;
	[tilespmem:v9+s23+$0x0] =	vst.idx.msk vm0, v10  }
0xd3: {  	s31 =	simm.s32 $0x10;
	[tilespmem:v9+s24+$0x0] =	vst.idx.msk vm0, v11  }
0xd4: {  	v7 =	vadd.s32 v7, v8;
	v10 =	vld [tilespmem:s31+$0xA080]  }
0xd5: {  	s26 =	simm.s32 $0x80;
	s25 =	smov.u32 s12;
	v8 =	vld [tilespmem:s31+$0xC800];
	v9 =	vmov v7  }
.LBB2_7:
0xd6: {  	p0 =	seq.s32 s26, $0x9C00;
	_ =	sdelay $0x2  }
0xd7: {  	vm0 =	vge.s32 v10, v5;
	vm1 =	vlt.s32 v10, v6  }
0xd8: {  	vm0 =	vmand vm0, vm1  }
0xd9: {  	v11 =	vsel vm0, $0x1, v4;
	v12 =	vmpcnt.ones.xlane vm0  }
0xda: {  	(xrf0) =	vadd.scan.msk.s32 $0xffff, v11  }
0xdb: {  	v7 =	vadd.s32 v7, v12;
	_ =	sdelay $0x4  }
0xdc: {  	v11, _, _ =	vpop (xrf0)  }
0xdd: {  	v11 =	vadd.s32 v11, v9;
	v9 =	vmov v7  }
0xde: {  	v11 =	vadd.s32 $0xFFFFFFFF, v11;
	_ =	sdelay $0x3  }
0xdf: {  	v10 =	vsub.s32 v10, v5  }
.Ltmp9:
0xe0: {  	s25 =	sadd.s32 $0x10, s25;
	[tilespmem:v11+s21+$0x0] =	vst.idx.msk vm0, v10;
	(pc) =	sbr.rel @!p0 .LBB2_7-.Ltmp9, $4  }
0xe1: {  	v10 =	vor.u32 s25, v3;
	[tilespmem:v11+s23+$0x0] =	vst.idx.msk vm0, v8  }
0xe2: {  	s28 =	sshra.s32 s26, $0x2;
	[tilespmem:v11+s24+$0x0] =	vst.idx.msk vm0, v10  }
0xe3: {  	v10 =	vld [tilespmem:s28+$0xA080]  }
0xe4: {  	s26 =	sadd.s32 $0x40, s26;
	v8 =	vld [tilespmem:s28+$0xC800]  }
0xe5: {  	_ =	sdelay $0x2  }
0xe6: {  	vm0 =	vge.s32 v10, v5;
	vm1 =	vlt.s32 v10, v6  }
0xe7: {  	vm0 =	vmand vm0, vm1  }
0xe8: {  	v11 =	vsel vm0, $0x1, v4  }
0xe9: {  	(xrf0) =	vadd.scan.msk.s32 $0xffff, v11;
	_ =	sdelay $0x5  }
0xea: {  	v11, _, _ =	vpop (xrf0)  }
0xeb: {  	v9 =	vadd.s32 v11, v9  }
0xec: {  	v9 =	vadd.s32 $0xFFFFFFFF, v9;
	_ =	sdelay $0x3  }
0xed: {  	v61 =	vsub.s32 v10, v5  }
0xee: {  	s25 =	sadd.s32 $0x10, s25;
	v62 =	vmpcnt.ones.xlane vm0;
	[tilespmem:v9+s21+$0x0] =	vst.idx.msk vm0, v61  }
0xef: {  	v63 =	vor.u32 s25, v3;
	[tilespmem:v9+s23+$0x0] =	vst.idx.msk vm0, v8  }
0xf0: {  	v7 =	vadd.s32 v7, v62;
	[tilespmem:v9+s24+$0x0] =	vst.idx.msk vm0, v63  }
.LBB2_10:
0xf1: {  	(v2sf) =	vpush v7, $0x0;
	_ =	sdelay $0xe  }
0xf2: {  	s25 =	spop (v2sf)  }
0xf3: {  	s26 =	sand.u32 $0x7F, s25  }
0xf4: {  	s28 =	sshra.s32 s25, $0x1F;
	p0 =	slt.s32 s25, $0x1;
	p1 =	sne.s32 s26, $0x0  }
0xf5: {  	s31 =	sshrl.u32 s28, $0x19;
	p0 =	por !p0, !p1  }
0xf6: {  	s28 =	simm.s32 $0x1;
	s26 =	sadd.s32 s31, s25;
	p0 =	por !p0, !p0  }
0xf7: {  	s26 =	sshra.s32 s26, $0x7;
	s28 =	simm.s32 @!p0 $0x0  }
0xf8: {  	s26 =	ssub.s32 s26, s28  }
0xf9: {  	p0 =	slt.s32 s26, $0x1  }
.Ltmp10:
0xfa: {  	_ = 	snop;
	(pc) =	sbr.rel @p0 .LBB2_19-.Ltmp10, $2  }
0xfb: {  	_ =	sdelay $0x2  }
0xfc: {  	[tilespmem:$0x16900] =	vst v7;
	s28 =	simm.s32 $0x0  }
.LBB2_11:
0xfd: {  	s29 =	sshll.u32 s28, $0x7  }
0xfe: {  	v7 =	vld [tilespmem:s29+$0xEF80];
	_ =	sdelay $0x4  }
0xff: {  	[tilespmem:$0x16780] =	vst v7  }
0x100: {  	v7 =	vld [tilespmem:s29+$0x11780];
	_ =	sdelay $0x4  }
0x101: {  	[tilespmem:$0x16800] =	vst v7  }
0x102: {  	v7 =	vld [tilespmem:s29+$0x13F80];
	_ =	sdelay $0x4  }
0x103: {  	[tilespmem:$0x16880] =	vst v7  }
0x104: {  	v7 =	vld [tilespmem:s29+$0xEF90];
	_ =	sdelay $0x4  }
0x105: {  	[tilespmem:$0x16790] =	vst v7  }
0x106: {  	v7 =	vld [tilespmem:s29+$0x11790];
	_ =	sdelay $0x4  }
0x107: {  	[tilespmem:$0x16810] =	vst v7  }
0x108: {  	v7 =	vld [tilespmem:s29+$0x13F90];
	_ =	sdelay $0x4  }
0x109: {  	[tilespmem:$0x16890] =	vst v7  }
0x10a: {  	v7 =	vld [tilespmem:s29+$0xEFA0];
	_ =	sdelay $0x4  }
0x10b: {  	[tilespmem:$0x167A0] =	vst v7  }
0x10c: {  	v7 =	vld [tilespmem:s29+$0x117A0];
	_ =	sdelay $0x4  }
0x10d: {  	[tilespmem:$0x16820] =	vst v7  }
0x10e: {  	v7 =	vld [tilespmem:s29+$0x13FA0];
	_ =	sdelay $0x4  }
0x10f: {  	[tilespmem:$0x168A0] =	vst v7  }
0x110: {  	v7 =	vld [tilespmem:s29+$0xEFB0];
	_ =	sdelay $0x4  }
0x111: {  	[tilespmem:$0x167B0] =	vst v7  }
0x112: {  	v7 =	vld [tilespmem:s29+$0x117B0];
	_ =	sdelay $0x4  }
0x113: {  	[tilespmem:$0x16830] =	vst v7  }
0x114: {  	v7 =	vld [tilespmem:s29+$0x13FB0];
	_ =	sdelay $0x4  }
0x115: {  	[tilespmem:$0x168B0] =	vst v7  }
0x116: {  	v7 =	vld [tilespmem:s29+$0xEFC0];
	_ =	sdelay $0x4  }
0x117: {  	[tilespmem:$0x167C0] =	vst v7  }
0x118: {  	v7 =	vld [tilespmem:s29+$0x117C0];
	_ =	sdelay $0x4  }
0x119: {  	[tilespmem:$0x16840] =	vst v7  }
0x11a: {  	v7 =	vld [tilespmem:s29+$0x13FC0];
	_ =	sdelay $0x4  }
0x11b: {  	[tilespmem:$0x168C0] =	vst v7  }
0x11c: {  	v7 =	vld [tilespmem:s29+$0xEFD0];
	_ =	sdelay $0x4  }
0x11d: {  	[tilespmem:$0x167D0] =	vst v7  }
0x11e: {  	v7 =	vld [tilespmem:s29+$0x117D0];
	_ =	sdelay $0x4  }
0x11f: {  	[tilespmem:$0x16850] =	vst v7  }
0x120: {  	v7 =	vld [tilespmem:s29+$0x13FD0];
	_ =	sdelay $0x4  }
0x121: {  	[tilespmem:$0x168D0] =	vst v7  }
0x122: {  	v7 =	vld [tilespmem:s29+$0xEFE0];
	_ =	sdelay $0x4  }
0x123: {  	[tilespmem:$0x167E0] =	vst v7  }
0x124: {  	v7 =	vld [tilespmem:s29+$0x117E0];
	_ =	sdelay $0x4  }
0x125: {  	[tilespmem:$0x16860] =	vst v7  }
0x126: {  	v7 =	vld [tilespmem:s29+$0x13FE0];
	_ =	sdelay $0x4  }
0x127: {  	[tilespmem:$0x168E0] =	vst v7  }
0x128: {  	v7 =	vld [tilespmem:s29+$0xEFF0];
	_ =	sdelay $0x4  }
0x129: {  	[tilespmem:$0x167F0] =	vst v7  }
0x12a: {  	v7 =	vld [tilespmem:s29+$0x117F0];
	_ =	sdelay $0x4  }
0x12b: {  	[tilespmem:$0x16870] =	vst v7  }
0x12c: {  	v7 =	vld [tilespmem:s29+$0x13FF0];
	_ =	sdelay $0x4  }
0x12d: {  	[tilespmem:$0x168F0] =	vst v7  }
0x12e: {  	[tilespmem:s9], [sflag:$0x1] =	stream.indirect.gather [hbm4b:s4+s3], $0x80, s8, s3, $0xb8;
	[tilespmem:$0x1F980] =	vst v63  }
0x12f: {  	_ = 	snop  }
0x130: {  	[tilespmem:s15], [sflag:$0x2] =	stream.indirect.gather [hbm4b:s5+s3], $0x80, s10, s3, $0xb8;
	[tilespmem:$0x1F980] =	vst v63  }
0x131: {  	_ =	swait.ge [sflag:s2], $0x4000  }
0x132: {  	[sflag:s2] =	ssyncset.done $0x0  }
0x133: {  	[sflag:s2] =	ssyncadd.s32 $0xFFFFC000  }
0x134: {  	_ =	swait.ge [sflag:s16], $0x4000  }
0x135: {  	[sflag:s16] =	ssyncset.done $0x0  }
0x136: {  	s29 =	simm.s32 $0x0;
	[sflag:s16] =	ssyncadd.s32 $0xFFFFC000  }
0x137: {  	v13 =	vld [tilespmem:s29+$0x1A980]  }
0x138: {  	v18 =	vld [tilespmem:s29+$0x1A990]  }
0x139: {  	v12 =	vld [tilespmem:s29+$0x1A9A0]  }
0x13a: {  	v11 =	vld [tilespmem:s29+$0x1A9B0]  }
0x13b: {  	v10 =	vld [tilespmem:s29+$0x1A9C0]  }
0x13c: {  	v9 =	vld [tilespmem:s29+$0x1A9D0]  }
0x13d: {  	v8 =	vld [tilespmem:s29+$0x1A9E0]  }
0x13e: {  	v7 =	vld [tilespmem:s29+$0x1A9F0]  }
0x13f: {  	v19 =	vld [tilespmem:s29+$0x16980]  }
0x140: {  	v20 =	vld [tilespmem:s29+$0x16990]  }
0x141: {  	v17 =	vld [tilespmem:s29+$0x169A0]  }
0x142: {  	v16 =	vld [tilespmem:s29+$0x169B0]  }
0x143: {  	v15 =	vld [tilespmem:s29+$0x169C0]  }
0x144: {  	v14 =	vld [tilespmem:s29+$0x169D0];
	v19 =	vadd.f32 v13, v19  }
0x145: {  	s30 =	simm.s32 $0x200;
	v18 =	vadd.f32 v18, v20;
	v13 =	vld [tilespmem:s29+$0x169E0]  }
.LBB2_12:
0x146: {  	s31 =	sshra.s32 s30, $0x2;
	p0 =	sne.s32 s30, $0xFE00;
	v19 =	vmax.f32 v19, $0.0e+00;
	v12 =	vadd.f32 v12, v17;
	v17 =	vld [tilespmem:s29+$0x169F0]  }
0x147: {  	v20 =	vld [tilespmem:s31+$0x1A980];
	[tilespmem:s29+$0x16980] =	vst v19;
	v18 =	vmax.f32 v18, $0.0e+00;
	v11 =	vadd.f32 v11, v16  }
0x148: {  	v21 =	vld [tilespmem:s31+$0x1A990];
	[tilespmem:s29+$0x16990] =	vst v18;
	v16 =	vmax.f32 v12, $0.0e+00;
	v10 =	vadd.f32 v10, v15  }
0x149: {  	v12 =	vld [tilespmem:s31+$0x1A9A0];
	[tilespmem:s29+$0x169A0] =	vst v16;
	v15 =	vmax.f32 v11, $0.0e+00;
	v9 =	vadd.f32 v9, v14  }
0x14a: {  	v11 =	vld [tilespmem:s31+$0x1A9B0];
	[tilespmem:s29+$0x169B0] =	vst v15;
	v14 =	vmax.f32 v10, $0.0e+00;
	v8 =	vadd.f32 v8, v13  }
0x14b: {  	v10 =	vld [tilespmem:s31+$0x1A9C0];
	[tilespmem:s29+$0x169C0] =	vst v14;
	v13 =	vmax.f32 v9, $0.0e+00;
	v7 =	vadd.f32 v7, v17  }
0x14c: {  	v9 =	vld [tilespmem:s31+$0x1A9D0];
	[tilespmem:s29+$0x169D0] =	vst v13;
	v13 =	vmax.f32 v8, $0.0e+00  }
0x14d: {  	v8 =	vld [tilespmem:s31+$0x1A9E0];
	[tilespmem:s29+$0x169E0] =	vst v13;
	v13 =	vmax.f32 v7, $0.0e+00  }
0x14e: {  	v7 =	vld [tilespmem:s31+$0x1A9F0];
	[tilespmem:s29+$0x169F0] =	vst v13;
	s29 =	smov.u32 s31  }
0x14f: {  	v13 =	vld [tilespmem:s29+$0x16980]  }
0x150: {  	v18 =	vld [tilespmem:s29+$0x16990]  }
.Ltmp11:
0x151: {  	v17 =	vld [tilespmem:s29+$0x169A0];
	(pc) =	sbr.rel @p0 .LBB2_12-.Ltmp11, $4  }
0x152: {  	v16 =	vld [tilespmem:s29+$0x169B0]  }
0x153: {  	v15 =	vld [tilespmem:s29+$0x169C0]  }
0x154: {  	v19 =	vadd.f32 v20, v13;
	v14 =	vld [tilespmem:s29+$0x169D0]  }
0x155: {  	s30 =	sadd.s32 $0x200, s30;
	v18 =	vadd.f32 v21, v18;
	v13 =	vld [tilespmem:s29+$0x169E0]  }
0x156: {  	v19 =	vmax.f32 v19, $0.0e+00;
	v12 =	vadd.f32 v12, v17;
	v63 =	vld [tilespmem:s29+$0x169F0]  }
0x157: {  	[tilespmem:s29+$0x16980] =	vst v19;
	v18 =	vmax.f32 v18, $0.0e+00;
	v11 =	vadd.f32 v11, v16  }
0x158: {  	[tilespmem:s29+$0x16990] =	vst v18;
	v12 =	vmax.f32 v12, $0.0e+00;
	v10 =	vadd.f32 v10, v15  }
0x159: {  	[tilespmem:s29+$0x169A0] =	vst v12;
	v11 =	vmax.f32 v11, $0.0e+00;
	v9 =	vadd.f32 v9, v14  }
0x15a: {  	[tilespmem:s29+$0x169B0] =	vst v11;
	v10 =	vmax.f32 v10, $0.0e+00;
	v8 =	vadd.f32 v8, v13  }
0x15b: {  	[tilespmem:s29+$0x169C0] =	vst v10;
	v9 =	vmax.f32 v9, $0.0e+00;
	v7 =	vadd.f32 v7, v63  }
0x15c: {  	s28 =	sadd.s32 $0x1, s28;
	[tilespmem:s29+$0x169D0] =	vst v9;
	v8 =	vmax.f32 v8, $0.0e+00  }
0x15d: {  	p0 =	seq.s32 s28, s26;
	[tilespmem:s29+$0x169E0] =	vst v8;
	v7 =	vmax.f32 v7, $0.0e+00  }
.Ltmp12:
0x15e: {  	[tilespmem:s29+$0x169F0] =	vst v7;
	(pc) =	sbr.rel @!p0 .LBB2_11-.Ltmp12, $4  }
0x15f: {  	[spmem:s1] =	stream.indirect.scatter.add.f32 [tilespmem:s9], [sflag:$0x3], $0x80, s17, s3, $0xb8;
	[tilespmem:$0x1F980] =	vst v63  }
0x160: {  	_ =	swait.ge [sflag:s19], $0x4000  }
0x161: {  	[sflag:s19] =	ssyncset.done $0x0  }
0x162: {  	[sflag:s19] =	ssyncadd.s32 $0xFFFFC000  }
0x163: {  	s26 =	sshll.u32 s26, $0x7  }
0x164: {  	v7 =	vld [tilespmem:s26+$0xEF80];
	_ =	sdelay $0x4  }
0x165: {  	[tilespmem:$0xEF80] =	vst v7  }
0x166: {  	v7 =	vld [tilespmem:s26+$0x11780];
	_ =	sdelay $0x4  }
0x167: {  	[tilespmem:$0x11780] =	vst v7  }
0x168: {  	v7 =	vld [tilespmem:s26+$0x13F80];
	_ =	sdelay $0x4  }
0x169: {  	[tilespmem:$0x13F80] =	vst v7  }
0x16a: {  	v7 =	vld [tilespmem:s26+$0xEF90];
	_ =	sdelay $0x4  }
0x16b: {  	[tilespmem:$0xEF90] =	vst v7  }
0x16c: {  	v7 =	vld [tilespmem:s26+$0x11790];
	_ =	sdelay $0x4  }
0x16d: {  	[tilespmem:$0x11790] =	vst v7  }
0x16e: {  	v7 =	vld [tilespmem:s26+$0x13F90];
	_ =	sdelay $0x4  }
0x16f: {  	[tilespmem:$0x13F90] =	vst v7  }
0x170: {  	v7 =	vld [tilespmem:s26+$0xEFA0];
	_ =	sdelay $0x4  }
0x171: {  	[tilespmem:$0xEFA0] =	vst v7  }
0x172: {  	v7 =	vld [tilespmem:s26+$0x117A0];
	_ =	sdelay $0x4  }
0x173: {  	[tilespmem:$0x117A0] =	vst v7  }
0x174: {  	v7 =	vld [tilespmem:s26+$0x13FA0];
	_ =	sdelay $0x4  }
0x175: {  	[tilespmem:$0x13FA0] =	vst v7  }
0x176: {  	v7 =	vld [tilespmem:s26+$0xEFB0];
	_ =	sdelay $0x4  }
0x177: {  	[tilespmem:$0xEFB0] =	vst v7  }
0x178: {  	v7 =	vld [tilespmem:s26+$0x117B0];
	_ =	sdelay $0x4  }
0x179: {  	[tilespmem:$0x117B0] =	vst v7  }
0x17a: {  	v7 =	vld [tilespmem:s26+$0x13FB0];
	_ =	sdelay $0x4  }
0x17b: {  	[tilespmem:$0x13FB0] =	vst v7  }
0x17c: {  	v7 =	vld [tilespmem:s26+$0xEFC0];
	_ =	sdelay $0x4  }
0x17d: {  	[tilespmem:$0xEFC0] =	vst v7  }
0x17e: {  	v7 =	vld [tilespmem:s26+$0x117C0];
	_ =	sdelay $0x4  }
0x17f: {  	[tilespmem:$0x117C0] =	vst v7  }
0x180: {  	v7 =	vld [tilespmem:s26+$0x13FC0];
	_ =	sdelay $0x4  }
0x181: {  	[tilespmem:$0x13FC0] =	vst v7  }
0x182: {  	v7 =	vld [tilespmem:s26+$0xEFD0];
	_ =	sdelay $0x4  }
0x183: {  	[tilespmem:$0xEFD0] =	vst v7  }
0x184: {  	v7 =	vld [tilespmem:s26+$0x117D0];
	_ =	sdelay $0x4  }
0x185: {  	[tilespmem:$0x117D0] =	vst v7  }
0x186: {  	v7 =	vld [tilespmem:s26+$0x13FD0];
	_ =	sdelay $0x4  }
0x187: {  	[tilespmem:$0x13FD0] =	vst v7  }
0x188: {  	v7 =	vld [tilespmem:s26+$0xEFE0];
	_ =	sdelay $0x4  }
0x189: {  	[tilespmem:$0xEFE0] =	vst v7  }
0x18a: {  	v7 =	vld [tilespmem:s26+$0x117E0];
	_ =	sdelay $0x4  }
0x18b: {  	[tilespmem:$0x117E0] =	vst v7  }
0x18c: {  	v7 =	vld [tilespmem:s26+$0x13FE0];
	_ =	sdelay $0x4  }
0x18d: {  	[tilespmem:$0x13FE0] =	vst v7  }
0x18e: {  	v7 =	vld [tilespmem:s26+$0xEFF0];
	_ =	sdelay $0x4  }
0x18f: {  	[tilespmem:$0xEFF0] =	vst v7  }
0x190: {  	v7 =	vld [tilespmem:s26+$0x117F0];
	_ =	sdelay $0x4  }
0x191: {  	[tilespmem:$0x117F0] =	vst v7  }
0x192: {  	v7 =	vld [tilespmem:s26+$0x13FF0]  }
.Ltmp13:
0x193: {  	_ = 	snop;
	(pc) =	sbr.rel .LBB2_15-.Ltmp13, $2  }
0x194: {  	_ =	sdelay $0x2  }
0x195: {  	[tilespmem:$0x13FF0] =	vst v7  }
.LBB2_18:
0x196: {  	_ =	sfence.sel $0x180000  }
0x197: {  	[bflag:$0x0] =	sbarrier.arrive $0xFFFF  }
0x198: {  	_ =	strace $0x9000004A  }
0x199: {  	s0 =	stileid.u32;
	[bflag:$0x2] =	sbarrier.arrive $0xFFFF  }
0x19a: {  	p0 =	sne.s32 s0, $0x0;
	s0 =	rddreg [dreg:$0x2]  }
0x19b: {  	s0 =	sadd.s32 @!p0 $0x100000, s0  }
0x19c: {  	[sflag:s0] =	ssyncadd.tile.s32 @!p0 $0x1;
	_ =	shalt  }
.Lfunc_end2:
_tile_overlayer_lowered:
.L_overlay_start_2:
0x19d: {  	(tag) =	ssettag $0x2  }
0x19e: {  	s0 =	rddreg [dreg:$0x0];
	s2 =	stileid.u32  }
0x19f: {  	s1 =	rddreg [dreg:$0x1];
	p0 =	sne.s32 s2, $0x0  }
0x1a0: {  	s3 =	rddreg [dreg:$0x2];
	[bflag:$0x3] =	sbarrier.arrive $0xFFFF;
	s2 =	simm.s32 @!p0 $0x1C03  }
0x1a1: {  	[timem:s3], [sflag:s2] =	dma.local @!p0 [hbm:s0], s1  }
0x1a2: {  	s0 =	simm.s32 @!p0 $0x3  }
0x1a3: {  	_ =	swait.ge @!p0 [sflag:s0], s1  }
0x1a4: {  	s1 =	ssub.s32 @!p0 $0x0, s1;
	[sflag:s0] =	ssyncset.done @!p0 $0x0  }
0x1a5: {  	[sflag:s0] =	ssyncadd.s32 @!p0 s1  }
0x1a6: {  	[bflag:$0x3] =	sbarrier.arrive $0xFFFF  }
0x1a7: {  	_ =	shalt  }

// kernel: kernel.21.cloned.1.call-start
scs
__scs_entry_jumppad:
0x0: {  	(pc) =	sbr.rel $0x88, $3  }
0x1: {  	(tag) =	ssettag $0x0;
	lr =	simm.s32 $0x1  }
0x2: {  	[smem:$0x3F94] =	sst lr;
	_ =	strace $0xD0000000  }
0x3: {  	_ = 	snop  }
0x4: {  	_ = 	snop  }
0x5: {  	_ = 	snop  }
0x6: {  	_ = 	snop  }
0x7: {  	_ = 	snop  }
__scs_overlays_trampoline_lowered:
0x8: {  	[smem:$0x3FA3] =	sst s0  }
0x9: {  	[smem:$0x3FA4] =	sst s1  }
0xa: {  	[smem:$0x3FA5] =	sst s2  }
0xb: {  	[smem:$0x3FA6] =	sst s3  }
0xc: {  	[smem:$0x3FA7] =	sst s4  }
0xd: {  	[smem:$0x3FA8] =	sst s5  }
0xe: {  	[smem:$0x3FA9] =	sst s6  }
0xf: {  	[smem:$0x3FAA] =	sst s7  }
0x10: {  	[smem:$0x3FAB] =	sst s8  }
0x11: {  	[smem:$0x3FAC] =	sst s9;
	s0 =	simm.s32 @!p0 $0x0  }
0x12: {  	s1 =	sld [smem:$0x3F92];
	s0 =	simm.s32 @p0 $0x1  }
0x13: {  	[smem:$0x3FAD] =	sst s0;
	s0 =	simm.s32 @!p1 $0x0  }
0x14: {  	s2 =	sld [smem:$0x3F91];
	s0 =	simm.s32 @p1 $0x1  }
0x15: {  	[smem:$0x3FAE] =	sst s0;
	s0 =	simm.s32 @!p2 $0x0  }
0x16: {  	s3 =	sld [smem:$0x3FDB];
	s0 =	simm.s32 @p2 $0x1  }
0x17: {  	s4 =	simm.s32 $0x1BF5;
	[smem:$0x3FB0] =	sst s0  }
0x18: {  	s0 =	sld [smem:$0x3F93];
	_ =	swait.ge [sflag:s4], $0x0  }
0x19: {  	s7 =	sld [smem:$0x3F94]  }
0x1a: {  	s8 =	sadd.s32 $0xFFFFE003, lr  }
0x1b: {  	s9 =	sadd.s32 $0xFFFFFEF7, lr;
	s5 =	simm.s32 $0xFFFFFFFF;
	p2 =	slt.u32 s8, $0xFFFFF086  }
0x1c: {  	p1 =	slt.u32 s9, $0xF7A;
	s5 =	simm.s32 @!p2 $0x0  }
0x1d: {  	s5 =	simm.s32 @p1 $0x1;
	p0 =	seq.s32 s7, s2  }
0x1e: {  	s7 =	smul.u32 @!p0 $0xF7A, s2;
	p2 =	seq.s32 @!p0 s5, $0x0  }
0x1f: {  	s9 =	smul.u32 $0xF7A, s1;
	s8 =	simm.s32 @!p0 $0x1BF5;
	p2 =	por !p2, p0  }
0x20: {  	[sflag:s8] =	ssyncset.s32 @!p0 $0xFFFFF086;
	s6 =	sadd.s32 @!p0 s3, s7;
	s7 =	simm.s32 @!p0 $0x108  }
0x21: {  	s3 =	sadd.s32 s3, s9;
	s6 =	sadd.s32 @!p0 $0x88, s6;
	s7 =	simm.s32 @p2 $0x1082  }
0x22: {  	[simem:s7], [sflag:s8] =	dma.local @!p0 [hbm:s6], $0xF7A  }
0x23: {  	s9 =	sor.u32 $0xD0000000, s2;
	s6 =	simm.s32 $0x108;
	_ =	swait.ge @!p0 [sflag:s8], $0x0  }
0x24: {  	s3 =	sadd.s32 $0x88, s3;
	s6 =	simm.s32 @!p1 $0x1082;
	[sflag:s4] =	ssyncset.s32 $0xFFFFF086  }
0x25: {  	[simem:s6], [sflag:s4] =	dma.local [hbm:s3], $0xF7A  }
0x26: {  	[smem:$0x3F94] =	sst s1;
	(tag) =	ssettag s2;
	_ =	strace s9  }
0x27: {  	s1 =	sld [smem:$0x3FA4]  }
0x28: {  	s2 =	sld [smem:$0x3FA5]  }
0x29: {  	s4 =	sld [smem:$0x3FA7]  }
0x2a: {  	p0 =	seq.s32 s5, $0x0;
	s5 =	sld [smem:$0x3FA8]  }
0x2b: {  	s6 =	sld [smem:$0x3FA9]  }
0x2c: {  	s7 =	sld [smem:$0x3FAA]  }
0x2d: {  	s3 =	simm.s32 $0x108;
	s8 =	sld [smem:$0x3FAB]  }
0x2e: {  	s3 =	simm.s32 @!p0 $0x1082;
	s9 =	sld [smem:$0x3FAC]  }
0x2f: {  	lr =	sadd.s32 s0, s3;
	s0 =	sld [smem:$0x3FA3]  }
0x30: {  	s3 =	sld [smem:$0x3FA6]  }
0x31: {  	[smem:$0x3FAF] =	sst s10  }
0x32: {  	s10 =	sld [smem:$0x3FAD];
	_ =	sdelay $0x3  }
0x33: {  	p0 =	seq.s32 s10, $0x1;
	s10 =	sld [smem:$0x3FAF];
	_ =	sdelay $0x3  }
0x34: {  	[smem:$0x3FAF] =	sst s10  }
0x35: {  	s10 =	sld [smem:$0x3FAE];
	_ =	sdelay $0x3  }
0x36: {  	p1 =	seq.s32 s10, $0x1;
	s10 =	sld [smem:$0x3FAF];
	_ =	sdelay $0x3  }
0x37: {  	[smem:$0x3FAF] =	sst s10  }
0x38: {  	s10 =	sld [smem:$0x3FB0]  }
0x39: {  	_ = 	snop;
	(pc) =	sbr.ind lr, $3  }
0x3a: {  	_ = 	snop  }
0x3b: {  	_ = 	snop  }
0x3c: {  	p2 =	seq.s32 s10, $0x1;
	s10 =	sld [smem:$0x3FAF]  }
0x3d: {  	_ =	shalt  }
0x3e: {  	_ =	shalt  }
0x3f: {  	_ =	shalt  }
0x40: {  	_ =	shalt  }
0x41: {  	_ =	shalt  }
0x42: {  	_ =	shalt  }
0x43: {  	_ =	shalt  }
0x44: {  	_ =	shalt  }
0x45: {  	_ =	shalt  }
0x46: {  	_ =	shalt  }
0x47: {  	_ =	shalt  }
0x48: {  	_ =	shalt  }
0x49: {  	_ =	shalt  }
0x4a: {  	_ =	shalt  }
0x4b: {  	_ =	shalt  }
0x4c: {  	_ =	shalt  }
0x4d: {  	_ =	shalt  }
0x4e: {  	_ =	shalt  }
0x4f: {  	_ =	shalt  }
0x50: {  	_ =	shalt  }
0x51: {  	_ =	shalt  }
0x52: {  	_ =	shalt  }
0x53: {  	_ =	shalt  }
0x54: {  	_ =	shalt  }
0x55: {  	_ =	shalt  }
0x56: {  	_ =	shalt  }
0x57: {  	_ =	shalt  }
0x58: {  	_ =	shalt  }
0x59: {  	_ =	shalt  }
0x5a: {  	_ =	shalt  }
0x5b: {  	_ =	shalt  }
0x5c: {  	_ =	shalt  }
0x5d: {  	_ =	shalt  }
0x5e: {  	_ =	shalt  }
0x5f: {  	_ =	shalt  }
0x60: {  	_ =	shalt  }
0x61: {  	_ =	shalt  }
0x62: {  	_ =	shalt  }
0x63: {  	_ =	shalt  }
0x64: {  	_ =	shalt  }
0x65: {  	_ =	shalt  }
0x66: {  	_ =	shalt  }
0x67: {  	_ =	shalt  }
0x68: {  	_ =	shalt  }
0x69: {  	_ =	shalt  }
0x6a: {  	_ =	shalt  }
0x6b: {  	_ =	shalt  }
0x6c: {  	_ =	shalt  }
0x6d: {  	_ =	shalt  }
0x6e: {  	_ =	shalt  }
0x6f: {  	_ =	shalt  }
0x70: {  	_ =	shalt  }
0x71: {  	_ =	shalt  }
0x72: {  	_ =	shalt  }
0x73: {  	_ =	shalt  }
0x74: {  	_ =	shalt  }
0x75: {  	_ =	shalt  }
0x76: {  	_ =	shalt  }
0x77: {  	_ =	shalt  }
0x78: {  	_ =	shalt  }
0x79: {  	_ =	shalt  }
0x7a: {  	_ =	shalt  }
0x7b: {  	_ =	shalt  }
0x7c: {  	_ =	shalt  }
0x7d: {  	_ =	shalt  }
0x7e: {  	_ =	shalt  }
0x7f: {  	_ =	shalt  }
0x80: {  	_ =	shalt  }
0x81: {  	_ =	shalt  }
0x82: {  	_ =	shalt  }
0x83: {  	_ =	shalt  }
0x84: {  	_ =	shalt  }
0x85: {  	_ =	shalt  }
0x86: {  	_ =	shalt  }
0x87: {  	_ =	shalt  }
.Lfunc_end0:
.L_simem_size_0:
called_computation.2_lowered:
.L_overlay_start_0:
0x88: {  	s2 =	sld [smem:$0x3FD9]  }
0x89: {  	s3 =	sld [smem:$0x3FFE];
	_ =	sdelay $0x1  }
0x8a: {  	s1 =	srdreg.scid  }
0x8b: {  	s0 =	sand.u32 $0x1, s1  }
0x8c: {  	s16 =	sshll.u32 s0, $0xA;
	s2 =	sadd.s32 s3, s2  }
0x8d: {  	s2 =	sadd.s32 s2, s16  }
0x8e: {  	[smem:$0x3FBB] =	sst s2  }
0x8f: {  	_ = 	snop  }
0x90: {  	(tm) =	ssettm $0x1  }
0x91: {  	s17 =	sld [smem:$0x3FFB];
	_ =	sdelay $0x3  }
0x92: {  	_ =	strace s17  }
0x93: {  	s2 =	sld [smem:$0x3FFC];
	_ =	sdelay $0x3  }
0x94: {  	_ =	strace s2  }
0x95: {  	s2 =	sld [smem:$0x3FFD];
	_ =	sdelay $0x3  }
0x96: {  	_ =	strace s2  }
0x97: {  	_ =	strace $0x8FFFFFFF  }
0x98: {  	s18 =	sld [smem:$0x3FDB];
	_ =	sdelay $0x1  }
0x99: {  	s19 =	simm.s32 $_scs_section_size  }
0x9a: {  	s4 =	simm.s32 $_size__tile_overlayer_lowered;
	s5 =	simm.s32 $_tile_overlayer_lowered  }
0x9b: {  	s22 =	simm.s32 $0x1BFF;
	s21 =	sshll.u32 s5, $0x1;
	s2 =	sadd.s32 s19, s18  }
0x9c: {  	s6 =	simm.s32 $0x0;
	s20 =	sshll.u32 s4, $0x1;
	s4 =	sadd.s32 s21, s2  }
0x9d: {  	[timem:s6], [sflag:s22] =	dma.local [hbm:s4], s20  }
0x9e: {  	_ =	swait.ge [sflag:s22], s20  }
0x9f: {  	s3 =	ssub.s32 $0x0, s20;
	[sflag:s22] =	ssyncset.done $0x0  }
0xa0: {  	[sflag:s22] =	ssyncadd.s32 s3;
	_ =	sdelay $0x1  }
0xa1: {  	s23 =	simm.s32 $0x1B8B  }
0xa2: {  	_ =	swait.ge [sflag:s23], $0x1  }
0xa3: {  	[sflag:s23] =	ssyncset.done $0x0  }
0xa4: {  	s25 =	simm.s32 $0x1B8E;
	s24 =	sld [smem:$0x3FFE];
	[sflag:s23] =	ssyncadd.s32 $0xFFFFFFFF  }
0xa5: {  	s26 =	simm.s32 $execute0_lowered;
	[smem:$0x3FD2] =	sst s25  }
0xa6: {  	s4 =	sshll.u32 s26, $0x1;
	_ =	strace $0x8000004C;
	[dreg:$0x1] =	wrdreg $0xFFFFFFFF  }
0xa7: {  	s28 =	simm.s32 $_size_execute0_lowered;
	s2 =	sadd.s32 s2, s4;
	[dreg:$0x0] =	wrdreg $0x0  }
0xa8: {  	s4 =	sshll.u32 s28, $0x1;
	[dreg:$0x2] =	wrdreg s2  }
0xa9: {  	[dreg:$0x3] =	wrdreg s4  }
0xaa: {  	[dreg:$0x4] =	wrdreg $0xC0  }
0xab: {  	_ =	task [dreg:s6], $0x5FFFF  }
0xac: {  	[dreg:$0x1] =	wrdreg $0xFFFFFFFF  }
0xad: {  	[dreg:$0x0] =	wrdreg $0x60  }
0xae: {  	[dreg:$0x2] =	wrdreg s24  }
0xaf: {  	[dreg:$0x3] =	wrdreg $0x0  }
0xb0: {  	[dreg:$0x4] =	wrdreg $0x9  }
0xb1: {  	_ =	task.clear_ibuf [dreg:s6], $0x5FFFF;
	_ =	strace $0x9000004C  }
0xb2: {  	s29 =	simm.s32 $0x9;
	_ =	strace $0x8000004E  }
0xb3: {  	_ =	swait.ge [sflag:s29], $0x1  }
0xb4: {  	[sflag:s29] =	ssyncadd.s32 $0xFFFFFFFF  }
0xb5: {  	_ =	strace $0x9000004E  }
0xb6: {  	_ =	sfence  }
0xb7: {  	s30 =	sld [smem:$0x0];
	_ =	sdelay $0x2  }
0xb8: {  	s31 =	sshll.u32 s1, $0xD;
	s1 =	sshrl.u32 s1, $0x2  }
0xb9: {  	s3 =	sand.u32 $0x4000, s31;
	s1 =	sadd.s32 s1, s30  }
0xba: {  	s0 =	sor.u32 s3, s0;
	s1 =	sshll.u32 s1, $0x11  }
0xbb: {  	s0 =	sor.u32 s1, s0  }
0xbc: {  	s0 =	sadd.s32 $0x8F2B, s0  }
0xbd: {  	[sflag:s0] =	ssyncadd.remote.s32 $0x1  }
0xbe: {  	_ =	sfence.sel $0xFFFF  }
0xbf: {  	[dreg:$0x0] =	wrdreg $0xFFFFFFFF;
	(pc) =	sbr.abs _section_cstart, $3  }
0xc0: {  	[dreg:$0x1] =	wrdreg $0xFFFFFFFF  }
0xc1: {  	_ =	task.clear_ibuf [dreg:s6], $0x2FFFF;
	_ =	strace $0x9FFFFFFF  }
0xc2: {  	(tm) =	ssettm $0x7FFFFFFF  }
0xc3: {  	_ =	shalt  }
tec
execute0_lowered:
.L_overlay_start_1:
0x0: {  	(tag) =	ssettag $0x1  }
0x1: {  	s0 =	rddreg [dreg:$0x0]  }
0x2: {  	s1 =	rddreg [dreg:$0x1];
	s12 =	simm.s32 $0x0  }
0x3: {  	s2 =	srdreg.scid;
	s14 =	stileid.u32;
	s13 =	simm.s32 $0x3  }
0x4: {  	s9 =	simm.s32 $0x16980;
	[smem:$0x7FF] =	sst s12;
	s2 =	sand.u32 $0x1, s2  }
0x5: {  	s6 =	sadd.s32 $0xC6A00, s0;
	_ =	strace $0x8000004D;
	[dreg:$0x4] =	wrdreg s2  }
0x6: {  	s10 =	simm.s32 $0x16800;
	s18 =	sadd.s32 $0xC6E00, s0;
	[dreg:$0x5] =	wrdreg s6  }
0x7: {  	s4 =	sadd.s32 $0x3400, s0;
	s19 =	sadd.s32 $0xC7000, s0;
	[dreg:$0xc] =	wrdreg s18  }
0x8: {  	s5 =	sadd.s32 $0x2663A00, s0;
	s20 =	sadd.s32 $0xC7200, s0;
	[dreg:$0xd] =	wrdreg s19  }
0x9: {  	s7 =	sadd.s32 $0xC51400, s0;
	s21 =	sadd.s32 $0xC7400, s0;
	[dreg:$0xe] =	wrdreg s20  }
0xa: {  	s3 =	smul.u32 $0x28000, s14;
	s22 =	sadd.s32 $0xC7600, s0;
	[dreg:$0xf] =	wrdreg s21  }
0xb: {  	s8 =	sadd.s32 $0xC38C00, s0;
	s23 =	sadd.s32 $0xC7800, s0;
	[dreg:$0x10] =	wrdreg s22  }
0xc: {  	s17 =	smul.u32 $0x140, s14;
	s24 =	sadd.s32 $0xC7A00, s0;
	[dreg:$0x11] =	wrdreg s23  }
0xd: {  	s0 =	sadd.s32 $0xC7C00, s0;
	s2 =	ssub.s32 $0x2, s2;
	[dreg:$0x12] =	wrdreg s24  }
0xe: {  	[dreg:$0x13] =	wrdreg s0;
	s16 =	sshrl.u32 s2, $0x1;
	s3 =	sshrl.u32 s3, $0x2  }
0xf: {  	[dreg:$0x6] =	wrdreg s17;
	s2 =	ssub.s32 s2, s16;
	s26 =	sadd.s32 s3, s1  }
0x10: {  	s15 =	smul.u32 $0xC350, s14;
	s2 =	smax.u32 s2, $0x1;
	[dreg:$0x7] =	wrdreg s26  }
0x11: {  	s11 =	sor.u32 $0x1400, s14;
	s16 =	sadd.s32 $0x1000, s26;
	[dreg:$0x8] =	wrdreg s2  }
0x12: {  	s6 =	simm.s32 $0x16780;
	s25 =	sadd.s32 $0x2000, s26;
	[dreg:$0x9] =	wrdreg s16  }
0x13: {  	s18 =	simm.s32 $0x2;
	s28 =	sadd.s32 $0x3000, s26;
	[dreg:$0xa] =	wrdreg s25  }
0x14: {  	s19 =	simm.s32 $0x16880;
	s29 =	sadd.s32 $0x4000, s26;
	[dreg:$0xb] =	wrdreg s28  }
0x15: {  	s22 =	simm.s32 $0x13F80;
	s30 =	sadd.s32 $0x5000, s26;
	[dreg:$0x14] =	wrdreg s29  }
.Ltmp0:
0x16: {  	s0 =	sadd.s32 $0x6000, s26;
	[dreg:$0x15] =	wrdreg s30;
	(pc) =	sbr.rel .LBB2_1-.Ltmp0, $4  }
0x17: {  	s23 =	simm.s32 $0xEF80;
	s20 =	sadd.s32 $0x7000, s26;
	[dreg:$0x16] =	wrdreg s0  }
0x18: {  	s24 =	simm.s32 $0x11780;
	s21 =	sadd.s32 $0x8000, s26;
	[dreg:$0x17] =	wrdreg s20  }
0x19: {  	v2 =	vimm.f32 $0.0e+00;
	v3 =	vlaneseq.u32;
	s17 =	simm.s32 $0x1A980;
	s31 =	sadd.s32 $0x9000, s26;
	[dreg:$0x18] =	wrdreg s21  }
0x1a: {  	v4 =	vimm.s32 $0x0;
	v1 =	vmov s14;
	v0 =	vmov s11;
	s3 =	simm.s32 $0x80;
	s2 =	simm.s32 $0x1;
	[dreg:$0x19] =	wrdreg s31  }
.LBB2_17:
0x1b: {  	s12 =	rddreg [dreg:$0x3]  }
0x1c: {  	s11 =	rddreg [dreg:$0x8];
	s12 =	sadd.s32 $0x1, s12  }
0x1d: {  	p0 =	sne.s32 s12, s11  }
.Ltmp1:
0x1e: {  	_ = 	snop;
	(pc) =	sbr.rel @!p0 .LBB2_18-.Ltmp1, $1  }
0x1f: {  	_ =	sdelay $0x3  }
.LBB2_1:
0x20: {  	[dreg:$0x3] =	wrdreg s12;
	s12 =	simm.s32 $0x0;
	s11 =	simm.s32 $0x200  }
.LBB2_2:
0x21: {  	p0 =	sne.s32 s11, $0x3E00;
	[tilespmem:s12+$0x1E9F0] =	vst v2  }
0x22: {  	[tilespmem:s12+$0x1E980] =	vst v2  }
0x23: {  	[tilespmem:s12+$0x1E990] =	vst v2  }
.Ltmp2:
0x24: {  	[tilespmem:s12+$0x1E9A0] =	vst v2;
	(pc) =	sbr.rel @p0 .LBB2_2-.Ltmp2, $4  }
0x25: {  	[tilespmem:s12+$0x1E9B0] =	vst v2  }
0x26: {  	[tilespmem:s12+$0x1E9C0] =	vst v2  }
0x27: {  	[tilespmem:s12+$0x1E9D0] =	vst v2  }
0x28: {  	[tilespmem:s12+$0x1E9E0] =	vst v2;
	s12 =	sshra.s32 s11, $0x2;
	s11 =	sadd.s32 $0x200, s11  }
0x29: {  	[tilespmem:s12+$0x1E9F0] =	vst v2  }
0x2a: {  	[tilespmem:s12+$0x1E980] =	vst v2  }
0x2b: {  	[tilespmem:s12+$0x1E990] =	vst v2  }
.Ltmp3:
0x2c: {  	[tilespmem:s12+$0x1E9A0] =	vst v2;
	(pc) =	sbr.rel .LBB2_4-.Ltmp3, $4  }
0x2d: {  	[tilespmem:s12+$0x1E9B0] =	vst v2  }
0x2e: {  	[tilespmem:s12+$0x1E9C0] =	vst v2  }
0x2f: {  	[tilespmem:s12+$0x1E9D0] =	vst v2  }
0x30: {  	s14 =	simm.s32 $0x0;
	[tilespmem:s12+$0x1E9E0] =	vst v2  }
.LBB2_16:
0x31: {  	s12 =	rddreg [dreg:$0x6];
	[bflag:$0x0] =	sbarrier.arrive $0xFFFF  }
0x32: {  	s26 =	stileid.u32;
	s12 =	sadd.s32 s12, s14;
	s16 =	rddreg [dreg:$0x5]  }
0x33: {  	s14 =	sshll.u32 s26, $0x6;
	s26 =	rddreg [dreg:$0x7];
	s12 =	sshll.u32 s12, $0x4  }
0x34: {  	s14 =	sor.u32 $0x1C03, s14;
	s25 =	sshrl.u32 s26, $0x3;
	s16 =	sadd.s32 s16, s12  }
0x35: {  	[hbm:s16], [sflag:s14] =	dma.local [spmem:s25], $0x200  }
0x36: {  	_ =	swait.ge [sflag:s13], $0x200  }
0x37: {  	[sflag:s13] =	ssyncset.done $0x0;
	s11 =	rddreg [dreg:$0x9]  }
0x38: {  	s16 =	sadd.s32 $0x200, s16;
	[sflag:s13] =	ssyncadd.s32 $0xFFFFFE00;
	s0 =	sshrl.u32 s11, $0x3  }
0x39: {  	[hbm:s16], [sflag:s14] =	dma.local [spmem:s0], $0x200  }
0x3a: {  	_ =	swait.ge [sflag:s13], $0x200  }
0x3b: {  	s20 =	rddreg [dreg:$0xc]  }
0x3c: {  	[sflag:s13] =	ssyncset.done $0x0;
	s29 =	rddreg [dreg:$0xa]  }
0x3d: {  	[sflag:s13] =	ssyncadd.s32 $0xFFFFFE00;
	s16 =	sadd.s32 s20, s12;
	s21 =	sshrl.u32 s29, $0x3  }
0x3e: {  	[hbm:s16], [sflag:s14] =	dma.local [spmem:s21], $0x200  }
0x3f: {  	_ =	swait.ge [sflag:s13], $0x200  }
0x40: {  	s25 =	rddreg [dreg:$0xd]  }
0x41: {  	[sflag:s13] =	ssyncset.done $0x0;
	s28 =	rddreg [dreg:$0xb]  }
0x42: {  	[sflag:s13] =	ssyncadd.s32 $0xFFFFFE00;
	s16 =	sadd.s32 s25, s12;
	s0 =	sshrl.u32 s28, $0x3  }
0x43: {  	[hbm:s16], [sflag:s14] =	dma.local [spmem:s0], $0x200  }
0x44: {  	_ =	swait.ge [sflag:s13], $0x200  }
0x45: {  	s20 =	rddreg [dreg:$0xe]  }
0x46: {  	[sflag:s13] =	ssyncset.done $0x0;
	s31 =	rddreg [dreg:$0x14]  }
0x47: {  	[sflag:s13] =	ssyncadd.s32 $0xFFFFFE00;
	s16 =	sadd.s32 s20, s12;
	s21 =	sshrl.u32 s31, $0x3  }
0x48: {  	[hbm:s16], [sflag:s14] =	dma.local [spmem:s21], $0x200  }
0x49: {  	_ =	swait.ge [sflag:s13], $0x200  }
0x4a: {  	s25 =	rddreg [dreg:$0xf]  }
0x4b: {  	[sflag:s13] =	ssyncset.done $0x0;
	s30 =	rddreg [dreg:$0x15]  }
0x4c: {  	[sflag:s13] =	ssyncadd.s32 $0xFFFFFE00;
	s16 =	sadd.s32 s25, s12;
	s0 =	sshrl.u32 s30, $0x3  }
0x4d: {  	[hbm:s16], [sflag:s14] =	dma.local [spmem:s0], $0x200  }
0x4e: {  	_ =	swait.ge [sflag:s13], $0x200  }
0x4f: {  	s20 =	rddreg [dreg:$0x10]  }
0x50: {  	[sflag:s13] =	ssyncset.done $0x0;
	s0 =	rddreg [dreg:$0x16]  }
0x51: {  	[sflag:s13] =	ssyncadd.s32 $0xFFFFFE00;
	s16 =	sadd.s32 s20, s12;
	s21 =	sshrl.u32 s0, $0x3  }
0x52: {  	[hbm:s16], [sflag:s14] =	dma.local [spmem:s21], $0x200  }
0x53: {  	_ =	swait.ge [sflag:s13], $0x200  }
0x54: {  	s20 =	rddreg [dreg:$0x11]  }
0x55: {  	[sflag:s13] =	ssyncset.done $0x0;
	s16 =	sadd.s32 s20, s12;
	s20 =	rddreg [dreg:$0x17]  }
0x56: {  	[sflag:s13] =	ssyncadd.s32 $0xFFFFFE00;
	s21 =	sshrl.u32 s20, $0x3  }
0x57: {  	[hbm:s16], [sflag:s14] =	dma.local [spmem:s21], $0x200  }
0x58: {  	_ =	swait.ge [sflag:s13], $0x200  }
0x59: {  	s25 =	rddreg [dreg:$0x12]  }
0x5a: {  	[sflag:s13] =	ssyncset.done $0x0;
	s21 =	rddreg [dreg:$0x18]  }
0x5b: {  	[sflag:s13] =	ssyncadd.s32 $0xFFFFFE00;
	s16 =	sadd.s32 s25, s12;
	s25 =	sshrl.u32 s21, $0x3  }
0x5c: {  	[hbm:s16], [sflag:s14] =	dma.local [spmem:s25], $0x200  }
0x5d: {  	_ =	swait.ge [sflag:s13], $0x200  }
0x5e: {  	s25 =	smov.u32 s29;
	s16 =	rddreg [dreg:$0x13]  }
0x5f: {  	s29 =	smov.u32 s31;
	[sflag:s13] =	ssyncset.done $0x0;
	s31 =	rddreg [dreg:$0x19]  }
0x60: {  	[sflag:s13] =	ssyncadd.s32 $0xFFFFFE00;
	s12 =	sadd.s32 s16, s12;
	s16 =	sshrl.u32 s31, $0x3  }
0x61: {  	[hbm:s12], [sflag:s14] =	dma.local [spmem:s16], $0x200  }
0x62: {  	_ =	swait.ge [sflag:s13], $0x200  }
0x63: {  	s12 =	rddreg [dreg:$0x1a]  }
0x64: {  	s14 =	sadd.s32 $0x1, s12  }
0x65: {  	p0 =	sne.s32 s14, $0x5  }
.Ltmp4:
0x66: {  	_ = 	snop;
	(pc) =	sbr.rel @!p0 .LBB2_17-.Ltmp4, $4  }
0x67: {  	[sflag:s13] =	ssyncset.done $0x0  }
0x68: {  	[sflag:s13] =	ssyncadd.s32 $0xFFFFFE00  }
0x69: {  	[bflag:$0x0] =	sbarrier.arrive $0xFFFF  }
0x6a: {  	s16 =	smov.u32 s11  }
.LBB2_4:
0x6b: {  	s11 =	simm.s32 $0x1E980  }
0x6c: {  	[spmem:s26] =	stream.linear.scatter [tilespmem:s11], [sflag:$0x3], $0x1000, $0x38;
	[tilespmem:$0x1F980] =	vst v63  }
0x6d: {  	_ =	swait.ge [sflag:s13], $0x1000  }
0x6e: {  	[sflag:s13] =	ssyncset.done $0x0  }
0x6f: {  	[sflag:s13] =	ssyncadd.s32 $0xFFFFF000  }
0x70: {  	[spmem:s16] =	stream.linear.scatter [tilespmem:s11], [sflag:$0x3], $0x1000, $0x38;
	[tilespmem:$0x1F980] =	vst v63  }
0x71: {  	_ =	swait.ge [sflag:s13], $0x1000  }
0x72: {  	[sflag:s13] =	ssyncset.done $0x0  }
0x73: {  	[sflag:s13] =	ssyncadd.s32 $0xFFFFF000  }
0x74: {  	[spmem:s25] =	stream.linear.scatter [tilespmem:s11], [sflag:$0x3], $0x1000, $0x38;
	[tilespmem:$0x1F980] =	vst v63  }
0x75: {  	_ =	swait.ge [sflag:s13], $0x1000  }
0x76: {  	[sflag:s13] =	ssyncset.done $0x0  }
0x77: {  	[sflag:s13] =	ssyncadd.s32 $0xFFFFF000  }
0x78: {  	[spmem:s28] =	stream.linear.scatter [tilespmem:s11], [sflag:$0x3], $0x1000, $0x38;
	[tilespmem:$0x1F980] =	vst v63  }
0x79: {  	_ =	swait.ge [sflag:s13], $0x1000  }
0x7a: {  	[sflag:s13] =	ssyncset.done $0x0  }
0x7b: {  	[sflag:s13] =	ssyncadd.s32 $0xFFFFF000  }
0x7c: {  	[spmem:s29] =	stream.linear.scatter [tilespmem:s11], [sflag:$0x3], $0x1000, $0x38;
	[tilespmem:$0x1F980] =	vst v63  }
0x7d: {  	_ =	swait.ge [sflag:s13], $0x1000  }
0x7e: {  	[sflag:s13] =	ssyncset.done $0x0  }
0x7f: {  	[sflag:s13] =	ssyncadd.s32 $0xFFFFF000  }
0x80: {  	[spmem:s30] =	stream.linear.scatter [tilespmem:s11], [sflag:$0x3], $0x1000, $0x38;
	[tilespmem:$0x1F980] =	vst v63  }
0x81: {  	_ =	swait.ge [sflag:s13], $0x1000  }
0x82: {  	[sflag:s13] =	ssyncset.done $0x0  }
0x83: {  	[sflag:s13] =	ssyncadd.s32 $0xFFFFF000  }
0x84: {  	[spmem:s0] =	stream.linear.scatter [tilespmem:s11], [sflag:$0x3], $0x1000, $0x38;
	[tilespmem:$0x1F980] =	vst v63  }
0x85: {  	_ =	swait.ge [sflag:s13], $0x1000  }
0x86: {  	[sflag:s13] =	ssyncset.done $0x0  }
0x87: {  	[sflag:s13] =	ssyncadd.s32 $0xFFFFF000  }
0x88: {  	[spmem:s20] =	stream.linear.scatter [tilespmem:s11], [sflag:$0x3], $0x1000, $0x38;
	[tilespmem:$0x1F980] =	vst v63  }
0x89: {  	_ =	swait.ge [sflag:s13], $0x1000  }
0x8a: {  	[sflag:s13] =	ssyncset.done $0x0  }
0x8b: {  	[sflag:s13] =	ssyncadd.s32 $0xFFFFF000  }
0x8c: {  	[spmem:s21] =	stream.linear.scatter [tilespmem:s11], [sflag:$0x3], $0x1000, $0x38;
	[tilespmem:$0x1F980] =	vst v63  }
0x8d: {  	_ =	swait.ge [sflag:s13], $0x1000  }
0x8e: {  	[sflag:s13] =	ssyncset.done $0x0  }
0x8f: {  	[dreg:$0x1a] =	wrdreg s14;
	[sflag:s13] =	ssyncadd.s32 $0xFFFFF000  }
0x90: {  	[spmem:s31] =	stream.linear.scatter [tilespmem:s11], [sflag:$0x3], $0x1000, $0x38;
	[tilespmem:$0x1F980] =	vst v63  }
0x91: {  	s12 =	sshll.u32 s14, $0x1;
	s31 =	rddreg [dreg:$0x4]  }
.Ltmp5:
0x92: {  	s12 =	sor.u32 s31, s12;
	_ =	swait.ge [sflag:s13], $0x1000;
	(pc) =	sbr.rel .LBB2_5-.Ltmp5, $4  }
0x93: {  	s14 =	smul.u32 $0x1400, s12;
	[sflag:s13] =	ssyncset.done $0x0  }
0x94: {  	[sflag:s13] =	ssyncadd.s32 $0xFFFFF000  }
0x95: {  	s16 =	simm.s32 $0x0;
	s12 =	sadd.s32 $0x1400, s14;
	[bflag:$0x0] =	sbarrier.arrive $0xFFFF  }
0x96: {  	v7 =	vimm.s32 $0x0;
	s0 =	simm.s32 $0xA080;
	s11 =	simm.s32 $0xC800;
	v5 =	vmov s14;
	v6 =	vmov s12;
	s12 =	smov.u32 s15  }
.LBB2_19:
0x97: {  	s26 =	sshll.u32 s26, $0x7  }
.LBB2_15:
0x98: {  	s16 =	sadd.s32 $0x1, s16  }
0x99: {  	p0 =	sne.s32 s16, $0x6  }
.Ltmp6:
0x9a: {  	_ = 	snop;
	(pc) =	sbr.rel @!p0 .LBB2_16-.Ltmp6, $3  }
0x9b: {  	_ =	sdelay $0x1  }
0x9c: {  	s25 =	ssub.s32 s25, s26  }
0x9d: {  	s12 =	sadd.s32 $0x2710, s12;
	v7 =	vmov s25  }
.LBB2_5:
0x9e: {  	p0 =	seq.s32 s16, $0x5  }
.Ltmp7:
0x9f: {  	_ = 	snop;
	(pc) =	sbr.rel @!p0 .LBB2_6-.Ltmp7, $1  }
0xa0: {  	_ =	sdelay $0x3  }
0xa1: {  	(v2sf) =	vpush v7, $0x0;
	_ =	sdelay $0xe  }
0xa2: {  	[tilespmem:$0x16900] =	vst v7;
	s25 =	spop (v2sf)  }
0xa3: {  	[tilespmem:s25+$0xEF80] =	vst v1  }
0xa4: {  	[tilespmem:s25+$0x11780] =	vst v1  }
0xa5: {  	[tilespmem:s25+$0x13F80] =	vst v0  }
0xa6: {  	[tilespmem:s25+$0xEF90] =	vst v1  }
0xa7: {  	[tilespmem:s25+$0x11790] =	vst v1  }
0xa8: {  	[tilespmem:s25+$0x13F90] =	vst v0  }
0xa9: {  	[tilespmem:s25+$0xEFA0] =	vst v1  }
0xaa: {  	[tilespmem:s25+$0x117A0] =	vst v1  }
0xab: {  	[tilespmem:s25+$0x13FA0] =	vst v0  }
0xac: {  	[tilespmem:s25+$0xEFB0] =	vst v1  }
0xad: {  	[tilespmem:s25+$0x117B0] =	vst v1  }
0xae: {  	[tilespmem:s25+$0x13FB0] =	vst v0  }
0xaf: {  	[tilespmem:s25+$0xEFC0] =	vst v1  }
0xb0: {  	[tilespmem:s25+$0x117C0] =	vst v1  }
0xb1: {  	[tilespmem:s25+$0x13FC0] =	vst v0  }
0xb2: {  	[tilespmem:s25+$0xEFD0] =	vst v1;
	s26 =	sadd.s32 $0x7F, s25  }
0xb3: {  	[tilespmem:s25+$0x117D0] =	vst v1;
	s28 =	sand.u32 $0x7F, s26;
	s31 =	sshra.s32 s26, $0x1F  }
0xb4: {  	[tilespmem:s25+$0x13FD0] =	vst v0;
	p1 =	slt.s32 s26, $0x1;
	p0 =	sne.s32 s28, $0x0;
	s28 =	sshrl.u32 s31, $0x19  }
0xb5: {  	[tilespmem:s25+$0xEFE0] =	vst v1;
	p0 =	por !p1, !p0;
	s26 =	sadd.s32 s28, s26  }
.Ltmp8:
0xb6: {  	[tilespmem:s25+$0x117E0] =	vst v1;
	s28 =	simm.s32 $0x1;
	p0 =	por !p0, !p0;
	(pc) =	sbr.rel .LBB2_10-.Ltmp8, $4  }
0xb7: {  	[tilespmem:s25+$0x13FE0] =	vst v0;
	s26 =	sshrl.u32 s26, $0x7;
	s28 =	simm.s32 @!p0 $0x0  }
0xb8: {  	[tilespmem:s25+$0xEFF0] =	vst v1;
	s26 =	ssub.s32 s26, s28  }
0xb9: {  	[tilespmem:s25+$0x117F0] =	vst v1;
	s26 =	sshll.u32 s26, $0x7  }
0xba: {  	[tilespmem:s25+$0x13FF0] =	vst v0;
	v7 =	vmov s26  }
.LBB2_6:
0xbb: {  	s25 =	smul.u32 $0x2710, s16;
	_ =	sdelay $0x1  }
0xbc: {  	s25 =	sadd.s32 s15, s25  }
0xbd: {  	s25 =	sshrl.u32 s25, $0x3  }
0xbe: {  	s28 =	simm.s32 $0x0;
	s26 =	sadd.s32 s8, s25  }
0xbf: {  	[tilespmem:s0], [sflag:$0x3] =	stream.linear.gather [hbm4b:s26+s28], $0x2710, $0x38;
	[tilespmem:$0x1F980] =	vst v63  }
0xc0: {  	_ =	swait.ge [sflag:s13], $0x2710  }
0xc1: {  	[sflag:s13] =	ssyncset.done $0x0  }
0xc2: {  	s25 =	sadd.s32 s7, s25;
	[sflag:s13] =	ssyncadd.s32 $0xFFFFD8F0  }
0xc3: {  	[tilespmem:s11], [sflag:$0x3] =	stream.linear.gather [hbm4b:s25+s28], $0x2710, $0x38;
	[tilespmem:$0x1F980] =	vst v63  }
0xc4: {  	_ =	swait.ge [sflag:s13], $0x2710  }
0xc5: {  	[sflag:s13] =	ssyncset.done $0x0  }
0xc6: {  	s30 =	simm.s32 $0x0;
	[sflag:s13] =	ssyncadd.s32 $0xFFFFD8F0  }
0xc7: {  	v8 =	vld [tilespmem:s30+$0xA080];
	_ =	sdelay $0x4  }
0xc8: {  	vm0 =	vge.s32 v8, v5;
	vm1 =	vlt.s32 v8, v6  }
0xc9: {  	vm0 =	vmand vm0, vm1  }
0xca: {  	v9 =	vsel vm0, $0x1, v4  }
0xcb: {  	(xrf0) =	vadd.scan.msk.s32 $0xffff, v9;
	_ =	sdelay $0x5  }
0xcc: {  	v9, _, _ =	vpop (xrf0)  }
0xcd: {  	v9 =	vadd.s32 v9, v7  }
0xce: {  	v9 =	vadd.s32 $0xFFFFFFFF, v9  }
0xcf: {  	v10 =	vld [tilespmem:s30+$0xC800];
	_ =	sdelay $0x2  }
0xd0: {  	v8 =	vsub.s32 v8, v5  }
0xd1: {  	[tilespmem:v9+s22+$0x0] =	vst.idx.msk vm0, v8  }
0xd2: {  	v11 =	vor.u32 s12, v3;
	v8 =	vmpcnt.ones.xlane vm0;
	[tilespmem:v9+s23+$0x0] =	vst.idx.msk vm0, v10  }
0xd3: {  	s31 =	simm.s32 $0x10;
	[tilespmem:v9+s24+$0x0] =	vst.idx.msk vm0, v11  }
0xd4: {  	v7 =	vadd.s32 v7, v8;
	v10 =	vld [tilespmem:s31+$0xA080]  }
0xd5: {  	s26 =	simm.s32 $0x80;
	s25 =	smov.u32 s12;
	v8 =	vld [tilespmem:s31+$0xC800];
	v9 =	vmov v7  }
.LBB2_7:
0xd6: {  	p0 =	seq.s32 s26, $0x9C00;
	_ =	sdelay $0x2  }
0xd7: {  	vm0 =	vge.s32 v10, v5;
	vm1 =	vlt.s32 v10, v6  }
0xd8: {  	vm0 =	vmand vm0, vm1  }
0xd9: {  	v11 =	vsel vm0, $0x1, v4;
	v12 =	vmpcnt.ones.xlane vm0  }
0xda: {  	(xrf0) =	vadd.scan.msk.s32 $0xffff, v11  }
0xdb: {  	v7 =	vadd.s32 v7, v12;
	_ =	sdelay $0x4  }
0xdc: {  	v11, _, _ =	vpop (xrf0)  }
0xdd: {  	v11 =	vadd.s32 v11, v9;
	v9 =	vmov v7  }
0xde: {  	v11 =	vadd.s32 $0xFFFFFFFF, v11;
	_ =	sdelay $0x3  }
0xdf: {  	v10 =	vsub.s32 v10, v5  }
.Ltmp9:
0xe0: {  	s25 =	sadd.s32 $0x10, s25;
	[tilespmem:v11+s22+$0x0] =	vst.idx.msk vm0, v10;
	(pc) =	sbr.rel @!p0 .LBB2_7-.Ltmp9, $4  }
0xe1: {  	v10 =	vor.u32 s25, v3;
	[tilespmem:v11+s23+$0x0] =	vst.idx.msk vm0, v8  }
0xe2: {  	s28 =	sshra.s32 s26, $0x2;
	[tilespmem:v11+s24+$0x0] =	vst.idx.msk vm0, v10  }
0xe3: {  	v10 =	vld [tilespmem:s28+$0xA080]  }
0xe4: {  	s26 =	sadd.s32 $0x40, s26;
	v8 =	vld [tilespmem:s28+$0xC800]  }
0xe5: {  	_ =	sdelay $0x2  }
0xe6: {  	vm0 =	vge.s32 v10, v5;
	vm1 =	vlt.s32 v10, v6  }
0xe7: {  	vm0 =	vmand vm0, vm1  }
0xe8: {  	v11 =	vsel vm0, $0x1, v4  }
0xe9: {  	(xrf0) =	vadd.scan.msk.s32 $0xffff, v11;
	_ =	sdelay $0x5  }
0xea: {  	v11, _, _ =	vpop (xrf0)  }
0xeb: {  	v9 =	vadd.s32 v11, v9  }
0xec: {  	v9 =	vadd.s32 $0xFFFFFFFF, v9;
	_ =	sdelay $0x3  }
0xed: {  	v61 =	vsub.s32 v10, v5  }
0xee: {  	s25 =	sadd.s32 $0x10, s25;
	v62 =	vmpcnt.ones.xlane vm0;
	[tilespmem:v9+s22+$0x0] =	vst.idx.msk vm0, v61  }
0xef: {  	v63 =	vor.u32 s25, v3;
	[tilespmem:v9+s23+$0x0] =	vst.idx.msk vm0, v8  }
0xf0: {  	v7 =	vadd.s32 v7, v62;
	[tilespmem:v9+s24+$0x0] =	vst.idx.msk vm0, v63  }
.LBB2_10:
0xf1: {  	(v2sf) =	vpush v7, $0x0;
	_ =	sdelay $0xe  }
0xf2: {  	s25 =	spop (v2sf)  }
0xf3: {  	s26 =	sand.u32 $0x7F, s25  }
0xf4: {  	s28 =	sshra.s32 s25, $0x1F;
	p0 =	slt.s32 s25, $0x1;
	p1 =	sne.s32 s26, $0x0  }
0xf5: {  	s31 =	sshrl.u32 s28, $0x19;
	p0 =	por !p0, !p1  }
0xf6: {  	s28 =	simm.s32 $0x1;
	s26 =	sadd.s32 s31, s25;
	p0 =	por !p0, !p0  }
0xf7: {  	s26 =	sshra.s32 s26, $0x7;
	s28 =	simm.s32 @!p0 $0x0  }
0xf8: {  	s26 =	ssub.s32 s26, s28  }
0xf9: {  	p0 =	slt.s32 s26, $0x1  }
.Ltmp10:
0xfa: {  	_ = 	snop;
	(pc) =	sbr.rel @p0 .LBB2_19-.Ltmp10, $2  }
0xfb: {  	_ =	sdelay $0x2  }
0xfc: {  	[tilespmem:$0x16900] =	vst v7;
	s28 =	simm.s32 $0x0  }
.LBB2_11:
0xfd: {  	s29 =	sshll.u32 s28, $0x7  }
0xfe: {  	v7 =	vld [tilespmem:s29+$0xEF80];
	_ =	sdelay $0x4  }
0xff: {  	[tilespmem:$0x16780] =	vst v7  }
0x100: {  	v7 =	vld [tilespmem:s29+$0x11780];
	_ =	sdelay $0x4  }
0x101: {  	[tilespmem:$0x16800] =	vst v7  }
0x102: {  	v7 =	vld [tilespmem:s29+$0x13F80];
	_ =	sdelay $0x4  }
0x103: {  	[tilespmem:$0x16880] =	vst v7  }
0x104: {  	v7 =	vld [tilespmem:s29+$0xEF90];
	_ =	sdelay $0x4  }
0x105: {  	[tilespmem:$0x16790] =	vst v7  }
0x106: {  	v7 =	vld [tilespmem:s29+$0x11790];
	_ =	sdelay $0x4  }
0x107: {  	[tilespmem:$0x16810] =	vst v7  }
0x108: {  	v7 =	vld [tilespmem:s29+$0x13F90];
	_ =	sdelay $0x4  }
0x109: {  	[tilespmem:$0x16890] =	vst v7  }
0x10a: {  	v7 =	vld [tilespmem:s29+$0xEFA0];
	_ =	sdelay $0x4  }
0x10b: {  	[tilespmem:$0x167A0] =	vst v7  }
0x10c: {  	v7 =	vld [tilespmem:s29+$0x117A0];
	_ =	sdelay $0x4  }
0x10d: {  	[tilespmem:$0x16820] =	vst v7  }
0x10e: {  	v7 =	vld [tilespmem:s29+$0x13FA0];
	_ =	sdelay $0x4  }
0x10f: {  	[tilespmem:$0x168A0] =	vst v7  }
0x110: {  	v7 =	vld [tilespmem:s29+$0xEFB0];
	_ =	sdelay $0x4  }
0x111: {  	[tilespmem:$0x167B0] =	vst v7  }
0x112: {  	v7 =	vld [tilespmem:s29+$0x117B0];
	_ =	sdelay $0x4  }
0x113: {  	[tilespmem:$0x16830] =	vst v7  }
0x114: {  	v7 =	vld [tilespmem:s29+$0x13FB0];
	_ =	sdelay $0x4  }
0x115: {  	[tilespmem:$0x168B0] =	vst v7  }
0x116: {  	v7 =	vld [tilespmem:s29+$0xEFC0];
	_ =	sdelay $0x4  }
0x117: {  	[tilespmem:$0x167C0] =	vst v7  }
0x118: {  	v7 =	vld [tilespmem:s29+$0x117C0];
	_ =	sdelay $0x4  }
0x119: {  	[tilespmem:$0x16840] =	vst v7  }
0x11a: {  	v7 =	vld [tilespmem:s29+$0x13FC0];
	_ =	sdelay $0x4  }
0x11b: {  	[tilespmem:$0x168C0] =	vst v7  }
0x11c: {  	v7 =	vld [tilespmem:s29+$0xEFD0];
	_ =	sdelay $0x4  }
0x11d: {  	[tilespmem:$0x167D0] =	vst v7  }
0x11e: {  	v7 =	vld [tilespmem:s29+$0x117D0];
	_ =	sdelay $0x4  }
0x11f: {  	[tilespmem:$0x16850] =	vst v7  }
0x120: {  	v7 =	vld [tilespmem:s29+$0x13FD0];
	_ =	sdelay $0x4  }
0x121: {  	[tilespmem:$0x168D0] =	vst v7  }
0x122: {  	v7 =	vld [tilespmem:s29+$0xEFE0];
	_ =	sdelay $0x4  }
0x123: {  	[tilespmem:$0x167E0] =	vst v7  }
0x124: {  	v7 =	vld [tilespmem:s29+$0x117E0];
	_ =	sdelay $0x4  }
0x125: {  	[tilespmem:$0x16860] =	vst v7  }
0x126: {  	v7 =	vld [tilespmem:s29+$0x13FE0];
	_ =	sdelay $0x4  }
0x127: {  	[tilespmem:$0x168E0] =	vst v7  }
0x128: {  	v7 =	vld [tilespmem:s29+$0xEFF0];
	_ =	sdelay $0x4  }
0x129: {  	[tilespmem:$0x167F0] =	vst v7  }
0x12a: {  	v7 =	vld [tilespmem:s29+$0x117F0];
	_ =	sdelay $0x4  }
0x12b: {  	[tilespmem:$0x16870] =	vst v7  }
0x12c: {  	v7 =	vld [tilespmem:s29+$0x13FF0];
	_ =	sdelay $0x4  }
0x12d: {  	[tilespmem:$0x168F0] =	vst v7  }
0x12e: {  	[tilespmem:s9], [sflag:$0x1] =	stream.indirect.gather [hbm4b:s4+s3], $0x80, s6, s3, $0xb8;
	[tilespmem:$0x1F980] =	vst v63  }
0x12f: {  	_ = 	snop  }
0x130: {  	[tilespmem:s17], [sflag:$0x2] =	stream.indirect.gather [hbm4b:s5+s3], $0x80, s10, s3, $0xb8;
	[tilespmem:$0x1F980] =	vst v63  }
0x131: {  	_ =	swait.ge [sflag:s2], $0x4000  }
0x132: {  	[sflag:s2] =	ssyncset.done $0x0  }
0x133: {  	[sflag:s2] =	ssyncadd.s32 $0xFFFFC000  }
0x134: {  	_ =	swait.ge [sflag:s18], $0x4000  }
0x135: {  	[sflag:s18] =	ssyncset.done $0x0  }
0x136: {  	s29 =	simm.s32 $0x0;
	[sflag:s18] =	ssyncadd.s32 $0xFFFFC000  }
0x137: {  	v13 =	vld [tilespmem:s29+$0x1A980]  }
0x138: {  	v18 =	vld [tilespmem:s29+$0x1A990]  }
0x139: {  	v12 =	vld [tilespmem:s29+$0x1A9A0]  }
0x13a: {  	v11 =	vld [tilespmem:s29+$0x1A9B0]  }
0x13b: {  	v10 =	vld [tilespmem:s29+$0x1A9C0]  }
0x13c: {  	v9 =	vld [tilespmem:s29+$0x1A9D0]  }
0x13d: {  	v8 =	vld [tilespmem:s29+$0x1A9E0]  }
0x13e: {  	v7 =	vld [tilespmem:s29+$0x1A9F0]  }
0x13f: {  	v19 =	vld [tilespmem:s29+$0x16980]  }
0x140: {  	v20 =	vld [tilespmem:s29+$0x16990]  }
0x141: {  	v17 =	vld [tilespmem:s29+$0x169A0]  }
0x142: {  	v16 =	vld [tilespmem:s29+$0x169B0]  }
0x143: {  	v15 =	vld [tilespmem:s29+$0x169C0]  }
0x144: {  	v14 =	vld [tilespmem:s29+$0x169D0];
	v19 =	vadd.f32 v13, v19  }
0x145: {  	s30 =	simm.s32 $0x200;
	v18 =	vadd.f32 v18, v20;
	v13 =	vld [tilespmem:s29+$0x169E0]  }
.LBB2_12:
0x146: {  	s31 =	sshra.s32 s30, $0x2;
	p0 =	sne.s32 s30, $0xFE00;
	v19 =	vmax.f32 v19, $0.0e+00;
	v12 =	vadd.f32 v12, v17;
	v17 =	vld [tilespmem:s29+$0x169F0]  }
0x147: {  	v20 =	vld [tilespmem:s31+$0x1A980];
	[tilespmem:s29+$0x16980] =	vst v19;
	v18 =	vmax.f32 v18, $0.0e+00;
	v11 =	vadd.f32 v11, v16  }
0x148: {  	v21 =	vld [tilespmem:s31+$0x1A990];
	[tilespmem:s29+$0x16990] =	vst v18;
	v16 =	vmax.f32 v12, $0.0e+00;
	v10 =	vadd.f32 v10, v15  }
0x149: {  	v12 =	vld [tilespmem:s31+$0x1A9A0];
	[tilespmem:s29+$0x169A0] =	vst v16;
	v15 =	vmax.f32 v11, $0.0e+00;
	v9 =	vadd.f32 v9, v14  }
0x14a: {  	v11 =	vld [tilespmem:s31+$0x1A9B0];
	[tilespmem:s29+$0x169B0] =	vst v15;
	v14 =	vmax.f32 v10, $0.0e+00;
	v8 =	vadd.f32 v8, v13  }
0x14b: {  	v10 =	vld [tilespmem:s31+$0x1A9C0];
	[tilespmem:s29+$0x169C0] =	vst v14;
	v13 =	vmax.f32 v9, $0.0e+00;
	v7 =	vadd.f32 v7, v17  }
0x14c: {  	v9 =	vld [tilespmem:s31+$0x1A9D0];
	[tilespmem:s29+$0x169D0] =	vst v13;
	v13 =	vmax.f32 v8, $0.0e+00  }
0x14d: {  	v8 =	vld [tilespmem:s31+$0x1A9E0];
	[tilespmem:s29+$0x169E0] =	vst v13;
	v13 =	vmax.f32 v7, $0.0e+00  }
0x14e: {  	v7 =	vld [tilespmem:s31+$0x1A9F0];
	[tilespmem:s29+$0x169F0] =	vst v13;
	s29 =	smov.u32 s31  }
0x14f: {  	v13 =	vld [tilespmem:s29+$0x16980]  }
0x150: {  	v18 =	vld [tilespmem:s29+$0x16990]  }
.Ltmp11:
0x151: {  	v17 =	vld [tilespmem:s29+$0x169A0];
	(pc) =	sbr.rel @p0 .LBB2_12-.Ltmp11, $4  }
0x152: {  	v16 =	vld [tilespmem:s29+$0x169B0]  }
0x153: {  	v15 =	vld [tilespmem:s29+$0x169C0]  }
0x154: {  	v19 =	vadd.f32 v20, v13;
	v14 =	vld [tilespmem:s29+$0x169D0]  }
0x155: {  	s30 =	sadd.s32 $0x200, s30;
	v18 =	vadd.f32 v21, v18;
	v13 =	vld [tilespmem:s29+$0x169E0]  }
0x156: {  	v19 =	vmax.f32 v19, $0.0e+00;
	v12 =	vadd.f32 v12, v17;
	v63 =	vld [tilespmem:s29+$0x169F0]  }
0x157: {  	[tilespmem:s29+$0x16980] =	vst v19;
	v18 =	vmax.f32 v18, $0.0e+00;
	v11 =	vadd.f32 v11, v16  }
0x158: {  	[tilespmem:s29+$0x16990] =	vst v18;
	v12 =	vmax.f32 v12, $0.0e+00;
	v10 =	vadd.f32 v10, v15  }
0x159: {  	[tilespmem:s29+$0x169A0] =	vst v12;
	v11 =	vmax.f32 v11, $0.0e+00;
	v9 =	vadd.f32 v9, v14  }
0x15a: {  	[tilespmem:s29+$0x169B0] =	vst v11;
	v10 =	vmax.f32 v10, $0.0e+00;
	v8 =	vadd.f32 v8, v13  }
0x15b: {  	[tilespmem:s29+$0x169C0] =	vst v10;
	v9 =	vmax.f32 v9, $0.0e+00;
	v7 =	vadd.f32 v7, v63  }
0x15c: {  	s28 =	sadd.s32 $0x1, s28;
	[tilespmem:s29+$0x169D0] =	vst v9;
	v8 =	vmax.f32 v8, $0.0e+00  }
0x15d: {  	p0 =	seq.s32 s28, s26;
	[tilespmem:s29+$0x169E0] =	vst v8;
	v7 =	vmax.f32 v7, $0.0e+00  }
.Ltmp12:
0x15e: {  	[tilespmem:s29+$0x169F0] =	vst v7;
	(pc) =	sbr.rel @!p0 .LBB2_11-.Ltmp12, $4  }
0x15f: {  	[spmem:s1] =	stream.indirect.scatter.add.f32 [tilespmem:s9], [sflag:$0x3], $0x80, s19, s3, $0xb8;
	[tilespmem:$0x1F980] =	vst v63  }
0x160: {  	_ =	swait.ge [sflag:s13], $0x4000  }
0x161: {  	[sflag:s13] =	ssyncset.done $0x0  }
0x162: {  	[sflag:s13] =	ssyncadd.s32 $0xFFFFC000  }
0x163: {  	s26 =	sshll.u32 s26, $0x7  }
0x164: {  	v7 =	vld [tilespmem:s26+$0xEF80];
	_ =	sdelay $0x4  }
0x165: {  	[tilespmem:$0xEF80] =	vst v7  }
0x166: {  	v7 =	vld [tilespmem:s26+$0x11780];
	_ =	sdelay $0x4  }
0x167: {  	[tilespmem:$0x11780] =	vst v7  }
0x168: {  	v7 =	vld [tilespmem:s26+$0x13F80];
	_ =	sdelay $0x4  }
0x169: {  	[tilespmem:$0x13F80] =	vst v7  }
0x16a: {  	v7 =	vld [tilespmem:s26+$0xEF90];
	_ =	sdelay $0x4  }
0x16b: {  	[tilespmem:$0xEF90] =	vst v7  }
0x16c: {  	v7 =	vld [tilespmem:s26+$0x11790];
	_ =	sdelay $0x4  }
0x16d: {  	[tilespmem:$0x11790] =	vst v7  }
0x16e: {  	v7 =	vld [tilespmem:s26+$0x13F90];
	_ =	sdelay $0x4  }
0x16f: {  	[tilespmem:$0x13F90] =	vst v7  }
0x170: {  	v7 =	vld [tilespmem:s26+$0xEFA0];
	_ =	sdelay $0x4  }
0x171: {  	[tilespmem:$0xEFA0] =	vst v7  }
0x172: {  	v7 =	vld [tilespmem:s26+$0x117A0];
	_ =	sdelay $0x4  }
0x173: {  	[tilespmem:$0x117A0] =	vst v7  }
0x174: {  	v7 =	vld [tilespmem:s26+$0x13FA0];
	_ =	sdelay $0x4  }
0x175: {  	[tilespmem:$0x13FA0] =	vst v7  }
0x176: {  	v7 =	vld [tilespmem:s26+$0xEFB0];
	_ =	sdelay $0x4  }
0x177: {  	[tilespmem:$0xEFB0] =	vst v7  }
0x178: {  	v7 =	vld [tilespmem:s26+$0x117B0];
	_ =	sdelay $0x4  }
0x179: {  	[tilespmem:$0x117B0] =	vst v7  }
0x17a: {  	v7 =	vld [tilespmem:s26+$0x13FB0];
	_ =	sdelay $0x4  }
0x17b: {  	[tilespmem:$0x13FB0] =	vst v7  }
0x17c: {  	v7 =	vld [tilespmem:s26+$0xEFC0];
	_ =	sdelay $0x4  }
0x17d: {  	[tilespmem:$0xEFC0] =	vst v7  }
0x17e: {  	v7 =	vld [tilespmem:s26+$0x117C0];
	_ =	sdelay $0x4  }
0x17f: {  	[tilespmem:$0x117C0] =	vst v7  }
0x180: {  	v7 =	vld [tilespmem:s26+$0x13FC0];
	_ =	sdelay $0x4  }
0x181: {  	[tilespmem:$0x13FC0] =	vst v7  }
0x182: {  	v7 =	vld [tilespmem:s26+$0xEFD0];
	_ =	sdelay $0x4  }
0x183: {  	[tilespmem:$0xEFD0] =	vst v7  }
0x184: {  	v7 =	vld [tilespmem:s26+$0x117D0];
	_ =	sdelay $0x4  }
0x185: {  	[tilespmem:$0x117D0] =	vst v7  }
0x186: {  	v7 =	vld [tilespmem:s26+$0x13FD0];
	_ =	sdelay $0x4  }
0x187: {  	[tilespmem:$0x13FD0] =	vst v7  }
0x188: {  	v7 =	vld [tilespmem:s26+$0xEFE0];
	_ =	sdelay $0x4  }
0x189: {  	[tilespmem:$0xEFE0] =	vst v7  }
0x18a: {  	v7 =	vld [tilespmem:s26+$0x117E0];
	_ =	sdelay $0x4  }
0x18b: {  	[tilespmem:$0x117E0] =	vst v7  }
0x18c: {  	v7 =	vld [tilespmem:s26+$0x13FE0];
	_ =	sdelay $0x4  }
0x18d: {  	[tilespmem:$0x13FE0] =	vst v7  }
0x18e: {  	v7 =	vld [tilespmem:s26+$0xEFF0];
	_ =	sdelay $0x4  }
0x18f: {  	[tilespmem:$0xEFF0] =	vst v7  }
0x190: {  	v7 =	vld [tilespmem:s26+$0x117F0];
	_ =	sdelay $0x4  }
0x191: {  	[tilespmem:$0x117F0] =	vst v7  }
0x192: {  	v7 =	vld [tilespmem:s26+$0x13FF0]  }
.Ltmp13:
0x193: {  	_ = 	snop;
	(pc) =	sbr.rel .LBB2_15-.Ltmp13, $2  }
0x194: {  	_ =	sdelay $0x2  }
0x195: {  	[tilespmem:$0x13FF0] =	vst v7  }
.LBB2_18:
0x196: {  	_ =	sfence.sel $0x180000  }
0x197: {  	[bflag:$0x0] =	sbarrier.arrive $0xFFFF  }
0x198: {  	_ =	strace $0x9000004D  }
0x199: {  	s0 =	stileid.u32;
	[bflag:$0x2] =	sbarrier.arrive $0xFFFF  }
0x19a: {  	p0 =	sne.s32 s0, $0x0;
	s0 =	rddreg [dreg:$0x2]  }
0x19b: {  	s0 =	sadd.s32 @!p0 $0x100000, s0  }
0x19c: {  	[sflag:s0] =	ssyncadd.tile.s32 @!p0 $0x1;
	_ =	shalt  }
.Lfunc_end2:
_tile_overlayer_lowered:
.L_overlay_start_2:
0x19d: {  	(tag) =	ssettag $0x2  }
0x19e: {  	s0 =	rddreg [dreg:$0x0];
	s2 =	stileid.u32  }
0x19f: {  	s1 =	rddreg [dreg:$0x1];
	p0 =	sne.s32 s2, $0x0  }
0x1a0: {  	s3 =	rddreg [dreg:$0x2];
	[bflag:$0x3] =	sbarrier.arrive $0xFFFF;
	s2 =	simm.s32 @!p0 $0x1C03  }
0x1a1: {  	[timem:s3], [sflag:s2] =	dma.local @!p0 [hbm:s0], s1  }
0x1a2: {  	s0 =	simm.s32 @!p0 $0x3  }
0x1a3: {  	_ =	swait.ge @!p0 [sflag:s0], s1  }
0x1a4: {  	s1 =	ssub.s32 @!p0 $0x0, s1;
	[sflag:s0] =	ssyncset.done @!p0 $0x0  }
0x1a5: {  	[sflag:s0] =	ssyncadd.s32 @!p0 s1  }
0x1a6: {  	[bflag:$0x3] =	sbarrier.arrive $0xFFFF  }
0x1a7: {  	_ =	shalt  }

</sc_bundles>
